<compile_context>
chip_gen: v7x
topology: tpu7x:2x2x1
jax: 0.10.2.dev20260603
libtpu: 0.0.44.dev20260713+nightly
codegen_flags: <defaults>
</compile_context>

<pallas_src>
import functools

import jax
import jax.numpy as jnp
from jax import lax
from jax.experimental import pallas as pl
from jax.experimental.pallas import tpu as pltpu
from jax.experimental.pallas import tpu_sc as plsc

N = 32768
D = 10
NC = 2
NS = 16
NW = NC * NS
CHUNK = N // NW
B = 16
NB = CHUNK // B
WROWS = 224


def _moe_body(xt_hbm, route_hbm, wt_hbm, out_hbm, xv, rv, ov, wt, sem):
    cid = lax.axis_index("c")
    sid = lax.axis_index("s")
    wid = sid * NC + cid
    base = wid * CHUNK

    cps = [pltpu.async_copy(xt_hbm.at[pl.ds(k * N + base, CHUNK)],
                            xv.at[pl.ds(k * CHUNK, CHUNK)], sem)
           for k in range(D)]
    cps.append(pltpu.async_copy(route_hbm.at[pl.ds(base, CHUNK)], rv, sem))
    cps.append(pltpu.async_copy(wt_hbm, wt, sem))
    for cp in cps:
        cp.wait()

    def _tree(ps):
        while len(ps) > 1:
            nxt = [ps[i] + ps[i + 1] for i in range(0, len(ps) - 1, 2)]
            if len(ps) % 2:
                nxt.append(ps[-1])
            ps = nxt
        return ps[0]

    wvecs = [wt[pl.ds(i * 16, 16)] for i in range(WROWS // 16)]

    def _splat(p):
        lanes = jnp.full((16,), p % 16, jnp.int32)
        return wvecs[p // 16].at[lanes].get(mode="promise_in_bounds")

    for j in range(D):
        w1 = [_splat(j * D + k) for k in range(D)]
        w2 = [_splat(110 + j * D + k) for k in range(D)]
        bj1 = _splat(100 + j)
        bj2 = _splat(210 + j)

        @plsc.parallel_loop(0, NB, unroll=1)
        def body(b, w1=w1, w2=w2, bj1=bj1, bj2=bj2, j=j):
            t0 = b * B
            r = rv[pl.ds(t0, B)]
            xks = [xv[pl.ds(k * CHUNK + t0, B)] for k in range(D)]
            p1 = [xks[k] * w1[k] for k in range(D)] + [bj1]
            p2 = [xks[k] * w2[k] for k in range(D)] + [bj2]
            ov[pl.ds(j * CHUNK + t0, B)] = jnp.where(r == 0, _tree(p1),
                                                     _tree(p2))

    ocps = [pltpu.async_copy(ov.at[pl.ds(j * CHUNK, CHUNK)],
                             out_hbm.at[pl.ds(j * N + base, CHUNK)], sem)
            for j in range(D)]
    for cp in ocps:
        cp.wait()


@jax.jit
def _moe(xt_flat, route, wtab):
    mesh = plsc.VectorSubcoreMesh(core_axis_name="c", subcore_axis_name="s")
    run = functools.partial(
        pl.kernel,
        mesh=mesh,
        compiler_params=pltpu.CompilerParams(needs_layout_passes=False),
        out_type=jax.ShapeDtypeStruct((D * N,), jnp.float32),
        scratch_types=[
            pltpu.VMEM((D * CHUNK,), jnp.float32),
            pltpu.VMEM((CHUNK,), jnp.int32),
            pltpu.VMEM((D * CHUNK,), jnp.float32),
            pltpu.VMEM((WROWS,), jnp.float32),
            pltpu.SemaphoreType.DMA,
        ],
    )(_moe_body)
    return run(xt_flat, route, wtab)


def kernel(x, route, W1, b1, W2, b2):
    wpack = jnp.concatenate([
        W1.reshape(-1), b1, W2.reshape(-1), b2,
        jnp.zeros((WROWS - 2 * (D * D + D),), jnp.float32),
    ])
    outt_flat = _moe(x.T.reshape(-1), route, wpack)
    return outt_flat.reshape(D, N).T

# --- scband reference (transcript-rebuilt; emitter-appended) ---
"""Pipeline reference for scband-mo-e-52037823758984 (READ-ONLY COPY).

The authoritative reference and input builder live on the scoring server;
editing this copy changes nothing except your own understanding.
"""

import jax, jax.numpy as jnp
import numpy as np

N = 32768
D = 10

def setup_inputs(seed: int = 0) -> dict:
    key = jax.random.key(seed)
    k1, k2, k3, k4, k5, k6 = jax.random.split(key, 6)
    x = jax.random.normal(k1, (N, D), dtype=jnp.float32)
    # RandScatter with rand_path_num=2: random per-token path assignment
    route = jax.random.randint(k2, (N,), 0, 2, dtype=jnp.int32)
    lim = 1.0 / np.sqrt(D)
    W1 = jax.random.uniform(k3, (D, D), minval=-lim, maxval=lim, dtype=jnp.float32)
    b1 = jax.random.uniform(k4, (D,), minval=-lim, maxval=lim, dtype=jnp.float32)
    W2 = jax.random.uniform(k5, (D, D), minval=-lim, maxval=lim, dtype=jnp.float32)
    b2 = jax.random.uniform(k6, (D,), minval=-lim, maxval=lim, dtype=jnp.float32)
    return {"x": x, "route": route, "W1": W1, "b1": b1, "W2": W2, "b2": b2}

def reference(x, route, W1, b1, W2, b2):
    # scatter_router: tokens with route==0 go to expert1, route==1 to expert2.
    # expert_i = nn.Linear(10, 10)
    y1 = x @ W1.T + b1
    y2 = x @ W2.T + b2
    # gather_router: reassemble outputs at original token positions.
    # Selecting per-token expert output is mathematically identical to
    # scatter -> per-path expert -> gather.
    out = jnp.where((route == 0)[:, None], y1, y2)
    return out

if __name__ == "__main__":
    import jax
    _d = setup_inputs()
    print(jax.jit(kernel)(*tuple(_d.values())))

</pallas_src>

<mosaic_0001>
#map = affine_map<(d0, d1) -> (0)>
module attributes {stable_mosaic.version = 14 : i64} {
  func.func @_moe_body(%arg0: i32, %arg1: i32, %arg2: memref<327680xf32, #tpu.memory_space<hbm>>, %arg3: memref<32768xi32, #tpu.memory_space<hbm>>, %arg4: memref<224xf32, #tpu.memory_space<hbm>>, %arg5: memref<327680xf32, #tpu.memory_space<hbm>>, %arg6: memref<10240xf32, #tpu.memory_space<vmem>>, %arg7: memref<1024xi32, #tpu.memory_space<vmem>>, %arg8: memref<10240xf32, #tpu.memory_space<vmem>>, %arg9: memref<224xf32, #tpu.memory_space<vmem>>, %arg10: memref<!tpu.dma_semaphore, #tpu.memory_space<semaphore_mem>>) attributes {dimension_semantics = [#tpu.dimension_semantics<core_parallel>, #tpu.dimension_semantics<subcore_parallel>], iteration_bounds = array<i64: 2, 16>, scalar_prefetch = 0 : i64, scratch_operands = 5 : i64, tpu.core_type = #tpu.core_type<sc_vector_subcore>, window_params = [{transform_indices = #map}, {transform_indices = #map}, {transform_indices = #map}, {transform_indices = #map}]} {
    %mul3A = arith.constant 2 : i32
    %mul3A_0 = arith.muli %arg1, %mul3A : i32
    %add3A = arith.addi %mul3A_0, %arg0 : i32
    %mul3A_1 = arith.constant 1024 : i32
    %mul3A_2 = arith.muli %add3A, %mul3A_1 : i32
    %add3A_3 = arith.constant 0 : i32
    %add3A_4 = arith.addi %add3A_3, %mul3A_2 : i32
    %dma_start3A = arith.constant 0 : i32
    %dma_start3A_5 = tpu.memref_slice %arg6[%dma_start3A] : memref<10240xf32, #tpu.memory_space<vmem>> -> memref<1024xf32, #tpu.memory_space<vmem>>
    %dma_start3A_6 = tpu.memref_slice %arg2[%add3A_4] : memref<327680xf32, #tpu.memory_space<hbm>> -> memref<1024xf32, #tpu.memory_space<hbm>>
    %dma_start3A_7 = arith.constant 0 : i32
    %dma_start3A_8 = tpu.memref_slice %arg6[%dma_start3A_7] : memref<10240xf32, #tpu.memory_space<vmem>> -> memref<1024xf32, #tpu.memory_space<vmem>>
    %dma_start3A_9 = tpu.memref_slice %arg2[%add3A_4] : memref<327680xf32, #tpu.memory_space<hbm>> -> memref<1024xf32, #tpu.memory_space<hbm>>
    tpu.enqueue_dma source(%dma_start3A_9 : memref<1024xf32, #tpu.memory_space<hbm>>) target(%dma_start3A_8 : memref<1024xf32, #tpu.memory_space<vmem>>) target_semaphore(%arg10 : memref<!tpu.dma_semaphore, #tpu.memory_space<semaphore_mem>>)
    %add3A_10 = arith.constant 32768 : i32
    %add3A_11 = arith.addi %add3A_10, %mul3A_2 : i32
    %dma_start3A_12 = arith.constant 1024 : i32
    %dma_start3A_13 = tpu.memref_slice %arg6[%dma_start3A_12] : memref<10240xf32, #tpu.memory_space<vmem>> -> memref<1024xf32, #tpu.memory_space<vmem>>
    %dma_start3A_14 = tpu.memref_slice %arg2[%add3A_11] : memref<327680xf32, #tpu.memory_space<hbm>> -> memref<1024xf32, #tpu.memory_space<hbm>>
    %dma_start3A_15 = arith.constant 1024 : i32
    %dma_start3A_16 = tpu.memref_slice %arg6[%dma_start3A_15] : memref<10240xf32, #tpu.memory_space<vmem>> -> memref<1024xf32, #tpu.memory_space<vmem>>
    %dma_start3A_17 = tpu.memref_slice %arg2[%add3A_11] : memref<327680xf32, #tpu.memory_space<hbm>> -> memref<1024xf32, #tpu.memory_space<hbm>>
    tpu.enqueue_dma source(%dma_start3A_17 : memref<1024xf32, #tpu.memory_space<hbm>>) target(%dma_start3A_16 : memref<1024xf32, #tpu.memory_space<vmem>>) target_semaphore(%arg10 : memref<!tpu.dma_semaphore, #tpu.memory_space<semaphore_mem>>)
    %add3A_18 = arith.constant 65536 : i32
    %add3A_19 = arith.addi %add3A_18, %mul3A_2 : i32
    %dma_start3A_20 = arith.constant 2048 : i32
    %dma_start3A_21 = tpu.memref_slice %arg6[%dma_start3A_20] : memref<10240xf32, #tpu.memory_space<vmem>> -> memref<1024xf32, #tpu.memory_space<vmem>>
    %dma_start3A_22 = tpu.memref_slice %arg2[%add3A_19] : memref<327680xf32, #tpu.memory_space<hbm>> -> memref<1024xf32, #tpu.memory_space<hbm>>
    %dma_start3A_23 = arith.constant 2048 : i32
    %dma_start3A_24 = tpu.memref_slice %arg6[%dma_start3A_23] : memref<10240xf32, #tpu.memory_space<vmem>> -> memref<1024xf32, #tpu.memory_space<vmem>>
    %dma_start3A_25 = tpu.memref_slice %arg2[%add3A_19] : memref<327680xf32, #tpu.memory_space<hbm>> -> memref<1024xf32, #tpu.memory_space<hbm>>
    tpu.enqueue_dma source(%dma_start3A_25 : memref<1024xf32, #tpu.memory_space<hbm>>) target(%dma_start3A_24 : memref<1024xf32, #tpu.memory_space<vmem>>) target_semaphore(%arg10 : memref<!tpu.dma_semaphore, #tpu.memory_space<semaphore_mem>>)
    %add3A_26 = arith.constant 98304 : i32
    %add3A_27 = arith.addi %add3A_26, %mul3A_2 : i32
    %dma_start3A_28 = arith.constant 3072 : i32
    %dma_start3A_29 = tpu.memref_slice %arg6[%dma_start3A_28] : memref<10240xf32, #tpu.memory_space<vmem>> -> memref<1024xf32, #tpu.memory_space<vmem>>
    %dma_start3A_30 = tpu.memref_slice %arg2[%add3A_27] : memref<327680xf32, #tpu.memory_space<hbm>> -> memref<1024xf32, #tpu.memory_space<hbm>>
    %dma_start3A_31 = arith.constant 3072 : i32
    %dma_start3A_32 = tpu.memref_slice %arg6[%dma_start3A_31] : memref<10240xf32, #tpu.memory_space<vmem>> -> memref<1024xf32, #tpu.memory_space<vmem>>
    %dma_start3A_33 = tpu.memref_slice %arg2[%add3A_27] : memref<327680xf32, #tpu.memory_space<hbm>> -> memref<1024xf32, #tpu.memory_space<hbm>>
    tpu.enqueue_dma source(%dma_start3A_33 : memref<1024xf32, #tpu.memory_space<hbm>>) target(%dma_start3A_32 : memref<1024xf32, #tpu.memory_space<vmem>>) target_semaphore(%arg10 : memref<!tpu.dma_semaphore, #tpu.memory_space<semaphore_mem>>)
    %add3A_34 = arith.constant 131072 : i32
    %add3A_35 = arith.addi %add3A_34, %mul3A_2 : i32
    %dma_start3A_36 = arith.constant 4096 : i32
    %dma_start3A_37 = tpu.memref_slice %arg6[%dma_start3A_36] : memref<10240xf32, #tpu.memory_space<vmem>> -> memref<1024xf32, #tpu.memory_space<vmem>>
    %dma_start3A_38 = tpu.memref_slice %arg2[%add3A_35] : memref<327680xf32, #tpu.memory_space<hbm>> -> memref<1024xf32, #tpu.memory_space<hbm>>
    %dma_start3A_39 = arith.constant 4096 : i32
    %dma_start3A_40 = tpu.memref_slice %arg6[%dma_start3A_39] : memref<10240xf32, #tpu.memory_space<vmem>> -> memref<1024xf32, #tpu.memory_space<vmem>>
    %dma_start3A_41 = tpu.memref_slice %arg2[%add3A_35] : memref<327680xf32, #tpu.memory_space<hbm>> -> memref<1024xf32, #tpu.memory_space<hbm>>
    tpu.enqueue_dma source(%dma_start3A_41 : memref<1024xf32, #tpu.memory_space<hbm>>) target(%dma_start3A_40 : memref<1024xf32, #tpu.memory_space<vmem>>) target_semaphore(%arg10 : memref<!tpu.dma_semaphore, #tpu.memory_space<semaphore_mem>>)
    %add3A_42 = arith.constant 163840 : i32
    %add3A_43 = arith.addi %add3A_42, %mul3A_2 : i32
    %dma_start3A_44 = arith.constant 5120 : i32
    %dma_start3A_45 = tpu.memref_slice %arg6[%dma_start3A_44] : memref<10240xf32, #tpu.memory_space<vmem>> -> memref<1024xf32, #tpu.memory_space<vmem>>
    %dma_start3A_46 = tpu.memref_slice %arg2[%add3A_43] : memref<327680xf32, #tpu.memory_space<hbm>> -> memref<1024xf32, #tpu.memory_space<hbm>>
    %dma_start3A_47 = arith.constant 5120 : i32
    %dma_start3A_48 = tpu.memref_slice %arg6[%dma_start3A_47] : memref<10240xf32, #tpu.memory_space<vmem>> -> memref<1024xf32, #tpu.memory_space<vmem>>
    %dma_start3A_49 = tpu.memref_slice %arg2[%add3A_43] : memref<327680xf32, #tpu.memory_space<hbm>> -> memref<1024xf32, #tpu.memory_space<hbm>>
    tpu.enqueue_dma source(%dma_start3A_49 : memref<1024xf32, #tpu.memory_space<hbm>>) target(%dma_start3A_48 : memref<1024xf32, #tpu.memory_space<vmem>>) target_semaphore(%arg10 : memref<!tpu.dma_semaphore, #tpu.memory_space<semaphore_mem>>)
    %add3A_50 = arith.constant 196608 : i32
    %add3A_51 = arith.addi %add3A_50, %mul3A_2 : i32
    %dma_start3A_52 = arith.constant 6144 : i32
    %dma_start3A_53 = tpu.memref_slice %arg6[%dma_start3A_52] : memref<10240xf32, #tpu.memory_space<vmem>> -> memref<1024xf32, #tpu.memory_space<vmem>>
    %dma_start3A_54 = tpu.memref_slice %arg2[%add3A_51] : memref<327680xf32, #tpu.memory_space<hbm>> -> memref<1024xf32, #tpu.memory_space<hbm>>
    %dma_start3A_55 = arith.constant 6144 : i32
    %dma_start3A_56 = tpu.memref_slice %arg6[%dma_start3A_55] : memref<10240xf32, #tpu.memory_space<vmem>> -> memref<1024xf32, #tpu.memory_space<vmem>>
    %dma_start3A_57 = tpu.memref_slice %arg2[%add3A_51] : memref<327680xf32, #tpu.memory_space<hbm>> -> memref<1024xf32, #tpu.memory_space<hbm>>
    tpu.enqueue_dma source(%dma_start3A_57 : memref<1024xf32, #tpu.memory_space<hbm>>) target(%dma_start3A_56 : memref<1024xf32, #tpu.memory_space<vmem>>) target_semaphore(%arg10 : memref<!tpu.dma_semaphore, #tpu.memory_space<semaphore_mem>>)
    %add3A_58 = arith.constant 229376 : i32
    %add3A_59 = arith.addi %add3A_58, %mul3A_2 : i32
    %dma_start3A_60 = arith.constant 7168 : i32
    %dma_start3A_61 = tpu.memref_slice %arg6[%dma_start3A_60] : memref<10240xf32, #tpu.memory_space<vmem>> -> memref<1024xf32, #tpu.memory_space<vmem>>
    %dma_start3A_62 = tpu.memref_slice %arg2[%add3A_59] : memref<327680xf32, #tpu.memory_space<hbm>> -> memref<1024xf32, #tpu.memory_space<hbm>>
    %dma_start3A_63 = arith.constant 7168 : i32
    %dma_start3A_64 = tpu.memref_slice %arg6[%dma_start3A_63] : memref<10240xf32, #tpu.memory_space<vmem>> -> memref<1024xf32, #tpu.memory_space<vmem>>
    %dma_start3A_65 = tpu.memref_slice %arg2[%add3A_59] : memref<327680xf32, #tpu.memory_space<hbm>> -> memref<1024xf32, #tpu.memory_space<hbm>>
    tpu.enqueue_dma source(%dma_start3A_65 : memref<1024xf32, #tpu.memory_space<hbm>>) target(%dma_start3A_64 : memref<1024xf32, #tpu.memory_space<vmem>>) target_semaphore(%arg10 : memref<!tpu.dma_semaphore, #tpu.memory_space<semaphore_mem>>)
    %add3A_66 = arith.constant 262144 : i32
    %add3A_67 = arith.addi %add3A_66, %mul3A_2 : i32
    %dma_start3A_68 = arith.constant 8192 : i32
    %dma_start3A_69 = tpu.memref_slice %arg6[%dma_start3A_68] : memref<10240xf32, #tpu.memory_space<vmem>> -> memref<1024xf32, #tpu.memory_space<vmem>>
    %dma_start3A_70 = tpu.memref_slice %arg2[%add3A_67] : memref<327680xf32, #tpu.memory_space<hbm>> -> memref<1024xf32, #tpu.memory_space<hbm>>
    %dma_start3A_71 = arith.constant 8192 : i32
    %dma_start3A_72 = tpu.memref_slice %arg6[%dma_start3A_71] : memref<10240xf32, #tpu.memory_space<vmem>> -> memref<1024xf32, #tpu.memory_space<vmem>>
    %dma_start3A_73 = tpu.memref_slice %arg2[%add3A_67] : memref<327680xf32, #tpu.memory_space<hbm>> -> memref<1024xf32, #tpu.memory_space<hbm>>
    tpu.enqueue_dma source(%dma_start3A_73 : memref<1024xf32, #tpu.memory_space<hbm>>) target(%dma_start3A_72 : memref<1024xf32, #tpu.memory_space<vmem>>) target_semaphore(%arg10 : memref<!tpu.dma_semaphore, #tpu.memory_space<semaphore_mem>>)
    %add3A_74 = arith.constant 294912 : i32
    %add3A_75 = arith.addi %add3A_74, %mul3A_2 : i32
    %dma_start3A_76 = arith.constant 9216 : i32
    %dma_start3A_77 = tpu.memref_slice %arg6[%dma_start3A_76] : memref<10240xf32, #tpu.memory_space<vmem>> -> memref<1024xf32, #tpu.memory_space<vmem>>
    %dma_start3A_78 = tpu.memref_slice %arg2[%add3A_75] : memref<327680xf32, #tpu.memory_space<hbm>> -> memref<1024xf32, #tpu.memory_space<hbm>>
    %dma_start3A_79 = arith.constant 9216 : i32
    %dma_start3A_80 = tpu.memref_slice %arg6[%dma_start3A_79] : memref<10240xf32, #tpu.memory_space<vmem>> -> memref<1024xf32, #tpu.memory_space<vmem>>
    %dma_start3A_81 = tpu.memref_slice %arg2[%add3A_75] : memref<327680xf32, #tpu.memory_space<hbm>> -> memref<1024xf32, #tpu.memory_space<hbm>>
    tpu.enqueue_dma source(%dma_start3A_81 : memref<1024xf32, #tpu.memory_space<hbm>>) target(%dma_start3A_80 : memref<1024xf32, #tpu.memory_space<vmem>>) target_semaphore(%arg10 : memref<!tpu.dma_semaphore, #tpu.memory_space<semaphore_mem>>)
    %dma_start3A_82 = tpu.memref_slice %arg3[%mul3A_2] : memref<32768xi32, #tpu.memory_space<hbm>> -> memref<1024xi32, #tpu.memory_space<hbm>>
    %dma_start3A_83 = tpu.memref_slice %arg3[%mul3A_2] : memref<32768xi32, #tpu.memory_space<hbm>> -> memref<1024xi32, #tpu.memory_space<hbm>>
    tpu.enqueue_dma source(%dma_start3A_83 : memref<1024xi32, #tpu.memory_space<hbm>>) target(%arg7 : memref<1024xi32, #tpu.memory_space<vmem>>) target_semaphore(%arg10 : memref<!tpu.dma_semaphore, #tpu.memory_space<semaphore_mem>>)
    tpu.enqueue_dma source(%arg4 : memref<224xf32, #tpu.memory_space<hbm>>) target(%arg9 : memref<224xf32, #tpu.memory_space<vmem>>) target_semaphore(%arg10 : memref<!tpu.dma_semaphore, #tpu.memory_space<semaphore_mem>>)
    %dma_wait3A = arith.constant 0 : i32
    %dma_wait3A_84 = tpu.memref_slice %arg6[%dma_wait3A] : memref<10240xf32, #tpu.memory_space<vmem>> -> memref<1024xf32, #tpu.memory_space<vmem>>
    %dma_wait3A_85 = tpu.memref_slice %arg2[%add3A_4] : memref<327680xf32, #tpu.memory_space<hbm>> -> memref<1024xf32, #tpu.memory_space<hbm>>
    %dma_wait3A_86 = arith.constant 0 : i32
    %dma_wait3A_87 = tpu.memref_slice %arg6[%dma_wait3A_86] : memref<10240xf32, #tpu.memory_space<vmem>> -> memref<1024xf32, #tpu.memory_space<vmem>>
    %dma_wait3A_88 = tpu.memref_slice %arg2[%add3A_4] : memref<327680xf32, #tpu.memory_space<hbm>> -> memref<1024xf32, #tpu.memory_space<hbm>>
    tpu.wait_dma2 semaphore(%arg10 : memref<!tpu.dma_semaphore, #tpu.memory_space<semaphore_mem>>) src(%dma_wait3A_88 : memref<1024xf32, #tpu.memory_space<hbm>>) dst(%dma_wait3A_87 : memref<1024xf32, #tpu.memory_space<vmem>>)
    %dma_wait3A_89 = arith.constant 1024 : i32
    %dma_wait3A_90 = tpu.memref_slice %arg6[%dma_wait3A_89] : memref<10240xf32, #tpu.memory_space<vmem>> -> memref<1024xf32, #tpu.memory_space<vmem>>
    %dma_wait3A_91 = tpu.memref_slice %arg2[%add3A_11] : memref<327680xf32, #tpu.memory_space<hbm>> -> memref<1024xf32, #tpu.memory_space<hbm>>
    %dma_wait3A_92 = arith.constant 1024 : i32
    %dma_wait3A_93 = tpu.memref_slice %arg6[%dma_wait3A_92] : memref<10240xf32, #tpu.memory_space<vmem>> -> memref<1024xf32, #tpu.memory_space<vmem>>
    %dma_wait3A_94 = tpu.memref_slice %arg2[%add3A_11] : memref<327680xf32, #tpu.memory_space<hbm>> -> memref<1024xf32, #tpu.memory_space<hbm>>
    tpu.wait_dma2 semaphore(%arg10 : memref<!tpu.dma_semaphore, #tpu.memory_space<semaphore_mem>>) src(%dma_wait3A_94 : memref<1024xf32, #tpu.memory_space<hbm>>) dst(%dma_wait3A_93 : memref<1024xf32, #tpu.memory_space<vmem>>)
    %dma_wait3A_95 = arith.constant 2048 : i32
    %dma_wait3A_96 = tpu.memref_slice %arg6[%dma_wait3A_95] : memref<10240xf32, #tpu.memory_space<vmem>> -> memref<1024xf32, #tpu.memory_space<vmem>>
    %dma_wait3A_97 = tpu.memref_slice %arg2[%add3A_19] : memref<327680xf32, #tpu.memory_space<hbm>> -> memref<1024xf32, #tpu.memory_space<hbm>>
    %dma_wait3A_98 = arith.constant 2048 : i32
    %dma_wait3A_99 = tpu.memref_slice %arg6[%dma_wait3A_98] : memref<10240xf32, #tpu.memory_space<vmem>> -> memref<1024xf32, #tpu.memory_space<vmem>>
    %dma_wait3A_100 = tpu.memref_slice %arg2[%add3A_19] : memref<327680xf32, #tpu.memory_space<hbm>> -> memref<1024xf32, #tpu.memory_space<hbm>>
    tpu.wait_dma2 semaphore(%arg10 : memref<!tpu.dma_semaphore, #tpu.memory_space<semaphore_mem>>) src(%dma_wait3A_100 : memref<1024xf32, #tpu.memory_space<hbm>>) dst(%dma_wait3A_99 : memref<1024xf32, #tpu.memory_space<vmem>>)
    %dma_wait3A_101 = arith.constant 3072 : i32
    %dma_wait3A_102 = tpu.memref_slice %arg6[%dma_wait3A_101] : memref<10240xf32, #tpu.memory_space<vmem>> -> memref<1024xf32, #tpu.memory_space<vmem>>
    %dma_wait3A_103 = tpu.memref_slice %arg2[%add3A_27] : memref<327680xf32, #tpu.memory_space<hbm>> -> memref<1024xf32, #tpu.memory_space<hbm>>
    %dma_wait3A_104 = arith.constant 3072 : i32
    %dma_wait3A_105 = tpu.memref_slice %arg6[%dma_wait3A_104] : memref<10240xf32, #tpu.memory_space<vmem>> -> memref<1024xf32, #tpu.memory_space<vmem>>
    %dma_wait3A_106 = tpu.memref_slice %arg2[%add3A_27] : memref<327680xf32, #tpu.memory_space<hbm>> -> memref<1024xf32, #tpu.memory_space<hbm>>
    tpu.wait_dma2 semaphore(%arg10 : memref<!tpu.dma_semaphore, #tpu.memory_space<semaphore_mem>>) src(%dma_wait3A_106 : memref<1024xf32, #tpu.memory_space<hbm>>) dst(%dma_wait3A_105 : memref<1024xf32, #tpu.memory_space<vmem>>)
    %dma_wait3A_107 = arith.constant 4096 : i32
    %dma_wait3A_108 = tpu.memref_slice %arg6[%dma_wait3A_107] : memref<10240xf32, #tpu.memory_space<vmem>> -> memref<1024xf32, #tpu.memory_space<vmem>>
    %dma_wait3A_109 = tpu.memref_slice %arg2[%add3A_35] : memref<327680xf32, #tpu.memory_space<hbm>> -> memref<1024xf32, #tpu.memory_space<hbm>>
    %dma_wait3A_110 = arith.constant 4096 : i32
    %dma_wait3A_111 = tpu.memref_slice %arg6[%dma_wait3A_110] : memref<10240xf32, #tpu.memory_space<vmem>> -> memref<1024xf32, #tpu.memory_space<vmem>>
    %dma_wait3A_112 = tpu.memref_slice %arg2[%add3A_35] : memref<327680xf32, #tpu.memory_space<hbm>> -> memref<1024xf32, #tpu.memory_space<hbm>>
    tpu.wait_dma2 semaphore(%arg10 : memref<!tpu.dma_semaphore, #tpu.memory_space<semaphore_mem>>) src(%dma_wait3A_112 : memref<1024xf32, #tpu.memory_space<hbm>>) dst(%dma_wait3A_111 : memref<1024xf32, #tpu.memory_space<vmem>>)
    %dma_wait3A_113 = arith.constant 5120 : i32
    %dma_wait3A_114 = tpu.memref_slice %arg6[%dma_wait3A_113] : memref<10240xf32, #tpu.memory_space<vmem>> -> memref<1024xf32, #tpu.memory_space<vmem>>
    %dma_wait3A_115 = tpu.memref_slice %arg2[%add3A_43] : memref<327680xf32, #tpu.memory_space<hbm>> -> memref<1024xf32, #tpu.memory_space<hbm>>
    %dma_wait3A_116 = arith.constant 5120 : i32
    %dma_wait3A_117 = tpu.memref_slice %arg6[%dma_wait3A_116] : memref<10240xf32, #tpu.memory_space<vmem>> -> memref<1024xf32, #tpu.memory_space<vmem>>
    %dma_wait3A_118 = tpu.memref_slice %arg2[%add3A_43] : memref<327680xf32, #tpu.memory_space<hbm>> -> memref<1024xf32, #tpu.memory_space<hbm>>
    tpu.wait_dma2 semaphore(%arg10 : memref<!tpu.dma_semaphore, #tpu.memory_space<semaphore_mem>>) src(%dma_wait3A_118 : memref<1024xf32, #tpu.memory_space<hbm>>) dst(%dma_wait3A_117 : memref<1024xf32, #tpu.memory_space<vmem>>)
    %dma_wait3A_119 = arith.constant 6144 : i32
    %dma_wait3A_120 = tpu.memref_slice %arg6[%dma_wait3A_119] : memref<10240xf32, #tpu.memory_space<vmem>> -> memref<1024xf32, #tpu.memory_space<vmem>>
    %dma_wait3A_121 = tpu.memref_slice %arg2[%add3A_51] : memref<327680xf32, #tpu.memory_space<hbm>> -> memref<1024xf32, #tpu.memory_space<hbm>>
    %dma_wait3A_122 = arith.constant 6144 : i32
    %dma_wait3A_123 = tpu.memref_slice %arg6[%dma_wait3A_122] : memref<10240xf32, #tpu.memory_space<vmem>> -> memref<1024xf32, #tpu.memory_space<vmem>>
    %dma_wait3A_124 = tpu.memref_slice %arg2[%add3A_51] : memref<327680xf32, #tpu.memory_space<hbm>> -> memref<1024xf32, #tpu.memory_space<hbm>>
    tpu.wait_dma2 semaphore(%arg10 : memref<!tpu.dma_semaphore, #tpu.memory_space<semaphore_mem>>) src(%dma_wait3A_124 : memref<1024xf32, #tpu.memory_space<hbm>>) dst(%dma_wait3A_123 : memref<1024xf32, #tpu.memory_space<vmem>>)
    %dma_wait3A_125 = arith.constant 7168 : i32
    %dma_wait3A_126 = tpu.memref_slice %arg6[%dma_wait3A_125] : memref<10240xf32, #tpu.memory_space<vmem>> -> memref<1024xf32, #tpu.memory_space<vmem>>
    %dma_wait3A_127 = tpu.memref_slice %arg2[%add3A_59] : memref<327680xf32, #tpu.memory_space<hbm>> -> memref<1024xf32, #tpu.memory_space<hbm>>
    %dma_wait3A_128 = arith.constant 7168 : i32
    %dma_wait3A_129 = tpu.memref_slice %arg6[%dma_wait3A_128] : memref<10240xf32, #tpu.memory_space<vmem>> -> memref<1024xf32, #tpu.memory_space<vmem>>
    %dma_wait3A_130 = tpu.memref_slice %arg2[%add3A_59] : memref<327680xf32, #tpu.memory_space<hbm>> -> memref<1024xf32, #tpu.memory_space<hbm>>
    tpu.wait_dma2 semaphore(%arg10 : memref<!tpu.dma_semaphore, #tpu.memory_space<semaphore_mem>>) src(%dma_wait3A_130 : memref<1024xf32, #tpu.memory_space<hbm>>) dst(%dma_wait3A_129 : memref<1024xf32, #tpu.memory_space<vmem>>)
    %dma_wait3A_131 = arith.constant 8192 : i32
    %dma_wait3A_132 = tpu.memref_slice %arg6[%dma_wait3A_131] : memref<10240xf32, #tpu.memory_space<vmem>> -> memref<1024xf32, #tpu.memory_space<vmem>>
    %dma_wait3A_133 = tpu.memref_slice %arg2[%add3A_67] : memref<327680xf32, #tpu.memory_space<hbm>> -> memref<1024xf32, #tpu.memory_space<hbm>>
    %dma_wait3A_134 = arith.constant 8192 : i32
    %dma_wait3A_135 = tpu.memref_slice %arg6[%dma_wait3A_134] : memref<10240xf32, #tpu.memory_space<vmem>> -> memref<1024xf32, #tpu.memory_space<vmem>>
    %dma_wait3A_136 = tpu.memref_slice %arg2[%add3A_67] : memref<327680xf32, #tpu.memory_space<hbm>> -> memref<1024xf32, #tpu.memory_space<hbm>>
    tpu.wait_dma2 semaphore(%arg10 : memref<!tpu.dma_semaphore, #tpu.memory_space<semaphore_mem>>) src(%dma_wait3A_136 : memref<1024xf32, #tpu.memory_space<hbm>>) dst(%dma_wait3A_135 : memref<1024xf32, #tpu.memory_space<vmem>>)
    %dma_wait3A_137 = arith.constant 9216 : i32
    %dma_wait3A_138 = tpu.memref_slice %arg6[%dma_wait3A_137] : memref<10240xf32, #tpu.memory_space<vmem>> -> memref<1024xf32, #tpu.memory_space<vmem>>
    %dma_wait3A_139 = tpu.memref_slice %arg2[%add3A_75] : memref<327680xf32, #tpu.memory_space<hbm>> -> memref<1024xf32, #tpu.memory_space<hbm>>
    %dma_wait3A_140 = arith.constant 9216 : i32
    %dma_wait3A_141 = tpu.memref_slice %arg6[%dma_wait3A_140] : memref<10240xf32, #tpu.memory_space<vmem>> -> memref<1024xf32, #tpu.memory_space<vmem>>
    %dma_wait3A_142 = tpu.memref_slice %arg2[%add3A_75] : memref<327680xf32, #tpu.memory_space<hbm>> -> memref<1024xf32, #tpu.memory_space<hbm>>
    tpu.wait_dma2 semaphore(%arg10 : memref<!tpu.dma_semaphore, #tpu.memory_space<semaphore_mem>>) src(%dma_wait3A_142 : memref<1024xf32, #tpu.memory_space<hbm>>) dst(%dma_wait3A_141 : memref<1024xf32, #tpu.memory_space<vmem>>)
    %dma_wait3A_143 = tpu.memref_slice %arg3[%mul3A_2] : memref<32768xi32, #tpu.memory_space<hbm>> -> memref<1024xi32, #tpu.memory_space<hbm>>
    %dma_wait3A_144 = tpu.memref_slice %arg3[%mul3A_2] : memref<32768xi32, #tpu.memory_space<hbm>> -> memref<1024xi32, #tpu.memory_space<hbm>>
    tpu.wait_dma2 semaphore(%arg10 : memref<!tpu.dma_semaphore, #tpu.memory_space<semaphore_mem>>) src(%dma_wait3A_144 : memref<1024xi32, #tpu.memory_space<hbm>>) dst(%arg7 : memref<1024xi32, #tpu.memory_space<vmem>>)
    tpu.wait_dma2 semaphore(%arg10 : memref<!tpu.dma_semaphore, #tpu.memory_space<semaphore_mem>>) src(%arg4 : memref<224xf32, #tpu.memory_space<hbm>>) dst(%arg9 : memref<224xf32, #tpu.memory_space<vmem>>)
    %get3A = arith.constant 0 : index
    %get3A_145 = tpu.vector_load %arg9[%get3A] {strides = array<i32>} : memref<224xf32, #tpu.memory_space<vmem>>, vector<16xf32>,
    %get3A_146 = arith.constant 16 : index
    %get3A_147 = tpu.vector_load %arg9[%get3A_146] {strides = array<i32>} : memref<224xf32, #tpu.memory_space<vmem>>, vector<16xf32>,
    %get3A_148 = arith.constant 32 : index
    %get3A_149 = tpu.vector_load %arg9[%get3A_148] {strides = array<i32>} : memref<224xf32, #tpu.memory_space<vmem>>, vector<16xf32>,
    %get3A_150 = arith.constant 48 : index
    %get3A_151 = tpu.vector_load %arg9[%get3A_150] {strides = array<i32>} : memref<224xf32, #tpu.memory_space<vmem>>, vector<16xf32>,
    %get3A_152 = arith.constant 64 : index
    %get3A_153 = tpu.vector_load %arg9[%get3A_152] {strides = array<i32>} : memref<224xf32, #tpu.memory_space<vmem>>, vector<16xf32>,
    %get3A_154 = arith.constant 80 : index
    %get3A_155 = tpu.vector_load %arg9[%get3A_154] {strides = array<i32>} : memref<224xf32, #tpu.memory_space<vmem>>, vector<16xf32>,
    %get3A_156 = arith.constant 96 : index
    %get3A_157 = tpu.vector_load %arg9[%get3A_156] {strides = array<i32>} : memref<224xf32, #tpu.memory_space<vmem>>, vector<16xf32>,
    %get3A_158 = arith.constant 112 : index
    %get3A_159 = tpu.vector_load %arg9[%get3A_158] {strides = array<i32>} : memref<224xf32, #tpu.memory_space<vmem>>, vector<16xf32>,
    %get3A_160 = arith.constant 128 : index
    %get3A_161 = tpu.vector_load %arg9[%get3A_160] {strides = array<i32>} : memref<224xf32, #tpu.memory_space<vmem>>, vector<16xf32>,
    %get3A_162 = arith.constant 144 : index
    %get3A_163 = tpu.vector_load %arg9[%get3A_162] {strides = array<i32>} : memref<224xf32, #tpu.memory_space<vmem>>, vector<16xf32>,
    %get3A_164 = arith.constant 160 : index
    %get3A_165 = tpu.vector_load %arg9[%get3A_164] {strides = array<i32>} : memref<224xf32, #tpu.memory_space<vmem>>, vector<16xf32>,
    %get3A_166 = arith.constant 176 : index
    %get3A_167 = tpu.vector_load %arg9[%get3A_166] {strides = array<i32>} : memref<224xf32, #tpu.memory_space<vmem>>, vector<16xf32>,
    %get3A_168 = arith.constant 192 : index
    %get3A_169 = tpu.vector_load %arg9[%get3A_168] {strides = array<i32>} : memref<224xf32, #tpu.memory_space<vmem>>, vector<16xf32>,
    %get3A_170 = arith.constant 208 : index
    %get3A_171 = tpu.vector_load %arg9[%get3A_170] {strides = array<i32>} : memref<224xf32, #tpu.memory_space<vmem>>, vector<16xf32>,
    %broadcast_in_dim3A = arith.constant 0 : i32
    %broadcast_in_dim3A_172 = vector.broadcast %broadcast_in_dim3A : i32 to vector<16xi32>
    %lt3A = arith.constant 0 : i32
    %lt3A_173 = vector.broadcast %lt3A : i32 to vector<16xi32>
    %lt3A_174 = arith.cmpi slt, %broadcast_in_dim3A_172, %lt3A_173 : vector<16xi32>
    %add3A_175 = arith.constant 16 : i32
    %add3A_176 = vector.broadcast %add3A_175 : i32 to vector<16xi32>
    %add3A_177 = arith.addi %broadcast_in_dim3A_172, %add3A_176 : vector<16xi32>
    %select_n3A = arith.select %lt3A_174, %add3A_177, %broadcast_in_dim3A_172 : vector<16xi1>, vector<16xi32>
    %broadcast_in_dim3A_178 = vector.shape_cast %select_n3A : vector<16xi32> to vector<16x1xi32>
    %gather3A = vector.shape_cast %broadcast_in_dim3A_178 : vector<16x1xi32> to vector<16xi32>
    %gather3A_179 = tpu.dynamic_gather %get3A_145[%gather3A] in [0] : vector<16xf32>, vector<16xi32> -> vector<16xf32>
    %broadcast_in_dim3A_180 = arith.constant 1 : i32
    %broadcast_in_dim3A_181 = vector.broadcast %broadcast_in_dim3A_180 : i32 to vector<16xi32>
    %lt3A_182 = arith.constant 0 : i32
    %lt3A_183 = vector.broadcast %lt3A_182 : i32 to vector<16xi32>
    %lt3A_184 = arith.cmpi slt, %broadcast_in_dim3A_181, %lt3A_183 : vector<16xi32>
    %add3A_185 = arith.constant 16 : i32
    %add3A_186 = vector.broadcast %add3A_185 : i32 to vector<16xi32>
    %add3A_187 = arith.addi %broadcast_in_dim3A_181, %add3A_186 : vector<16xi32>
    %select_n3A_188 = arith.select %lt3A_184, %add3A_187, %broadcast_in_dim3A_181 : vector<16xi1>, vector<16xi32>
    %broadcast_in_dim3A_189 = vector.shape_cast %select_n3A_188 : vector<16xi32> to vector<16x1xi32>
    %gather3A_190 = vector.shape_cast %broadcast_in_dim3A_189 : vector<16x1xi32> to vector<16xi32>
    %gather3A_191 = tpu.dynamic_gather %get3A_145[%gather3A_190] in [0] : vector<16xf32>, vector<16xi32> -> vector<16xf32>
    %broadcast_in_dim3A_192 = arith.constant 2 : i32
    %broadcast_in_dim3A_193 = vector.broadcast %broadcast_in_dim3A_192 : i32 to vector<16xi32>
    %lt3A_194 = arith.constant 0 : i32
    %lt3A_195 = vector.broadcast %lt3A_194 : i32 to vector<16xi32>
    %lt3A_196 = arith.cmpi slt, %broadcast_in_dim3A_193, %lt3A_195 : vector<16xi32>
    %add3A_197 = arith.constant 16 : i32
    %add3A_198 = vector.broadcast %add3A_197 : i32 to vector<16xi32>
    %add3A_199 = arith.addi %broadcast_in_dim3A_193, %add3A_198 : vector<16xi32>
    %select_n3A_200 = arith.select %lt3A_196, %add3A_199, %broadcast_in_dim3A_193 : vector<16xi1>, vector<16xi32>
    %broadcast_in_dim3A_201 = vector.shape_cast %select_n3A_200 : vector<16xi32> to vector<16x1xi32>
    %gather3A_202 = vector.shape_cast %broadcast_in_dim3A_201 : vector<16x1xi32> to vector<16xi32>
    %gather3A_203 = tpu.dynamic_gather %get3A_145[%gather3A_202] in [0] : vector<16xf32>, vector<16xi32> -> vector<16xf32>
    %broadcast_in_dim3A_204 = arith.constant 3 : i32
    %broadcast_in_dim3A_205 = vector.broadcast %broadcast_in_dim3A_204 : i32 to vector<16xi32>
    %lt3A_206 = arith.constant 0 : i32
    %lt3A_207 = vector.broadcast %lt3A_206 : i32 to vector<16xi32>
    %lt3A_208 = arith.cmpi slt, %broadcast_in_dim3A_205, %lt3A_207 : vector<16xi32>
    %add3A_209 = arith.constant 16 : i32
    %add3A_210 = vector.broadcast %add3A_209 : i32 to vector<16xi32>
    %add3A_211 = arith.addi %broadcast_in_dim3A_205, %add3A_210 : vector<16xi32>
    %select_n3A_212 = arith.select %lt3A_208, %add3A_211, %broadcast_in_dim3A_205 : vector<16xi1>, vector<16xi32>
    %broadcast_in_dim3A_213 = vector.shape_cast %select_n3A_212 : vector<16xi32> to vector<16x1xi32>
    %gather3A_214 = vector.shape_cast %broadcast_in_dim3A_213 : vector<16x1xi32> to vector<16xi32>
    %gather3A_215 = tpu.dynamic_gather %get3A_145[%gather3A_214] in [0] : vector<16xf32>, vector<16xi32> -> vector<16xf32>
    %broadcast_in_dim3A_216 = arith.constant 4 : i32
    %broadcast_in_dim3A_217 = vector.broadcast %broadcast_in_dim3A_216 : i32 to vector<16xi32>
    %lt3A_218 = arith.constant 0 : i32
    %lt3A_219 = vector.broadcast %lt3A_218 : i32 to vector<16xi32>
    %lt3A_220 = arith.cmpi slt, %broadcast_in_dim3A_217, %lt3A_219 : vector<16xi32>
    %add3A_221 = arith.constant 16 : i32
    %add3A_222 = vector.broadcast %add3A_221 : i32 to vector<16xi32>
    %add3A_223 = arith.addi %broadcast_in_dim3A_217, %add3A_222 : vector<16xi32>
    %select_n3A_224 = arith.select %lt3A_220, %add3A_223, %broadcast_in_dim3A_217 : vector<16xi1>, vector<16xi32>
    %broadcast_in_dim3A_225 = vector.shape_cast %select_n3A_224 : vector<16xi32> to vector<16x1xi32>
    %gather3A_226 = vector.shape_cast %broadcast_in_dim3A_225 : vector<16x1xi32> to vector<16xi32>
    %gather3A_227 = tpu.dynamic_gather %get3A_145[%gather3A_226] in [0] : vector<16xf32>, vector<16xi32> -> vector<16xf32>
    %broadcast_in_dim3A_228 = arith.constant 5 : i32
    %broadcast_in_dim3A_229 = vector.broadcast %broadcast_in_dim3A_228 : i32 to vector<16xi32>
    %lt3A_230 = arith.constant 0 : i32
    %lt3A_231 = vector.broadcast %lt3A_230 : i32 to vector<16xi32>
    %lt3A_232 = arith.cmpi slt, %broadcast_in_dim3A_229, %lt3A_231 : vector<16xi32>
    %add3A_233 = arith.constant 16 : i32
    %add3A_234 = vector.broadcast %add3A_233 : i32 to vector<16xi32>
    %add3A_235 = arith.addi %broadcast_in_dim3A_229, %add3A_234 : vector<16xi32>
    %select_n3A_236 = arith.select %lt3A_232, %add3A_235, %broadcast_in_dim3A_229 : vector<16xi1>, vector<16xi32>
    %broadcast_in_dim3A_237 = vector.shape_cast %select_n3A_236 : vector<16xi32> to vector<16x1xi32>
    %gather3A_238 = vector.shape_cast %broadcast_in_dim3A_237 : vector<16x1xi32> to vector<16xi32>
    %gather3A_239 = tpu.dynamic_gather %get3A_145[%gather3A_238] in [0] : vector<16xf32>, vector<16xi32> -> vector<16xf32>
    %broadcast_in_dim3A_240 = arith.constant 6 : i32
    %broadcast_in_dim3A_241 = vector.broadcast %broadcast_in_dim3A_240 : i32 to vector<16xi32>
    %lt3A_242 = arith.constant 0 : i32
    %lt3A_243 = vector.broadcast %lt3A_242 : i32 to vector<16xi32>
    %lt3A_244 = arith.cmpi slt, %broadcast_in_dim3A_241, %lt3A_243 : vector<16xi32>
    %add3A_245 = arith.constant 16 : i32
    %add3A_246 = vector.broadcast %add3A_245 : i32 to vector<16xi32>
    %add3A_247 = arith.addi %broadcast_in_dim3A_241, %add3A_246 : vector<16xi32>
    %select_n3A_248 = arith.select %lt3A_244, %add3A_247, %broadcast_in_dim3A_241 : vector<16xi1>, vector<16xi32>
    %broadcast_in_dim3A_249 = vector.shape_cast %select_n3A_248 : vector<16xi32> to vector<16x1xi32>
    %gather3A_250 = vector.shape_cast %broadcast_in_dim3A_249 : vector<16x1xi32> to vector<16xi32>
    %gather3A_251 = tpu.dynamic_gather %get3A_145[%gather3A_250] in [0] : vector<16xf32>, vector<16xi32> -> vector<16xf32>
    %broadcast_in_dim3A_252 = arith.constant 7 : i32
    %broadcast_in_dim3A_253 = vector.broadcast %broadcast_in_dim3A_252 : i32 to vector<16xi32>
    %lt3A_254 = arith.constant 0 : i32
    %lt3A_255 = vector.broadcast %lt3A_254 : i32 to vector<16xi32>
    %lt3A_256 = arith.cmpi slt, %broadcast_in_dim3A_253, %lt3A_255 : vector<16xi32>
    %add3A_257 = arith.constant 16 : i32
    %add3A_258 = vector.broadcast %add3A_257 : i32 to vector<16xi32>
    %add3A_259 = arith.addi %broadcast_in_dim3A_253, %add3A_258 : vector<16xi32>
    %select_n3A_260 = arith.select %lt3A_256, %add3A_259, %broadcast_in_dim3A_253 : vector<16xi1>, vector<16xi32>
    %broadcast_in_dim3A_261 = vector.shape_cast %select_n3A_260 : vector<16xi32> to vector<16x1xi32>
    %gather3A_262 = vector.shape_cast %broadcast_in_dim3A_261 : vector<16x1xi32> to vector<16xi32>
    %gather3A_263 = tpu.dynamic_gather %get3A_145[%gather3A_262] in [0] : vector<16xf32>, vector<16xi32> -> vector<16xf32>
    %broadcast_in_dim3A_264 = arith.constant 8 : i32
    %broadcast_in_dim3A_265 = vector.broadcast %broadcast_in_dim3A_264 : i32 to vector<16xi32>
    %lt3A_266 = arith.constant 0 : i32
    %lt3A_267 = vector.broadcast %lt3A_266 : i32 to vector<16xi32>
    %lt3A_268 = arith.cmpi slt, %broadcast_in_dim3A_265, %lt3A_267 : vector<16xi32>
    %add3A_269 = arith.constant 16 : i32
    %add3A_270 = vector.broadcast %add3A_269 : i32 to vector<16xi32>
    %add3A_271 = arith.addi %broadcast_in_dim3A_265, %add3A_270 : vector<16xi32>
    %select_n3A_272 = arith.select %lt3A_268, %add3A_271, %broadcast_in_dim3A_265 : vector<16xi1>, vector<16xi32>
    %broadcast_in_dim3A_273 = vector.shape_cast %select_n3A_272 : vector<16xi32> to vector<16x1xi32>
    %gather3A_274 = vector.shape_cast %broadcast_in_dim3A_273 : vector<16x1xi32> to vector<16xi32>
    %gather3A_275 = tpu.dynamic_gather %get3A_145[%gather3A_274] in [0] : vector<16xf32>, vector<16xi32> -> vector<16xf32>
    %broadcast_in_dim3A_276 = arith.constant 9 : i32
    %broadcast_in_dim3A_277 = vector.broadcast %broadcast_in_dim3A_276 : i32 to vector<16xi32>
    %lt3A_278 = arith.constant 0 : i32
    %lt3A_279 = vector.broadcast %lt3A_278 : i32 to vector<16xi32>
    %lt3A_280 = arith.cmpi slt, %broadcast_in_dim3A_277, %lt3A_279 : vector<16xi32>
    %add3A_281 = arith.constant 16 : i32
    %add3A_282 = vector.broadcast %add3A_281 : i32 to vector<16xi32>
    %add3A_283 = arith.addi %broadcast_in_dim3A_277, %add3A_282 : vector<16xi32>
    %select_n3A_284 = arith.select %lt3A_280, %add3A_283, %broadcast_in_dim3A_277 : vector<16xi1>, vector<16xi32>
    %broadcast_in_dim3A_285 = vector.shape_cast %select_n3A_284 : vector<16xi32> to vector<16x1xi32>
    %gather3A_286 = vector.shape_cast %broadcast_in_dim3A_285 : vector<16x1xi32> to vector<16xi32>
    %gather3A_287 = tpu.dynamic_gather %get3A_145[%gather3A_286] in [0] : vector<16xf32>, vector<16xi32> -> vector<16xf32>
    %broadcast_in_dim3A_288 = arith.constant 14 : i32
    %broadcast_in_dim3A_289 = vector.broadcast %broadcast_in_dim3A_288 : i32 to vector<16xi32>
    %lt3A_290 = arith.constant 0 : i32
    %lt3A_291 = vector.broadcast %lt3A_290 : i32 to vector<16xi32>
    %lt3A_292 = arith.cmpi slt, %broadcast_in_dim3A_289, %lt3A_291 : vector<16xi32>
    %add3A_293 = arith.constant 16 : i32
    %add3A_294 = vector.broadcast %add3A_293 : i32 to vector<16xi32>
    %add3A_295 = arith.addi %broadcast_in_dim3A_289, %add3A_294 : vector<16xi32>
    %select_n3A_296 = arith.select %lt3A_292, %add3A_295, %broadcast_in_dim3A_289 : vector<16xi1>, vector<16xi32>
    %broadcast_in_dim3A_297 = vector.shape_cast %select_n3A_296 : vector<16xi32> to vector<16x1xi32>
    %gather3A_298 = vector.shape_cast %broadcast_in_dim3A_297 : vector<16x1xi32> to vector<16xi32>
    %gather3A_299 = tpu.dynamic_gather %get3A_157[%gather3A_298] in [0] : vector<16xf32>, vector<16xi32> -> vector<16xf32>
    %broadcast_in_dim3A_300 = arith.constant 15 : i32
    %broadcast_in_dim3A_301 = vector.broadcast %broadcast_in_dim3A_300 : i32 to vector<16xi32>
    %lt3A_302 = arith.constant 0 : i32
    %lt3A_303 = vector.broadcast %lt3A_302 : i32 to vector<16xi32>
    %lt3A_304 = arith.cmpi slt, %broadcast_in_dim3A_301, %lt3A_303 : vector<16xi32>
    %add3A_305 = arith.constant 16 : i32
    %add3A_306 = vector.broadcast %add3A_305 : i32 to vector<16xi32>
    %add3A_307 = arith.addi %broadcast_in_dim3A_301, %add3A_306 : vector<16xi32>
    %select_n3A_308 = arith.select %lt3A_304, %add3A_307, %broadcast_in_dim3A_301 : vector<16xi1>, vector<16xi32>
    %broadcast_in_dim3A_309 = vector.shape_cast %select_n3A_308 : vector<16xi32> to vector<16x1xi32>
    %gather3A_310 = vector.shape_cast %broadcast_in_dim3A_309 : vector<16x1xi32> to vector<16xi32>
    %gather3A_311 = tpu.dynamic_gather %get3A_157[%gather3A_310] in [0] : vector<16xf32>, vector<16xi32> -> vector<16xf32>
    %broadcast_in_dim3A_312 = arith.constant 0 : i32
    %broadcast_in_dim3A_313 = vector.broadcast %broadcast_in_dim3A_312 : i32 to vector<16xi32>
    %lt3A_314 = arith.constant 0 : i32
    %lt3A_315 = vector.broadcast %lt3A_314 : i32 to vector<16xi32>
    %lt3A_316 = arith.cmpi slt, %broadcast_in_dim3A_313, %lt3A_315 : vector<16xi32>
    %add3A_317 = arith.constant 16 : i32
    %add3A_318 = vector.broadcast %add3A_317 : i32 to vector<16xi32>
    %add3A_319 = arith.addi %broadcast_in_dim3A_313, %add3A_318 : vector<16xi32>
    %select_n3A_320 = arith.select %lt3A_316, %add3A_319, %broadcast_in_dim3A_313 : vector<16xi1>, vector<16xi32>
    %broadcast_in_dim3A_321 = vector.shape_cast %select_n3A_320 : vector<16xi32> to vector<16x1xi32>
    %gather3A_322 = vector.shape_cast %broadcast_in_dim3A_321 : vector<16x1xi32> to vector<16xi32>
    %gather3A_323 = tpu.dynamic_gather %get3A_159[%gather3A_322] in [0] : vector<16xf32>, vector<16xi32> -> vector<16xf32>
    %broadcast_in_dim3A_324 = arith.constant 1 : i32
    %broadcast_in_dim3A_325 = vector.broadcast %broadcast_in_dim3A_324 : i32 to vector<16xi32>
    %lt3A_326 = arith.constant 0 : i32
    %lt3A_327 = vector.broadcast %lt3A_326 : i32 to vector<16xi32>
    %lt3A_328 = arith.cmpi slt, %broadcast_in_dim3A_325, %lt3A_327 : vector<16xi32>
    %add3A_329 = arith.constant 16 : i32
    %add3A_330 = vector.broadcast %add3A_329 : i32 to vector<16xi32>
    %add3A_331 = arith.addi %broadcast_in_dim3A_325, %add3A_330 : vector<16xi32>
    %select_n3A_332 = arith.select %lt3A_328, %add3A_331, %broadcast_in_dim3A_325 : vector<16xi1>, vector<16xi32>
    %broadcast_in_dim3A_333 = vector.shape_cast %select_n3A_332 : vector<16xi32> to vector<16x1xi32>
    %gather3A_334 = vector.shape_cast %broadcast_in_dim3A_333 : vector<16x1xi32> to vector<16xi32>
    %gather3A_335 = tpu.dynamic_gather %get3A_159[%gather3A_334] in [0] : vector<16xf32>, vector<16xi32> -> vector<16xf32>
    %broadcast_in_dim3A_336 = arith.constant 2 : i32
    %broadcast_in_dim3A_337 = vector.broadcast %broadcast_in_dim3A_336 : i32 to vector<16xi32>
    %lt3A_338 = arith.constant 0 : i32
    %lt3A_339 = vector.broadcast %lt3A_338 : i32 to vector<16xi32>
    %lt3A_340 = arith.cmpi slt, %broadcast_in_dim3A_337, %lt3A_339 : vector<16xi32>
    %add3A_341 = arith.constant 16 : i32
    %add3A_342 = vector.broadcast %add3A_341 : i32 to vector<16xi32>
    %add3A_343 = arith.addi %broadcast_in_dim3A_337, %add3A_342 : vector<16xi32>
    %select_n3A_344 = arith.select %lt3A_340, %add3A_343, %broadcast_in_dim3A_337 : vector<16xi1>, vector<16xi32>
    %broadcast_in_dim3A_345 = vector.shape_cast %select_n3A_344 : vector<16xi32> to vector<16x1xi32>
    %gather3A_346 = vector.shape_cast %broadcast_in_dim3A_345 : vector<16x1xi32> to vector<16xi32>
    %gather3A_347 = tpu.dynamic_gather %get3A_159[%gather3A_346] in [0] : vector<16xf32>, vector<16xi32> -> vector<16xf32>
    %broadcast_in_dim3A_348 = arith.constant 3 : i32
    %broadcast_in_dim3A_349 = vector.broadcast %broadcast_in_dim3A_348 : i32 to vector<16xi32>
    %lt3A_350 = arith.constant 0 : i32
    %lt3A_351 = vector.broadcast %lt3A_350 : i32 to vector<16xi32>
    %lt3A_352 = arith.cmpi slt, %broadcast_in_dim3A_349, %lt3A_351 : vector<16xi32>
    %add3A_353 = arith.constant 16 : i32
    %add3A_354 = vector.broadcast %add3A_353 : i32 to vector<16xi32>
    %add3A_355 = arith.addi %broadcast_in_dim3A_349, %add3A_354 : vector<16xi32>
    %select_n3A_356 = arith.select %lt3A_352, %add3A_355, %broadcast_in_dim3A_349 : vector<16xi1>, vector<16xi32>
    %broadcast_in_dim3A_357 = vector.shape_cast %select_n3A_356 : vector<16xi32> to vector<16x1xi32>
    %gather3A_358 = vector.shape_cast %broadcast_in_dim3A_357 : vector<16x1xi32> to vector<16xi32>
    %gather3A_359 = tpu.dynamic_gather %get3A_159[%gather3A_358] in [0] : vector<16xf32>, vector<16xi32> -> vector<16xf32>
    %broadcast_in_dim3A_360 = arith.constant 4 : i32
    %broadcast_in_dim3A_361 = vector.broadcast %broadcast_in_dim3A_360 : i32 to vector<16xi32>
    %lt3A_362 = arith.constant 0 : i32
    %lt3A_363 = vector.broadcast %lt3A_362 : i32 to vector<16xi32>
    %lt3A_364 = arith.cmpi slt, %broadcast_in_dim3A_361, %lt3A_363 : vector<16xi32>
    %add3A_365 = arith.constant 16 : i32
    %add3A_366 = vector.broadcast %add3A_365 : i32 to vector<16xi32>
    %add3A_367 = arith.addi %broadcast_in_dim3A_361, %add3A_366 : vector<16xi32>
    %select_n3A_368 = arith.select %lt3A_364, %add3A_367, %broadcast_in_dim3A_361 : vector<16xi1>, vector<16xi32>
    %broadcast_in_dim3A_369 = vector.shape_cast %select_n3A_368 : vector<16xi32> to vector<16x1xi32>
    %gather3A_370 = vector.shape_cast %broadcast_in_dim3A_369 : vector<16x1xi32> to vector<16xi32>
    %gather3A_371 = tpu.dynamic_gather %get3A_159[%gather3A_370] in [0] : vector<16xf32>, vector<16xi32> -> vector<16xf32>
    %broadcast_in_dim3A_372 = arith.constant 5 : i32
    %broadcast_in_dim3A_373 = vector.broadcast %broadcast_in_dim3A_372 : i32 to vector<16xi32>
    %lt3A_374 = arith.constant 0 : i32
    %lt3A_375 = vector.broadcast %lt3A_374 : i32 to vector<16xi32>
    %lt3A_376 = arith.cmpi slt, %broadcast_in_dim3A_373, %lt3A_375 : vector<16xi32>
    %add3A_377 = arith.constant 16 : i32
    %add3A_378 = vector.broadcast %add3A_377 : i32 to vector<16xi32>
    %add3A_379 = arith.addi %broadcast_in_dim3A_373, %add3A_378 : vector<16xi32>
    %select_n3A_380 = arith.select %lt3A_376, %add3A_379, %broadcast_in_dim3A_373 : vector<16xi1>, vector<16xi32>
    %broadcast_in_dim3A_381 = vector.shape_cast %select_n3A_380 : vector<16xi32> to vector<16x1xi32>
    %gather3A_382 = vector.shape_cast %broadcast_in_dim3A_381 : vector<16x1xi32> to vector<16xi32>
    %gather3A_383 = tpu.dynamic_gather %get3A_159[%gather3A_382] in [0] : vector<16xf32>, vector<16xi32> -> vector<16xf32>
    %broadcast_in_dim3A_384 = arith.constant 6 : i32
    %broadcast_in_dim3A_385 = vector.broadcast %broadcast_in_dim3A_384 : i32 to vector<16xi32>
    %lt3A_386 = arith.constant 0 : i32
    %lt3A_387 = vector.broadcast %lt3A_386 : i32 to vector<16xi32>
    %lt3A_388 = arith.cmpi slt, %broadcast_in_dim3A_385, %lt3A_387 : vector<16xi32>
    %add3A_389 = arith.constant 16 : i32
    %add3A_390 = vector.broadcast %add3A_389 : i32 to vector<16xi32>
    %add3A_391 = arith.addi %broadcast_in_dim3A_385, %add3A_390 : vector<16xi32>
    %select_n3A_392 = arith.select %lt3A_388, %add3A_391, %broadcast_in_dim3A_385 : vector<16xi1>, vector<16xi32>
    %broadcast_in_dim3A_393 = vector.shape_cast %select_n3A_392 : vector<16xi32> to vector<16x1xi32>
    %gather3A_394 = vector.shape_cast %broadcast_in_dim3A_393 : vector<16x1xi32> to vector<16xi32>
    %gather3A_395 = tpu.dynamic_gather %get3A_159[%gather3A_394] in [0] : vector<16xf32>, vector<16xi32> -> vector<16xf32>
    %broadcast_in_dim3A_396 = arith.constant 7 : i32
    %broadcast_in_dim3A_397 = vector.broadcast %broadcast_in_dim3A_396 : i32 to vector<16xi32>
    %lt3A_398 = arith.constant 0 : i32
    %lt3A_399 = vector.broadcast %lt3A_398 : i32 to vector<16xi32>
    %lt3A_400 = arith.cmpi slt, %broadcast_in_dim3A_397, %lt3A_399 : vector<16xi32>
    %add3A_401 = arith.constant 16 : i32
    %add3A_402 = vector.broadcast %add3A_401 : i32 to vector<16xi32>
    %add3A_403 = arith.addi %broadcast_in_dim3A_397, %add3A_402 : vector<16xi32>
    %select_n3A_404 = arith.select %lt3A_400, %add3A_403, %broadcast_in_dim3A_397 : vector<16xi1>, vector<16xi32>
    %broadcast_in_dim3A_405 = vector.shape_cast %select_n3A_404 : vector<16xi32> to vector<16x1xi32>
    %gather3A_406 = vector.shape_cast %broadcast_in_dim3A_405 : vector<16x1xi32> to vector<16xi32>
    %gather3A_407 = tpu.dynamic_gather %get3A_159[%gather3A_406] in [0] : vector<16xf32>, vector<16xi32> -> vector<16xf32>
    %broadcast_in_dim3A_408 = arith.constant 4 : i32
    %broadcast_in_dim3A_409 = vector.broadcast %broadcast_in_dim3A_408 : i32 to vector<16xi32>
    %lt3A_410 = arith.constant 0 : i32
    %lt3A_411 = vector.broadcast %lt3A_410 : i32 to vector<16xi32>
    %lt3A_412 = arith.cmpi slt, %broadcast_in_dim3A_409, %lt3A_411 : vector<16xi32>
    %add3A_413 = arith.constant 16 : i32
    %add3A_414 = vector.broadcast %add3A_413 : i32 to vector<16xi32>
    %add3A_415 = arith.addi %broadcast_in_dim3A_409, %add3A_414 : vector<16xi32>
    %select_n3A_416 = arith.select %lt3A_412, %add3A_415, %broadcast_in_dim3A_409 : vector<16xi1>, vector<16xi32>
    %broadcast_in_dim3A_417 = vector.shape_cast %select_n3A_416 : vector<16xi32> to vector<16x1xi32>
    %gather3A_418 = vector.shape_cast %broadcast_in_dim3A_417 : vector<16x1xi32> to vector<16xi32>
    %gather3A_419 = tpu.dynamic_gather %get3A_157[%gather3A_418] in [0] : vector<16xf32>, vector<16xi32> -> vector<16xf32>
    %broadcast_in_dim3A_420 = arith.constant 2 : i32
    %broadcast_in_dim3A_421 = vector.broadcast %broadcast_in_dim3A_420 : i32 to vector<16xi32>
    %lt3A_422 = arith.constant 0 : i32
    %lt3A_423 = vector.broadcast %lt3A_422 : i32 to vector<16xi32>
    %lt3A_424 = arith.cmpi slt, %broadcast_in_dim3A_421, %lt3A_423 : vector<16xi32>
    %add3A_425 = arith.constant 16 : i32
    %add3A_426 = vector.broadcast %add3A_425 : i32 to vector<16xi32>
    %add3A_427 = arith.addi %broadcast_in_dim3A_421, %add3A_426 : vector<16xi32>
    %select_n3A_428 = arith.select %lt3A_424, %add3A_427, %broadcast_in_dim3A_421 : vector<16xi1>, vector<16xi32>
    %broadcast_in_dim3A_429 = vector.shape_cast %select_n3A_428 : vector<16xi32> to vector<16x1xi32>
    %gather3A_430 = vector.shape_cast %broadcast_in_dim3A_429 : vector<16x1xi32> to vector<16xi32>
    %gather3A_431 = tpu.dynamic_gather %get3A_171[%gather3A_430] in [0] : vector<16xf32>, vector<16xi32> -> vector<16xf32>
    %parallel_loop3A = arith.constant 0 : i32
    %parallel_loop3A_432 = arith.constant 64 : i32
    %parallel_loop3A_433 = arith.constant 1 : i32
    scf.for %parallel_loop3A_2977 = %parallel_loop3A to %parallel_loop3A_432 step %parallel_loop3A_433  : i32 {
      %parallel_loop3A_2978 = arith.constant 16 : i32
      %parallel_loop3A_2979 = arith.muli %parallel_loop3A_2977, %parallel_loop3A_2978 : i32
      %parallel_loop3A_2980 = arith.index_cast %parallel_loop3A_2979 : i32 to index
      %parallel_loop3A_2981 = tpu.vector_load %arg7[%parallel_loop3A_2980] {strides = array<i32>} : memref<1024xi32, #tpu.memory_space<vmem>>, vector<16xi32>,
      %parallel_loop3A_2982 = arith.constant 0 : i32
      %parallel_loop3A_2983 = arith.addi %parallel_loop3A_2982, %parallel_loop3A_2979 : i32
      %parallel_loop3A_2984 = arith.index_cast %parallel_loop3A_2983 : i32 to index
      %parallel_loop3A_2985 = tpu.vector_load %arg6[%parallel_loop3A_2984] {strides = array<i32>} : memref<10240xf32, #tpu.memory_space<vmem>>, vector<16xf32>,
      %parallel_loop3A_2986 = arith.constant 1024 : i32
      %parallel_loop3A_2987 = arith.addi %parallel_loop3A_2986, %parallel_loop3A_2979 : i32
      %parallel_loop3A_2988 = arith.index_cast %parallel_loop3A_2987 : i32 to index
      %parallel_loop3A_2989 = tpu.vector_load %arg6[%parallel_loop3A_2988] {strides = array<i32>} : memref<10240xf32, #tpu.memory_space<vmem>>, vector<16xf32>,
      %parallel_loop3A_2990 = arith.constant 2048 : i32
      %parallel_loop3A_2991 = arith.addi %parallel_loop3A_2990, %parallel_loop3A_2979 : i32
      %parallel_loop3A_2992 = arith.index_cast %parallel_loop3A_2991 : i32 to index
      %parallel_loop3A_2993 = tpu.vector_load %arg6[%parallel_loop3A_2992] {strides = array<i32>} : memref<10240xf32, #tpu.memory_space<vmem>>, vector<16xf32>,
      %parallel_loop3A_2994 = arith.constant 3072 : i32
      %parallel_loop3A_2995 = arith.addi %parallel_loop3A_2994, %parallel_loop3A_2979 : i32
      %parallel_loop3A_2996 = arith.index_cast %parallel_loop3A_2995 : i32 to index
      %parallel_loop3A_2997 = tpu.vector_load %arg6[%parallel_loop3A_2996] {strides = array<i32>} : memref<10240xf32, #tpu.memory_space<vmem>>, vector<16xf32>,
      %parallel_loop3A_2998 = arith.constant 4096 : i32
      %parallel_loop3A_2999 = arith.addi %parallel_loop3A_2998, %parallel_loop3A_2979 : i32
      %parallel_loop3A_3000 = arith.index_cast %parallel_loop3A_2999 : i32 to index
      %parallel_loop3A_3001 = tpu.vector_load %arg6[%parallel_loop3A_3000] {strides = array<i32>} : memref<10240xf32, #tpu.memory_space<vmem>>, vector<16xf32>,
      %parallel_loop3A_3002 = arith.constant 5120 : i32
      %parallel_loop3A_3003 = arith.addi %parallel_loop3A_3002, %parallel_loop3A_2979 : i32
      %parallel_loop3A_3004 = arith.index_cast %parallel_loop3A_3003 : i32 to index
      %parallel_loop3A_3005 = tpu.vector_load %arg6[%parallel_loop3A_3004] {strides = array<i32>} : memref<10240xf32, #tpu.memory_space<vmem>>, vector<16xf32>,
      %parallel_loop3A_3006 = arith.constant 6144 : i32
      %parallel_loop3A_3007 = arith.addi %parallel_loop3A_3006, %parallel_loop3A_2979 : i32
      %parallel_loop3A_3008 = arith.index_cast %parallel_loop3A_3007 : i32 to index
      %parallel_loop3A_3009 = tpu.vector_load %arg6[%parallel_loop3A_3008] {strides = array<i32>} : memref<10240xf32, #tpu.memory_space<vmem>>, vector<16xf32>,
      %parallel_loop3A_3010 = arith.constant 7168 : i32
      %parallel_loop3A_3011 = arith.addi %parallel_loop3A_3010, %parallel_loop3A_2979 : i32
      %parallel_loop3A_3012 = arith.index_cast %parallel_loop3A_3011 : i32 to index
      %parallel_loop3A_3013 = tpu.vector_load %arg6[%parallel_loop3A_3012] {strides = array<i32>} : memref<10240xf32, #tpu.memory_space<vmem>>, vector<16xf32>,
      %parallel_loop3A_3014 = arith.constant 8192 : i32
      %parallel_loop3A_3015 = arith.addi %parallel_loop3A_3014, %parallel_loop3A_2979 : i32
      %parallel_loop3A_3016 = arith.index_cast %parallel_loop3A_3015 : i32 to index
      %parallel_loop3A_3017 = tpu.vector_load %arg6[%parallel_loop3A_3016] {strides = array<i32>} : memref<10240xf32, #tpu.memory_space<vmem>>, vector<16xf32>,
      %parallel_loop3A_3018 = arith.constant 9216 : i32
      %parallel_loop3A_3019 = arith.addi %parallel_loop3A_3018, %parallel_loop3A_2979 : i32
      %parallel_loop3A_3020 = arith.index_cast %parallel_loop3A_3019 : i32 to index
      %parallel_loop3A_3021 = tpu.vector_load %arg6[%parallel_loop3A_3020] {strides = array<i32>} : memref<10240xf32, #tpu.memory_space<vmem>>, vector<16xf32>,
      %parallel_loop3A_3022 = arith.mulf %parallel_loop3A_2985, %gather3A_179 : vector<16xf32>
      %parallel_loop3A_3023 = arith.mulf %parallel_loop3A_2989, %gather3A_191 : vector<16xf32>
      %parallel_loop3A_3024 = arith.mulf %parallel_loop3A_2993, %gather3A_203 : vector<16xf32>
      %parallel_loop3A_3025 = arith.mulf %parallel_loop3A_2997, %gather3A_215 : vector<16xf32>
      %parallel_loop3A_3026 = arith.mulf %parallel_loop3A_3001, %gather3A_227 : vector<16xf32>
      %parallel_loop3A_3027 = arith.mulf %parallel_loop3A_3005, %gather3A_239 : vector<16xf32>
      %parallel_loop3A_3028 = arith.mulf %parallel_loop3A_3009, %gather3A_251 : vector<16xf32>
      %parallel_loop3A_3029 = arith.mulf %parallel_loop3A_3013, %gather3A_263 : vector<16xf32>
      %parallel_loop3A_3030 = arith.mulf %parallel_loop3A_3017, %gather3A_275 : vector<16xf32>
      %parallel_loop3A_3031 = arith.mulf %parallel_loop3A_3021, %gather3A_287 : vector<16xf32>
      %parallel_loop3A_3032 = arith.mulf %parallel_loop3A_2985, %gather3A_299 : vector<16xf32>
      %parallel_loop3A_3033 = arith.mulf %parallel_loop3A_2989, %gather3A_311 : vector<16xf32>
      %parallel_loop3A_3034 = arith.mulf %parallel_loop3A_2993, %gather3A_323 : vector<16xf32>
      %parallel_loop3A_3035 = arith.mulf %parallel_loop3A_2997, %gather3A_335 : vector<16xf32>
      %parallel_loop3A_3036 = arith.mulf %parallel_loop3A_3001, %gather3A_347 : vector<16xf32>
      %parallel_loop3A_3037 = arith.mulf %parallel_loop3A_3005, %gather3A_359 : vector<16xf32>
      %parallel_loop3A_3038 = arith.mulf %parallel_loop3A_3009, %gather3A_371 : vector<16xf32>
      %parallel_loop3A_3039 = arith.mulf %parallel_loop3A_3013, %gather3A_383 : vector<16xf32>
      %parallel_loop3A_3040 = arith.mulf %parallel_loop3A_3017, %gather3A_395 : vector<16xf32>
      %parallel_loop3A_3041 = arith.mulf %parallel_loop3A_3021, %gather3A_407 : vector<16xf32>
      %parallel_loop3A_3042 = arith.constant 0 : i32
      %parallel_loop3A_3043 = vector.broadcast %parallel_loop3A_3042 : i32 to vector<16xi32>
      %parallel_loop3A_3044 = arith.cmpi eq, %parallel_loop3A_2981, %parallel_loop3A_3043 : vector<16xi32>
      %parallel_loop3A_3045 = arith.addf %parallel_loop3A_3022, %parallel_loop3A_3023 : vector<16xf32>
      %parallel_loop3A_3046 = arith.addf %parallel_loop3A_3024, %parallel_loop3A_3025 : vector<16xf32>
      %parallel_loop3A_3047 = arith.addf %parallel_loop3A_3026, %parallel_loop3A_3027 : vector<16xf32>
      %parallel_loop3A_3048 = arith.addf %parallel_loop3A_3028, %parallel_loop3A_3029 : vector<16xf32>
      %parallel_loop3A_3049 = arith.addf %parallel_loop3A_3030, %parallel_loop3A_3031 : vector<16xf32>
      %parallel_loop3A_3050 = arith.addf %parallel_loop3A_3045, %parallel_loop3A_3046 : vector<16xf32>
      %parallel_loop3A_3051 = arith.addf %parallel_loop3A_3047, %parallel_loop3A_3048 : vector<16xf32>
      %parallel_loop3A_3052 = arith.addf %parallel_loop3A_3049, %gather3A_419 : vector<16xf32>
      %parallel_loop3A_3053 = arith.addf %parallel_loop3A_3050, %parallel_loop3A_3051 : vector<16xf32>
      %parallel_loop3A_3054 = arith.addf %parallel_loop3A_3053, %parallel_loop3A_3052 : vector<16xf32>
      %parallel_loop3A_3055 = arith.addf %parallel_loop3A_3032, %parallel_loop3A_3033 : vector<16xf32>
      %parallel_loop3A_3056 = arith.addf %parallel_loop3A_3034, %parallel_loop3A_3035 : vector<16xf32>
      %parallel_loop3A_3057 = arith.addf %parallel_loop3A_3036, %parallel_loop3A_3037 : vector<16xf32>
      %parallel_loop3A_3058 = arith.addf %parallel_loop3A_3038, %parallel_loop3A_3039 : vector<16xf32>
      %parallel_loop3A_3059 = arith.addf %parallel_loop3A_3040, %parallel_loop3A_3041 : vector<16xf32>
      %parallel_loop3A_3060 = arith.addf %parallel_loop3A_3055, %parallel_loop3A_3056 : vector<16xf32>
      %parallel_loop3A_3061 = arith.addf %parallel_loop3A_3057, %parallel_loop3A_3058 : vector<16xf32>
      %parallel_loop3A_3062 = arith.addf %parallel_loop3A_3059, %gather3A_431 : vector<16xf32>
      %parallel_loop3A_3063 = arith.addf %parallel_loop3A_3060, %parallel_loop3A_3061 : vector<16xf32>
      %parallel_loop3A_3064 = arith.addf %parallel_loop3A_3063, %parallel_loop3A_3062 : vector<16xf32>
      %parallel_loop3A_3065 = arith.select %parallel_loop3A_3044, %parallel_loop3A_3054, %parallel_loop3A_3064 : vector<16xi1>, vector<16xf32>
      %parallel_loop3A_3066 = arith.constant 0 : i32
      %parallel_loop3A_3067 = arith.addi %parallel_loop3A_3066, %parallel_loop3A_2979 : i32
      %parallel_loop3A_3068 = arith.index_cast %parallel_loop3A_3067 : i32 to index
      %parallel_loop3A_3069 = tpu.vector_load %arg8[%parallel_loop3A_3068] {strides = array<i32>} : memref<10240xf32, #tpu.memory_space<vmem>>, vector<16xf32>,
      tpu.vector_store %arg8[%parallel_loop3A_3068], %parallel_loop3A_3065 {strides = array<i32>} : memref<10240xf32, #tpu.memory_space<vmem>>, vector<16xf32>,
    } {sc.loop_unroll_factor = 1 : i64, sc.parallel_access}
    %broadcast_in_dim3A_434 = arith.constant 10 : i32
    %broadcast_in_dim3A_435 = vector.broadcast %broadcast_in_dim3A_434 : i32 to vector<16xi32>
    %lt3A_436 = arith.constant 0 : i32
    %lt3A_437 = vector.broadcast %lt3A_436 : i32 to vector<16xi32>
    %lt3A_438 = arith.cmpi slt, %broadcast_in_dim3A_435, %lt3A_437 : vector<16xi32>
    %add3A_439 = arith.constant 16 : i32
    %add3A_440 = vector.broadcast %add3A_439 : i32 to vector<16xi32>
    %add3A_441 = arith.addi %broadcast_in_dim3A_435, %add3A_440 : vector<16xi32>
    %select_n3A_442 = arith.select %lt3A_438, %add3A_441, %broadcast_in_dim3A_435 : vector<16xi1>, vector<16xi32>
    %broadcast_in_dim3A_443 = vector.shape_cast %select_n3A_442 : vector<16xi32> to vector<16x1xi32>
    %gather3A_444 = vector.shape_cast %broadcast_in_dim3A_443 : vector<16x1xi32> to vector<16xi32>
    %gather3A_445 = tpu.dynamic_gather %get3A_145[%gather3A_444] in [0] : vector<16xf32>, vector<16xi32> -> vector<16xf32>
    %broadcast_in_dim3A_446 = arith.constant 11 : i32
    %broadcast_in_dim3A_447 = vector.broadcast %broadcast_in_dim3A_446 : i32 to vector<16xi32>
    %lt3A_448 = arith.constant 0 : i32
    %lt3A_449 = vector.broadcast %lt3A_448 : i32 to vector<16xi32>
    %lt3A_450 = arith.cmpi slt, %broadcast_in_dim3A_447, %lt3A_449 : vector<16xi32>
    %add3A_451 = arith.constant 16 : i32
    %add3A_452 = vector.broadcast %add3A_451 : i32 to vector<16xi32>
    %add3A_453 = arith.addi %broadcast_in_dim3A_447, %add3A_452 : vector<16xi32>
    %select_n3A_454 = arith.select %lt3A_450, %add3A_453, %broadcast_in_dim3A_447 : vector<16xi1>, vector<16xi32>
    %broadcast_in_dim3A_455 = vector.shape_cast %select_n3A_454 : vector<16xi32> to vector<16x1xi32>
    %gather3A_456 = vector.shape_cast %broadcast_in_dim3A_455 : vector<16x1xi32> to vector<16xi32>
    %gather3A_457 = tpu.dynamic_gather %get3A_145[%gather3A_456] in [0] : vector<16xf32>, vector<16xi32> -> vector<16xf32>
    %broadcast_in_dim3A_458 = arith.constant 12 : i32
    %broadcast_in_dim3A_459 = vector.broadcast %broadcast_in_dim3A_458 : i32 to vector<16xi32>
    %lt3A_460 = arith.constant 0 : i32
    %lt3A_461 = vector.broadcast %lt3A_460 : i32 to vector<16xi32>
    %lt3A_462 = arith.cmpi slt, %broadcast_in_dim3A_459, %lt3A_461 : vector<16xi32>
    %add3A_463 = arith.constant 16 : i32
    %add3A_464 = vector.broadcast %add3A_463 : i32 to vector<16xi32>
    %add3A_465 = arith.addi %broadcast_in_dim3A_459, %add3A_464 : vector<16xi32>
    %select_n3A_466 = arith.select %lt3A_462, %add3A_465, %broadcast_in_dim3A_459 : vector<16xi1>, vector<16xi32>
    %broadcast_in_dim3A_467 = vector.shape_cast %select_n3A_466 : vector<16xi32> to vector<16x1xi32>
    %gather3A_468 = vector.shape_cast %broadcast_in_dim3A_467 : vector<16x1xi32> to vector<16xi32>
    %gather3A_469 = tpu.dynamic_gather %get3A_145[%gather3A_468] in [0] : vector<16xf32>, vector<16xi32> -> vector<16xf32>
    %broadcast_in_dim3A_470 = arith.constant 13 : i32
    %broadcast_in_dim3A_471 = vector.broadcast %broadcast_in_dim3A_470 : i32 to vector<16xi32>
    %lt3A_472 = arith.constant 0 : i32
    %lt3A_473 = vector.broadcast %lt3A_472 : i32 to vector<16xi32>
    %lt3A_474 = arith.cmpi slt, %broadcast_in_dim3A_471, %lt3A_473 : vector<16xi32>
    %add3A_475 = arith.constant 16 : i32
    %add3A_476 = vector.broadcast %add3A_475 : i32 to vector<16xi32>
    %add3A_477 = arith.addi %broadcast_in_dim3A_471, %add3A_476 : vector<16xi32>
    %select_n3A_478 = arith.select %lt3A_474, %add3A_477, %broadcast_in_dim3A_471 : vector<16xi1>, vector<16xi32>
    %broadcast_in_dim3A_479 = vector.shape_cast %select_n3A_478 : vector<16xi32> to vector<16x1xi32>
    %gather3A_480 = vector.shape_cast %broadcast_in_dim3A_479 : vector<16x1xi32> to vector<16xi32>
    %gather3A_481 = tpu.dynamic_gather %get3A_145[%gather3A_480] in [0] : vector<16xf32>, vector<16xi32> -> vector<16xf32>
    %broadcast_in_dim3A_482 = arith.constant 14 : i32
    %broadcast_in_dim3A_483 = vector.broadcast %broadcast_in_dim3A_482 : i32 to vector<16xi32>
    %lt3A_484 = arith.constant 0 : i32
    %lt3A_485 = vector.broadcast %lt3A_484 : i32 to vector<16xi32>
    %lt3A_486 = arith.cmpi slt, %broadcast_in_dim3A_483, %lt3A_485 : vector<16xi32>
    %add3A_487 = arith.constant 16 : i32
    %add3A_488 = vector.broadcast %add3A_487 : i32 to vector<16xi32>
    %add3A_489 = arith.addi %broadcast_in_dim3A_483, %add3A_488 : vector<16xi32>
    %select_n3A_490 = arith.select %lt3A_486, %add3A_489, %broadcast_in_dim3A_483 : vector<16xi1>, vector<16xi32>
    %broadcast_in_dim3A_491 = vector.shape_cast %select_n3A_490 : vector<16xi32> to vector<16x1xi32>
    %gather3A_492 = vector.shape_cast %broadcast_in_dim3A_491 : vector<16x1xi32> to vector<16xi32>
    %gather3A_493 = tpu.dynamic_gather %get3A_145[%gather3A_492] in [0] : vector<16xf32>, vector<16xi32> -> vector<16xf32>
    %broadcast_in_dim3A_494 = arith.constant 15 : i32
    %broadcast_in_dim3A_495 = vector.broadcast %broadcast_in_dim3A_494 : i32 to vector<16xi32>
    %lt3A_496 = arith.constant 0 : i32
    %lt3A_497 = vector.broadcast %lt3A_496 : i32 to vector<16xi32>
    %lt3A_498 = arith.cmpi slt, %broadcast_in_dim3A_495, %lt3A_497 : vector<16xi32>
    %add3A_499 = arith.constant 16 : i32
    %add3A_500 = vector.broadcast %add3A_499 : i32 to vector<16xi32>
    %add3A_501 = arith.addi %broadcast_in_dim3A_495, %add3A_500 : vector<16xi32>
    %select_n3A_502 = arith.select %lt3A_498, %add3A_501, %broadcast_in_dim3A_495 : vector<16xi1>, vector<16xi32>
    %broadcast_in_dim3A_503 = vector.shape_cast %select_n3A_502 : vector<16xi32> to vector<16x1xi32>
    %gather3A_504 = vector.shape_cast %broadcast_in_dim3A_503 : vector<16x1xi32> to vector<16xi32>
    %gather3A_505 = tpu.dynamic_gather %get3A_145[%gather3A_504] in [0] : vector<16xf32>, vector<16xi32> -> vector<16xf32>
    %broadcast_in_dim3A_506 = arith.constant 0 : i32
    %broadcast_in_dim3A_507 = vector.broadcast %broadcast_in_dim3A_506 : i32 to vector<16xi32>
    %lt3A_508 = arith.constant 0 : i32
    %lt3A_509 = vector.broadcast %lt3A_508 : i32 to vector<16xi32>
    %lt3A_510 = arith.cmpi slt, %broadcast_in_dim3A_507, %lt3A_509 : vector<16xi32>
    %add3A_511 = arith.constant 16 : i32
    %add3A_512 = vector.broadcast %add3A_511 : i32 to vector<16xi32>
    %add3A_513 = arith.addi %broadcast_in_dim3A_507, %add3A_512 : vector<16xi32>
    %select_n3A_514 = arith.select %lt3A_510, %add3A_513, %broadcast_in_dim3A_507 : vector<16xi1>, vector<16xi32>
    %broadcast_in_dim3A_515 = vector.shape_cast %select_n3A_514 : vector<16xi32> to vector<16x1xi32>
    %gather3A_516 = vector.shape_cast %broadcast_in_dim3A_515 : vector<16x1xi32> to vector<16xi32>
    %gather3A_517 = tpu.dynamic_gather %get3A_147[%gather3A_516] in [0] : vector<16xf32>, vector<16xi32> -> vector<16xf32>
    %broadcast_in_dim3A_518 = arith.constant 1 : i32
    %broadcast_in_dim3A_519 = vector.broadcast %broadcast_in_dim3A_518 : i32 to vector<16xi32>
    %lt3A_520 = arith.constant 0 : i32
    %lt3A_521 = vector.broadcast %lt3A_520 : i32 to vector<16xi32>
    %lt3A_522 = arith.cmpi slt, %broadcast_in_dim3A_519, %lt3A_521 : vector<16xi32>
    %add3A_523 = arith.constant 16 : i32
    %add3A_524 = vector.broadcast %add3A_523 : i32 to vector<16xi32>
    %add3A_525 = arith.addi %broadcast_in_dim3A_519, %add3A_524 : vector<16xi32>
    %select_n3A_526 = arith.select %lt3A_522, %add3A_525, %broadcast_in_dim3A_519 : vector<16xi1>, vector<16xi32>
    %broadcast_in_dim3A_527 = vector.shape_cast %select_n3A_526 : vector<16xi32> to vector<16x1xi32>
    %gather3A_528 = vector.shape_cast %broadcast_in_dim3A_527 : vector<16x1xi32> to vector<16xi32>
    %gather3A_529 = tpu.dynamic_gather %get3A_147[%gather3A_528] in [0] : vector<16xf32>, vector<16xi32> -> vector<16xf32>
    %broadcast_in_dim3A_530 = arith.constant 2 : i32
    %broadcast_in_dim3A_531 = vector.broadcast %broadcast_in_dim3A_530 : i32 to vector<16xi32>
    %lt3A_532 = arith.constant 0 : i32
    %lt3A_533 = vector.broadcast %lt3A_532 : i32 to vector<16xi32>
    %lt3A_534 = arith.cmpi slt, %broadcast_in_dim3A_531, %lt3A_533 : vector<16xi32>
    %add3A_535 = arith.constant 16 : i32
    %add3A_536 = vector.broadcast %add3A_535 : i32 to vector<16xi32>
    %add3A_537 = arith.addi %broadcast_in_dim3A_531, %add3A_536 : vector<16xi32>
    %select_n3A_538 = arith.select %lt3A_534, %add3A_537, %broadcast_in_dim3A_531 : vector<16xi1>, vector<16xi32>
    %broadcast_in_dim3A_539 = vector.shape_cast %select_n3A_538 : vector<16xi32> to vector<16x1xi32>
    %gather3A_540 = vector.shape_cast %broadcast_in_dim3A_539 : vector<16x1xi32> to vector<16xi32>
    %gather3A_541 = tpu.dynamic_gather %get3A_147[%gather3A_540] in [0] : vector<16xf32>, vector<16xi32> -> vector<16xf32>
    %broadcast_in_dim3A_542 = arith.constant 3 : i32
    %broadcast_in_dim3A_543 = vector.broadcast %broadcast_in_dim3A_542 : i32 to vector<16xi32>
    %lt3A_544 = arith.constant 0 : i32
    %lt3A_545 = vector.broadcast %lt3A_544 : i32 to vector<16xi32>
    %lt3A_546 = arith.cmpi slt, %broadcast_in_dim3A_543, %lt3A_545 : vector<16xi32>
    %add3A_547 = arith.constant 16 : i32
    %add3A_548 = vector.broadcast %add3A_547 : i32 to vector<16xi32>
    %add3A_549 = arith.addi %broadcast_in_dim3A_543, %add3A_548 : vector<16xi32>
    %select_n3A_550 = arith.select %lt3A_546, %add3A_549, %broadcast_in_dim3A_543 : vector<16xi1>, vector<16xi32>
    %broadcast_in_dim3A_551 = vector.shape_cast %select_n3A_550 : vector<16xi32> to vector<16x1xi32>
    %gather3A_552 = vector.shape_cast %broadcast_in_dim3A_551 : vector<16x1xi32> to vector<16xi32>
    %gather3A_553 = tpu.dynamic_gather %get3A_147[%gather3A_552] in [0] : vector<16xf32>, vector<16xi32> -> vector<16xf32>
    %broadcast_in_dim3A_554 = arith.constant 8 : i32
    %broadcast_in_dim3A_555 = vector.broadcast %broadcast_in_dim3A_554 : i32 to vector<16xi32>
    %lt3A_556 = arith.constant 0 : i32
    %lt3A_557 = vector.broadcast %lt3A_556 : i32 to vector<16xi32>
    %lt3A_558 = arith.cmpi slt, %broadcast_in_dim3A_555, %lt3A_557 : vector<16xi32>
    %add3A_559 = arith.constant 16 : i32
    %add3A_560 = vector.broadcast %add3A_559 : i32 to vector<16xi32>
    %add3A_561 = arith.addi %broadcast_in_dim3A_555, %add3A_560 : vector<16xi32>
    %select_n3A_562 = arith.select %lt3A_558, %add3A_561, %broadcast_in_dim3A_555 : vector<16xi1>, vector<16xi32>
    %broadcast_in_dim3A_563 = vector.shape_cast %select_n3A_562 : vector<16xi32> to vector<16x1xi32>
    %gather3A_564 = vector.shape_cast %broadcast_in_dim3A_563 : vector<16x1xi32> to vector<16xi32>
    %gather3A_565 = tpu.dynamic_gather %get3A_159[%gather3A_564] in [0] : vector<16xf32>, vector<16xi32> -> vector<16xf32>
    %broadcast_in_dim3A_566 = arith.constant 9 : i32
    %broadcast_in_dim3A_567 = vector.broadcast %broadcast_in_dim3A_566 : i32 to vector<16xi32>
    %lt3A_568 = arith.constant 0 : i32
    %lt3A_569 = vector.broadcast %lt3A_568 : i32 to vector<16xi32>
    %lt3A_570 = arith.cmpi slt, %broadcast_in_dim3A_567, %lt3A_569 : vector<16xi32>
    %add3A_571 = arith.constant 16 : i32
    %add3A_572 = vector.broadcast %add3A_571 : i32 to vector<16xi32>
    %add3A_573 = arith.addi %broadcast_in_dim3A_567, %add3A_572 : vector<16xi32>
    %select_n3A_574 = arith.select %lt3A_570, %add3A_573, %broadcast_in_dim3A_567 : vector<16xi1>, vector<16xi32>
    %broadcast_in_dim3A_575 = vector.shape_cast %select_n3A_574 : vector<16xi32> to vector<16x1xi32>
    %gather3A_576 = vector.shape_cast %broadcast_in_dim3A_575 : vector<16x1xi32> to vector<16xi32>
    %gather3A_577 = tpu.dynamic_gather %get3A_159[%gather3A_576] in [0] : vector<16xf32>, vector<16xi32> -> vector<16xf32>
    %broadcast_in_dim3A_578 = arith.constant 10 : i32
    %broadcast_in_dim3A_579 = vector.broadcast %broadcast_in_dim3A_578 : i32 to vector<16xi32>
    %lt3A_580 = arith.constant 0 : i32
    %lt3A_581 = vector.broadcast %lt3A_580 : i32 to vector<16xi32>
    %lt3A_582 = arith.cmpi slt, %broadcast_in_dim3A_579, %lt3A_581 : vector<16xi32>
    %add3A_583 = arith.constant 16 : i32
    %add3A_584 = vector.broadcast %add3A_583 : i32 to vector<16xi32>
    %add3A_585 = arith.addi %broadcast_in_dim3A_579, %add3A_584 : vector<16xi32>
    %select_n3A_586 = arith.select %lt3A_582, %add3A_585, %broadcast_in_dim3A_579 : vector<16xi1>, vector<16xi32>
    %broadcast_in_dim3A_587 = vector.shape_cast %select_n3A_586 : vector<16xi32> to vector<16x1xi32>
    %gather3A_588 = vector.shape_cast %broadcast_in_dim3A_587 : vector<16x1xi32> to vector<16xi32>
    %gather3A_589 = tpu.dynamic_gather %get3A_159[%gather3A_588] in [0] : vector<16xf32>, vector<16xi32> -> vector<16xf32>
    %broadcast_in_dim3A_590 = arith.constant 11 : i32
    %broadcast_in_dim3A_591 = vector.broadcast %broadcast_in_dim3A_590 : i32 to vector<16xi32>
    %lt3A_592 = arith.constant 0 : i32
    %lt3A_593 = vector.broadcast %lt3A_592 : i32 to vector<16xi32>
    %lt3A_594 = arith.cmpi slt, %broadcast_in_dim3A_591, %lt3A_593 : vector<16xi32>
    %add3A_595 = arith.constant 16 : i32
    %add3A_596 = vector.broadcast %add3A_595 : i32 to vector<16xi32>
    %add3A_597 = arith.addi %broadcast_in_dim3A_591, %add3A_596 : vector<16xi32>
    %select_n3A_598 = arith.select %lt3A_594, %add3A_597, %broadcast_in_dim3A_591 : vector<16xi1>, vector<16xi32>
    %broadcast_in_dim3A_599 = vector.shape_cast %select_n3A_598 : vector<16xi32> to vector<16x1xi32>
    %gather3A_600 = vector.shape_cast %broadcast_in_dim3A_599 : vector<16x1xi32> to vector<16xi32>
    %gather3A_601 = tpu.dynamic_gather %get3A_159[%gather3A_600] in [0] : vector<16xf32>, vector<16xi32> -> vector<16xf32>
    %broadcast_in_dim3A_602 = arith.constant 12 : i32
    %broadcast_in_dim3A_603 = vector.broadcast %broadcast_in_dim3A_602 : i32 to vector<16xi32>
    %lt3A_604 = arith.constant 0 : i32
    %lt3A_605 = vector.broadcast %lt3A_604 : i32 to vector<16xi32>
    %lt3A_606 = arith.cmpi slt, %broadcast_in_dim3A_603, %lt3A_605 : vector<16xi32>
    %add3A_607 = arith.constant 16 : i32
    %add3A_608 = vector.broadcast %add3A_607 : i32 to vector<16xi32>
    %add3A_609 = arith.addi %broadcast_in_dim3A_603, %add3A_608 : vector<16xi32>
    %select_n3A_610 = arith.select %lt3A_606, %add3A_609, %broadcast_in_dim3A_603 : vector<16xi1>, vector<16xi32>
    %broadcast_in_dim3A_611 = vector.shape_cast %select_n3A_610 : vector<16xi32> to vector<16x1xi32>
    %gather3A_612 = vector.shape_cast %broadcast_in_dim3A_611 : vector<16x1xi32> to vector<16xi32>
    %gather3A_613 = tpu.dynamic_gather %get3A_159[%gather3A_612] in [0] : vector<16xf32>, vector<16xi32> -> vector<16xf32>
    %broadcast_in_dim3A_614 = arith.constant 13 : i32
    %broadcast_in_dim3A_615 = vector.broadcast %broadcast_in_dim3A_614 : i32 to vector<16xi32>
    %lt3A_616 = arith.constant 0 : i32
    %lt3A_617 = vector.broadcast %lt3A_616 : i32 to vector<16xi32>
    %lt3A_618 = arith.cmpi slt, %broadcast_in_dim3A_615, %lt3A_617 : vector<16xi32>
    %add3A_619 = arith.constant 16 : i32
    %add3A_620 = vector.broadcast %add3A_619 : i32 to vector<16xi32>
    %add3A_621 = arith.addi %broadcast_in_dim3A_615, %add3A_620 : vector<16xi32>
    %select_n3A_622 = arith.select %lt3A_618, %add3A_621, %broadcast_in_dim3A_615 : vector<16xi1>, vector<16xi32>
    %broadcast_in_dim3A_623 = vector.shape_cast %select_n3A_622 : vector<16xi32> to vector<16x1xi32>
    %gather3A_624 = vector.shape_cast %broadcast_in_dim3A_623 : vector<16x1xi32> to vector<16xi32>
    %gather3A_625 = tpu.dynamic_gather %get3A_159[%gather3A_624] in [0] : vector<16xf32>, vector<16xi32> -> vector<16xf32>
    %broadcast_in_dim3A_626 = arith.constant 14 : i32
    %broadcast_in_dim3A_627 = vector.broadcast %broadcast_in_dim3A_626 : i32 to vector<16xi32>
    %lt3A_628 = arith.constant 0 : i32
    %lt3A_629 = vector.broadcast %lt3A_628 : i32 to vector<16xi32>
    %lt3A_630 = arith.cmpi slt, %broadcast_in_dim3A_627, %lt3A_629 : vector<16xi32>
    %add3A_631 = arith.constant 16 : i32
    %add3A_632 = vector.broadcast %add3A_631 : i32 to vector<16xi32>
    %add3A_633 = arith.addi %broadcast_in_dim3A_627, %add3A_632 : vector<16xi32>
    %select_n3A_634 = arith.select %lt3A_630, %add3A_633, %broadcast_in_dim3A_627 : vector<16xi1>, vector<16xi32>
    %broadcast_in_dim3A_635 = vector.shape_cast %select_n3A_634 : vector<16xi32> to vector<16x1xi32>
    %gather3A_636 = vector.shape_cast %broadcast_in_dim3A_635 : vector<16x1xi32> to vector<16xi32>
    %gather3A_637 = tpu.dynamic_gather %get3A_159[%gather3A_636] in [0] : vector<16xf32>, vector<16xi32> -> vector<16xf32>
    %broadcast_in_dim3A_638 = arith.constant 15 : i32
    %broadcast_in_dim3A_639 = vector.broadcast %broadcast_in_dim3A_638 : i32 to vector<16xi32>
    %lt3A_640 = arith.constant 0 : i32
    %lt3A_641 = vector.broadcast %lt3A_640 : i32 to vector<16xi32>
    %lt3A_642 = arith.cmpi slt, %broadcast_in_dim3A_639, %lt3A_641 : vector<16xi32>
    %add3A_643 = arith.constant 16 : i32
    %add3A_644 = vector.broadcast %add3A_643 : i32 to vector<16xi32>
    %add3A_645 = arith.addi %broadcast_in_dim3A_639, %add3A_644 : vector<16xi32>
    %select_n3A_646 = arith.select %lt3A_642, %add3A_645, %broadcast_in_dim3A_639 : vector<16xi1>, vector<16xi32>
    %broadcast_in_dim3A_647 = vector.shape_cast %select_n3A_646 : vector<16xi32> to vector<16x1xi32>
    %gather3A_648 = vector.shape_cast %broadcast_in_dim3A_647 : vector<16x1xi32> to vector<16xi32>
    %gather3A_649 = tpu.dynamic_gather %get3A_159[%gather3A_648] in [0] : vector<16xf32>, vector<16xi32> -> vector<16xf32>
    %broadcast_in_dim3A_650 = arith.constant 0 : i32
    %broadcast_in_dim3A_651 = vector.broadcast %broadcast_in_dim3A_650 : i32 to vector<16xi32>
    %lt3A_652 = arith.constant 0 : i32
    %lt3A_653 = vector.broadcast %lt3A_652 : i32 to vector<16xi32>
    %lt3A_654 = arith.cmpi slt, %broadcast_in_dim3A_651, %lt3A_653 : vector<16xi32>
    %add3A_655 = arith.constant 16 : i32
    %add3A_656 = vector.broadcast %add3A_655 : i32 to vector<16xi32>
    %add3A_657 = arith.addi %broadcast_in_dim3A_651, %add3A_656 : vector<16xi32>
    %select_n3A_658 = arith.select %lt3A_654, %add3A_657, %broadcast_in_dim3A_651 : vector<16xi1>, vector<16xi32>
    %broadcast_in_dim3A_659 = vector.shape_cast %select_n3A_658 : vector<16xi32> to vector<16x1xi32>
    %gather3A_660 = vector.shape_cast %broadcast_in_dim3A_659 : vector<16x1xi32> to vector<16xi32>
    %gather3A_661 = tpu.dynamic_gather %get3A_161[%gather3A_660] in [0] : vector<16xf32>, vector<16xi32> -> vector<16xf32>
    %broadcast_in_dim3A_662 = arith.constant 1 : i32
    %broadcast_in_dim3A_663 = vector.broadcast %broadcast_in_dim3A_662 : i32 to vector<16xi32>
    %lt3A_664 = arith.constant 0 : i32
    %lt3A_665 = vector.broadcast %lt3A_664 : i32 to vector<16xi32>
    %lt3A_666 = arith.cmpi slt, %broadcast_in_dim3A_663, %lt3A_665 : vector<16xi32>
    %add3A_667 = arith.constant 16 : i32
    %add3A_668 = vector.broadcast %add3A_667 : i32 to vector<16xi32>
    %add3A_669 = arith.addi %broadcast_in_dim3A_663, %add3A_668 : vector<16xi32>
    %select_n3A_670 = arith.select %lt3A_666, %add3A_669, %broadcast_in_dim3A_663 : vector<16xi1>, vector<16xi32>
    %broadcast_in_dim3A_671 = vector.shape_cast %select_n3A_670 : vector<16xi32> to vector<16x1xi32>
    %gather3A_672 = vector.shape_cast %broadcast_in_dim3A_671 : vector<16x1xi32> to vector<16xi32>
    %gather3A_673 = tpu.dynamic_gather %get3A_161[%gather3A_672] in [0] : vector<16xf32>, vector<16xi32> -> vector<16xf32>
    %broadcast_in_dim3A_674 = arith.constant 5 : i32
    %broadcast_in_dim3A_675 = vector.broadcast %broadcast_in_dim3A_674 : i32 to vector<16xi32>
    %lt3A_676 = arith.constant 0 : i32
    %lt3A_677 = vector.broadcast %lt3A_676 : i32 to vector<16xi32>
    %lt3A_678 = arith.cmpi slt, %broadcast_in_dim3A_675, %lt3A_677 : vector<16xi32>
    %add3A_679 = arith.constant 16 : i32
    %add3A_680 = vector.broadcast %add3A_679 : i32 to vector<16xi32>
    %add3A_681 = arith.addi %broadcast_in_dim3A_675, %add3A_680 : vector<16xi32>
    %select_n3A_682 = arith.select %lt3A_678, %add3A_681, %broadcast_in_dim3A_675 : vector<16xi1>, vector<16xi32>
    %broadcast_in_dim3A_683 = vector.shape_cast %select_n3A_682 : vector<16xi32> to vector<16x1xi32>
    %gather3A_684 = vector.shape_cast %broadcast_in_dim3A_683 : vector<16x1xi32> to vector<16xi32>
    %gather3A_685 = tpu.dynamic_gather %get3A_157[%gather3A_684] in [0] : vector<16xf32>, vector<16xi32> -> vector<16xf32>
    %broadcast_in_dim3A_686 = arith.constant 3 : i32
    %broadcast_in_dim3A_687 = vector.broadcast %broadcast_in_dim3A_686 : i32 to vector<16xi32>
    %lt3A_688 = arith.constant 0 : i32
    %lt3A_689 = vector.broadcast %lt3A_688 : i32 to vector<16xi32>
    %lt3A_690 = arith.cmpi slt, %broadcast_in_dim3A_687, %lt3A_689 : vector<16xi32>
    %add3A_691 = arith.constant 16 : i32
    %add3A_692 = vector.broadcast %add3A_691 : i32 to vector<16xi32>
    %add3A_693 = arith.addi %broadcast_in_dim3A_687, %add3A_692 : vector<16xi32>
    %select_n3A_694 = arith.select %lt3A_690, %add3A_693, %broadcast_in_dim3A_687 : vector<16xi1>, vector<16xi32>
    %broadcast_in_dim3A_695 = vector.shape_cast %select_n3A_694 : vector<16xi32> to vector<16x1xi32>
    %gather3A_696 = vector.shape_cast %broadcast_in_dim3A_695 : vector<16x1xi32> to vector<16xi32>
    %gather3A_697 = tpu.dynamic_gather %get3A_171[%gather3A_696] in [0] : vector<16xf32>, vector<16xi32> -> vector<16xf32>
    %parallel_loop3A_698 = arith.constant 0 : i32
    %parallel_loop3A_699 = arith.constant 64 : i32
    %parallel_loop3A_700 = arith.constant 1 : i32
    scf.for %parallel_loop3A_2977 = %parallel_loop3A_698 to %parallel_loop3A_699 step %parallel_loop3A_700  : i32 {
      %parallel_loop3A_2978 = arith.constant 16 : i32
      %parallel_loop3A_2979 = arith.muli %parallel_loop3A_2977, %parallel_loop3A_2978 : i32
      %parallel_loop3A_2980 = arith.index_cast %parallel_loop3A_2979 : i32 to index
      %parallel_loop3A_2981 = tpu.vector_load %arg7[%parallel_loop3A_2980] {strides = array<i32>} : memref<1024xi32, #tpu.memory_space<vmem>>, vector<16xi32>,
      %parallel_loop3A_2982 = arith.constant 0 : i32
      %parallel_loop3A_2983 = arith.addi %parallel_loop3A_2982, %parallel_loop3A_2979 : i32
      %parallel_loop3A_2984 = arith.index_cast %parallel_loop3A_2983 : i32 to index
      %parallel_loop3A_2985 = tpu.vector_load %arg6[%parallel_loop3A_2984] {strides = array<i32>} : memref<10240xf32, #tpu.memory_space<vmem>>, vector<16xf32>,
      %parallel_loop3A_2986 = arith.constant 1024 : i32
      %parallel_loop3A_2987 = arith.addi %parallel_loop3A_2986, %parallel_loop3A_2979 : i32
      %parallel_loop3A_2988 = arith.index_cast %parallel_loop3A_2987 : i32 to index
      %parallel_loop3A_2989 = tpu.vector_load %arg6[%parallel_loop3A_2988] {strides = array<i32>} : memref<10240xf32, #tpu.memory_space<vmem>>, vector<16xf32>,
      %parallel_loop3A_2990 = arith.constant 2048 : i32
      %parallel_loop3A_2991 = arith.addi %parallel_loop3A_2990, %parallel_loop3A_2979 : i32
      %parallel_loop3A_2992 = arith.index_cast %parallel_loop3A_2991 : i32 to index
      %parallel_loop3A_2993 = tpu.vector_load %arg6[%parallel_loop3A_2992] {strides = array<i32>} : memref<10240xf32, #tpu.memory_space<vmem>>, vector<16xf32>,
      %parallel_loop3A_2994 = arith.constant 3072 : i32
      %parallel_loop3A_2995 = arith.addi %parallel_loop3A_2994, %parallel_loop3A_2979 : i32
      %parallel_loop3A_2996 = arith.index_cast %parallel_loop3A_2995 : i32 to index
      %parallel_loop3A_2997 = tpu.vector_load %arg6[%parallel_loop3A_2996] {strides = array<i32>} : memref<10240xf32, #tpu.memory_space<vmem>>, vector<16xf32>,
      %parallel_loop3A_2998 = arith.constant 4096 : i32
      %parallel_loop3A_2999 = arith.addi %parallel_loop3A_2998, %parallel_loop3A_2979 : i32
      %parallel_loop3A_3000 = arith.index_cast %parallel_loop3A_2999 : i32 to index
      %parallel_loop3A_3001 = tpu.vector_load %arg6[%parallel_loop3A_3000] {strides = array<i32>} : memref<10240xf32, #tpu.memory_space<vmem>>, vector<16xf32>,
      %parallel_loop3A_3002 = arith.constant 5120 : i32
      %parallel_loop3A_3003 = arith.addi %parallel_loop3A_3002, %parallel_loop3A_2979 : i32
      %parallel_loop3A_3004 = arith.index_cast %parallel_loop3A_3003 : i32 to index
      %parallel_loop3A_3005 = tpu.vector_load %arg6[%parallel_loop3A_3004] {strides = array<i32>} : memref<10240xf32, #tpu.memory_space<vmem>>, vector<16xf32>,
      %parallel_loop3A_3006 = arith.constant 6144 : i32
      %parallel_loop3A_3007 = arith.addi %parallel_loop3A_3006, %parallel_loop3A_2979 : i32
      %parallel_loop3A_3008 = arith.index_cast %parallel_loop3A_3007 : i32 to index
      %parallel_loop3A_3009 = tpu.vector_load %arg6[%parallel_loop3A_3008] {strides = array<i32>} : memref<10240xf32, #tpu.memory_space<vmem>>, vector<16xf32>,
      %parallel_loop3A_3010 = arith.constant 7168 : i32
      %parallel_loop3A_3011 = arith.addi %parallel_loop3A_3010, %parallel_loop3A_2979 : i32
      %parallel_loop3A_3012 = arith.index_cast %parallel_loop3A_3011 : i32 to index
      %parallel_loop3A_3013 = tpu.vector_load %arg6[%parallel_loop3A_3012] {strides = array<i32>} : memref<10240xf32, #tpu.memory_space<vmem>>, vector<16xf32>,
      %parallel_loop3A_3014 = arith.constant 8192 : i32
      %parallel_loop3A_3015 = arith.addi %parallel_loop3A_3014, %parallel_loop3A_2979 : i32
      %parallel_loop3A_3016 = arith.index_cast %parallel_loop3A_3015 : i32 to index
      %parallel_loop3A_3017 = tpu.vector_load %arg6[%parallel_loop3A_3016] {strides = array<i32>} : memref<10240xf32, #tpu.memory_space<vmem>>, vector<16xf32>,
      %parallel_loop3A_3018 = arith.constant 9216 : i32
      %parallel_loop3A_3019 = arith.addi %parallel_loop3A_3018, %parallel_loop3A_2979 : i32
      %parallel_loop3A_3020 = arith.index_cast %parallel_loop3A_3019 : i32 to index
      %parallel_loop3A_3021 = tpu.vector_load %arg6[%parallel_loop3A_3020] {strides = array<i32>} : memref<10240xf32, #tpu.memory_space<vmem>>, vector<16xf32>,
      %parallel_loop3A_3022 = arith.mulf %parallel_loop3A_2985, %gather3A_445 : vector<16xf32>
      %parallel_loop3A_3023 = arith.mulf %parallel_loop3A_2989, %gather3A_457 : vector<16xf32>
      %parallel_loop3A_3024 = arith.mulf %parallel_loop3A_2993, %gather3A_469 : vector<16xf32>
      %parallel_loop3A_3025 = arith.mulf %parallel_loop3A_2997, %gather3A_481 : vector<16xf32>
      %parallel_loop3A_3026 = arith.mulf %parallel_loop3A_3001, %gather3A_493 : vector<16xf32>
      %parallel_loop3A_3027 = arith.mulf %parallel_loop3A_3005, %gather3A_505 : vector<16xf32>
      %parallel_loop3A_3028 = arith.mulf %parallel_loop3A_3009, %gather3A_517 : vector<16xf32>
      %parallel_loop3A_3029 = arith.mulf %parallel_loop3A_3013, %gather3A_529 : vector<16xf32>
      %parallel_loop3A_3030 = arith.mulf %parallel_loop3A_3017, %gather3A_541 : vector<16xf32>
      %parallel_loop3A_3031 = arith.mulf %parallel_loop3A_3021, %gather3A_553 : vector<16xf32>
      %parallel_loop3A_3032 = arith.mulf %parallel_loop3A_2985, %gather3A_565 : vector<16xf32>
      %parallel_loop3A_3033 = arith.mulf %parallel_loop3A_2989, %gather3A_577 : vector<16xf32>
      %parallel_loop3A_3034 = arith.mulf %parallel_loop3A_2993, %gather3A_589 : vector<16xf32>
      %parallel_loop3A_3035 = arith.mulf %parallel_loop3A_2997, %gather3A_601 : vector<16xf32>
      %parallel_loop3A_3036 = arith.mulf %parallel_loop3A_3001, %gather3A_613 : vector<16xf32>
      %parallel_loop3A_3037 = arith.mulf %parallel_loop3A_3005, %gather3A_625 : vector<16xf32>
      %parallel_loop3A_3038 = arith.mulf %parallel_loop3A_3009, %gather3A_637 : vector<16xf32>
      %parallel_loop3A_3039 = arith.mulf %parallel_loop3A_3013, %gather3A_649 : vector<16xf32>
      %parallel_loop3A_3040 = arith.mulf %parallel_loop3A_3017, %gather3A_661 : vector<16xf32>
      %parallel_loop3A_3041 = arith.mulf %parallel_loop3A_3021, %gather3A_673 : vector<16xf32>
      %parallel_loop3A_3042 = arith.constant 0 : i32
      %parallel_loop3A_3043 = vector.broadcast %parallel_loop3A_3042 : i32 to vector<16xi32>
      %parallel_loop3A_3044 = arith.cmpi eq, %parallel_loop3A_2981, %parallel_loop3A_3043 : vector<16xi32>
      %parallel_loop3A_3045 = arith.addf %parallel_loop3A_3022, %parallel_loop3A_3023 : vector<16xf32>
      %parallel_loop3A_3046 = arith.addf %parallel_loop3A_3024, %parallel_loop3A_3025 : vector<16xf32>
      %parallel_loop3A_3047 = arith.addf %parallel_loop3A_3026, %parallel_loop3A_3027 : vector<16xf32>
      %parallel_loop3A_3048 = arith.addf %parallel_loop3A_3028, %parallel_loop3A_3029 : vector<16xf32>
      %parallel_loop3A_3049 = arith.addf %parallel_loop3A_3030, %parallel_loop3A_3031 : vector<16xf32>
      %parallel_loop3A_3050 = arith.addf %parallel_loop3A_3045, %parallel_loop3A_3046 : vector<16xf32>
      %parallel_loop3A_3051 = arith.addf %parallel_loop3A_3047, %parallel_loop3A_3048 : vector<16xf32>
      %parallel_loop3A_3052 = arith.addf %parallel_loop3A_3049, %gather3A_685 : vector<16xf32>
      %parallel_loop3A_3053 = arith.addf %parallel_loop3A_3050, %parallel_loop3A_3051 : vector<16xf32>
      %parallel_loop3A_3054 = arith.addf %parallel_loop3A_3053, %parallel_loop3A_3052 : vector<16xf32>
      %parallel_loop3A_3055 = arith.addf %parallel_loop3A_3032, %parallel_loop3A_3033 : vector<16xf32>
      %parallel_loop3A_3056 = arith.addf %parallel_loop3A_3034, %parallel_loop3A_3035 : vector<16xf32>
      %parallel_loop3A_3057 = arith.addf %parallel_loop3A_3036, %parallel_loop3A_3037 : vector<16xf32>
      %parallel_loop3A_3058 = arith.addf %parallel_loop3A_3038, %parallel_loop3A_3039 : vector<16xf32>
      %parallel_loop3A_3059 = arith.addf %parallel_loop3A_3040, %parallel_loop3A_3041 : vector<16xf32>
      %parallel_loop3A_3060 = arith.addf %parallel_loop3A_3055, %parallel_loop3A_3056 : vector<16xf32>
      %parallel_loop3A_3061 = arith.addf %parallel_loop3A_3057, %parallel_loop3A_3058 : vector<16xf32>
      %parallel_loop3A_3062 = arith.addf %parallel_loop3A_3059, %gather3A_697 : vector<16xf32>
      %parallel_loop3A_3063 = arith.addf %parallel_loop3A_3060, %parallel_loop3A_3061 : vector<16xf32>
      %parallel_loop3A_3064 = arith.addf %parallel_loop3A_3063, %parallel_loop3A_3062 : vector<16xf32>
      %parallel_loop3A_3065 = arith.select %parallel_loop3A_3044, %parallel_loop3A_3054, %parallel_loop3A_3064 : vector<16xi1>, vector<16xf32>
      %parallel_loop3A_3066 = arith.constant 1024 : i32
      %parallel_loop3A_3067 = arith.addi %parallel_loop3A_3066, %parallel_loop3A_2979 : i32
      %parallel_loop3A_3068 = arith.index_cast %parallel_loop3A_3067 : i32 to index
      %parallel_loop3A_3069 = tpu.vector_load %arg8[%parallel_loop3A_3068] {strides = array<i32>} : memref<10240xf32, #tpu.memory_space<vmem>>, vector<16xf32>,
      tpu.vector_store %arg8[%parallel_loop3A_3068], %parallel_loop3A_3065 {strides = array<i32>} : memref<10240xf32, #tpu.memory_space<vmem>>, vector<16xf32>,
    } {sc.loop_unroll_factor = 1 : i64, sc.parallel_access}
    %broadcast_in_dim3A_701 = arith.constant 4 : i32
    %broadcast_in_dim3A_702 = vector.broadcast %broadcast_in_dim3A_701 : i32 to vector<16xi32>
    %lt3A_703 = arith.constant 0 : i32
    %lt3A_704 = vector.broadcast %lt3A_703 : i32 to vector<16xi32>
    %lt3A_705 = arith.cmpi slt, %broadcast_in_dim3A_702, %lt3A_704 : vector<16xi32>
    %add3A_706 = arith.constant 16 : i32
    %add3A_707 = vector.broadcast %add3A_706 : i32 to vector<16xi32>
    %add3A_708 = arith.addi %broadcast_in_dim3A_702, %add3A_707 : vector<16xi32>
    %select_n3A_709 = arith.select %lt3A_705, %add3A_708, %broadcast_in_dim3A_702 : vector<16xi1>, vector<16xi32>
    %broadcast_in_dim3A_710 = vector.shape_cast %select_n3A_709 : vector<16xi32> to vector<16x1xi32>
    %gather3A_711 = vector.shape_cast %broadcast_in_dim3A_710 : vector<16x1xi32> to vector<16xi32>
    %gather3A_712 = tpu.dynamic_gather %get3A_147[%gather3A_711] in [0] : vector<16xf32>, vector<16xi32> -> vector<16xf32>
    %broadcast_in_dim3A_713 = arith.constant 5 : i32
    %broadcast_in_dim3A_714 = vector.broadcast %broadcast_in_dim3A_713 : i32 to vector<16xi32>
    %lt3A_715 = arith.constant 0 : i32
    %lt3A_716 = vector.broadcast %lt3A_715 : i32 to vector<16xi32>
    %lt3A_717 = arith.cmpi slt, %broadcast_in_dim3A_714, %lt3A_716 : vector<16xi32>
    %add3A_718 = arith.constant 16 : i32
    %add3A_719 = vector.broadcast %add3A_718 : i32 to vector<16xi32>
    %add3A_720 = arith.addi %broadcast_in_dim3A_714, %add3A_719 : vector<16xi32>
    %select_n3A_721 = arith.select %lt3A_717, %add3A_720, %broadcast_in_dim3A_714 : vector<16xi1>, vector<16xi32>
    %broadcast_in_dim3A_722 = vector.shape_cast %select_n3A_721 : vector<16xi32> to vector<16x1xi32>
    %gather3A_723 = vector.shape_cast %broadcast_in_dim3A_722 : vector<16x1xi32> to vector<16xi32>
    %gather3A_724 = tpu.dynamic_gather %get3A_147[%gather3A_723] in [0] : vector<16xf32>, vector<16xi32> -> vector<16xf32>
    %broadcast_in_dim3A_725 = arith.constant 6 : i32
    %broadcast_in_dim3A_726 = vector.broadcast %broadcast_in_dim3A_725 : i32 to vector<16xi32>
    %lt3A_727 = arith.constant 0 : i32
    %lt3A_728 = vector.broadcast %lt3A_727 : i32 to vector<16xi32>
    %lt3A_729 = arith.cmpi slt, %broadcast_in_dim3A_726, %lt3A_728 : vector<16xi32>
    %add3A_730 = arith.constant 16 : i32
    %add3A_731 = vector.broadcast %add3A_730 : i32 to vector<16xi32>
    %add3A_732 = arith.addi %broadcast_in_dim3A_726, %add3A_731 : vector<16xi32>
    %select_n3A_733 = arith.select %lt3A_729, %add3A_732, %broadcast_in_dim3A_726 : vector<16xi1>, vector<16xi32>
    %broadcast_in_dim3A_734 = vector.shape_cast %select_n3A_733 : vector<16xi32> to vector<16x1xi32>
    %gather3A_735 = vector.shape_cast %broadcast_in_dim3A_734 : vector<16x1xi32> to vector<16xi32>
    %gather3A_736 = tpu.dynamic_gather %get3A_147[%gather3A_735] in [0] : vector<16xf32>, vector<16xi32> -> vector<16xf32>
    %broadcast_in_dim3A_737 = arith.constant 7 : i32
    %broadcast_in_dim3A_738 = vector.broadcast %broadcast_in_dim3A_737 : i32 to vector<16xi32>
    %lt3A_739 = arith.constant 0 : i32
    %lt3A_740 = vector.broadcast %lt3A_739 : i32 to vector<16xi32>
    %lt3A_741 = arith.cmpi slt, %broadcast_in_dim3A_738, %lt3A_740 : vector<16xi32>
    %add3A_742 = arith.constant 16 : i32
    %add3A_743 = vector.broadcast %add3A_742 : i32 to vector<16xi32>
    %add3A_744 = arith.addi %broadcast_in_dim3A_738, %add3A_743 : vector<16xi32>
    %select_n3A_745 = arith.select %lt3A_741, %add3A_744, %broadcast_in_dim3A_738 : vector<16xi1>, vector<16xi32>
    %broadcast_in_dim3A_746 = vector.shape_cast %select_n3A_745 : vector<16xi32> to vector<16x1xi32>
    %gather3A_747 = vector.shape_cast %broadcast_in_dim3A_746 : vector<16x1xi32> to vector<16xi32>
    %gather3A_748 = tpu.dynamic_gather %get3A_147[%gather3A_747] in [0] : vector<16xf32>, vector<16xi32> -> vector<16xf32>
    %broadcast_in_dim3A_749 = arith.constant 8 : i32
    %broadcast_in_dim3A_750 = vector.broadcast %broadcast_in_dim3A_749 : i32 to vector<16xi32>
    %lt3A_751 = arith.constant 0 : i32
    %lt3A_752 = vector.broadcast %lt3A_751 : i32 to vector<16xi32>
    %lt3A_753 = arith.cmpi slt, %broadcast_in_dim3A_750, %lt3A_752 : vector<16xi32>
    %add3A_754 = arith.constant 16 : i32
    %add3A_755 = vector.broadcast %add3A_754 : i32 to vector<16xi32>
    %add3A_756 = arith.addi %broadcast_in_dim3A_750, %add3A_755 : vector<16xi32>
    %select_n3A_757 = arith.select %lt3A_753, %add3A_756, %broadcast_in_dim3A_750 : vector<16xi1>, vector<16xi32>
    %broadcast_in_dim3A_758 = vector.shape_cast %select_n3A_757 : vector<16xi32> to vector<16x1xi32>
    %gather3A_759 = vector.shape_cast %broadcast_in_dim3A_758 : vector<16x1xi32> to vector<16xi32>
    %gather3A_760 = tpu.dynamic_gather %get3A_147[%gather3A_759] in [0] : vector<16xf32>, vector<16xi32> -> vector<16xf32>
    %broadcast_in_dim3A_761 = arith.constant 9 : i32
    %broadcast_in_dim3A_762 = vector.broadcast %broadcast_in_dim3A_761 : i32 to vector<16xi32>
    %lt3A_763 = arith.constant 0 : i32
    %lt3A_764 = vector.broadcast %lt3A_763 : i32 to vector<16xi32>
    %lt3A_765 = arith.cmpi slt, %broadcast_in_dim3A_762, %lt3A_764 : vector<16xi32>
    %add3A_766 = arith.constant 16 : i32
    %add3A_767 = vector.broadcast %add3A_766 : i32 to vector<16xi32>
    %add3A_768 = arith.addi %broadcast_in_dim3A_762, %add3A_767 : vector<16xi32>
    %select_n3A_769 = arith.select %lt3A_765, %add3A_768, %broadcast_in_dim3A_762 : vector<16xi1>, vector<16xi32>
    %broadcast_in_dim3A_770 = vector.shape_cast %select_n3A_769 : vector<16xi32> to vector<16x1xi32>
    %gather3A_771 = vector.shape_cast %broadcast_in_dim3A_770 : vector<16x1xi32> to vector<16xi32>
    %gather3A_772 = tpu.dynamic_gather %get3A_147[%gather3A_771] in [0] : vector<16xf32>, vector<16xi32> -> vector<16xf32>
    %broadcast_in_dim3A_773 = arith.constant 10 : i32
    %broadcast_in_dim3A_774 = vector.broadcast %broadcast_in_dim3A_773 : i32 to vector<16xi32>
    %lt3A_775 = arith.constant 0 : i32
    %lt3A_776 = vector.broadcast %lt3A_775 : i32 to vector<16xi32>
    %lt3A_777 = arith.cmpi slt, %broadcast_in_dim3A_774, %lt3A_776 : vector<16xi32>
    %add3A_778 = arith.constant 16 : i32
    %add3A_779 = vector.broadcast %add3A_778 : i32 to vector<16xi32>
    %add3A_780 = arith.addi %broadcast_in_dim3A_774, %add3A_779 : vector<16xi32>
    %select_n3A_781 = arith.select %lt3A_777, %add3A_780, %broadcast_in_dim3A_774 : vector<16xi1>, vector<16xi32>
    %broadcast_in_dim3A_782 = vector.shape_cast %select_n3A_781 : vector<16xi32> to vector<16x1xi32>
    %gather3A_783 = vector.shape_cast %broadcast_in_dim3A_782 : vector<16x1xi32> to vector<16xi32>
    %gather3A_784 = tpu.dynamic_gather %get3A_147[%gather3A_783] in [0] : vector<16xf32>, vector<16xi32> -> vector<16xf32>
    %broadcast_in_dim3A_785 = arith.constant 11 : i32
    %broadcast_in_dim3A_786 = vector.broadcast %broadcast_in_dim3A_785 : i32 to vector<16xi32>
    %lt3A_787 = arith.constant 0 : i32
    %lt3A_788 = vector.broadcast %lt3A_787 : i32 to vector<16xi32>
    %lt3A_789 = arith.cmpi slt, %broadcast_in_dim3A_786, %lt3A_788 : vector<16xi32>
    %add3A_790 = arith.constant 16 : i32
    %add3A_791 = vector.broadcast %add3A_790 : i32 to vector<16xi32>
    %add3A_792 = arith.addi %broadcast_in_dim3A_786, %add3A_791 : vector<16xi32>
    %select_n3A_793 = arith.select %lt3A_789, %add3A_792, %broadcast_in_dim3A_786 : vector<16xi1>, vector<16xi32>
    %broadcast_in_dim3A_794 = vector.shape_cast %select_n3A_793 : vector<16xi32> to vector<16x1xi32>
    %gather3A_795 = vector.shape_cast %broadcast_in_dim3A_794 : vector<16x1xi32> to vector<16xi32>
    %gather3A_796 = tpu.dynamic_gather %get3A_147[%gather3A_795] in [0] : vector<16xf32>, vector<16xi32> -> vector<16xf32>
    %broadcast_in_dim3A_797 = arith.constant 12 : i32
    %broadcast_in_dim3A_798 = vector.broadcast %broadcast_in_dim3A_797 : i32 to vector<16xi32>
    %lt3A_799 = arith.constant 0 : i32
    %lt3A_800 = vector.broadcast %lt3A_799 : i32 to vector<16xi32>
    %lt3A_801 = arith.cmpi slt, %broadcast_in_dim3A_798, %lt3A_800 : vector<16xi32>
    %add3A_802 = arith.constant 16 : i32
    %add3A_803 = vector.broadcast %add3A_802 : i32 to vector<16xi32>
    %add3A_804 = arith.addi %broadcast_in_dim3A_798, %add3A_803 : vector<16xi32>
    %select_n3A_805 = arith.select %lt3A_801, %add3A_804, %broadcast_in_dim3A_798 : vector<16xi1>, vector<16xi32>
    %broadcast_in_dim3A_806 = vector.shape_cast %select_n3A_805 : vector<16xi32> to vector<16x1xi32>
    %gather3A_807 = vector.shape_cast %broadcast_in_dim3A_806 : vector<16x1xi32> to vector<16xi32>
    %gather3A_808 = tpu.dynamic_gather %get3A_147[%gather3A_807] in [0] : vector<16xf32>, vector<16xi32> -> vector<16xf32>
    %broadcast_in_dim3A_809 = arith.constant 13 : i32
    %broadcast_in_dim3A_810 = vector.broadcast %broadcast_in_dim3A_809 : i32 to vector<16xi32>
    %lt3A_811 = arith.constant 0 : i32
    %lt3A_812 = vector.broadcast %lt3A_811 : i32 to vector<16xi32>
    %lt3A_813 = arith.cmpi slt, %broadcast_in_dim3A_810, %lt3A_812 : vector<16xi32>
    %add3A_814 = arith.constant 16 : i32
    %add3A_815 = vector.broadcast %add3A_814 : i32 to vector<16xi32>
    %add3A_816 = arith.addi %broadcast_in_dim3A_810, %add3A_815 : vector<16xi32>
    %select_n3A_817 = arith.select %lt3A_813, %add3A_816, %broadcast_in_dim3A_810 : vector<16xi1>, vector<16xi32>
    %broadcast_in_dim3A_818 = vector.shape_cast %select_n3A_817 : vector<16xi32> to vector<16x1xi32>
    %gather3A_819 = vector.shape_cast %broadcast_in_dim3A_818 : vector<16x1xi32> to vector<16xi32>
    %gather3A_820 = tpu.dynamic_gather %get3A_147[%gather3A_819] in [0] : vector<16xf32>, vector<16xi32> -> vector<16xf32>
    %broadcast_in_dim3A_821 = arith.constant 2 : i32
    %broadcast_in_dim3A_822 = vector.broadcast %broadcast_in_dim3A_821 : i32 to vector<16xi32>
    %lt3A_823 = arith.constant 0 : i32
    %lt3A_824 = vector.broadcast %lt3A_823 : i32 to vector<16xi32>
    %lt3A_825 = arith.cmpi slt, %broadcast_in_dim3A_822, %lt3A_824 : vector<16xi32>
    %add3A_826 = arith.constant 16 : i32
    %add3A_827 = vector.broadcast %add3A_826 : i32 to vector<16xi32>
    %add3A_828 = arith.addi %broadcast_in_dim3A_822, %add3A_827 : vector<16xi32>
    %select_n3A_829 = arith.select %lt3A_825, %add3A_828, %broadcast_in_dim3A_822 : vector<16xi1>, vector<16xi32>
    %broadcast_in_dim3A_830 = vector.shape_cast %select_n3A_829 : vector<16xi32> to vector<16x1xi32>
    %gather3A_831 = vector.shape_cast %broadcast_in_dim3A_830 : vector<16x1xi32> to vector<16xi32>
    %gather3A_832 = tpu.dynamic_gather %get3A_161[%gather3A_831] in [0] : vector<16xf32>, vector<16xi32> -> vector<16xf32>
    %broadcast_in_dim3A_833 = arith.constant 3 : i32
    %broadcast_in_dim3A_834 = vector.broadcast %broadcast_in_dim3A_833 : i32 to vector<16xi32>
    %lt3A_835 = arith.constant 0 : i32
    %lt3A_836 = vector.broadcast %lt3A_835 : i32 to vector<16xi32>
    %lt3A_837 = arith.cmpi slt, %broadcast_in_dim3A_834, %lt3A_836 : vector<16xi32>
    %add3A_838 = arith.constant 16 : i32
    %add3A_839 = vector.broadcast %add3A_838 : i32 to vector<16xi32>
    %add3A_840 = arith.addi %broadcast_in_dim3A_834, %add3A_839 : vector<16xi32>
    %select_n3A_841 = arith.select %lt3A_837, %add3A_840, %broadcast_in_dim3A_834 : vector<16xi1>, vector<16xi32>
    %broadcast_in_dim3A_842 = vector.shape_cast %select_n3A_841 : vector<16xi32> to vector<16x1xi32>
    %gather3A_843 = vector.shape_cast %broadcast_in_dim3A_842 : vector<16x1xi32> to vector<16xi32>
    %gather3A_844 = tpu.dynamic_gather %get3A_161[%gather3A_843] in [0] : vector<16xf32>, vector<16xi32> -> vector<16xf32>
    %broadcast_in_dim3A_845 = arith.constant 4 : i32
    %broadcast_in_dim3A_846 = vector.broadcast %broadcast_in_dim3A_845 : i32 to vector<16xi32>
    %lt3A_847 = arith.constant 0 : i32
    %lt3A_848 = vector.broadcast %lt3A_847 : i32 to vector<16xi32>
    %lt3A_849 = arith.cmpi slt, %broadcast_in_dim3A_846, %lt3A_848 : vector<16xi32>
    %add3A_850 = arith.constant 16 : i32
    %add3A_851 = vector.broadcast %add3A_850 : i32 to vector<16xi32>
    %add3A_852 = arith.addi %broadcast_in_dim3A_846, %add3A_851 : vector<16xi32>
    %select_n3A_853 = arith.select %lt3A_849, %add3A_852, %broadcast_in_dim3A_846 : vector<16xi1>, vector<16xi32>
    %broadcast_in_dim3A_854 = vector.shape_cast %select_n3A_853 : vector<16xi32> to vector<16x1xi32>
    %gather3A_855 = vector.shape_cast %broadcast_in_dim3A_854 : vector<16x1xi32> to vector<16xi32>
    %gather3A_856 = tpu.dynamic_gather %get3A_161[%gather3A_855] in [0] : vector<16xf32>, vector<16xi32> -> vector<16xf32>
    %broadcast_in_dim3A_857 = arith.constant 5 : i32
    %broadcast_in_dim3A_858 = vector.broadcast %broadcast_in_dim3A_857 : i32 to vector<16xi32>
    %lt3A_859 = arith.constant 0 : i32
    %lt3A_860 = vector.broadcast %lt3A_859 : i32 to vector<16xi32>
    %lt3A_861 = arith.cmpi slt, %broadcast_in_dim3A_858, %lt3A_860 : vector<16xi32>
    %add3A_862 = arith.constant 16 : i32
    %add3A_863 = vector.broadcast %add3A_862 : i32 to vector<16xi32>
    %add3A_864 = arith.addi %broadcast_in_dim3A_858, %add3A_863 : vector<16xi32>
    %select_n3A_865 = arith.select %lt3A_861, %add3A_864, %broadcast_in_dim3A_858 : vector<16xi1>, vector<16xi32>
    %broadcast_in_dim3A_866 = vector.shape_cast %select_n3A_865 : vector<16xi32> to vector<16x1xi32>
    %gather3A_867 = vector.shape_cast %broadcast_in_dim3A_866 : vector<16x1xi32> to vector<16xi32>
    %gather3A_868 = tpu.dynamic_gather %get3A_161[%gather3A_867] in [0] : vector<16xf32>, vector<16xi32> -> vector<16xf32>
    %broadcast_in_dim3A_869 = arith.constant 6 : i32
    %broadcast_in_dim3A_870 = vector.broadcast %broadcast_in_dim3A_869 : i32 to vector<16xi32>
    %lt3A_871 = arith.constant 0 : i32
    %lt3A_872 = vector.broadcast %lt3A_871 : i32 to vector<16xi32>
    %lt3A_873 = arith.cmpi slt, %broadcast_in_dim3A_870, %lt3A_872 : vector<16xi32>
    %add3A_874 = arith.constant 16 : i32
    %add3A_875 = vector.broadcast %add3A_874 : i32 to vector<16xi32>
    %add3A_876 = arith.addi %broadcast_in_dim3A_870, %add3A_875 : vector<16xi32>
    %select_n3A_877 = arith.select %lt3A_873, %add3A_876, %broadcast_in_dim3A_870 : vector<16xi1>, vector<16xi32>
    %broadcast_in_dim3A_878 = vector.shape_cast %select_n3A_877 : vector<16xi32> to vector<16x1xi32>
    %gather3A_879 = vector.shape_cast %broadcast_in_dim3A_878 : vector<16x1xi32> to vector<16xi32>
    %gather3A_880 = tpu.dynamic_gather %get3A_161[%gather3A_879] in [0] : vector<16xf32>, vector<16xi32> -> vector<16xf32>
    %broadcast_in_dim3A_881 = arith.constant 7 : i32
    %broadcast_in_dim3A_882 = vector.broadcast %broadcast_in_dim3A_881 : i32 to vector<16xi32>
    %lt3A_883 = arith.constant 0 : i32
    %lt3A_884 = vector.broadcast %lt3A_883 : i32 to vector<16xi32>
    %lt3A_885 = arith.cmpi slt, %broadcast_in_dim3A_882, %lt3A_884 : vector<16xi32>
    %add3A_886 = arith.constant 16 : i32
    %add3A_887 = vector.broadcast %add3A_886 : i32 to vector<16xi32>
    %add3A_888 = arith.addi %broadcast_in_dim3A_882, %add3A_887 : vector<16xi32>
    %select_n3A_889 = arith.select %lt3A_885, %add3A_888, %broadcast_in_dim3A_882 : vector<16xi1>, vector<16xi32>
    %broadcast_in_dim3A_890 = vector.shape_cast %select_n3A_889 : vector<16xi32> to vector<16x1xi32>
    %gather3A_891 = vector.shape_cast %broadcast_in_dim3A_890 : vector<16x1xi32> to vector<16xi32>
    %gather3A_892 = tpu.dynamic_gather %get3A_161[%gather3A_891] in [0] : vector<16xf32>, vector<16xi32> -> vector<16xf32>
    %broadcast_in_dim3A_893 = arith.constant 8 : i32
    %broadcast_in_dim3A_894 = vector.broadcast %broadcast_in_dim3A_893 : i32 to vector<16xi32>
    %lt3A_895 = arith.constant 0 : i32
    %lt3A_896 = vector.broadcast %lt3A_895 : i32 to vector<16xi32>
    %lt3A_897 = arith.cmpi slt, %broadcast_in_dim3A_894, %lt3A_896 : vector<16xi32>
    %add3A_898 = arith.constant 16 : i32
    %add3A_899 = vector.broadcast %add3A_898 : i32 to vector<16xi32>
    %add3A_900 = arith.addi %broadcast_in_dim3A_894, %add3A_899 : vector<16xi32>
    %select_n3A_901 = arith.select %lt3A_897, %add3A_900, %broadcast_in_dim3A_894 : vector<16xi1>, vector<16xi32>
    %broadcast_in_dim3A_902 = vector.shape_cast %select_n3A_901 : vector<16xi32> to vector<16x1xi32>
    %gather3A_903 = vector.shape_cast %broadcast_in_dim3A_902 : vector<16x1xi32> to vector<16xi32>
    %gather3A_904 = tpu.dynamic_gather %get3A_161[%gather3A_903] in [0] : vector<16xf32>, vector<16xi32> -> vector<16xf32>
    %broadcast_in_dim3A_905 = arith.constant 9 : i32
    %broadcast_in_dim3A_906 = vector.broadcast %broadcast_in_dim3A_905 : i32 to vector<16xi32>
    %lt3A_907 = arith.constant 0 : i32
    %lt3A_908 = vector.broadcast %lt3A_907 : i32 to vector<16xi32>
    %lt3A_909 = arith.cmpi slt, %broadcast_in_dim3A_906, %lt3A_908 : vector<16xi32>
    %add3A_910 = arith.constant 16 : i32
    %add3A_911 = vector.broadcast %add3A_910 : i32 to vector<16xi32>
    %add3A_912 = arith.addi %broadcast_in_dim3A_906, %add3A_911 : vector<16xi32>
    %select_n3A_913 = arith.select %lt3A_909, %add3A_912, %broadcast_in_dim3A_906 : vector<16xi1>, vector<16xi32>
    %broadcast_in_dim3A_914 = vector.shape_cast %select_n3A_913 : vector<16xi32> to vector<16x1xi32>
    %gather3A_915 = vector.shape_cast %broadcast_in_dim3A_914 : vector<16x1xi32> to vector<16xi32>
    %gather3A_916 = tpu.dynamic_gather %get3A_161[%gather3A_915] in [0] : vector<16xf32>, vector<16xi32> -> vector<16xf32>
    %broadcast_in_dim3A_917 = arith.constant 10 : i32
    %broadcast_in_dim3A_918 = vector.broadcast %broadcast_in_dim3A_917 : i32 to vector<16xi32>
    %lt3A_919 = arith.constant 0 : i32
    %lt3A_920 = vector.broadcast %lt3A_919 : i32 to vector<16xi32>
    %lt3A_921 = arith.cmpi slt, %broadcast_in_dim3A_918, %lt3A_920 : vector<16xi32>
    %add3A_922 = arith.constant 16 : i32
    %add3A_923 = vector.broadcast %add3A_922 : i32 to vector<16xi32>
    %add3A_924 = arith.addi %broadcast_in_dim3A_918, %add3A_923 : vector<16xi32>
    %select_n3A_925 = arith.select %lt3A_921, %add3A_924, %broadcast_in_dim3A_918 : vector<16xi1>, vector<16xi32>
    %broadcast_in_dim3A_926 = vector.shape_cast %select_n3A_925 : vector<16xi32> to vector<16x1xi32>
    %gather3A_927 = vector.shape_cast %broadcast_in_dim3A_926 : vector<16x1xi32> to vector<16xi32>
    %gather3A_928 = tpu.dynamic_gather %get3A_161[%gather3A_927] in [0] : vector<16xf32>, vector<16xi32> -> vector<16xf32>
    %broadcast_in_dim3A_929 = arith.constant 11 : i32
    %broadcast_in_dim3A_930 = vector.broadcast %broadcast_in_dim3A_929 : i32 to vector<16xi32>
    %lt3A_931 = arith.constant 0 : i32
    %lt3A_932 = vector.broadcast %lt3A_931 : i32 to vector<16xi32>
    %lt3A_933 = arith.cmpi slt, %broadcast_in_dim3A_930, %lt3A_932 : vector<16xi32>
    %add3A_934 = arith.constant 16 : i32
    %add3A_935 = vector.broadcast %add3A_934 : i32 to vector<16xi32>
    %add3A_936 = arith.addi %broadcast_in_dim3A_930, %add3A_935 : vector<16xi32>
    %select_n3A_937 = arith.select %lt3A_933, %add3A_936, %broadcast_in_dim3A_930 : vector<16xi1>, vector<16xi32>
    %broadcast_in_dim3A_938 = vector.shape_cast %select_n3A_937 : vector<16xi32> to vector<16x1xi32>
    %gather3A_939 = vector.shape_cast %broadcast_in_dim3A_938 : vector<16x1xi32> to vector<16xi32>
    %gather3A_940 = tpu.dynamic_gather %get3A_161[%gather3A_939] in [0] : vector<16xf32>, vector<16xi32> -> vector<16xf32>
    %broadcast_in_dim3A_941 = arith.constant 6 : i32
    %broadcast_in_dim3A_942 = vector.broadcast %broadcast_in_dim3A_941 : i32 to vector<16xi32>
    %lt3A_943 = arith.constant 0 : i32
    %lt3A_944 = vector.broadcast %lt3A_943 : i32 to vector<16xi32>
    %lt3A_945 = arith.cmpi slt, %broadcast_in_dim3A_942, %lt3A_944 : vector<16xi32>
    %add3A_946 = arith.constant 16 : i32
    %add3A_947 = vector.broadcast %add3A_946 : i32 to vector<16xi32>
    %add3A_948 = arith.addi %broadcast_in_dim3A_942, %add3A_947 : vector<16xi32>
    %select_n3A_949 = arith.select %lt3A_945, %add3A_948, %broadcast_in_dim3A_942 : vector<16xi1>, vector<16xi32>
    %broadcast_in_dim3A_950 = vector.shape_cast %select_n3A_949 : vector<16xi32> to vector<16x1xi32>
    %gather3A_951 = vector.shape_cast %broadcast_in_dim3A_950 : vector<16x1xi32> to vector<16xi32>
    %gather3A_952 = tpu.dynamic_gather %get3A_157[%gather3A_951] in [0] : vector<16xf32>, vector<16xi32> -> vector<16xf32>
    %broadcast_in_dim3A_953 = arith.constant 4 : i32
    %broadcast_in_dim3A_954 = vector.broadcast %broadcast_in_dim3A_953 : i32 to vector<16xi32>
    %lt3A_955 = arith.constant 0 : i32
    %lt3A_956 = vector.broadcast %lt3A_955 : i32 to vector<16xi32>
    %lt3A_957 = arith.cmpi slt, %broadcast_in_dim3A_954, %lt3A_956 : vector<16xi32>
    %add3A_958 = arith.constant 16 : i32
    %add3A_959 = vector.broadcast %add3A_958 : i32 to vector<16xi32>
    %add3A_960 = arith.addi %broadcast_in_dim3A_954, %add3A_959 : vector<16xi32>
    %select_n3A_961 = arith.select %lt3A_957, %add3A_960, %broadcast_in_dim3A_954 : vector<16xi1>, vector<16xi32>
    %broadcast_in_dim3A_962 = vector.shape_cast %select_n3A_961 : vector<16xi32> to vector<16x1xi32>
    %gather3A_963 = vector.shape_cast %broadcast_in_dim3A_962 : vector<16x1xi32> to vector<16xi32>
    %gather3A_964 = tpu.dynamic_gather %get3A_171[%gather3A_963] in [0] : vector<16xf32>, vector<16xi32> -> vector<16xf32>
    %parallel_loop3A_965 = arith.constant 0 : i32
    %parallel_loop3A_966 = arith.constant 64 : i32
    %parallel_loop3A_967 = arith.constant 1 : i32
    scf.for %parallel_loop3A_2977 = %parallel_loop3A_965 to %parallel_loop3A_966 step %parallel_loop3A_967  : i32 {
      %parallel_loop3A_2978 = arith.constant 16 : i32
      %parallel_loop3A_2979 = arith.muli %parallel_loop3A_2977, %parallel_loop3A_2978 : i32
      %parallel_loop3A_2980 = arith.index_cast %parallel_loop3A_2979 : i32 to index
      %parallel_loop3A_2981 = tpu.vector_load %arg7[%parallel_loop3A_2980] {strides = array<i32>} : memref<1024xi32, #tpu.memory_space<vmem>>, vector<16xi32>,
      %parallel_loop3A_2982 = arith.constant 0 : i32
      %parallel_loop3A_2983 = arith.addi %parallel_loop3A_2982, %parallel_loop3A_2979 : i32
      %parallel_loop3A_2984 = arith.index_cast %parallel_loop3A_2983 : i32 to index
      %parallel_loop3A_2985 = tpu.vector_load %arg6[%parallel_loop3A_2984] {strides = array<i32>} : memref<10240xf32, #tpu.memory_space<vmem>>, vector<16xf32>,
      %parallel_loop3A_2986 = arith.constant 1024 : i32
      %parallel_loop3A_2987 = arith.addi %parallel_loop3A_2986, %parallel_loop3A_2979 : i32
      %parallel_loop3A_2988 = arith.index_cast %parallel_loop3A_2987 : i32 to index
      %parallel_loop3A_2989 = tpu.vector_load %arg6[%parallel_loop3A_2988] {strides = array<i32>} : memref<10240xf32, #tpu.memory_space<vmem>>, vector<16xf32>,
      %parallel_loop3A_2990 = arith.constant 2048 : i32
      %parallel_loop3A_2991 = arith.addi %parallel_loop3A_2990, %parallel_loop3A_2979 : i32
      %parallel_loop3A_2992 = arith.index_cast %parallel_loop3A_2991 : i32 to index
      %parallel_loop3A_2993 = tpu.vector_load %arg6[%parallel_loop3A_2992] {strides = array<i32>} : memref<10240xf32, #tpu.memory_space<vmem>>, vector<16xf32>,
      %parallel_loop3A_2994 = arith.constant 3072 : i32
      %parallel_loop3A_2995 = arith.addi %parallel_loop3A_2994, %parallel_loop3A_2979 : i32
      %parallel_loop3A_2996 = arith.index_cast %parallel_loop3A_2995 : i32 to index
      %parallel_loop3A_2997 = tpu.vector_load %arg6[%parallel_loop3A_2996] {strides = array<i32>} : memref<10240xf32, #tpu.memory_space<vmem>>, vector<16xf32>,
      %parallel_loop3A_2998 = arith.constant 4096 : i32
      %parallel_loop3A_2999 = arith.addi %parallel_loop3A_2998, %parallel_loop3A_2979 : i32
      %parallel_loop3A_3000 = arith.index_cast %parallel_loop3A_2999 : i32 to index
      %parallel_loop3A_3001 = tpu.vector_load %arg6[%parallel_loop3A_3000] {strides = array<i32>} : memref<10240xf32, #tpu.memory_space<vmem>>, vector<16xf32>,
      %parallel_loop3A_3002 = arith.constant 5120 : i32
      %parallel_loop3A_3003 = arith.addi %parallel_loop3A_3002, %parallel_loop3A_2979 : i32
      %parallel_loop3A_3004 = arith.index_cast %parallel_loop3A_3003 : i32 to index
      %parallel_loop3A_3005 = tpu.vector_load %arg6[%parallel_loop3A_3004] {strides = array<i32>} : memref<10240xf32, #tpu.memory_space<vmem>>, vector<16xf32>,
      %parallel_loop3A_3006 = arith.constant 6144 : i32
      %parallel_loop3A_3007 = arith.addi %parallel_loop3A_3006, %parallel_loop3A_2979 : i32
      %parallel_loop3A_3008 = arith.index_cast %parallel_loop3A_3007 : i32 to index
      %parallel_loop3A_3009 = tpu.vector_load %arg6[%parallel_loop3A_3008] {strides = array<i32>} : memref<10240xf32, #tpu.memory_space<vmem>>, vector<16xf32>,
      %parallel_loop3A_3010 = arith.constant 7168 : i32
      %parallel_loop3A_3011 = arith.addi %parallel_loop3A_3010, %parallel_loop3A_2979 : i32
      %parallel_loop3A_3012 = arith.index_cast %parallel_loop3A_3011 : i32 to index
      %parallel_loop3A_3013 = tpu.vector_load %arg6[%parallel_loop3A_3012] {strides = array<i32>} : memref<10240xf32, #tpu.memory_space<vmem>>, vector<16xf32>,
      %parallel_loop3A_3014 = arith.constant 8192 : i32
      %parallel_loop3A_3015 = arith.addi %parallel_loop3A_3014, %parallel_loop3A_2979 : i32
      %parallel_loop3A_3016 = arith.index_cast %parallel_loop3A_3015 : i32 to index
      %parallel_loop3A_3017 = tpu.vector_load %arg6[%parallel_loop3A_3016] {strides = array<i32>} : memref<10240xf32, #tpu.memory_space<vmem>>, vector<16xf32>,
      %parallel_loop3A_3018 = arith.constant 9216 : i32
      %parallel_loop3A_3019 = arith.addi %parallel_loop3A_3018, %parallel_loop3A_2979 : i32
      %parallel_loop3A_3020 = arith.index_cast %parallel_loop3A_3019 : i32 to index
      %parallel_loop3A_3021 = tpu.vector_load %arg6[%parallel_loop3A_3020] {strides = array<i32>} : memref<10240xf32, #tpu.memory_space<vmem>>, vector<16xf32>,
      %parallel_loop3A_3022 = arith.mulf %parallel_loop3A_2985, %gather3A_712 : vector<16xf32>
      %parallel_loop3A_3023 = arith.mulf %parallel_loop3A_2989, %gather3A_724 : vector<16xf32>
      %parallel_loop3A_3024 = arith.mulf %parallel_loop3A_2993, %gather3A_736 : vector<16xf32>
      %parallel_loop3A_3025 = arith.mulf %parallel_loop3A_2997, %gather3A_748 : vector<16xf32>
      %parallel_loop3A_3026 = arith.mulf %parallel_loop3A_3001, %gather3A_760 : vector<16xf32>
      %parallel_loop3A_3027 = arith.mulf %parallel_loop3A_3005, %gather3A_772 : vector<16xf32>
      %parallel_loop3A_3028 = arith.mulf %parallel_loop3A_3009, %gather3A_784 : vector<16xf32>
      %parallel_loop3A_3029 = arith.mulf %parallel_loop3A_3013, %gather3A_796 : vector<16xf32>
      %parallel_loop3A_3030 = arith.mulf %parallel_loop3A_3017, %gather3A_808 : vector<16xf32>
      %parallel_loop3A_3031 = arith.mulf %parallel_loop3A_3021, %gather3A_820 : vector<16xf32>
      %parallel_loop3A_3032 = arith.mulf %parallel_loop3A_2985, %gather3A_832 : vector<16xf32>
      %parallel_loop3A_3033 = arith.mulf %parallel_loop3A_2989, %gather3A_844 : vector<16xf32>
      %parallel_loop3A_3034 = arith.mulf %parallel_loop3A_2993, %gather3A_856 : vector<16xf32>
      %parallel_loop3A_3035 = arith.mulf %parallel_loop3A_2997, %gather3A_868 : vector<16xf32>
      %parallel_loop3A_3036 = arith.mulf %parallel_loop3A_3001, %gather3A_880 : vector<16xf32>
      %parallel_loop3A_3037 = arith.mulf %parallel_loop3A_3005, %gather3A_892 : vector<16xf32>
      %parallel_loop3A_3038 = arith.mulf %parallel_loop3A_3009, %gather3A_904 : vector<16xf32>
      %parallel_loop3A_3039 = arith.mulf %parallel_loop3A_3013, %gather3A_916 : vector<16xf32>
      %parallel_loop3A_3040 = arith.mulf %parallel_loop3A_3017, %gather3A_928 : vector<16xf32>
      %parallel_loop3A_3041 = arith.mulf %parallel_loop3A_3021, %gather3A_940 : vector<16xf32>
      %parallel_loop3A_3042 = arith.constant 0 : i32
      %parallel_loop3A_3043 = vector.broadcast %parallel_loop3A_3042 : i32 to vector<16xi32>
      %parallel_loop3A_3044 = arith.cmpi eq, %parallel_loop3A_2981, %parallel_loop3A_3043 : vector<16xi32>
      %parallel_loop3A_3045 = arith.addf %parallel_loop3A_3022, %parallel_loop3A_3023 : vector<16xf32>
      %parallel_loop3A_3046 = arith.addf %parallel_loop3A_3024, %parallel_loop3A_3025 : vector<16xf32>
      %parallel_loop3A_3047 = arith.addf %parallel_loop3A_3026, %parallel_loop3A_3027 : vector<16xf32>
      %parallel_loop3A_3048 = arith.addf %parallel_loop3A_3028, %parallel_loop3A_3029 : vector<16xf32>
      %parallel_loop3A_3049 = arith.addf %parallel_loop3A_3030, %parallel_loop3A_3031 : vector<16xf32>
      %parallel_loop3A_3050 = arith.addf %parallel_loop3A_3045, %parallel_loop3A_3046 : vector<16xf32>
      %parallel_loop3A_3051 = arith.addf %parallel_loop3A_3047, %parallel_loop3A_3048 : vector<16xf32>
      %parallel_loop3A_3052 = arith.addf %parallel_loop3A_3049, %gather3A_952 : vector<16xf32>
      %parallel_loop3A_3053 = arith.addf %parallel_loop3A_3050, %parallel_loop3A_3051 : vector<16xf32>
      %parallel_loop3A_3054 = arith.addf %parallel_loop3A_3053, %parallel_loop3A_3052 : vector<16xf32>
      %parallel_loop3A_3055 = arith.addf %parallel_loop3A_3032, %parallel_loop3A_3033 : vector<16xf32>
      %parallel_loop3A_3056 = arith.addf %parallel_loop3A_3034, %parallel_loop3A_3035 : vector<16xf32>
      %parallel_loop3A_3057 = arith.addf %parallel_loop3A_3036, %parallel_loop3A_3037 : vector<16xf32>
      %parallel_loop3A_3058 = arith.addf %parallel_loop3A_3038, %parallel_loop3A_3039 : vector<16xf32>
      %parallel_loop3A_3059 = arith.addf %parallel_loop3A_3040, %parallel_loop3A_3041 : vector<16xf32>
      %parallel_loop3A_3060 = arith.addf %parallel_loop3A_3055, %parallel_loop3A_3056 : vector<16xf32>
      %parallel_loop3A_3061 = arith.addf %parallel_loop3A_3057, %parallel_loop3A_3058 : vector<16xf32>
      %parallel_loop3A_3062 = arith.addf %parallel_loop3A_3059, %gather3A_964 : vector<16xf32>
      %parallel_loop3A_3063 = arith.addf %parallel_loop3A_3060, %parallel_loop3A_3061 : vector<16xf32>
      %parallel_loop3A_3064 = arith.addf %parallel_loop3A_3063, %parallel_loop3A_3062 : vector<16xf32>
      %parallel_loop3A_3065 = arith.select %parallel_loop3A_3044, %parallel_loop3A_3054, %parallel_loop3A_3064 : vector<16xi1>, vector<16xf32>
      %parallel_loop3A_3066 = arith.constant 2048 : i32
      %parallel_loop3A_3067 = arith.addi %parallel_loop3A_3066, %parallel_loop3A_2979 : i32
      %parallel_loop3A_3068 = arith.index_cast %parallel_loop3A_3067 : i32 to index
      %parallel_loop3A_3069 = tpu.vector_load %arg8[%parallel_loop3A_3068] {strides = array<i32>} : memref<10240xf32, #tpu.memory_space<vmem>>, vector<16xf32>,
      tpu.vector_store %arg8[%parallel_loop3A_3068], %parallel_loop3A_3065 {strides = array<i32>} : memref<10240xf32, #tpu.memory_space<vmem>>, vector<16xf32>,
    } {sc.loop_unroll_factor = 1 : i64, sc.parallel_access}
    %broadcast_in_dim3A_968 = arith.constant 14 : i32
    %broadcast_in_dim3A_969 = vector.broadcast %broadcast_in_dim3A_968 : i32 to vector<16xi32>
    %lt3A_970 = arith.constant 0 : i32
    %lt3A_971 = vector.broadcast %lt3A_970 : i32 to vector<16xi32>
    %lt3A_972 = arith.cmpi slt, %broadcast_in_dim3A_969, %lt3A_971 : vector<16xi32>
    %add3A_973 = arith.constant 16 : i32
    %add3A_974 = vector.broadcast %add3A_973 : i32 to vector<16xi32>
    %add3A_975 = arith.addi %broadcast_in_dim3A_969, %add3A_974 : vector<16xi32>
    %select_n3A_976 = arith.select %lt3A_972, %add3A_975, %broadcast_in_dim3A_969 : vector<16xi1>, vector<16xi32>
    %broadcast_in_dim3A_977 = vector.shape_cast %select_n3A_976 : vector<16xi32> to vector<16x1xi32>
    %gather3A_978 = vector.shape_cast %broadcast_in_dim3A_977 : vector<16x1xi32> to vector<16xi32>
    %gather3A_979 = tpu.dynamic_gather %get3A_147[%gather3A_978] in [0] : vector<16xf32>, vector<16xi32> -> vector<16xf32>
    %broadcast_in_dim3A_980 = arith.constant 15 : i32
    %broadcast_in_dim3A_981 = vector.broadcast %broadcast_in_dim3A_980 : i32 to vector<16xi32>
    %lt3A_982 = arith.constant 0 : i32
    %lt3A_983 = vector.broadcast %lt3A_982 : i32 to vector<16xi32>
    %lt3A_984 = arith.cmpi slt, %broadcast_in_dim3A_981, %lt3A_983 : vector<16xi32>
    %add3A_985 = arith.constant 16 : i32
    %add3A_986 = vector.broadcast %add3A_985 : i32 to vector<16xi32>
    %add3A_987 = arith.addi %broadcast_in_dim3A_981, %add3A_986 : vector<16xi32>
    %select_n3A_988 = arith.select %lt3A_984, %add3A_987, %broadcast_in_dim3A_981 : vector<16xi1>, vector<16xi32>
    %broadcast_in_dim3A_989 = vector.shape_cast %select_n3A_988 : vector<16xi32> to vector<16x1xi32>
    %gather3A_990 = vector.shape_cast %broadcast_in_dim3A_989 : vector<16x1xi32> to vector<16xi32>
    %gather3A_991 = tpu.dynamic_gather %get3A_147[%gather3A_990] in [0] : vector<16xf32>, vector<16xi32> -> vector<16xf32>
    %broadcast_in_dim3A_992 = arith.constant 0 : i32
    %broadcast_in_dim3A_993 = vector.broadcast %broadcast_in_dim3A_992 : i32 to vector<16xi32>
    %lt3A_994 = arith.constant 0 : i32
    %lt3A_995 = vector.broadcast %lt3A_994 : i32 to vector<16xi32>
    %lt3A_996 = arith.cmpi slt, %broadcast_in_dim3A_993, %lt3A_995 : vector<16xi32>
    %add3A_997 = arith.constant 16 : i32
    %add3A_998 = vector.broadcast %add3A_997 : i32 to vector<16xi32>
    %add3A_999 = arith.addi %broadcast_in_dim3A_993, %add3A_998 : vector<16xi32>
    %select_n3A_1000 = arith.select %lt3A_996, %add3A_999, %broadcast_in_dim3A_993 : vector<16xi1>, vector<16xi32>
    %broadcast_in_dim3A_1001 = vector.shape_cast %select_n3A_1000 : vector<16xi32> to vector<16x1xi32>
    %gather3A_1002 = vector.shape_cast %broadcast_in_dim3A_1001 : vector<16x1xi32> to vector<16xi32>
    %gather3A_1003 = tpu.dynamic_gather %get3A_149[%gather3A_1002] in [0] : vector<16xf32>, vector<16xi32> -> vector<16xf32>
    %broadcast_in_dim3A_1004 = arith.constant 1 : i32
    %broadcast_in_dim3A_1005 = vector.broadcast %broadcast_in_dim3A_1004 : i32 to vector<16xi32>
    %lt3A_1006 = arith.constant 0 : i32
    %lt3A_1007 = vector.broadcast %lt3A_1006 : i32 to vector<16xi32>
    %lt3A_1008 = arith.cmpi slt, %broadcast_in_dim3A_1005, %lt3A_1007 : vector<16xi32>
    %add3A_1009 = arith.constant 16 : i32
    %add3A_1010 = vector.broadcast %add3A_1009 : i32 to vector<16xi32>
    %add3A_1011 = arith.addi %broadcast_in_dim3A_1005, %add3A_1010 : vector<16xi32>
    %select_n3A_1012 = arith.select %lt3A_1008, %add3A_1011, %broadcast_in_dim3A_1005 : vector<16xi1>, vector<16xi32>
    %broadcast_in_dim3A_1013 = vector.shape_cast %select_n3A_1012 : vector<16xi32> to vector<16x1xi32>
    %gather3A_1014 = vector.shape_cast %broadcast_in_dim3A_1013 : vector<16x1xi32> to vector<16xi32>
    %gather3A_1015 = tpu.dynamic_gather %get3A_149[%gather3A_1014] in [0] : vector<16xf32>, vector<16xi32> -> vector<16xf32>
    %broadcast_in_dim3A_1016 = arith.constant 2 : i32
    %broadcast_in_dim3A_1017 = vector.broadcast %broadcast_in_dim3A_1016 : i32 to vector<16xi32>
    %lt3A_1018 = arith.constant 0 : i32
    %lt3A_1019 = vector.broadcast %lt3A_1018 : i32 to vector<16xi32>
    %lt3A_1020 = arith.cmpi slt, %broadcast_in_dim3A_1017, %lt3A_1019 : vector<16xi32>
    %add3A_1021 = arith.constant 16 : i32
    %add3A_1022 = vector.broadcast %add3A_1021 : i32 to vector<16xi32>
    %add3A_1023 = arith.addi %broadcast_in_dim3A_1017, %add3A_1022 : vector<16xi32>
    %select_n3A_1024 = arith.select %lt3A_1020, %add3A_1023, %broadcast_in_dim3A_1017 : vector<16xi1>, vector<16xi32>
    %broadcast_in_dim3A_1025 = vector.shape_cast %select_n3A_1024 : vector<16xi32> to vector<16x1xi32>
    %gather3A_1026 = vector.shape_cast %broadcast_in_dim3A_1025 : vector<16x1xi32> to vector<16xi32>
    %gather3A_1027 = tpu.dynamic_gather %get3A_149[%gather3A_1026] in [0] : vector<16xf32>, vector<16xi32> -> vector<16xf32>
    %broadcast_in_dim3A_1028 = arith.constant 3 : i32
    %broadcast_in_dim3A_1029 = vector.broadcast %broadcast_in_dim3A_1028 : i32 to vector<16xi32>
    %lt3A_1030 = arith.constant 0 : i32
    %lt3A_1031 = vector.broadcast %lt3A_1030 : i32 to vector<16xi32>
    %lt3A_1032 = arith.cmpi slt, %broadcast_in_dim3A_1029, %lt3A_1031 : vector<16xi32>
    %add3A_1033 = arith.constant 16 : i32
    %add3A_1034 = vector.broadcast %add3A_1033 : i32 to vector<16xi32>
    %add3A_1035 = arith.addi %broadcast_in_dim3A_1029, %add3A_1034 : vector<16xi32>
    %select_n3A_1036 = arith.select %lt3A_1032, %add3A_1035, %broadcast_in_dim3A_1029 : vector<16xi1>, vector<16xi32>
    %broadcast_in_dim3A_1037 = vector.shape_cast %select_n3A_1036 : vector<16xi32> to vector<16x1xi32>
    %gather3A_1038 = vector.shape_cast %broadcast_in_dim3A_1037 : vector<16x1xi32> to vector<16xi32>
    %gather3A_1039 = tpu.dynamic_gather %get3A_149[%gather3A_1038] in [0] : vector<16xf32>, vector<16xi32> -> vector<16xf32>
    %broadcast_in_dim3A_1040 = arith.constant 4 : i32
    %broadcast_in_dim3A_1041 = vector.broadcast %broadcast_in_dim3A_1040 : i32 to vector<16xi32>
    %lt3A_1042 = arith.constant 0 : i32
    %lt3A_1043 = vector.broadcast %lt3A_1042 : i32 to vector<16xi32>
    %lt3A_1044 = arith.cmpi slt, %broadcast_in_dim3A_1041, %lt3A_1043 : vector<16xi32>
    %add3A_1045 = arith.constant 16 : i32
    %add3A_1046 = vector.broadcast %add3A_1045 : i32 to vector<16xi32>
    %add3A_1047 = arith.addi %broadcast_in_dim3A_1041, %add3A_1046 : vector<16xi32>
    %select_n3A_1048 = arith.select %lt3A_1044, %add3A_1047, %broadcast_in_dim3A_1041 : vector<16xi1>, vector<16xi32>
    %broadcast_in_dim3A_1049 = vector.shape_cast %select_n3A_1048 : vector<16xi32> to vector<16x1xi32>
    %gather3A_1050 = vector.shape_cast %broadcast_in_dim3A_1049 : vector<16x1xi32> to vector<16xi32>
    %gather3A_1051 = tpu.dynamic_gather %get3A_149[%gather3A_1050] in [0] : vector<16xf32>, vector<16xi32> -> vector<16xf32>
    %broadcast_in_dim3A_1052 = arith.constant 5 : i32
    %broadcast_in_dim3A_1053 = vector.broadcast %broadcast_in_dim3A_1052 : i32 to vector<16xi32>
    %lt3A_1054 = arith.constant 0 : i32
    %lt3A_1055 = vector.broadcast %lt3A_1054 : i32 to vector<16xi32>
    %lt3A_1056 = arith.cmpi slt, %broadcast_in_dim3A_1053, %lt3A_1055 : vector<16xi32>
    %add3A_1057 = arith.constant 16 : i32
    %add3A_1058 = vector.broadcast %add3A_1057 : i32 to vector<16xi32>
    %add3A_1059 = arith.addi %broadcast_in_dim3A_1053, %add3A_1058 : vector<16xi32>
    %select_n3A_1060 = arith.select %lt3A_1056, %add3A_1059, %broadcast_in_dim3A_1053 : vector<16xi1>, vector<16xi32>
    %broadcast_in_dim3A_1061 = vector.shape_cast %select_n3A_1060 : vector<16xi32> to vector<16x1xi32>
    %gather3A_1062 = vector.shape_cast %broadcast_in_dim3A_1061 : vector<16x1xi32> to vector<16xi32>
    %gather3A_1063 = tpu.dynamic_gather %get3A_149[%gather3A_1062] in [0] : vector<16xf32>, vector<16xi32> -> vector<16xf32>
    %broadcast_in_dim3A_1064 = arith.constant 6 : i32
    %broadcast_in_dim3A_1065 = vector.broadcast %broadcast_in_dim3A_1064 : i32 to vector<16xi32>
    %lt3A_1066 = arith.constant 0 : i32
    %lt3A_1067 = vector.broadcast %lt3A_1066 : i32 to vector<16xi32>
    %lt3A_1068 = arith.cmpi slt, %broadcast_in_dim3A_1065, %lt3A_1067 : vector<16xi32>
    %add3A_1069 = arith.constant 16 : i32
    %add3A_1070 = vector.broadcast %add3A_1069 : i32 to vector<16xi32>
    %add3A_1071 = arith.addi %broadcast_in_dim3A_1065, %add3A_1070 : vector<16xi32>
    %select_n3A_1072 = arith.select %lt3A_1068, %add3A_1071, %broadcast_in_dim3A_1065 : vector<16xi1>, vector<16xi32>
    %broadcast_in_dim3A_1073 = vector.shape_cast %select_n3A_1072 : vector<16xi32> to vector<16x1xi32>
    %gather3A_1074 = vector.shape_cast %broadcast_in_dim3A_1073 : vector<16x1xi32> to vector<16xi32>
    %gather3A_1075 = tpu.dynamic_gather %get3A_149[%gather3A_1074] in [0] : vector<16xf32>, vector<16xi32> -> vector<16xf32>
    %broadcast_in_dim3A_1076 = arith.constant 7 : i32
    %broadcast_in_dim3A_1077 = vector.broadcast %broadcast_in_dim3A_1076 : i32 to vector<16xi32>
    %lt3A_1078 = arith.constant 0 : i32
    %lt3A_1079 = vector.broadcast %lt3A_1078 : i32 to vector<16xi32>
    %lt3A_1080 = arith.cmpi slt, %broadcast_in_dim3A_1077, %lt3A_1079 : vector<16xi32>
    %add3A_1081 = arith.constant 16 : i32
    %add3A_1082 = vector.broadcast %add3A_1081 : i32 to vector<16xi32>
    %add3A_1083 = arith.addi %broadcast_in_dim3A_1077, %add3A_1082 : vector<16xi32>
    %select_n3A_1084 = arith.select %lt3A_1080, %add3A_1083, %broadcast_in_dim3A_1077 : vector<16xi1>, vector<16xi32>
    %broadcast_in_dim3A_1085 = vector.shape_cast %select_n3A_1084 : vector<16xi32> to vector<16x1xi32>
    %gather3A_1086 = vector.shape_cast %broadcast_in_dim3A_1085 : vector<16x1xi32> to vector<16xi32>
    %gather3A_1087 = tpu.dynamic_gather %get3A_149[%gather3A_1086] in [0] : vector<16xf32>, vector<16xi32> -> vector<16xf32>
    %broadcast_in_dim3A_1088 = arith.constant 12 : i32
    %broadcast_in_dim3A_1089 = vector.broadcast %broadcast_in_dim3A_1088 : i32 to vector<16xi32>
    %lt3A_1090 = arith.constant 0 : i32
    %lt3A_1091 = vector.broadcast %lt3A_1090 : i32 to vector<16xi32>
    %lt3A_1092 = arith.cmpi slt, %broadcast_in_dim3A_1089, %lt3A_1091 : vector<16xi32>
    %add3A_1093 = arith.constant 16 : i32
    %add3A_1094 = vector.broadcast %add3A_1093 : i32 to vector<16xi32>
    %add3A_1095 = arith.addi %broadcast_in_dim3A_1089, %add3A_1094 : vector<16xi32>
    %select_n3A_1096 = arith.select %lt3A_1092, %add3A_1095, %broadcast_in_dim3A_1089 : vector<16xi1>, vector<16xi32>
    %broadcast_in_dim3A_1097 = vector.shape_cast %select_n3A_1096 : vector<16xi32> to vector<16x1xi32>
    %gather3A_1098 = vector.shape_cast %broadcast_in_dim3A_1097 : vector<16x1xi32> to vector<16xi32>
    %gather3A_1099 = tpu.dynamic_gather %get3A_161[%gather3A_1098] in [0] : vector<16xf32>, vector<16xi32> -> vector<16xf32>
    %broadcast_in_dim3A_1100 = arith.constant 13 : i32
    %broadcast_in_dim3A_1101 = vector.broadcast %broadcast_in_dim3A_1100 : i32 to vector<16xi32>
    %lt3A_1102 = arith.constant 0 : i32
    %lt3A_1103 = vector.broadcast %lt3A_1102 : i32 to vector<16xi32>
    %lt3A_1104 = arith.cmpi slt, %broadcast_in_dim3A_1101, %lt3A_1103 : vector<16xi32>
    %add3A_1105 = arith.constant 16 : i32
    %add3A_1106 = vector.broadcast %add3A_1105 : i32 to vector<16xi32>
    %add3A_1107 = arith.addi %broadcast_in_dim3A_1101, %add3A_1106 : vector<16xi32>
    %select_n3A_1108 = arith.select %lt3A_1104, %add3A_1107, %broadcast_in_dim3A_1101 : vector<16xi1>, vector<16xi32>
    %broadcast_in_dim3A_1109 = vector.shape_cast %select_n3A_1108 : vector<16xi32> to vector<16x1xi32>
    %gather3A_1110 = vector.shape_cast %broadcast_in_dim3A_1109 : vector<16x1xi32> to vector<16xi32>
    %gather3A_1111 = tpu.dynamic_gather %get3A_161[%gather3A_1110] in [0] : vector<16xf32>, vector<16xi32> -> vector<16xf32>
    %broadcast_in_dim3A_1112 = arith.constant 14 : i32
    %broadcast_in_dim3A_1113 = vector.broadcast %broadcast_in_dim3A_1112 : i32 to vector<16xi32>
    %lt3A_1114 = arith.constant 0 : i32
    %lt3A_1115 = vector.broadcast %lt3A_1114 : i32 to vector<16xi32>
    %lt3A_1116 = arith.cmpi slt, %broadcast_in_dim3A_1113, %lt3A_1115 : vector<16xi32>
    %add3A_1117 = arith.constant 16 : i32
    %add3A_1118 = vector.broadcast %add3A_1117 : i32 to vector<16xi32>
    %add3A_1119 = arith.addi %broadcast_in_dim3A_1113, %add3A_1118 : vector<16xi32>
    %select_n3A_1120 = arith.select %lt3A_1116, %add3A_1119, %broadcast_in_dim3A_1113 : vector<16xi1>, vector<16xi32>
    %broadcast_in_dim3A_1121 = vector.shape_cast %select_n3A_1120 : vector<16xi32> to vector<16x1xi32>
    %gather3A_1122 = vector.shape_cast %broadcast_in_dim3A_1121 : vector<16x1xi32> to vector<16xi32>
    %gather3A_1123 = tpu.dynamic_gather %get3A_161[%gather3A_1122] in [0] : vector<16xf32>, vector<16xi32> -> vector<16xf32>
    %broadcast_in_dim3A_1124 = arith.constant 15 : i32
    %broadcast_in_dim3A_1125 = vector.broadcast %broadcast_in_dim3A_1124 : i32 to vector<16xi32>
    %lt3A_1126 = arith.constant 0 : i32
    %lt3A_1127 = vector.broadcast %lt3A_1126 : i32 to vector<16xi32>
    %lt3A_1128 = arith.cmpi slt, %broadcast_in_dim3A_1125, %lt3A_1127 : vector<16xi32>
    %add3A_1129 = arith.constant 16 : i32
    %add3A_1130 = vector.broadcast %add3A_1129 : i32 to vector<16xi32>
    %add3A_1131 = arith.addi %broadcast_in_dim3A_1125, %add3A_1130 : vector<16xi32>
    %select_n3A_1132 = arith.select %lt3A_1128, %add3A_1131, %broadcast_in_dim3A_1125 : vector<16xi1>, vector<16xi32>
    %broadcast_in_dim3A_1133 = vector.shape_cast %select_n3A_1132 : vector<16xi32> to vector<16x1xi32>
    %gather3A_1134 = vector.shape_cast %broadcast_in_dim3A_1133 : vector<16x1xi32> to vector<16xi32>
    %gather3A_1135 = tpu.dynamic_gather %get3A_161[%gather3A_1134] in [0] : vector<16xf32>, vector<16xi32> -> vector<16xf32>
    %broadcast_in_dim3A_1136 = arith.constant 0 : i32
    %broadcast_in_dim3A_1137 = vector.broadcast %broadcast_in_dim3A_1136 : i32 to vector<16xi32>
    %lt3A_1138 = arith.constant 0 : i32
    %lt3A_1139 = vector.broadcast %lt3A_1138 : i32 to vector<16xi32>
    %lt3A_1140 = arith.cmpi slt, %broadcast_in_dim3A_1137, %lt3A_1139 : vector<16xi32>
    %add3A_1141 = arith.constant 16 : i32
    %add3A_1142 = vector.broadcast %add3A_1141 : i32 to vector<16xi32>
    %add3A_1143 = arith.addi %broadcast_in_dim3A_1137, %add3A_1142 : vector<16xi32>
    %select_n3A_1144 = arith.select %lt3A_1140, %add3A_1143, %broadcast_in_dim3A_1137 : vector<16xi1>, vector<16xi32>
    %broadcast_in_dim3A_1145 = vector.shape_cast %select_n3A_1144 : vector<16xi32> to vector<16x1xi32>
    %gather3A_1146 = vector.shape_cast %broadcast_in_dim3A_1145 : vector<16x1xi32> to vector<16xi32>
    %gather3A_1147 = tpu.dynamic_gather %get3A_163[%gather3A_1146] in [0] : vector<16xf32>, vector<16xi32> -> vector<16xf32>
    %broadcast_in_dim3A_1148 = arith.constant 1 : i32
    %broadcast_in_dim3A_1149 = vector.broadcast %broadcast_in_dim3A_1148 : i32 to vector<16xi32>
    %lt3A_1150 = arith.constant 0 : i32
    %lt3A_1151 = vector.broadcast %lt3A_1150 : i32 to vector<16xi32>
    %lt3A_1152 = arith.cmpi slt, %broadcast_in_dim3A_1149, %lt3A_1151 : vector<16xi32>
    %add3A_1153 = arith.constant 16 : i32
    %add3A_1154 = vector.broadcast %add3A_1153 : i32 to vector<16xi32>
    %add3A_1155 = arith.addi %broadcast_in_dim3A_1149, %add3A_1154 : vector<16xi32>
    %select_n3A_1156 = arith.select %lt3A_1152, %add3A_1155, %broadcast_in_dim3A_1149 : vector<16xi1>, vector<16xi32>
    %broadcast_in_dim3A_1157 = vector.shape_cast %select_n3A_1156 : vector<16xi32> to vector<16x1xi32>
    %gather3A_1158 = vector.shape_cast %broadcast_in_dim3A_1157 : vector<16x1xi32> to vector<16xi32>
    %gather3A_1159 = tpu.dynamic_gather %get3A_163[%gather3A_1158] in [0] : vector<16xf32>, vector<16xi32> -> vector<16xf32>
    %broadcast_in_dim3A_1160 = arith.constant 2 : i32
    %broadcast_in_dim3A_1161 = vector.broadcast %broadcast_in_dim3A_1160 : i32 to vector<16xi32>
    %lt3A_1162 = arith.constant 0 : i32
    %lt3A_1163 = vector.broadcast %lt3A_1162 : i32 to vector<16xi32>
    %lt3A_1164 = arith.cmpi slt, %broadcast_in_dim3A_1161, %lt3A_1163 : vector<16xi32>
    %add3A_1165 = arith.constant 16 : i32
    %add3A_1166 = vector.broadcast %add3A_1165 : i32 to vector<16xi32>
    %add3A_1167 = arith.addi %broadcast_in_dim3A_1161, %add3A_1166 : vector<16xi32>
    %select_n3A_1168 = arith.select %lt3A_1164, %add3A_1167, %broadcast_in_dim3A_1161 : vector<16xi1>, vector<16xi32>
    %broadcast_in_dim3A_1169 = vector.shape_cast %select_n3A_1168 : vector<16xi32> to vector<16x1xi32>
    %gather3A_1170 = vector.shape_cast %broadcast_in_dim3A_1169 : vector<16x1xi32> to vector<16xi32>
    %gather3A_1171 = tpu.dynamic_gather %get3A_163[%gather3A_1170] in [0] : vector<16xf32>, vector<16xi32> -> vector<16xf32>
    %broadcast_in_dim3A_1172 = arith.constant 3 : i32
    %broadcast_in_dim3A_1173 = vector.broadcast %broadcast_in_dim3A_1172 : i32 to vector<16xi32>
    %lt3A_1174 = arith.constant 0 : i32
    %lt3A_1175 = vector.broadcast %lt3A_1174 : i32 to vector<16xi32>
    %lt3A_1176 = arith.cmpi slt, %broadcast_in_dim3A_1173, %lt3A_1175 : vector<16xi32>
    %add3A_1177 = arith.constant 16 : i32
    %add3A_1178 = vector.broadcast %add3A_1177 : i32 to vector<16xi32>
    %add3A_1179 = arith.addi %broadcast_in_dim3A_1173, %add3A_1178 : vector<16xi32>
    %select_n3A_1180 = arith.select %lt3A_1176, %add3A_1179, %broadcast_in_dim3A_1173 : vector<16xi1>, vector<16xi32>
    %broadcast_in_dim3A_1181 = vector.shape_cast %select_n3A_1180 : vector<16xi32> to vector<16x1xi32>
    %gather3A_1182 = vector.shape_cast %broadcast_in_dim3A_1181 : vector<16x1xi32> to vector<16xi32>
    %gather3A_1183 = tpu.dynamic_gather %get3A_163[%gather3A_1182] in [0] : vector<16xf32>, vector<16xi32> -> vector<16xf32>
    %broadcast_in_dim3A_1184 = arith.constant 4 : i32
    %broadcast_in_dim3A_1185 = vector.broadcast %broadcast_in_dim3A_1184 : i32 to vector<16xi32>
    %lt3A_1186 = arith.constant 0 : i32
    %lt3A_1187 = vector.broadcast %lt3A_1186 : i32 to vector<16xi32>
    %lt3A_1188 = arith.cmpi slt, %broadcast_in_dim3A_1185, %lt3A_1187 : vector<16xi32>
    %add3A_1189 = arith.constant 16 : i32
    %add3A_1190 = vector.broadcast %add3A_1189 : i32 to vector<16xi32>
    %add3A_1191 = arith.addi %broadcast_in_dim3A_1185, %add3A_1190 : vector<16xi32>
    %select_n3A_1192 = arith.select %lt3A_1188, %add3A_1191, %broadcast_in_dim3A_1185 : vector<16xi1>, vector<16xi32>
    %broadcast_in_dim3A_1193 = vector.shape_cast %select_n3A_1192 : vector<16xi32> to vector<16x1xi32>
    %gather3A_1194 = vector.shape_cast %broadcast_in_dim3A_1193 : vector<16x1xi32> to vector<16xi32>
    %gather3A_1195 = tpu.dynamic_gather %get3A_163[%gather3A_1194] in [0] : vector<16xf32>, vector<16xi32> -> vector<16xf32>
    %broadcast_in_dim3A_1196 = arith.constant 5 : i32
    %broadcast_in_dim3A_1197 = vector.broadcast %broadcast_in_dim3A_1196 : i32 to vector<16xi32>
    %lt3A_1198 = arith.constant 0 : i32
    %lt3A_1199 = vector.broadcast %lt3A_1198 : i32 to vector<16xi32>
    %lt3A_1200 = arith.cmpi slt, %broadcast_in_dim3A_1197, %lt3A_1199 : vector<16xi32>
    %add3A_1201 = arith.constant 16 : i32
    %add3A_1202 = vector.broadcast %add3A_1201 : i32 to vector<16xi32>
    %add3A_1203 = arith.addi %broadcast_in_dim3A_1197, %add3A_1202 : vector<16xi32>
    %select_n3A_1204 = arith.select %lt3A_1200, %add3A_1203, %broadcast_in_dim3A_1197 : vector<16xi1>, vector<16xi32>
    %broadcast_in_dim3A_1205 = vector.shape_cast %select_n3A_1204 : vector<16xi32> to vector<16x1xi32>
    %gather3A_1206 = vector.shape_cast %broadcast_in_dim3A_1205 : vector<16x1xi32> to vector<16xi32>
    %gather3A_1207 = tpu.dynamic_gather %get3A_163[%gather3A_1206] in [0] : vector<16xf32>, vector<16xi32> -> vector<16xf32>
    %broadcast_in_dim3A_1208 = arith.constant 7 : i32
    %broadcast_in_dim3A_1209 = vector.broadcast %broadcast_in_dim3A_1208 : i32 to vector<16xi32>
    %lt3A_1210 = arith.constant 0 : i32
    %lt3A_1211 = vector.broadcast %lt3A_1210 : i32 to vector<16xi32>
    %lt3A_1212 = arith.cmpi slt, %broadcast_in_dim3A_1209, %lt3A_1211 : vector<16xi32>
    %add3A_1213 = arith.constant 16 : i32
    %add3A_1214 = vector.broadcast %add3A_1213 : i32 to vector<16xi32>
    %add3A_1215 = arith.addi %broadcast_in_dim3A_1209, %add3A_1214 : vector<16xi32>
    %select_n3A_1216 = arith.select %lt3A_1212, %add3A_1215, %broadcast_in_dim3A_1209 : vector<16xi1>, vector<16xi32>
    %broadcast_in_dim3A_1217 = vector.shape_cast %select_n3A_1216 : vector<16xi32> to vector<16x1xi32>
    %gather3A_1218 = vector.shape_cast %broadcast_in_dim3A_1217 : vector<16x1xi32> to vector<16xi32>
    %gather3A_1219 = tpu.dynamic_gather %get3A_157[%gather3A_1218] in [0] : vector<16xf32>, vector<16xi32> -> vector<16xf32>
    %broadcast_in_dim3A_1220 = arith.constant 5 : i32
    %broadcast_in_dim3A_1221 = vector.broadcast %broadcast_in_dim3A_1220 : i32 to vector<16xi32>
    %lt3A_1222 = arith.constant 0 : i32
    %lt3A_1223 = vector.broadcast %lt3A_1222 : i32 to vector<16xi32>
    %lt3A_1224 = arith.cmpi slt, %broadcast_in_dim3A_1221, %lt3A_1223 : vector<16xi32>
    %add3A_1225 = arith.constant 16 : i32
    %add3A_1226 = vector.broadcast %add3A_1225 : i32 to vector<16xi32>
    %add3A_1227 = arith.addi %broadcast_in_dim3A_1221, %add3A_1226 : vector<16xi32>
    %select_n3A_1228 = arith.select %lt3A_1224, %add3A_1227, %broadcast_in_dim3A_1221 : vector<16xi1>, vector<16xi32>
    %broadcast_in_dim3A_1229 = vector.shape_cast %select_n3A_1228 : vector<16xi32> to vector<16x1xi32>
    %gather3A_1230 = vector.shape_cast %broadcast_in_dim3A_1229 : vector<16x1xi32> to vector<16xi32>
    %gather3A_1231 = tpu.dynamic_gather %get3A_171[%gather3A_1230] in [0] : vector<16xf32>, vector<16xi32> -> vector<16xf32>
    %parallel_loop3A_1232 = arith.constant 0 : i32
    %parallel_loop3A_1233 = arith.constant 64 : i32
    %parallel_loop3A_1234 = arith.constant 1 : i32
    scf.for %parallel_loop3A_2977 = %parallel_loop3A_1232 to %parallel_loop3A_1233 step %parallel_loop3A_1234  : i32 {
      %parallel_loop3A_2978 = arith.constant 16 : i32
      %parallel_loop3A_2979 = arith.muli %parallel_loop3A_2977, %parallel_loop3A_2978 : i32
      %parallel_loop3A_2980 = arith.index_cast %parallel_loop3A_2979 : i32 to index
      %parallel_loop3A_2981 = tpu.vector_load %arg7[%parallel_loop3A_2980] {strides = array<i32>} : memref<1024xi32, #tpu.memory_space<vmem>>, vector<16xi32>,
      %parallel_loop3A_2982 = arith.constant 0 : i32
      %parallel_loop3A_2983 = arith.addi %parallel_loop3A_2982, %parallel_loop3A_2979 : i32
      %parallel_loop3A_2984 = arith.index_cast %parallel_loop3A_2983 : i32 to index
      %parallel_loop3A_2985 = tpu.vector_load %arg6[%parallel_loop3A_2984] {strides = array<i32>} : memref<10240xf32, #tpu.memory_space<vmem>>, vector<16xf32>,
      %parallel_loop3A_2986 = arith.constant 1024 : i32
      %parallel_loop3A_2987 = arith.addi %parallel_loop3A_2986, %parallel_loop3A_2979 : i32
      %parallel_loop3A_2988 = arith.index_cast %parallel_loop3A_2987 : i32 to index
      %parallel_loop3A_2989 = tpu.vector_load %arg6[%parallel_loop3A_2988] {strides = array<i32>} : memref<10240xf32, #tpu.memory_space<vmem>>, vector<16xf32>,
      %parallel_loop3A_2990 = arith.constant 2048 : i32
      %parallel_loop3A_2991 = arith.addi %parallel_loop3A_2990, %parallel_loop3A_2979 : i32
      %parallel_loop3A_2992 = arith.index_cast %parallel_loop3A_2991 : i32 to index
      %parallel_loop3A_2993 = tpu.vector_load %arg6[%parallel_loop3A_2992] {strides = array<i32>} : memref<10240xf32, #tpu.memory_space<vmem>>, vector<16xf32>,
      %parallel_loop3A_2994 = arith.constant 3072 : i32
      %parallel_loop3A_2995 = arith.addi %parallel_loop3A_2994, %parallel_loop3A_2979 : i32
      %parallel_loop3A_2996 = arith.index_cast %parallel_loop3A_2995 : i32 to index
      %parallel_loop3A_2997 = tpu.vector_load %arg6[%parallel_loop3A_2996] {strides = array<i32>} : memref<10240xf32, #tpu.memory_space<vmem>>, vector<16xf32>,
      %parallel_loop3A_2998 = arith.constant 4096 : i32
      %parallel_loop3A_2999 = arith.addi %parallel_loop3A_2998, %parallel_loop3A_2979 : i32
      %parallel_loop3A_3000 = arith.index_cast %parallel_loop3A_2999 : i32 to index
      %parallel_loop3A_3001 = tpu.vector_load %arg6[%parallel_loop3A_3000] {strides = array<i32>} : memref<10240xf32, #tpu.memory_space<vmem>>, vector<16xf32>,
      %parallel_loop3A_3002 = arith.constant 5120 : i32
      %parallel_loop3A_3003 = arith.addi %parallel_loop3A_3002, %parallel_loop3A_2979 : i32
      %parallel_loop3A_3004 = arith.index_cast %parallel_loop3A_3003 : i32 to index
      %parallel_loop3A_3005 = tpu.vector_load %arg6[%parallel_loop3A_3004] {strides = array<i32>} : memref<10240xf32, #tpu.memory_space<vmem>>, vector<16xf32>,
      %parallel_loop3A_3006 = arith.constant 6144 : i32
      %parallel_loop3A_3007 = arith.addi %parallel_loop3A_3006, %parallel_loop3A_2979 : i32
      %parallel_loop3A_3008 = arith.index_cast %parallel_loop3A_3007 : i32 to index
      %parallel_loop3A_3009 = tpu.vector_load %arg6[%parallel_loop3A_3008] {strides = array<i32>} : memref<10240xf32, #tpu.memory_space<vmem>>, vector<16xf32>,
      %parallel_loop3A_3010 = arith.constant 7168 : i32
      %parallel_loop3A_3011 = arith.addi %parallel_loop3A_3010, %parallel_loop3A_2979 : i32
      %parallel_loop3A_3012 = arith.index_cast %parallel_loop3A_3011 : i32 to index
      %parallel_loop3A_3013 = tpu.vector_load %arg6[%parallel_loop3A_3012] {strides = array<i32>} : memref<10240xf32, #tpu.memory_space<vmem>>, vector<16xf32>,
      %parallel_loop3A_3014 = arith.constant 8192 : i32
      %parallel_loop3A_3015 = arith.addi %parallel_loop3A_3014, %parallel_loop3A_2979 : i32
      %parallel_loop3A_3016 = arith.index_cast %parallel_loop3A_3015 : i32 to index
      %parallel_loop3A_3017 = tpu.vector_load %arg6[%parallel_loop3A_3016] {strides = array<i32>} : memref<10240xf32, #tpu.memory_space<vmem>>, vector<16xf32>,
      %parallel_loop3A_3018 = arith.constant 9216 : i32
      %parallel_loop3A_3019 = arith.addi %parallel_loop3A_3018, %parallel_loop3A_2979 : i32
      %parallel_loop3A_3020 = arith.index_cast %parallel_loop3A_3019 : i32 to index
      %parallel_loop3A_3021 = tpu.vector_load %arg6[%parallel_loop3A_3020] {strides = array<i32>} : memref<10240xf32, #tpu.memory_space<vmem>>, vector<16xf32>,
      %parallel_loop3A_3022 = arith.mulf %parallel_loop3A_2985, %gather3A_979 : vector<16xf32>
      %parallel_loop3A_3023 = arith.mulf %parallel_loop3A_2989, %gather3A_991 : vector<16xf32>
      %parallel_loop3A_3024 = arith.mulf %parallel_loop3A_2993, %gather3A_1003 : vector<16xf32>
      %parallel_loop3A_3025 = arith.mulf %parallel_loop3A_2997, %gather3A_1015 : vector<16xf32>
      %parallel_loop3A_3026 = arith.mulf %parallel_loop3A_3001, %gather3A_1027 : vector<16xf32>
      %parallel_loop3A_3027 = arith.mulf %parallel_loop3A_3005, %gather3A_1039 : vector<16xf32>
      %parallel_loop3A_3028 = arith.mulf %parallel_loop3A_3009, %gather3A_1051 : vector<16xf32>
      %parallel_loop3A_3029 = arith.mulf %parallel_loop3A_3013, %gather3A_1063 : vector<16xf32>
      %parallel_loop3A_3030 = arith.mulf %parallel_loop3A_3017, %gather3A_1075 : vector<16xf32>
      %parallel_loop3A_3031 = arith.mulf %parallel_loop3A_3021, %gather3A_1087 : vector<16xf32>
      %parallel_loop3A_3032 = arith.mulf %parallel_loop3A_2985, %gather3A_1099 : vector<16xf32>
      %parallel_loop3A_3033 = arith.mulf %parallel_loop3A_2989, %gather3A_1111 : vector<16xf32>
      %parallel_loop3A_3034 = arith.mulf %parallel_loop3A_2993, %gather3A_1123 : vector<16xf32>
      %parallel_loop3A_3035 = arith.mulf %parallel_loop3A_2997, %gather3A_1135 : vector<16xf32>
      %parallel_loop3A_3036 = arith.mulf %parallel_loop3A_3001, %gather3A_1147 : vector<16xf32>
      %parallel_loop3A_3037 = arith.mulf %parallel_loop3A_3005, %gather3A_1159 : vector<16xf32>
      %parallel_loop3A_3038 = arith.mulf %parallel_loop3A_3009, %gather3A_1171 : vector<16xf32>
      %parallel_loop3A_3039 = arith.mulf %parallel_loop3A_3013, %gather3A_1183 : vector<16xf32>
      %parallel_loop3A_3040 = arith.mulf %parallel_loop3A_3017, %gather3A_1195 : vector<16xf32>
      %parallel_loop3A_3041 = arith.mulf %parallel_loop3A_3021, %gather3A_1207 : vector<16xf32>
      %parallel_loop3A_3042 = arith.constant 0 : i32
      %parallel_loop3A_3043 = vector.broadcast %parallel_loop3A_3042 : i32 to vector<16xi32>
      %parallel_loop3A_3044 = arith.cmpi eq, %parallel_loop3A_2981, %parallel_loop3A_3043 : vector<16xi32>
      %parallel_loop3A_3045 = arith.addf %parallel_loop3A_3022, %parallel_loop3A_3023 : vector<16xf32>
      %parallel_loop3A_3046 = arith.addf %parallel_loop3A_3024, %parallel_loop3A_3025 : vector<16xf32>
      %parallel_loop3A_3047 = arith.addf %parallel_loop3A_3026, %parallel_loop3A_3027 : vector<16xf32>
      %parallel_loop3A_3048 = arith.addf %parallel_loop3A_3028, %parallel_loop3A_3029 : vector<16xf32>
      %parallel_loop3A_3049 = arith.addf %parallel_loop3A_3030, %parallel_loop3A_3031 : vector<16xf32>
      %parallel_loop3A_3050 = arith.addf %parallel_loop3A_3045, %parallel_loop3A_3046 : vector<16xf32>
      %parallel_loop3A_3051 = arith.addf %parallel_loop3A_3047, %parallel_loop3A_3048 : vector<16xf32>
      %parallel_loop3A_3052 = arith.addf %parallel_loop3A_3049, %gather3A_1219 : vector<16xf32>
      %parallel_loop3A_3053 = arith.addf %parallel_loop3A_3050, %parallel_loop3A_3051 : vector<16xf32>
      %parallel_loop3A_3054 = arith.addf %parallel_loop3A_3053, %parallel_loop3A_3052 : vector<16xf32>
      %parallel_loop3A_3055 = arith.addf %parallel_loop3A_3032, %parallel_loop3A_3033 : vector<16xf32>
      %parallel_loop3A_3056 = arith.addf %parallel_loop3A_3034, %parallel_loop3A_3035 : vector<16xf32>
      %parallel_loop3A_3057 = arith.addf %parallel_loop3A_3036, %parallel_loop3A_3037 : vector<16xf32>
      %parallel_loop3A_3058 = arith.addf %parallel_loop3A_3038, %parallel_loop3A_3039 : vector<16xf32>
      %parallel_loop3A_3059 = arith.addf %parallel_loop3A_3040, %parallel_loop3A_3041 : vector<16xf32>
      %parallel_loop3A_3060 = arith.addf %parallel_loop3A_3055, %parallel_loop3A_3056 : vector<16xf32>
      %parallel_loop3A_3061 = arith.addf %parallel_loop3A_3057, %parallel_loop3A_3058 : vector<16xf32>
      %parallel_loop3A_3062 = arith.addf %parallel_loop3A_3059, %gather3A_1231 : vector<16xf32>
      %parallel_loop3A_3063 = arith.addf %parallel_loop3A_3060, %parallel_loop3A_3061 : vector<16xf32>
      %parallel_loop3A_3064 = arith.addf %parallel_loop3A_3063, %parallel_loop3A_3062 : vector<16xf32>
      %parallel_loop3A_3065 = arith.select %parallel_loop3A_3044, %parallel_loop3A_3054, %parallel_loop3A_3064 : vector<16xi1>, vector<16xf32>
      %parallel_loop3A_3066 = arith.constant 3072 : i32
      %parallel_loop3A_3067 = arith.addi %parallel_loop3A_3066, %parallel_loop3A_2979 : i32
      %parallel_loop3A_3068 = arith.index_cast %parallel_loop3A_3067 : i32 to index
      %parallel_loop3A_3069 = tpu.vector_load %arg8[%parallel_loop3A_3068] {strides = array<i32>} : memref<10240xf32, #tpu.memory_space<vmem>>, vector<16xf32>,
      tpu.vector_store %arg8[%parallel_loop3A_3068], %parallel_loop3A_3065 {strides = array<i32>} : memref<10240xf32, #tpu.memory_space<vmem>>, vector<16xf32>,
    } {sc.loop_unroll_factor = 1 : i64, sc.parallel_access}
    %broadcast_in_dim3A_1235 = arith.constant 8 : i32
    %broadcast_in_dim3A_1236 = vector.broadcast %broadcast_in_dim3A_1235 : i32 to vector<16xi32>
    %lt3A_1237 = arith.constant 0 : i32
    %lt3A_1238 = vector.broadcast %lt3A_1237 : i32 to vector<16xi32>
    %lt3A_1239 = arith.cmpi slt, %broadcast_in_dim3A_1236, %lt3A_1238 : vector<16xi32>
    %add3A_1240 = arith.constant 16 : i32
    %add3A_1241 = vector.broadcast %add3A_1240 : i32 to vector<16xi32>
    %add3A_1242 = arith.addi %broadcast_in_dim3A_1236, %add3A_1241 : vector<16xi32>
    %select_n3A_1243 = arith.select %lt3A_1239, %add3A_1242, %broadcast_in_dim3A_1236 : vector<16xi1>, vector<16xi32>
    %broadcast_in_dim3A_1244 = vector.shape_cast %select_n3A_1243 : vector<16xi32> to vector<16x1xi32>
    %gather3A_1245 = vector.shape_cast %broadcast_in_dim3A_1244 : vector<16x1xi32> to vector<16xi32>
    %gather3A_1246 = tpu.dynamic_gather %get3A_149[%gather3A_1245] in [0] : vector<16xf32>, vector<16xi32> -> vector<16xf32>
    %broadcast_in_dim3A_1247 = arith.constant 9 : i32
    %broadcast_in_dim3A_1248 = vector.broadcast %broadcast_in_dim3A_1247 : i32 to vector<16xi32>
    %lt3A_1249 = arith.constant 0 : i32
    %lt3A_1250 = vector.broadcast %lt3A_1249 : i32 to vector<16xi32>
    %lt3A_1251 = arith.cmpi slt, %broadcast_in_dim3A_1248, %lt3A_1250 : vector<16xi32>
    %add3A_1252 = arith.constant 16 : i32
    %add3A_1253 = vector.broadcast %add3A_1252 : i32 to vector<16xi32>
    %add3A_1254 = arith.addi %broadcast_in_dim3A_1248, %add3A_1253 : vector<16xi32>
    %select_n3A_1255 = arith.select %lt3A_1251, %add3A_1254, %broadcast_in_dim3A_1248 : vector<16xi1>, vector<16xi32>
    %broadcast_in_dim3A_1256 = vector.shape_cast %select_n3A_1255 : vector<16xi32> to vector<16x1xi32>
    %gather3A_1257 = vector.shape_cast %broadcast_in_dim3A_1256 : vector<16x1xi32> to vector<16xi32>
    %gather3A_1258 = tpu.dynamic_gather %get3A_149[%gather3A_1257] in [0] : vector<16xf32>, vector<16xi32> -> vector<16xf32>
    %broadcast_in_dim3A_1259 = arith.constant 10 : i32
    %broadcast_in_dim3A_1260 = vector.broadcast %broadcast_in_dim3A_1259 : i32 to vector<16xi32>
    %lt3A_1261 = arith.constant 0 : i32
    %lt3A_1262 = vector.broadcast %lt3A_1261 : i32 to vector<16xi32>
    %lt3A_1263 = arith.cmpi slt, %broadcast_in_dim3A_1260, %lt3A_1262 : vector<16xi32>
    %add3A_1264 = arith.constant 16 : i32
    %add3A_1265 = vector.broadcast %add3A_1264 : i32 to vector<16xi32>
    %add3A_1266 = arith.addi %broadcast_in_dim3A_1260, %add3A_1265 : vector<16xi32>
    %select_n3A_1267 = arith.select %lt3A_1263, %add3A_1266, %broadcast_in_dim3A_1260 : vector<16xi1>, vector<16xi32>
    %broadcast_in_dim3A_1268 = vector.shape_cast %select_n3A_1267 : vector<16xi32> to vector<16x1xi32>
    %gather3A_1269 = vector.shape_cast %broadcast_in_dim3A_1268 : vector<16x1xi32> to vector<16xi32>
    %gather3A_1270 = tpu.dynamic_gather %get3A_149[%gather3A_1269] in [0] : vector<16xf32>, vector<16xi32> -> vector<16xf32>
    %broadcast_in_dim3A_1271 = arith.constant 11 : i32
    %broadcast_in_dim3A_1272 = vector.broadcast %broadcast_in_dim3A_1271 : i32 to vector<16xi32>
    %lt3A_1273 = arith.constant 0 : i32
    %lt3A_1274 = vector.broadcast %lt3A_1273 : i32 to vector<16xi32>
    %lt3A_1275 = arith.cmpi slt, %broadcast_in_dim3A_1272, %lt3A_1274 : vector<16xi32>
    %add3A_1276 = arith.constant 16 : i32
    %add3A_1277 = vector.broadcast %add3A_1276 : i32 to vector<16xi32>
    %add3A_1278 = arith.addi %broadcast_in_dim3A_1272, %add3A_1277 : vector<16xi32>
    %select_n3A_1279 = arith.select %lt3A_1275, %add3A_1278, %broadcast_in_dim3A_1272 : vector<16xi1>, vector<16xi32>
    %broadcast_in_dim3A_1280 = vector.shape_cast %select_n3A_1279 : vector<16xi32> to vector<16x1xi32>
    %gather3A_1281 = vector.shape_cast %broadcast_in_dim3A_1280 : vector<16x1xi32> to vector<16xi32>
    %gather3A_1282 = tpu.dynamic_gather %get3A_149[%gather3A_1281] in [0] : vector<16xf32>, vector<16xi32> -> vector<16xf32>
    %broadcast_in_dim3A_1283 = arith.constant 12 : i32
    %broadcast_in_dim3A_1284 = vector.broadcast %broadcast_in_dim3A_1283 : i32 to vector<16xi32>
    %lt3A_1285 = arith.constant 0 : i32
    %lt3A_1286 = vector.broadcast %lt3A_1285 : i32 to vector<16xi32>
    %lt3A_1287 = arith.cmpi slt, %broadcast_in_dim3A_1284, %lt3A_1286 : vector<16xi32>
    %add3A_1288 = arith.constant 16 : i32
    %add3A_1289 = vector.broadcast %add3A_1288 : i32 to vector<16xi32>
    %add3A_1290 = arith.addi %broadcast_in_dim3A_1284, %add3A_1289 : vector<16xi32>
    %select_n3A_1291 = arith.select %lt3A_1287, %add3A_1290, %broadcast_in_dim3A_1284 : vector<16xi1>, vector<16xi32>
    %broadcast_in_dim3A_1292 = vector.shape_cast %select_n3A_1291 : vector<16xi32> to vector<16x1xi32>
    %gather3A_1293 = vector.shape_cast %broadcast_in_dim3A_1292 : vector<16x1xi32> to vector<16xi32>
    %gather3A_1294 = tpu.dynamic_gather %get3A_149[%gather3A_1293] in [0] : vector<16xf32>, vector<16xi32> -> vector<16xf32>
    %broadcast_in_dim3A_1295 = arith.constant 13 : i32
    %broadcast_in_dim3A_1296 = vector.broadcast %broadcast_in_dim3A_1295 : i32 to vector<16xi32>
    %lt3A_1297 = arith.constant 0 : i32
    %lt3A_1298 = vector.broadcast %lt3A_1297 : i32 to vector<16xi32>
    %lt3A_1299 = arith.cmpi slt, %broadcast_in_dim3A_1296, %lt3A_1298 : vector<16xi32>
    %add3A_1300 = arith.constant 16 : i32
    %add3A_1301 = vector.broadcast %add3A_1300 : i32 to vector<16xi32>
    %add3A_1302 = arith.addi %broadcast_in_dim3A_1296, %add3A_1301 : vector<16xi32>
    %select_n3A_1303 = arith.select %lt3A_1299, %add3A_1302, %broadcast_in_dim3A_1296 : vector<16xi1>, vector<16xi32>
    %broadcast_in_dim3A_1304 = vector.shape_cast %select_n3A_1303 : vector<16xi32> to vector<16x1xi32>
    %gather3A_1305 = vector.shape_cast %broadcast_in_dim3A_1304 : vector<16x1xi32> to vector<16xi32>
    %gather3A_1306 = tpu.dynamic_gather %get3A_149[%gather3A_1305] in [0] : vector<16xf32>, vector<16xi32> -> vector<16xf32>
    %broadcast_in_dim3A_1307 = arith.constant 14 : i32
    %broadcast_in_dim3A_1308 = vector.broadcast %broadcast_in_dim3A_1307 : i32 to vector<16xi32>
    %lt3A_1309 = arith.constant 0 : i32
    %lt3A_1310 = vector.broadcast %lt3A_1309 : i32 to vector<16xi32>
    %lt3A_1311 = arith.cmpi slt, %broadcast_in_dim3A_1308, %lt3A_1310 : vector<16xi32>
    %add3A_1312 = arith.constant 16 : i32
    %add3A_1313 = vector.broadcast %add3A_1312 : i32 to vector<16xi32>
    %add3A_1314 = arith.addi %broadcast_in_dim3A_1308, %add3A_1313 : vector<16xi32>
    %select_n3A_1315 = arith.select %lt3A_1311, %add3A_1314, %broadcast_in_dim3A_1308 : vector<16xi1>, vector<16xi32>
    %broadcast_in_dim3A_1316 = vector.shape_cast %select_n3A_1315 : vector<16xi32> to vector<16x1xi32>
    %gather3A_1317 = vector.shape_cast %broadcast_in_dim3A_1316 : vector<16x1xi32> to vector<16xi32>
    %gather3A_1318 = tpu.dynamic_gather %get3A_149[%gather3A_1317] in [0] : vector<16xf32>, vector<16xi32> -> vector<16xf32>
    %broadcast_in_dim3A_1319 = arith.constant 15 : i32
    %broadcast_in_dim3A_1320 = vector.broadcast %broadcast_in_dim3A_1319 : i32 to vector<16xi32>
    %lt3A_1321 = arith.constant 0 : i32
    %lt3A_1322 = vector.broadcast %lt3A_1321 : i32 to vector<16xi32>
    %lt3A_1323 = arith.cmpi slt, %broadcast_in_dim3A_1320, %lt3A_1322 : vector<16xi32>
    %add3A_1324 = arith.constant 16 : i32
    %add3A_1325 = vector.broadcast %add3A_1324 : i32 to vector<16xi32>
    %add3A_1326 = arith.addi %broadcast_in_dim3A_1320, %add3A_1325 : vector<16xi32>
    %select_n3A_1327 = arith.select %lt3A_1323, %add3A_1326, %broadcast_in_dim3A_1320 : vector<16xi1>, vector<16xi32>
    %broadcast_in_dim3A_1328 = vector.shape_cast %select_n3A_1327 : vector<16xi32> to vector<16x1xi32>
    %gather3A_1329 = vector.shape_cast %broadcast_in_dim3A_1328 : vector<16x1xi32> to vector<16xi32>
    %gather3A_1330 = tpu.dynamic_gather %get3A_149[%gather3A_1329] in [0] : vector<16xf32>, vector<16xi32> -> vector<16xf32>
    %broadcast_in_dim3A_1331 = arith.constant 0 : i32
    %broadcast_in_dim3A_1332 = vector.broadcast %broadcast_in_dim3A_1331 : i32 to vector<16xi32>
    %lt3A_1333 = arith.constant 0 : i32
    %lt3A_1334 = vector.broadcast %lt3A_1333 : i32 to vector<16xi32>
    %lt3A_1335 = arith.cmpi slt, %broadcast_in_dim3A_1332, %lt3A_1334 : vector<16xi32>
    %add3A_1336 = arith.constant 16 : i32
    %add3A_1337 = vector.broadcast %add3A_1336 : i32 to vector<16xi32>
    %add3A_1338 = arith.addi %broadcast_in_dim3A_1332, %add3A_1337 : vector<16xi32>
    %select_n3A_1339 = arith.select %lt3A_1335, %add3A_1338, %broadcast_in_dim3A_1332 : vector<16xi1>, vector<16xi32>
    %broadcast_in_dim3A_1340 = vector.shape_cast %select_n3A_1339 : vector<16xi32> to vector<16x1xi32>
    %gather3A_1341 = vector.shape_cast %broadcast_in_dim3A_1340 : vector<16x1xi32> to vector<16xi32>
    %gather3A_1342 = tpu.dynamic_gather %get3A_151[%gather3A_1341] in [0] : vector<16xf32>, vector<16xi32> -> vector<16xf32>
    %broadcast_in_dim3A_1343 = arith.constant 1 : i32
    %broadcast_in_dim3A_1344 = vector.broadcast %broadcast_in_dim3A_1343 : i32 to vector<16xi32>
    %lt3A_1345 = arith.constant 0 : i32
    %lt3A_1346 = vector.broadcast %lt3A_1345 : i32 to vector<16xi32>
    %lt3A_1347 = arith.cmpi slt, %broadcast_in_dim3A_1344, %lt3A_1346 : vector<16xi32>
    %add3A_1348 = arith.constant 16 : i32
    %add3A_1349 = vector.broadcast %add3A_1348 : i32 to vector<16xi32>
    %add3A_1350 = arith.addi %broadcast_in_dim3A_1344, %add3A_1349 : vector<16xi32>
    %select_n3A_1351 = arith.select %lt3A_1347, %add3A_1350, %broadcast_in_dim3A_1344 : vector<16xi1>, vector<16xi32>
    %broadcast_in_dim3A_1352 = vector.shape_cast %select_n3A_1351 : vector<16xi32> to vector<16x1xi32>
    %gather3A_1353 = vector.shape_cast %broadcast_in_dim3A_1352 : vector<16x1xi32> to vector<16xi32>
    %gather3A_1354 = tpu.dynamic_gather %get3A_151[%gather3A_1353] in [0] : vector<16xf32>, vector<16xi32> -> vector<16xf32>
    %broadcast_in_dim3A_1355 = arith.constant 6 : i32
    %broadcast_in_dim3A_1356 = vector.broadcast %broadcast_in_dim3A_1355 : i32 to vector<16xi32>
    %lt3A_1357 = arith.constant 0 : i32
    %lt3A_1358 = vector.broadcast %lt3A_1357 : i32 to vector<16xi32>
    %lt3A_1359 = arith.cmpi slt, %broadcast_in_dim3A_1356, %lt3A_1358 : vector<16xi32>
    %add3A_1360 = arith.constant 16 : i32
    %add3A_1361 = vector.broadcast %add3A_1360 : i32 to vector<16xi32>
    %add3A_1362 = arith.addi %broadcast_in_dim3A_1356, %add3A_1361 : vector<16xi32>
    %select_n3A_1363 = arith.select %lt3A_1359, %add3A_1362, %broadcast_in_dim3A_1356 : vector<16xi1>, vector<16xi32>
    %broadcast_in_dim3A_1364 = vector.shape_cast %select_n3A_1363 : vector<16xi32> to vector<16x1xi32>
    %gather3A_1365 = vector.shape_cast %broadcast_in_dim3A_1364 : vector<16x1xi32> to vector<16xi32>
    %gather3A_1366 = tpu.dynamic_gather %get3A_163[%gather3A_1365] in [0] : vector<16xf32>, vector<16xi32> -> vector<16xf32>
    %broadcast_in_dim3A_1367 = arith.constant 7 : i32
    %broadcast_in_dim3A_1368 = vector.broadcast %broadcast_in_dim3A_1367 : i32 to vector<16xi32>
    %lt3A_1369 = arith.constant 0 : i32
    %lt3A_1370 = vector.broadcast %lt3A_1369 : i32 to vector<16xi32>
    %lt3A_1371 = arith.cmpi slt, %broadcast_in_dim3A_1368, %lt3A_1370 : vector<16xi32>
    %add3A_1372 = arith.constant 16 : i32
    %add3A_1373 = vector.broadcast %add3A_1372 : i32 to vector<16xi32>
    %add3A_1374 = arith.addi %broadcast_in_dim3A_1368, %add3A_1373 : vector<16xi32>
    %select_n3A_1375 = arith.select %lt3A_1371, %add3A_1374, %broadcast_in_dim3A_1368 : vector<16xi1>, vector<16xi32>
    %broadcast_in_dim3A_1376 = vector.shape_cast %select_n3A_1375 : vector<16xi32> to vector<16x1xi32>
    %gather3A_1377 = vector.shape_cast %broadcast_in_dim3A_1376 : vector<16x1xi32> to vector<16xi32>
    %gather3A_1378 = tpu.dynamic_gather %get3A_163[%gather3A_1377] in [0] : vector<16xf32>, vector<16xi32> -> vector<16xf32>
    %broadcast_in_dim3A_1379 = arith.constant 8 : i32
    %broadcast_in_dim3A_1380 = vector.broadcast %broadcast_in_dim3A_1379 : i32 to vector<16xi32>
    %lt3A_1381 = arith.constant 0 : i32
    %lt3A_1382 = vector.broadcast %lt3A_1381 : i32 to vector<16xi32>
    %lt3A_1383 = arith.cmpi slt, %broadcast_in_dim3A_1380, %lt3A_1382 : vector<16xi32>
    %add3A_1384 = arith.constant 16 : i32
    %add3A_1385 = vector.broadcast %add3A_1384 : i32 to vector<16xi32>
    %add3A_1386 = arith.addi %broadcast_in_dim3A_1380, %add3A_1385 : vector<16xi32>
    %select_n3A_1387 = arith.select %lt3A_1383, %add3A_1386, %broadcast_in_dim3A_1380 : vector<16xi1>, vector<16xi32>
    %broadcast_in_dim3A_1388 = vector.shape_cast %select_n3A_1387 : vector<16xi32> to vector<16x1xi32>
    %gather3A_1389 = vector.shape_cast %broadcast_in_dim3A_1388 : vector<16x1xi32> to vector<16xi32>
    %gather3A_1390 = tpu.dynamic_gather %get3A_163[%gather3A_1389] in [0] : vector<16xf32>, vector<16xi32> -> vector<16xf32>
    %broadcast_in_dim3A_1391 = arith.constant 9 : i32
    %broadcast_in_dim3A_1392 = vector.broadcast %broadcast_in_dim3A_1391 : i32 to vector<16xi32>
    %lt3A_1393 = arith.constant 0 : i32
    %lt3A_1394 = vector.broadcast %lt3A_1393 : i32 to vector<16xi32>
    %lt3A_1395 = arith.cmpi slt, %broadcast_in_dim3A_1392, %lt3A_1394 : vector<16xi32>
    %add3A_1396 = arith.constant 16 : i32
    %add3A_1397 = vector.broadcast %add3A_1396 : i32 to vector<16xi32>
    %add3A_1398 = arith.addi %broadcast_in_dim3A_1392, %add3A_1397 : vector<16xi32>
    %select_n3A_1399 = arith.select %lt3A_1395, %add3A_1398, %broadcast_in_dim3A_1392 : vector<16xi1>, vector<16xi32>
    %broadcast_in_dim3A_1400 = vector.shape_cast %select_n3A_1399 : vector<16xi32> to vector<16x1xi32>
    %gather3A_1401 = vector.shape_cast %broadcast_in_dim3A_1400 : vector<16x1xi32> to vector<16xi32>
    %gather3A_1402 = tpu.dynamic_gather %get3A_163[%gather3A_1401] in [0] : vector<16xf32>, vector<16xi32> -> vector<16xf32>
    %broadcast_in_dim3A_1403 = arith.constant 10 : i32
    %broadcast_in_dim3A_1404 = vector.broadcast %broadcast_in_dim3A_1403 : i32 to vector<16xi32>
    %lt3A_1405 = arith.constant 0 : i32
    %lt3A_1406 = vector.broadcast %lt3A_1405 : i32 to vector<16xi32>
    %lt3A_1407 = arith.cmpi slt, %broadcast_in_dim3A_1404, %lt3A_1406 : vector<16xi32>
    %add3A_1408 = arith.constant 16 : i32
    %add3A_1409 = vector.broadcast %add3A_1408 : i32 to vector<16xi32>
    %add3A_1410 = arith.addi %broadcast_in_dim3A_1404, %add3A_1409 : vector<16xi32>
    %select_n3A_1411 = arith.select %lt3A_1407, %add3A_1410, %broadcast_in_dim3A_1404 : vector<16xi1>, vector<16xi32>
    %broadcast_in_dim3A_1412 = vector.shape_cast %select_n3A_1411 : vector<16xi32> to vector<16x1xi32>
    %gather3A_1413 = vector.shape_cast %broadcast_in_dim3A_1412 : vector<16x1xi32> to vector<16xi32>
    %gather3A_1414 = tpu.dynamic_gather %get3A_163[%gather3A_1413] in [0] : vector<16xf32>, vector<16xi32> -> vector<16xf32>
    %broadcast_in_dim3A_1415 = arith.constant 11 : i32
    %broadcast_in_dim3A_1416 = vector.broadcast %broadcast_in_dim3A_1415 : i32 to vector<16xi32>
    %lt3A_1417 = arith.constant 0 : i32
    %lt3A_1418 = vector.broadcast %lt3A_1417 : i32 to vector<16xi32>
    %lt3A_1419 = arith.cmpi slt, %broadcast_in_dim3A_1416, %lt3A_1418 : vector<16xi32>
    %add3A_1420 = arith.constant 16 : i32
    %add3A_1421 = vector.broadcast %add3A_1420 : i32 to vector<16xi32>
    %add3A_1422 = arith.addi %broadcast_in_dim3A_1416, %add3A_1421 : vector<16xi32>
    %select_n3A_1423 = arith.select %lt3A_1419, %add3A_1422, %broadcast_in_dim3A_1416 : vector<16xi1>, vector<16xi32>
    %broadcast_in_dim3A_1424 = vector.shape_cast %select_n3A_1423 : vector<16xi32> to vector<16x1xi32>
    %gather3A_1425 = vector.shape_cast %broadcast_in_dim3A_1424 : vector<16x1xi32> to vector<16xi32>
    %gather3A_1426 = tpu.dynamic_gather %get3A_163[%gather3A_1425] in [0] : vector<16xf32>, vector<16xi32> -> vector<16xf32>
    %broadcast_in_dim3A_1427 = arith.constant 12 : i32
    %broadcast_in_dim3A_1428 = vector.broadcast %broadcast_in_dim3A_1427 : i32 to vector<16xi32>
    %lt3A_1429 = arith.constant 0 : i32
    %lt3A_1430 = vector.broadcast %lt3A_1429 : i32 to vector<16xi32>
    %lt3A_1431 = arith.cmpi slt, %broadcast_in_dim3A_1428, %lt3A_1430 : vector<16xi32>
    %add3A_1432 = arith.constant 16 : i32
    %add3A_1433 = vector.broadcast %add3A_1432 : i32 to vector<16xi32>
    %add3A_1434 = arith.addi %broadcast_in_dim3A_1428, %add3A_1433 : vector<16xi32>
    %select_n3A_1435 = arith.select %lt3A_1431, %add3A_1434, %broadcast_in_dim3A_1428 : vector<16xi1>, vector<16xi32>
    %broadcast_in_dim3A_1436 = vector.shape_cast %select_n3A_1435 : vector<16xi32> to vector<16x1xi32>
    %gather3A_1437 = vector.shape_cast %broadcast_in_dim3A_1436 : vector<16x1xi32> to vector<16xi32>
    %gather3A_1438 = tpu.dynamic_gather %get3A_163[%gather3A_1437] in [0] : vector<16xf32>, vector<16xi32> -> vector<16xf32>
    %broadcast_in_dim3A_1439 = arith.constant 13 : i32
    %broadcast_in_dim3A_1440 = vector.broadcast %broadcast_in_dim3A_1439 : i32 to vector<16xi32>
    %lt3A_1441 = arith.constant 0 : i32
    %lt3A_1442 = vector.broadcast %lt3A_1441 : i32 to vector<16xi32>
    %lt3A_1443 = arith.cmpi slt, %broadcast_in_dim3A_1440, %lt3A_1442 : vector<16xi32>
    %add3A_1444 = arith.constant 16 : i32
    %add3A_1445 = vector.broadcast %add3A_1444 : i32 to vector<16xi32>
    %add3A_1446 = arith.addi %broadcast_in_dim3A_1440, %add3A_1445 : vector<16xi32>
    %select_n3A_1447 = arith.select %lt3A_1443, %add3A_1446, %broadcast_in_dim3A_1440 : vector<16xi1>, vector<16xi32>
    %broadcast_in_dim3A_1448 = vector.shape_cast %select_n3A_1447 : vector<16xi32> to vector<16x1xi32>
    %gather3A_1449 = vector.shape_cast %broadcast_in_dim3A_1448 : vector<16x1xi32> to vector<16xi32>
    %gather3A_1450 = tpu.dynamic_gather %get3A_163[%gather3A_1449] in [0] : vector<16xf32>, vector<16xi32> -> vector<16xf32>
    %broadcast_in_dim3A_1451 = arith.constant 14 : i32
    %broadcast_in_dim3A_1452 = vector.broadcast %broadcast_in_dim3A_1451 : i32 to vector<16xi32>
    %lt3A_1453 = arith.constant 0 : i32
    %lt3A_1454 = vector.broadcast %lt3A_1453 : i32 to vector<16xi32>
    %lt3A_1455 = arith.cmpi slt, %broadcast_in_dim3A_1452, %lt3A_1454 : vector<16xi32>
    %add3A_1456 = arith.constant 16 : i32
    %add3A_1457 = vector.broadcast %add3A_1456 : i32 to vector<16xi32>
    %add3A_1458 = arith.addi %broadcast_in_dim3A_1452, %add3A_1457 : vector<16xi32>
    %select_n3A_1459 = arith.select %lt3A_1455, %add3A_1458, %broadcast_in_dim3A_1452 : vector<16xi1>, vector<16xi32>
    %broadcast_in_dim3A_1460 = vector.shape_cast %select_n3A_1459 : vector<16xi32> to vector<16x1xi32>
    %gather3A_1461 = vector.shape_cast %broadcast_in_dim3A_1460 : vector<16x1xi32> to vector<16xi32>
    %gather3A_1462 = tpu.dynamic_gather %get3A_163[%gather3A_1461] in [0] : vector<16xf32>, vector<16xi32> -> vector<16xf32>
    %broadcast_in_dim3A_1463 = arith.constant 15 : i32
    %broadcast_in_dim3A_1464 = vector.broadcast %broadcast_in_dim3A_1463 : i32 to vector<16xi32>
    %lt3A_1465 = arith.constant 0 : i32
    %lt3A_1466 = vector.broadcast %lt3A_1465 : i32 to vector<16xi32>
    %lt3A_1467 = arith.cmpi slt, %broadcast_in_dim3A_1464, %lt3A_1466 : vector<16xi32>
    %add3A_1468 = arith.constant 16 : i32
    %add3A_1469 = vector.broadcast %add3A_1468 : i32 to vector<16xi32>
    %add3A_1470 = arith.addi %broadcast_in_dim3A_1464, %add3A_1469 : vector<16xi32>
    %select_n3A_1471 = arith.select %lt3A_1467, %add3A_1470, %broadcast_in_dim3A_1464 : vector<16xi1>, vector<16xi32>
    %broadcast_in_dim3A_1472 = vector.shape_cast %select_n3A_1471 : vector<16xi32> to vector<16x1xi32>
    %gather3A_1473 = vector.shape_cast %broadcast_in_dim3A_1472 : vector<16x1xi32> to vector<16xi32>
    %gather3A_1474 = tpu.dynamic_gather %get3A_163[%gather3A_1473] in [0] : vector<16xf32>, vector<16xi32> -> vector<16xf32>
    %broadcast_in_dim3A_1475 = arith.constant 8 : i32
    %broadcast_in_dim3A_1476 = vector.broadcast %broadcast_in_dim3A_1475 : i32 to vector<16xi32>
    %lt3A_1477 = arith.constant 0 : i32
    %lt3A_1478 = vector.broadcast %lt3A_1477 : i32 to vector<16xi32>
    %lt3A_1479 = arith.cmpi slt, %broadcast_in_dim3A_1476, %lt3A_1478 : vector<16xi32>
    %add3A_1480 = arith.constant 16 : i32
    %add3A_1481 = vector.broadcast %add3A_1480 : i32 to vector<16xi32>
    %add3A_1482 = arith.addi %broadcast_in_dim3A_1476, %add3A_1481 : vector<16xi32>
    %select_n3A_1483 = arith.select %lt3A_1479, %add3A_1482, %broadcast_in_dim3A_1476 : vector<16xi1>, vector<16xi32>
    %broadcast_in_dim3A_1484 = vector.shape_cast %select_n3A_1483 : vector<16xi32> to vector<16x1xi32>
    %gather3A_1485 = vector.shape_cast %broadcast_in_dim3A_1484 : vector<16x1xi32> to vector<16xi32>
    %gather3A_1486 = tpu.dynamic_gather %get3A_157[%gather3A_1485] in [0] : vector<16xf32>, vector<16xi32> -> vector<16xf32>
    %broadcast_in_dim3A_1487 = arith.constant 6 : i32
    %broadcast_in_dim3A_1488 = vector.broadcast %broadcast_in_dim3A_1487 : i32 to vector<16xi32>
    %lt3A_1489 = arith.constant 0 : i32
    %lt3A_1490 = vector.broadcast %lt3A_1489 : i32 to vector<16xi32>
    %lt3A_1491 = arith.cmpi slt, %broadcast_in_dim3A_1488, %lt3A_1490 : vector<16xi32>
    %add3A_1492 = arith.constant 16 : i32
    %add3A_1493 = vector.broadcast %add3A_1492 : i32 to vector<16xi32>
    %add3A_1494 = arith.addi %broadcast_in_dim3A_1488, %add3A_1493 : vector<16xi32>
    %select_n3A_1495 = arith.select %lt3A_1491, %add3A_1494, %broadcast_in_dim3A_1488 : vector<16xi1>, vector<16xi32>
    %broadcast_in_dim3A_1496 = vector.shape_cast %select_n3A_1495 : vector<16xi32> to vector<16x1xi32>
    %gather3A_1497 = vector.shape_cast %broadcast_in_dim3A_1496 : vector<16x1xi32> to vector<16xi32>
    %gather3A_1498 = tpu.dynamic_gather %get3A_171[%gather3A_1497] in [0] : vector<16xf32>, vector<16xi32> -> vector<16xf32>
    %parallel_loop3A_1499 = arith.constant 0 : i32
    %parallel_loop3A_1500 = arith.constant 64 : i32
    %parallel_loop3A_1501 = arith.constant 1 : i32
    scf.for %parallel_loop3A_2977 = %parallel_loop3A_1499 to %parallel_loop3A_1500 step %parallel_loop3A_1501  : i32 {
      %parallel_loop3A_2978 = arith.constant 16 : i32
      %parallel_loop3A_2979 = arith.muli %parallel_loop3A_2977, %parallel_loop3A_2978 : i32
      %parallel_loop3A_2980 = arith.index_cast %parallel_loop3A_2979 : i32 to index
      %parallel_loop3A_2981 = tpu.vector_load %arg7[%parallel_loop3A_2980] {strides = array<i32>} : memref<1024xi32, #tpu.memory_space<vmem>>, vector<16xi32>,
      %parallel_loop3A_2982 = arith.constant 0 : i32
      %parallel_loop3A_2983 = arith.addi %parallel_loop3A_2982, %parallel_loop3A_2979 : i32
      %parallel_loop3A_2984 = arith.index_cast %parallel_loop3A_2983 : i32 to index
      %parallel_loop3A_2985 = tpu.vector_load %arg6[%parallel_loop3A_2984] {strides = array<i32>} : memref<10240xf32, #tpu.memory_space<vmem>>, vector<16xf32>,
      %parallel_loop3A_2986 = arith.constant 1024 : i32
      %parallel_loop3A_2987 = arith.addi %parallel_loop3A_2986, %parallel_loop3A_2979 : i32
      %parallel_loop3A_2988 = arith.index_cast %parallel_loop3A_2987 : i32 to index
      %parallel_loop3A_2989 = tpu.vector_load %arg6[%parallel_loop3A_2988] {strides = array<i32>} : memref<10240xf32, #tpu.memory_space<vmem>>, vector<16xf32>,
      %parallel_loop3A_2990 = arith.constant 2048 : i32
      %parallel_loop3A_2991 = arith.addi %parallel_loop3A_2990, %parallel_loop3A_2979 : i32
      %parallel_loop3A_2992 = arith.index_cast %parallel_loop3A_2991 : i32 to index
      %parallel_loop3A_2993 = tpu.vector_load %arg6[%parallel_loop3A_2992] {strides = array<i32>} : memref<10240xf32, #tpu.memory_space<vmem>>, vector<16xf32>,
      %parallel_loop3A_2994 = arith.constant 3072 : i32
      %parallel_loop3A_2995 = arith.addi %parallel_loop3A_2994, %parallel_loop3A_2979 : i32
      %parallel_loop3A_2996 = arith.index_cast %parallel_loop3A_2995 : i32 to index
      %parallel_loop3A_2997 = tpu.vector_load %arg6[%parallel_loop3A_2996] {strides = array<i32>} : memref<10240xf32, #tpu.memory_space<vmem>>, vector<16xf32>,
      %parallel_loop3A_2998 = arith.constant 4096 : i32
      %parallel_loop3A_2999 = arith.addi %parallel_loop3A_2998, %parallel_loop3A_2979 : i32
      %parallel_loop3A_3000 = arith.index_cast %parallel_loop3A_2999 : i32 to index
      %parallel_loop3A_3001 = tpu.vector_load %arg6[%parallel_loop3A_3000] {strides = array<i32>} : memref<10240xf32, #tpu.memory_space<vmem>>, vector<16xf32>,
      %parallel_loop3A_3002 = arith.constant 5120 : i32
      %parallel_loop3A_3003 = arith.addi %parallel_loop3A_3002, %parallel_loop3A_2979 : i32
      %parallel_loop3A_3004 = arith.index_cast %parallel_loop3A_3003 : i32 to index
      %parallel_loop3A_3005 = tpu.vector_load %arg6[%parallel_loop3A_3004] {strides = array<i32>} : memref<10240xf32, #tpu.memory_space<vmem>>, vector<16xf32>,
      %parallel_loop3A_3006 = arith.constant 6144 : i32
      %parallel_loop3A_3007 = arith.addi %parallel_loop3A_3006, %parallel_loop3A_2979 : i32
      %parallel_loop3A_3008 = arith.index_cast %parallel_loop3A_3007 : i32 to index
      %parallel_loop3A_3009 = tpu.vector_load %arg6[%parallel_loop3A_3008] {strides = array<i32>} : memref<10240xf32, #tpu.memory_space<vmem>>, vector<16xf32>,
      %parallel_loop3A_3010 = arith.constant 7168 : i32
      %parallel_loop3A_3011 = arith.addi %parallel_loop3A_3010, %parallel_loop3A_2979 : i32
      %parallel_loop3A_3012 = arith.index_cast %parallel_loop3A_3011 : i32 to index
      %parallel_loop3A_3013 = tpu.vector_load %arg6[%parallel_loop3A_3012] {strides = array<i32>} : memref<10240xf32, #tpu.memory_space<vmem>>, vector<16xf32>,
      %parallel_loop3A_3014 = arith.constant 8192 : i32
      %parallel_loop3A_3015 = arith.addi %parallel_loop3A_3014, %parallel_loop3A_2979 : i32
      %parallel_loop3A_3016 = arith.index_cast %parallel_loop3A_3015 : i32 to index
      %parallel_loop3A_3017 = tpu.vector_load %arg6[%parallel_loop3A_3016] {strides = array<i32>} : memref<10240xf32, #tpu.memory_space<vmem>>, vector<16xf32>,
      %parallel_loop3A_3018 = arith.constant 9216 : i32
      %parallel_loop3A_3019 = arith.addi %parallel_loop3A_3018, %parallel_loop3A_2979 : i32
      %parallel_loop3A_3020 = arith.index_cast %parallel_loop3A_3019 : i32 to index
      %parallel_loop3A_3021 = tpu.vector_load %arg6[%parallel_loop3A_3020] {strides = array<i32>} : memref<10240xf32, #tpu.memory_space<vmem>>, vector<16xf32>,
      %parallel_loop3A_3022 = arith.mulf %parallel_loop3A_2985, %gather3A_1246 : vector<16xf32>
      %parallel_loop3A_3023 = arith.mulf %parallel_loop3A_2989, %gather3A_1258 : vector<16xf32>
      %parallel_loop3A_3024 = arith.mulf %parallel_loop3A_2993, %gather3A_1270 : vector<16xf32>
      %parallel_loop3A_3025 = arith.mulf %parallel_loop3A_2997, %gather3A_1282 : vector<16xf32>
      %parallel_loop3A_3026 = arith.mulf %parallel_loop3A_3001, %gather3A_1294 : vector<16xf32>
      %parallel_loop3A_3027 = arith.mulf %parallel_loop3A_3005, %gather3A_1306 : vector<16xf32>
      %parallel_loop3A_3028 = arith.mulf %parallel_loop3A_3009, %gather3A_1318 : vector<16xf32>
      %parallel_loop3A_3029 = arith.mulf %parallel_loop3A_3013, %gather3A_1330 : vector<16xf32>
      %parallel_loop3A_3030 = arith.mulf %parallel_loop3A_3017, %gather3A_1342 : vector<16xf32>
      %parallel_loop3A_3031 = arith.mulf %parallel_loop3A_3021, %gather3A_1354 : vector<16xf32>
      %parallel_loop3A_3032 = arith.mulf %parallel_loop3A_2985, %gather3A_1366 : vector<16xf32>
      %parallel_loop3A_3033 = arith.mulf %parallel_loop3A_2989, %gather3A_1378 : vector<16xf32>
      %parallel_loop3A_3034 = arith.mulf %parallel_loop3A_2993, %gather3A_1390 : vector<16xf32>
      %parallel_loop3A_3035 = arith.mulf %parallel_loop3A_2997, %gather3A_1402 : vector<16xf32>
      %parallel_loop3A_3036 = arith.mulf %parallel_loop3A_3001, %gather3A_1414 : vector<16xf32>
      %parallel_loop3A_3037 = arith.mulf %parallel_loop3A_3005, %gather3A_1426 : vector<16xf32>
      %parallel_loop3A_3038 = arith.mulf %parallel_loop3A_3009, %gather3A_1438 : vector<16xf32>
      %parallel_loop3A_3039 = arith.mulf %parallel_loop3A_3013, %gather3A_1450 : vector<16xf32>
      %parallel_loop3A_3040 = arith.mulf %parallel_loop3A_3017, %gather3A_1462 : vector<16xf32>
      %parallel_loop3A_3041 = arith.mulf %parallel_loop3A_3021, %gather3A_1474 : vector<16xf32>
      %parallel_loop3A_3042 = arith.constant 0 : i32
      %parallel_loop3A_3043 = vector.broadcast %parallel_loop3A_3042 : i32 to vector<16xi32>
      %parallel_loop3A_3044 = arith.cmpi eq, %parallel_loop3A_2981, %parallel_loop3A_3043 : vector<16xi32>
      %parallel_loop3A_3045 = arith.addf %parallel_loop3A_3022, %parallel_loop3A_3023 : vector<16xf32>
      %parallel_loop3A_3046 = arith.addf %parallel_loop3A_3024, %parallel_loop3A_3025 : vector<16xf32>
      %parallel_loop3A_3047 = arith.addf %parallel_loop3A_3026, %parallel_loop3A_3027 : vector<16xf32>
      %parallel_loop3A_3048 = arith.addf %parallel_loop3A_3028, %parallel_loop3A_3029 : vector<16xf32>
      %parallel_loop3A_3049 = arith.addf %parallel_loop3A_3030, %parallel_loop3A_3031 : vector<16xf32>
      %parallel_loop3A_3050 = arith.addf %parallel_loop3A_3045, %parallel_loop3A_3046 : vector<16xf32>
      %parallel_loop3A_3051 = arith.addf %parallel_loop3A_3047, %parallel_loop3A_3048 : vector<16xf32>
      %parallel_loop3A_3052 = arith.addf %parallel_loop3A_3049, %gather3A_1486 : vector<16xf32>
      %parallel_loop3A_3053 = arith.addf %parallel_loop3A_3050, %parallel_loop3A_3051 : vector<16xf32>
      %parallel_loop3A_3054 = arith.addf %parallel_loop3A_3053, %parallel_loop3A_3052 : vector<16xf32>
      %parallel_loop3A_3055 = arith.addf %parallel_loop3A_3032, %parallel_loop3A_3033 : vector<16xf32>
      %parallel_loop3A_3056 = arith.addf %parallel_loop3A_3034, %parallel_loop3A_3035 : vector<16xf32>
      %parallel_loop3A_3057 = arith.addf %parallel_loop3A_3036, %parallel_loop3A_3037 : vector<16xf32>
      %parallel_loop3A_3058 = arith.addf %parallel_loop3A_3038, %parallel_loop3A_3039 : vector<16xf32>
      %parallel_loop3A_3059 = arith.addf %parallel_loop3A_3040, %parallel_loop3A_3041 : vector<16xf32>
      %parallel_loop3A_3060 = arith.addf %parallel_loop3A_3055, %parallel_loop3A_3056 : vector<16xf32>
      %parallel_loop3A_3061 = arith.addf %parallel_loop3A_3057, %parallel_loop3A_3058 : vector<16xf32>
      %parallel_loop3A_3062 = arith.addf %parallel_loop3A_3059, %gather3A_1498 : vector<16xf32>
      %parallel_loop3A_3063 = arith.addf %parallel_loop3A_3060, %parallel_loop3A_3061 : vector<16xf32>
      %parallel_loop3A_3064 = arith.addf %parallel_loop3A_3063, %parallel_loop3A_3062 : vector<16xf32>
      %parallel_loop3A_3065 = arith.select %parallel_loop3A_3044, %parallel_loop3A_3054, %parallel_loop3A_3064 : vector<16xi1>, vector<16xf32>
      %parallel_loop3A_3066 = arith.constant 4096 : i32
      %parallel_loop3A_3067 = arith.addi %parallel_loop3A_3066, %parallel_loop3A_2979 : i32
      %parallel_loop3A_3068 = arith.index_cast %parallel_loop3A_3067 : i32 to index
      %parallel_loop3A_3069 = tpu.vector_load %arg8[%parallel_loop3A_3068] {strides = array<i32>} : memref<10240xf32, #tpu.memory_space<vmem>>, vector<16xf32>,
      tpu.vector_store %arg8[%parallel_loop3A_3068], %parallel_loop3A_3065 {strides = array<i32>} : memref<10240xf32, #tpu.memory_space<vmem>>, vector<16xf32>,
    } {sc.loop_unroll_factor = 1 : i64, sc.parallel_access}
    %broadcast_in_dim3A_1502 = arith.constant 2 : i32
    %broadcast_in_dim3A_1503 = vector.broadcast %broadcast_in_dim3A_1502 : i32 to vector<16xi32>
    %lt3A_1504 = arith.constant 0 : i32
    %lt3A_1505 = vector.broadcast %lt3A_1504 : i32 to vector<16xi32>
    %lt3A_1506 = arith.cmpi slt, %broadcast_in_dim3A_1503, %lt3A_1505 : vector<16xi32>
    %add3A_1507 = arith.constant 16 : i32
    %add3A_1508 = vector.broadcast %add3A_1507 : i32 to vector<16xi32>
    %add3A_1509 = arith.addi %broadcast_in_dim3A_1503, %add3A_1508 : vector<16xi32>
    %select_n3A_1510 = arith.select %lt3A_1506, %add3A_1509, %broadcast_in_dim3A_1503 : vector<16xi1>, vector<16xi32>
    %broadcast_in_dim3A_1511 = vector.shape_cast %select_n3A_1510 : vector<16xi32> to vector<16x1xi32>
    %gather3A_1512 = vector.shape_cast %broadcast_in_dim3A_1511 : vector<16x1xi32> to vector<16xi32>
    %gather3A_1513 = tpu.dynamic_gather %get3A_151[%gather3A_1512] in [0] : vector<16xf32>, vector<16xi32> -> vector<16xf32>
    %broadcast_in_dim3A_1514 = arith.constant 3 : i32
    %broadcast_in_dim3A_1515 = vector.broadcast %broadcast_in_dim3A_1514 : i32 to vector<16xi32>
    %lt3A_1516 = arith.constant 0 : i32
    %lt3A_1517 = vector.broadcast %lt3A_1516 : i32 to vector<16xi32>
    %lt3A_1518 = arith.cmpi slt, %broadcast_in_dim3A_1515, %lt3A_1517 : vector<16xi32>
    %add3A_1519 = arith.constant 16 : i32
    %add3A_1520 = vector.broadcast %add3A_1519 : i32 to vector<16xi32>
    %add3A_1521 = arith.addi %broadcast_in_dim3A_1515, %add3A_1520 : vector<16xi32>
    %select_n3A_1522 = arith.select %lt3A_1518, %add3A_1521, %broadcast_in_dim3A_1515 : vector<16xi1>, vector<16xi32>
    %broadcast_in_dim3A_1523 = vector.shape_cast %select_n3A_1522 : vector<16xi32> to vector<16x1xi32>
    %gather3A_1524 = vector.shape_cast %broadcast_in_dim3A_1523 : vector<16x1xi32> to vector<16xi32>
    %gather3A_1525 = tpu.dynamic_gather %get3A_151[%gather3A_1524] in [0] : vector<16xf32>, vector<16xi32> -> vector<16xf32>
    %broadcast_in_dim3A_1526 = arith.constant 4 : i32
    %broadcast_in_dim3A_1527 = vector.broadcast %broadcast_in_dim3A_1526 : i32 to vector<16xi32>
    %lt3A_1528 = arith.constant 0 : i32
    %lt3A_1529 = vector.broadcast %lt3A_1528 : i32 to vector<16xi32>
    %lt3A_1530 = arith.cmpi slt, %broadcast_in_dim3A_1527, %lt3A_1529 : vector<16xi32>
    %add3A_1531 = arith.constant 16 : i32
    %add3A_1532 = vector.broadcast %add3A_1531 : i32 to vector<16xi32>
    %add3A_1533 = arith.addi %broadcast_in_dim3A_1527, %add3A_1532 : vector<16xi32>
    %select_n3A_1534 = arith.select %lt3A_1530, %add3A_1533, %broadcast_in_dim3A_1527 : vector<16xi1>, vector<16xi32>
    %broadcast_in_dim3A_1535 = vector.shape_cast %select_n3A_1534 : vector<16xi32> to vector<16x1xi32>
    %gather3A_1536 = vector.shape_cast %broadcast_in_dim3A_1535 : vector<16x1xi32> to vector<16xi32>
    %gather3A_1537 = tpu.dynamic_gather %get3A_151[%gather3A_1536] in [0] : vector<16xf32>, vector<16xi32> -> vector<16xf32>
    %broadcast_in_dim3A_1538 = arith.constant 5 : i32
    %broadcast_in_dim3A_1539 = vector.broadcast %broadcast_in_dim3A_1538 : i32 to vector<16xi32>
    %lt3A_1540 = arith.constant 0 : i32
    %lt3A_1541 = vector.broadcast %lt3A_1540 : i32 to vector<16xi32>
    %lt3A_1542 = arith.cmpi slt, %broadcast_in_dim3A_1539, %lt3A_1541 : vector<16xi32>
    %add3A_1543 = arith.constant 16 : i32
    %add3A_1544 = vector.broadcast %add3A_1543 : i32 to vector<16xi32>
    %add3A_1545 = arith.addi %broadcast_in_dim3A_1539, %add3A_1544 : vector<16xi32>
    %select_n3A_1546 = arith.select %lt3A_1542, %add3A_1545, %broadcast_in_dim3A_1539 : vector<16xi1>, vector<16xi32>
    %broadcast_in_dim3A_1547 = vector.shape_cast %select_n3A_1546 : vector<16xi32> to vector<16x1xi32>
    %gather3A_1548 = vector.shape_cast %broadcast_in_dim3A_1547 : vector<16x1xi32> to vector<16xi32>
    %gather3A_1549 = tpu.dynamic_gather %get3A_151[%gather3A_1548] in [0] : vector<16xf32>, vector<16xi32> -> vector<16xf32>
    %broadcast_in_dim3A_1550 = arith.constant 6 : i32
    %broadcast_in_dim3A_1551 = vector.broadcast %broadcast_in_dim3A_1550 : i32 to vector<16xi32>
    %lt3A_1552 = arith.constant 0 : i32
    %lt3A_1553 = vector.broadcast %lt3A_1552 : i32 to vector<16xi32>
    %lt3A_1554 = arith.cmpi slt, %broadcast_in_dim3A_1551, %lt3A_1553 : vector<16xi32>
    %add3A_1555 = arith.constant 16 : i32
    %add3A_1556 = vector.broadcast %add3A_1555 : i32 to vector<16xi32>
    %add3A_1557 = arith.addi %broadcast_in_dim3A_1551, %add3A_1556 : vector<16xi32>
    %select_n3A_1558 = arith.select %lt3A_1554, %add3A_1557, %broadcast_in_dim3A_1551 : vector<16xi1>, vector<16xi32>
    %broadcast_in_dim3A_1559 = vector.shape_cast %select_n3A_1558 : vector<16xi32> to vector<16x1xi32>
    %gather3A_1560 = vector.shape_cast %broadcast_in_dim3A_1559 : vector<16x1xi32> to vector<16xi32>
    %gather3A_1561 = tpu.dynamic_gather %get3A_151[%gather3A_1560] in [0] : vector<16xf32>, vector<16xi32> -> vector<16xf32>
    %broadcast_in_dim3A_1562 = arith.constant 7 : i32
    %broadcast_in_dim3A_1563 = vector.broadcast %broadcast_in_dim3A_1562 : i32 to vector<16xi32>
    %lt3A_1564 = arith.constant 0 : i32
    %lt3A_1565 = vector.broadcast %lt3A_1564 : i32 to vector<16xi32>
    %lt3A_1566 = arith.cmpi slt, %broadcast_in_dim3A_1563, %lt3A_1565 : vector<16xi32>
    %add3A_1567 = arith.constant 16 : i32
    %add3A_1568 = vector.broadcast %add3A_1567 : i32 to vector<16xi32>
    %add3A_1569 = arith.addi %broadcast_in_dim3A_1563, %add3A_1568 : vector<16xi32>
    %select_n3A_1570 = arith.select %lt3A_1566, %add3A_1569, %broadcast_in_dim3A_1563 : vector<16xi1>, vector<16xi32>
    %broadcast_in_dim3A_1571 = vector.shape_cast %select_n3A_1570 : vector<16xi32> to vector<16x1xi32>
    %gather3A_1572 = vector.shape_cast %broadcast_in_dim3A_1571 : vector<16x1xi32> to vector<16xi32>
    %gather3A_1573 = tpu.dynamic_gather %get3A_151[%gather3A_1572] in [0] : vector<16xf32>, vector<16xi32> -> vector<16xf32>
    %broadcast_in_dim3A_1574 = arith.constant 8 : i32
    %broadcast_in_dim3A_1575 = vector.broadcast %broadcast_in_dim3A_1574 : i32 to vector<16xi32>
    %lt3A_1576 = arith.constant 0 : i32
    %lt3A_1577 = vector.broadcast %lt3A_1576 : i32 to vector<16xi32>
    %lt3A_1578 = arith.cmpi slt, %broadcast_in_dim3A_1575, %lt3A_1577 : vector<16xi32>
    %add3A_1579 = arith.constant 16 : i32
    %add3A_1580 = vector.broadcast %add3A_1579 : i32 to vector<16xi32>
    %add3A_1581 = arith.addi %broadcast_in_dim3A_1575, %add3A_1580 : vector<16xi32>
    %select_n3A_1582 = arith.select %lt3A_1578, %add3A_1581, %broadcast_in_dim3A_1575 : vector<16xi1>, vector<16xi32>
    %broadcast_in_dim3A_1583 = vector.shape_cast %select_n3A_1582 : vector<16xi32> to vector<16x1xi32>
    %gather3A_1584 = vector.shape_cast %broadcast_in_dim3A_1583 : vector<16x1xi32> to vector<16xi32>
    %gather3A_1585 = tpu.dynamic_gather %get3A_151[%gather3A_1584] in [0] : vector<16xf32>, vector<16xi32> -> vector<16xf32>
    %broadcast_in_dim3A_1586 = arith.constant 9 : i32
    %broadcast_in_dim3A_1587 = vector.broadcast %broadcast_in_dim3A_1586 : i32 to vector<16xi32>
    %lt3A_1588 = arith.constant 0 : i32
    %lt3A_1589 = vector.broadcast %lt3A_1588 : i32 to vector<16xi32>
    %lt3A_1590 = arith.cmpi slt, %broadcast_in_dim3A_1587, %lt3A_1589 : vector<16xi32>
    %add3A_1591 = arith.constant 16 : i32
    %add3A_1592 = vector.broadcast %add3A_1591 : i32 to vector<16xi32>
    %add3A_1593 = arith.addi %broadcast_in_dim3A_1587, %add3A_1592 : vector<16xi32>
    %select_n3A_1594 = arith.select %lt3A_1590, %add3A_1593, %broadcast_in_dim3A_1587 : vector<16xi1>, vector<16xi32>
    %broadcast_in_dim3A_1595 = vector.shape_cast %select_n3A_1594 : vector<16xi32> to vector<16x1xi32>
    %gather3A_1596 = vector.shape_cast %broadcast_in_dim3A_1595 : vector<16x1xi32> to vector<16xi32>
    %gather3A_1597 = tpu.dynamic_gather %get3A_151[%gather3A_1596] in [0] : vector<16xf32>, vector<16xi32> -> vector<16xf32>
    %broadcast_in_dim3A_1598 = arith.constant 10 : i32
    %broadcast_in_dim3A_1599 = vector.broadcast %broadcast_in_dim3A_1598 : i32 to vector<16xi32>
    %lt3A_1600 = arith.constant 0 : i32
    %lt3A_1601 = vector.broadcast %lt3A_1600 : i32 to vector<16xi32>
    %lt3A_1602 = arith.cmpi slt, %broadcast_in_dim3A_1599, %lt3A_1601 : vector<16xi32>
    %add3A_1603 = arith.constant 16 : i32
    %add3A_1604 = vector.broadcast %add3A_1603 : i32 to vector<16xi32>
    %add3A_1605 = arith.addi %broadcast_in_dim3A_1599, %add3A_1604 : vector<16xi32>
    %select_n3A_1606 = arith.select %lt3A_1602, %add3A_1605, %broadcast_in_dim3A_1599 : vector<16xi1>, vector<16xi32>
    %broadcast_in_dim3A_1607 = vector.shape_cast %select_n3A_1606 : vector<16xi32> to vector<16x1xi32>
    %gather3A_1608 = vector.shape_cast %broadcast_in_dim3A_1607 : vector<16x1xi32> to vector<16xi32>
    %gather3A_1609 = tpu.dynamic_gather %get3A_151[%gather3A_1608] in [0] : vector<16xf32>, vector<16xi32> -> vector<16xf32>
    %broadcast_in_dim3A_1610 = arith.constant 11 : i32
    %broadcast_in_dim3A_1611 = vector.broadcast %broadcast_in_dim3A_1610 : i32 to vector<16xi32>
    %lt3A_1612 = arith.constant 0 : i32
    %lt3A_1613 = vector.broadcast %lt3A_1612 : i32 to vector<16xi32>
    %lt3A_1614 = arith.cmpi slt, %broadcast_in_dim3A_1611, %lt3A_1613 : vector<16xi32>
    %add3A_1615 = arith.constant 16 : i32
    %add3A_1616 = vector.broadcast %add3A_1615 : i32 to vector<16xi32>
    %add3A_1617 = arith.addi %broadcast_in_dim3A_1611, %add3A_1616 : vector<16xi32>
    %select_n3A_1618 = arith.select %lt3A_1614, %add3A_1617, %broadcast_in_dim3A_1611 : vector<16xi1>, vector<16xi32>
    %broadcast_in_dim3A_1619 = vector.shape_cast %select_n3A_1618 : vector<16xi32> to vector<16x1xi32>
    %gather3A_1620 = vector.shape_cast %broadcast_in_dim3A_1619 : vector<16x1xi32> to vector<16xi32>
    %gather3A_1621 = tpu.dynamic_gather %get3A_151[%gather3A_1620] in [0] : vector<16xf32>, vector<16xi32> -> vector<16xf32>
    %broadcast_in_dim3A_1622 = arith.constant 0 : i32
    %broadcast_in_dim3A_1623 = vector.broadcast %broadcast_in_dim3A_1622 : i32 to vector<16xi32>
    %lt3A_1624 = arith.constant 0 : i32
    %lt3A_1625 = vector.broadcast %lt3A_1624 : i32 to vector<16xi32>
    %lt3A_1626 = arith.cmpi slt, %broadcast_in_dim3A_1623, %lt3A_1625 : vector<16xi32>
    %add3A_1627 = arith.constant 16 : i32
    %add3A_1628 = vector.broadcast %add3A_1627 : i32 to vector<16xi32>
    %add3A_1629 = arith.addi %broadcast_in_dim3A_1623, %add3A_1628 : vector<16xi32>
    %select_n3A_1630 = arith.select %lt3A_1626, %add3A_1629, %broadcast_in_dim3A_1623 : vector<16xi1>, vector<16xi32>
    %broadcast_in_dim3A_1631 = vector.shape_cast %select_n3A_1630 : vector<16xi32> to vector<16x1xi32>
    %gather3A_1632 = vector.shape_cast %broadcast_in_dim3A_1631 : vector<16x1xi32> to vector<16xi32>
    %gather3A_1633 = tpu.dynamic_gather %get3A_165[%gather3A_1632] in [0] : vector<16xf32>, vector<16xi32> -> vector<16xf32>
    %broadcast_in_dim3A_1634 = arith.constant 1 : i32
    %broadcast_in_dim3A_1635 = vector.broadcast %broadcast_in_dim3A_1634 : i32 to vector<16xi32>
    %lt3A_1636 = arith.constant 0 : i32
    %lt3A_1637 = vector.broadcast %lt3A_1636 : i32 to vector<16xi32>
    %lt3A_1638 = arith.cmpi slt, %broadcast_in_dim3A_1635, %lt3A_1637 : vector<16xi32>
    %add3A_1639 = arith.constant 16 : i32
    %add3A_1640 = vector.broadcast %add3A_1639 : i32 to vector<16xi32>
    %add3A_1641 = arith.addi %broadcast_in_dim3A_1635, %add3A_1640 : vector<16xi32>
    %select_n3A_1642 = arith.select %lt3A_1638, %add3A_1641, %broadcast_in_dim3A_1635 : vector<16xi1>, vector<16xi32>
    %broadcast_in_dim3A_1643 = vector.shape_cast %select_n3A_1642 : vector<16xi32> to vector<16x1xi32>
    %gather3A_1644 = vector.shape_cast %broadcast_in_dim3A_1643 : vector<16x1xi32> to vector<16xi32>
    %gather3A_1645 = tpu.dynamic_gather %get3A_165[%gather3A_1644] in [0] : vector<16xf32>, vector<16xi32> -> vector<16xf32>
    %broadcast_in_dim3A_1646 = arith.constant 2 : i32
    %broadcast_in_dim3A_1647 = vector.broadcast %broadcast_in_dim3A_1646 : i32 to vector<16xi32>
    %lt3A_1648 = arith.constant 0 : i32
    %lt3A_1649 = vector.broadcast %lt3A_1648 : i32 to vector<16xi32>
    %lt3A_1650 = arith.cmpi slt, %broadcast_in_dim3A_1647, %lt3A_1649 : vector<16xi32>
    %add3A_1651 = arith.constant 16 : i32
    %add3A_1652 = vector.broadcast %add3A_1651 : i32 to vector<16xi32>
    %add3A_1653 = arith.addi %broadcast_in_dim3A_1647, %add3A_1652 : vector<16xi32>
    %select_n3A_1654 = arith.select %lt3A_1650, %add3A_1653, %broadcast_in_dim3A_1647 : vector<16xi1>, vector<16xi32>
    %broadcast_in_dim3A_1655 = vector.shape_cast %select_n3A_1654 : vector<16xi32> to vector<16x1xi32>
    %gather3A_1656 = vector.shape_cast %broadcast_in_dim3A_1655 : vector<16x1xi32> to vector<16xi32>
    %gather3A_1657 = tpu.dynamic_gather %get3A_165[%gather3A_1656] in [0] : vector<16xf32>, vector<16xi32> -> vector<16xf32>
    %broadcast_in_dim3A_1658 = arith.constant 3 : i32
    %broadcast_in_dim3A_1659 = vector.broadcast %broadcast_in_dim3A_1658 : i32 to vector<16xi32>
    %lt3A_1660 = arith.constant 0 : i32
    %lt3A_1661 = vector.broadcast %lt3A_1660 : i32 to vector<16xi32>
    %lt3A_1662 = arith.cmpi slt, %broadcast_in_dim3A_1659, %lt3A_1661 : vector<16xi32>
    %add3A_1663 = arith.constant 16 : i32
    %add3A_1664 = vector.broadcast %add3A_1663 : i32 to vector<16xi32>
    %add3A_1665 = arith.addi %broadcast_in_dim3A_1659, %add3A_1664 : vector<16xi32>
    %select_n3A_1666 = arith.select %lt3A_1662, %add3A_1665, %broadcast_in_dim3A_1659 : vector<16xi1>, vector<16xi32>
    %broadcast_in_dim3A_1667 = vector.shape_cast %select_n3A_1666 : vector<16xi32> to vector<16x1xi32>
    %gather3A_1668 = vector.shape_cast %broadcast_in_dim3A_1667 : vector<16x1xi32> to vector<16xi32>
    %gather3A_1669 = tpu.dynamic_gather %get3A_165[%gather3A_1668] in [0] : vector<16xf32>, vector<16xi32> -> vector<16xf32>
    %broadcast_in_dim3A_1670 = arith.constant 4 : i32
    %broadcast_in_dim3A_1671 = vector.broadcast %broadcast_in_dim3A_1670 : i32 to vector<16xi32>
    %lt3A_1672 = arith.constant 0 : i32
    %lt3A_1673 = vector.broadcast %lt3A_1672 : i32 to vector<16xi32>
    %lt3A_1674 = arith.cmpi slt, %broadcast_in_dim3A_1671, %lt3A_1673 : vector<16xi32>
    %add3A_1675 = arith.constant 16 : i32
    %add3A_1676 = vector.broadcast %add3A_1675 : i32 to vector<16xi32>
    %add3A_1677 = arith.addi %broadcast_in_dim3A_1671, %add3A_1676 : vector<16xi32>
    %select_n3A_1678 = arith.select %lt3A_1674, %add3A_1677, %broadcast_in_dim3A_1671 : vector<16xi1>, vector<16xi32>
    %broadcast_in_dim3A_1679 = vector.shape_cast %select_n3A_1678 : vector<16xi32> to vector<16x1xi32>
    %gather3A_1680 = vector.shape_cast %broadcast_in_dim3A_1679 : vector<16x1xi32> to vector<16xi32>
    %gather3A_1681 = tpu.dynamic_gather %get3A_165[%gather3A_1680] in [0] : vector<16xf32>, vector<16xi32> -> vector<16xf32>
    %broadcast_in_dim3A_1682 = arith.constant 5 : i32
    %broadcast_in_dim3A_1683 = vector.broadcast %broadcast_in_dim3A_1682 : i32 to vector<16xi32>
    %lt3A_1684 = arith.constant 0 : i32
    %lt3A_1685 = vector.broadcast %lt3A_1684 : i32 to vector<16xi32>
    %lt3A_1686 = arith.cmpi slt, %broadcast_in_dim3A_1683, %lt3A_1685 : vector<16xi32>
    %add3A_1687 = arith.constant 16 : i32
    %add3A_1688 = vector.broadcast %add3A_1687 : i32 to vector<16xi32>
    %add3A_1689 = arith.addi %broadcast_in_dim3A_1683, %add3A_1688 : vector<16xi32>
    %select_n3A_1690 = arith.select %lt3A_1686, %add3A_1689, %broadcast_in_dim3A_1683 : vector<16xi1>, vector<16xi32>
    %broadcast_in_dim3A_1691 = vector.shape_cast %select_n3A_1690 : vector<16xi32> to vector<16x1xi32>
    %gather3A_1692 = vector.shape_cast %broadcast_in_dim3A_1691 : vector<16x1xi32> to vector<16xi32>
    %gather3A_1693 = tpu.dynamic_gather %get3A_165[%gather3A_1692] in [0] : vector<16xf32>, vector<16xi32> -> vector<16xf32>
    %broadcast_in_dim3A_1694 = arith.constant 6 : i32
    %broadcast_in_dim3A_1695 = vector.broadcast %broadcast_in_dim3A_1694 : i32 to vector<16xi32>
    %lt3A_1696 = arith.constant 0 : i32
    %lt3A_1697 = vector.broadcast %lt3A_1696 : i32 to vector<16xi32>
    %lt3A_1698 = arith.cmpi slt, %broadcast_in_dim3A_1695, %lt3A_1697 : vector<16xi32>
    %add3A_1699 = arith.constant 16 : i32
    %add3A_1700 = vector.broadcast %add3A_1699 : i32 to vector<16xi32>
    %add3A_1701 = arith.addi %broadcast_in_dim3A_1695, %add3A_1700 : vector<16xi32>
    %select_n3A_1702 = arith.select %lt3A_1698, %add3A_1701, %broadcast_in_dim3A_1695 : vector<16xi1>, vector<16xi32>
    %broadcast_in_dim3A_1703 = vector.shape_cast %select_n3A_1702 : vector<16xi32> to vector<16x1xi32>
    %gather3A_1704 = vector.shape_cast %broadcast_in_dim3A_1703 : vector<16x1xi32> to vector<16xi32>
    %gather3A_1705 = tpu.dynamic_gather %get3A_165[%gather3A_1704] in [0] : vector<16xf32>, vector<16xi32> -> vector<16xf32>
    %broadcast_in_dim3A_1706 = arith.constant 7 : i32
    %broadcast_in_dim3A_1707 = vector.broadcast %broadcast_in_dim3A_1706 : i32 to vector<16xi32>
    %lt3A_1708 = arith.constant 0 : i32
    %lt3A_1709 = vector.broadcast %lt3A_1708 : i32 to vector<16xi32>
    %lt3A_1710 = arith.cmpi slt, %broadcast_in_dim3A_1707, %lt3A_1709 : vector<16xi32>
    %add3A_1711 = arith.constant 16 : i32
    %add3A_1712 = vector.broadcast %add3A_1711 : i32 to vector<16xi32>
    %add3A_1713 = arith.addi %broadcast_in_dim3A_1707, %add3A_1712 : vector<16xi32>
    %select_n3A_1714 = arith.select %lt3A_1710, %add3A_1713, %broadcast_in_dim3A_1707 : vector<16xi1>, vector<16xi32>
    %broadcast_in_dim3A_1715 = vector.shape_cast %select_n3A_1714 : vector<16xi32> to vector<16x1xi32>
    %gather3A_1716 = vector.shape_cast %broadcast_in_dim3A_1715 : vector<16x1xi32> to vector<16xi32>
    %gather3A_1717 = tpu.dynamic_gather %get3A_165[%gather3A_1716] in [0] : vector<16xf32>, vector<16xi32> -> vector<16xf32>
    %broadcast_in_dim3A_1718 = arith.constant 8 : i32
    %broadcast_in_dim3A_1719 = vector.broadcast %broadcast_in_dim3A_1718 : i32 to vector<16xi32>
    %lt3A_1720 = arith.constant 0 : i32
    %lt3A_1721 = vector.broadcast %lt3A_1720 : i32 to vector<16xi32>
    %lt3A_1722 = arith.cmpi slt, %broadcast_in_dim3A_1719, %lt3A_1721 : vector<16xi32>
    %add3A_1723 = arith.constant 16 : i32
    %add3A_1724 = vector.broadcast %add3A_1723 : i32 to vector<16xi32>
    %add3A_1725 = arith.addi %broadcast_in_dim3A_1719, %add3A_1724 : vector<16xi32>
    %select_n3A_1726 = arith.select %lt3A_1722, %add3A_1725, %broadcast_in_dim3A_1719 : vector<16xi1>, vector<16xi32>
    %broadcast_in_dim3A_1727 = vector.shape_cast %select_n3A_1726 : vector<16xi32> to vector<16x1xi32>
    %gather3A_1728 = vector.shape_cast %broadcast_in_dim3A_1727 : vector<16x1xi32> to vector<16xi32>
    %gather3A_1729 = tpu.dynamic_gather %get3A_165[%gather3A_1728] in [0] : vector<16xf32>, vector<16xi32> -> vector<16xf32>
    %broadcast_in_dim3A_1730 = arith.constant 9 : i32
    %broadcast_in_dim3A_1731 = vector.broadcast %broadcast_in_dim3A_1730 : i32 to vector<16xi32>
    %lt3A_1732 = arith.constant 0 : i32
    %lt3A_1733 = vector.broadcast %lt3A_1732 : i32 to vector<16xi32>
    %lt3A_1734 = arith.cmpi slt, %broadcast_in_dim3A_1731, %lt3A_1733 : vector<16xi32>
    %add3A_1735 = arith.constant 16 : i32
    %add3A_1736 = vector.broadcast %add3A_1735 : i32 to vector<16xi32>
    %add3A_1737 = arith.addi %broadcast_in_dim3A_1731, %add3A_1736 : vector<16xi32>
    %select_n3A_1738 = arith.select %lt3A_1734, %add3A_1737, %broadcast_in_dim3A_1731 : vector<16xi1>, vector<16xi32>
    %broadcast_in_dim3A_1739 = vector.shape_cast %select_n3A_1738 : vector<16xi32> to vector<16x1xi32>
    %gather3A_1740 = vector.shape_cast %broadcast_in_dim3A_1739 : vector<16x1xi32> to vector<16xi32>
    %gather3A_1741 = tpu.dynamic_gather %get3A_165[%gather3A_1740] in [0] : vector<16xf32>, vector<16xi32> -> vector<16xf32>
    %broadcast_in_dim3A_1742 = arith.constant 9 : i32
    %broadcast_in_dim3A_1743 = vector.broadcast %broadcast_in_dim3A_1742 : i32 to vector<16xi32>
    %lt3A_1744 = arith.constant 0 : i32
    %lt3A_1745 = vector.broadcast %lt3A_1744 : i32 to vector<16xi32>
    %lt3A_1746 = arith.cmpi slt, %broadcast_in_dim3A_1743, %lt3A_1745 : vector<16xi32>
    %add3A_1747 = arith.constant 16 : i32
    %add3A_1748 = vector.broadcast %add3A_1747 : i32 to vector<16xi32>
    %add3A_1749 = arith.addi %broadcast_in_dim3A_1743, %add3A_1748 : vector<16xi32>
    %select_n3A_1750 = arith.select %lt3A_1746, %add3A_1749, %broadcast_in_dim3A_1743 : vector<16xi1>, vector<16xi32>
    %broadcast_in_dim3A_1751 = vector.shape_cast %select_n3A_1750 : vector<16xi32> to vector<16x1xi32>
    %gather3A_1752 = vector.shape_cast %broadcast_in_dim3A_1751 : vector<16x1xi32> to vector<16xi32>
    %gather3A_1753 = tpu.dynamic_gather %get3A_157[%gather3A_1752] in [0] : vector<16xf32>, vector<16xi32> -> vector<16xf32>
    %broadcast_in_dim3A_1754 = arith.constant 7 : i32
    %broadcast_in_dim3A_1755 = vector.broadcast %broadcast_in_dim3A_1754 : i32 to vector<16xi32>
    %lt3A_1756 = arith.constant 0 : i32
    %lt3A_1757 = vector.broadcast %lt3A_1756 : i32 to vector<16xi32>
    %lt3A_1758 = arith.cmpi slt, %broadcast_in_dim3A_1755, %lt3A_1757 : vector<16xi32>
    %add3A_1759 = arith.constant 16 : i32
    %add3A_1760 = vector.broadcast %add3A_1759 : i32 to vector<16xi32>
    %add3A_1761 = arith.addi %broadcast_in_dim3A_1755, %add3A_1760 : vector<16xi32>
    %select_n3A_1762 = arith.select %lt3A_1758, %add3A_1761, %broadcast_in_dim3A_1755 : vector<16xi1>, vector<16xi32>
    %broadcast_in_dim3A_1763 = vector.shape_cast %select_n3A_1762 : vector<16xi32> to vector<16x1xi32>
    %gather3A_1764 = vector.shape_cast %broadcast_in_dim3A_1763 : vector<16x1xi32> to vector<16xi32>
    %gather3A_1765 = tpu.dynamic_gather %get3A_171[%gather3A_1764] in [0] : vector<16xf32>, vector<16xi32> -> vector<16xf32>
    %parallel_loop3A_1766 = arith.constant 0 : i32
    %parallel_loop3A_1767 = arith.constant 64 : i32
    %parallel_loop3A_1768 = arith.constant 1 : i32
    scf.for %parallel_loop3A_2977 = %parallel_loop3A_1766 to %parallel_loop3A_1767 step %parallel_loop3A_1768  : i32 {
      %parallel_loop3A_2978 = arith.constant 16 : i32
      %parallel_loop3A_2979 = arith.muli %parallel_loop3A_2977, %parallel_loop3A_2978 : i32
      %parallel_loop3A_2980 = arith.index_cast %parallel_loop3A_2979 : i32 to index
      %parallel_loop3A_2981 = tpu.vector_load %arg7[%parallel_loop3A_2980] {strides = array<i32>} : memref<1024xi32, #tpu.memory_space<vmem>>, vector<16xi32>,
      %parallel_loop3A_2982 = arith.constant 0 : i32
      %parallel_loop3A_2983 = arith.addi %parallel_loop3A_2982, %parallel_loop3A_2979 : i32
      %parallel_loop3A_2984 = arith.index_cast %parallel_loop3A_2983 : i32 to index
      %parallel_loop3A_2985 = tpu.vector_load %arg6[%parallel_loop3A_2984] {strides = array<i32>} : memref<10240xf32, #tpu.memory_space<vmem>>, vector<16xf32>,
      %parallel_loop3A_2986 = arith.constant 1024 : i32
      %parallel_loop3A_2987 = arith.addi %parallel_loop3A_2986, %parallel_loop3A_2979 : i32
      %parallel_loop3A_2988 = arith.index_cast %parallel_loop3A_2987 : i32 to index
      %parallel_loop3A_2989 = tpu.vector_load %arg6[%parallel_loop3A_2988] {strides = array<i32>} : memref<10240xf32, #tpu.memory_space<vmem>>, vector<16xf32>,
      %parallel_loop3A_2990 = arith.constant 2048 : i32
      %parallel_loop3A_2991 = arith.addi %parallel_loop3A_2990, %parallel_loop3A_2979 : i32
      %parallel_loop3A_2992 = arith.index_cast %parallel_loop3A_2991 : i32 to index
      %parallel_loop3A_2993 = tpu.vector_load %arg6[%parallel_loop3A_2992] {strides = array<i32>} : memref<10240xf32, #tpu.memory_space<vmem>>, vector<16xf32>,
      %parallel_loop3A_2994 = arith.constant 3072 : i32
      %parallel_loop3A_2995 = arith.addi %parallel_loop3A_2994, %parallel_loop3A_2979 : i32
      %parallel_loop3A_2996 = arith.index_cast %parallel_loop3A_2995 : i32 to index
      %parallel_loop3A_2997 = tpu.vector_load %arg6[%parallel_loop3A_2996] {strides = array<i32>} : memref<10240xf32, #tpu.memory_space<vmem>>, vector<16xf32>,
      %parallel_loop3A_2998 = arith.constant 4096 : i32
      %parallel_loop3A_2999 = arith.addi %parallel_loop3A_2998, %parallel_loop3A_2979 : i32
      %parallel_loop3A_3000 = arith.index_cast %parallel_loop3A_2999 : i32 to index
      %parallel_loop3A_3001 = tpu.vector_load %arg6[%parallel_loop3A_3000] {strides = array<i32>} : memref<10240xf32, #tpu.memory_space<vmem>>, vector<16xf32>,
      %parallel_loop3A_3002 = arith.constant 5120 : i32
      %parallel_loop3A_3003 = arith.addi %parallel_loop3A_3002, %parallel_loop3A_2979 : i32
      %parallel_loop3A_3004 = arith.index_cast %parallel_loop3A_3003 : i32 to index
      %parallel_loop3A_3005 = tpu.vector_load %arg6[%parallel_loop3A_3004] {strides = array<i32>} : memref<10240xf32, #tpu.memory_space<vmem>>, vector<16xf32>,
      %parallel_loop3A_3006 = arith.constant 6144 : i32
      %parallel_loop3A_3007 = arith.addi %parallel_loop3A_3006, %parallel_loop3A_2979 : i32
      %parallel_loop3A_3008 = arith.index_cast %parallel_loop3A_3007 : i32 to index
      %parallel_loop3A_3009 = tpu.vector_load %arg6[%parallel_loop3A_3008] {strides = array<i32>} : memref<10240xf32, #tpu.memory_space<vmem>>, vector<16xf32>,
      %parallel_loop3A_3010 = arith.constant 7168 : i32
      %parallel_loop3A_3011 = arith.addi %parallel_loop3A_3010, %parallel_loop3A_2979 : i32
      %parallel_loop3A_3012 = arith.index_cast %parallel_loop3A_3011 : i32 to index
      %parallel_loop3A_3013 = tpu.vector_load %arg6[%parallel_loop3A_3012] {strides = array<i32>} : memref<10240xf32, #tpu.memory_space<vmem>>, vector<16xf32>,
      %parallel_loop3A_3014 = arith.constant 8192 : i32
      %parallel_loop3A_3015 = arith.addi %parallel_loop3A_3014, %parallel_loop3A_2979 : i32
      %parallel_loop3A_3016 = arith.index_cast %parallel_loop3A_3015 : i32 to index
      %parallel_loop3A_3017 = tpu.vector_load %arg6[%parallel_loop3A_3016] {strides = array<i32>} : memref<10240xf32, #tpu.memory_space<vmem>>, vector<16xf32>,
      %parallel_loop3A_3018 = arith.constant 9216 : i32
      %parallel_loop3A_3019 = arith.addi %parallel_loop3A_3018, %parallel_loop3A_2979 : i32
      %parallel_loop3A_3020 = arith.index_cast %parallel_loop3A_3019 : i32 to index
      %parallel_loop3A_3021 = tpu.vector_load %arg6[%parallel_loop3A_3020] {strides = array<i32>} : memref<10240xf32, #tpu.memory_space<vmem>>, vector<16xf32>,
      %parallel_loop3A_3022 = arith.mulf %parallel_loop3A_2985, %gather3A_1513 : vector<16xf32>
      %parallel_loop3A_3023 = arith.mulf %parallel_loop3A_2989, %gather3A_1525 : vector<16xf32>
      %parallel_loop3A_3024 = arith.mulf %parallel_loop3A_2993, %gather3A_1537 : vector<16xf32>
      %parallel_loop3A_3025 = arith.mulf %parallel_loop3A_2997, %gather3A_1549 : vector<16xf32>
      %parallel_loop3A_3026 = arith.mulf %parallel_loop3A_3001, %gather3A_1561 : vector<16xf32>
      %parallel_loop3A_3027 = arith.mulf %parallel_loop3A_3005, %gather3A_1573 : vector<16xf32>
      %parallel_loop3A_3028 = arith.mulf %parallel_loop3A_3009, %gather3A_1585 : vector<16xf32>
      %parallel_loop3A_3029 = arith.mulf %parallel_loop3A_3013, %gather3A_1597 : vector<16xf32>
      %parallel_loop3A_3030 = arith.mulf %parallel_loop3A_3017, %gather3A_1609 : vector<16xf32>
      %parallel_loop3A_3031 = arith.mulf %parallel_loop3A_3021, %gather3A_1621 : vector<16xf32>
      %parallel_loop3A_3032 = arith.mulf %parallel_loop3A_2985, %gather3A_1633 : vector<16xf32>
      %parallel_loop3A_3033 = arith.mulf %parallel_loop3A_2989, %gather3A_1645 : vector<16xf32>
      %parallel_loop3A_3034 = arith.mulf %parallel_loop3A_2993, %gather3A_1657 : vector<16xf32>
      %parallel_loop3A_3035 = arith.mulf %parallel_loop3A_2997, %gather3A_1669 : vector<16xf32>
      %parallel_loop3A_3036 = arith.mulf %parallel_loop3A_3001, %gather3A_1681 : vector<16xf32>
      %parallel_loop3A_3037 = arith.mulf %parallel_loop3A_3005, %gather3A_1693 : vector<16xf32>
      %parallel_loop3A_3038 = arith.mulf %parallel_loop3A_3009, %gather3A_1705 : vector<16xf32>
      %parallel_loop3A_3039 = arith.mulf %parallel_loop3A_3013, %gather3A_1717 : vector<16xf32>
      %parallel_loop3A_3040 = arith.mulf %parallel_loop3A_3017, %gather3A_1729 : vector<16xf32>
      %parallel_loop3A_3041 = arith.mulf %parallel_loop3A_3021, %gather3A_1741 : vector<16xf32>
      %parallel_loop3A_3042 = arith.constant 0 : i32
      %parallel_loop3A_3043 = vector.broadcast %parallel_loop3A_3042 : i32 to vector<16xi32>
      %parallel_loop3A_3044 = arith.cmpi eq, %parallel_loop3A_2981, %parallel_loop3A_3043 : vector<16xi32>
      %parallel_loop3A_3045 = arith.addf %parallel_loop3A_3022, %parallel_loop3A_3023 : vector<16xf32>
      %parallel_loop3A_3046 = arith.addf %parallel_loop3A_3024, %parallel_loop3A_3025 : vector<16xf32>
      %parallel_loop3A_3047 = arith.addf %parallel_loop3A_3026, %parallel_loop3A_3027 : vector<16xf32>
      %parallel_loop3A_3048 = arith.addf %parallel_loop3A_3028, %parallel_loop3A_3029 : vector<16xf32>
      %parallel_loop3A_3049 = arith.addf %parallel_loop3A_3030, %parallel_loop3A_3031 : vector<16xf32>
      %parallel_loop3A_3050 = arith.addf %parallel_loop3A_3045, %parallel_loop3A_3046 : vector<16xf32>
      %parallel_loop3A_3051 = arith.addf %parallel_loop3A_3047, %parallel_loop3A_3048 : vector<16xf32>
      %parallel_loop3A_3052 = arith.addf %parallel_loop3A_3049, %gather3A_1753 : vector<16xf32>
      %parallel_loop3A_3053 = arith.addf %parallel_loop3A_3050, %parallel_loop3A_3051 : vector<16xf32>
      %parallel_loop3A_3054 = arith.addf %parallel_loop3A_3053, %parallel_loop3A_3052 : vector<16xf32>
      %parallel_loop3A_3055 = arith.addf %parallel_loop3A_3032, %parallel_loop3A_3033 : vector<16xf32>
      %parallel_loop3A_3056 = arith.addf %parallel_loop3A_3034, %parallel_loop3A_3035 : vector<16xf32>
      %parallel_loop3A_3057 = arith.addf %parallel_loop3A_3036, %parallel_loop3A_3037 : vector<16xf32>
      %parallel_loop3A_3058 = arith.addf %parallel_loop3A_3038, %parallel_loop3A_3039 : vector<16xf32>
      %parallel_loop3A_3059 = arith.addf %parallel_loop3A_3040, %parallel_loop3A_3041 : vector<16xf32>
      %parallel_loop3A_3060 = arith.addf %parallel_loop3A_3055, %parallel_loop3A_3056 : vector<16xf32>
      %parallel_loop3A_3061 = arith.addf %parallel_loop3A_3057, %parallel_loop3A_3058 : vector<16xf32>
      %parallel_loop3A_3062 = arith.addf %parallel_loop3A_3059, %gather3A_1765 : vector<16xf32>
      %parallel_loop3A_3063 = arith.addf %parallel_loop3A_3060, %parallel_loop3A_3061 : vector<16xf32>
      %parallel_loop3A_3064 = arith.addf %parallel_loop3A_3063, %parallel_loop3A_3062 : vector<16xf32>
      %parallel_loop3A_3065 = arith.select %parallel_loop3A_3044, %parallel_loop3A_3054, %parallel_loop3A_3064 : vector<16xi1>, vector<16xf32>
      %parallel_loop3A_3066 = arith.constant 5120 : i32
      %parallel_loop3A_3067 = arith.addi %parallel_loop3A_3066, %parallel_loop3A_2979 : i32
      %parallel_loop3A_3068 = arith.index_cast %parallel_loop3A_3067 : i32 to index
      %parallel_loop3A_3069 = tpu.vector_load %arg8[%parallel_loop3A_3068] {strides = array<i32>} : memref<10240xf32, #tpu.memory_space<vmem>>, vector<16xf32>,
      tpu.vector_store %arg8[%parallel_loop3A_3068], %parallel_loop3A_3065 {strides = array<i32>} : memref<10240xf32, #tpu.memory_space<vmem>>, vector<16xf32>,
    } {sc.loop_unroll_factor = 1 : i64, sc.parallel_access}
    %broadcast_in_dim3A_1769 = arith.constant 12 : i32
    %broadcast_in_dim3A_1770 = vector.broadcast %broadcast_in_dim3A_1769 : i32 to vector<16xi32>
    %lt3A_1771 = arith.constant 0 : i32
    %lt3A_1772 = vector.broadcast %lt3A_1771 : i32 to vector<16xi32>
    %lt3A_1773 = arith.cmpi slt, %broadcast_in_dim3A_1770, %lt3A_1772 : vector<16xi32>
    %add3A_1774 = arith.constant 16 : i32
    %add3A_1775 = vector.broadcast %add3A_1774 : i32 to vector<16xi32>
    %add3A_1776 = arith.addi %broadcast_in_dim3A_1770, %add3A_1775 : vector<16xi32>
    %select_n3A_1777 = arith.select %lt3A_1773, %add3A_1776, %broadcast_in_dim3A_1770 : vector<16xi1>, vector<16xi32>
    %broadcast_in_dim3A_1778 = vector.shape_cast %select_n3A_1777 : vector<16xi32> to vector<16x1xi32>
    %gather3A_1779 = vector.shape_cast %broadcast_in_dim3A_1778 : vector<16x1xi32> to vector<16xi32>
    %gather3A_1780 = tpu.dynamic_gather %get3A_151[%gather3A_1779] in [0] : vector<16xf32>, vector<16xi32> -> vector<16xf32>
    %broadcast_in_dim3A_1781 = arith.constant 13 : i32
    %broadcast_in_dim3A_1782 = vector.broadcast %broadcast_in_dim3A_1781 : i32 to vector<16xi32>
    %lt3A_1783 = arith.constant 0 : i32
    %lt3A_1784 = vector.broadcast %lt3A_1783 : i32 to vector<16xi32>
    %lt3A_1785 = arith.cmpi slt, %broadcast_in_dim3A_1782, %lt3A_1784 : vector<16xi32>
    %add3A_1786 = arith.constant 16 : i32
    %add3A_1787 = vector.broadcast %add3A_1786 : i32 to vector<16xi32>
    %add3A_1788 = arith.addi %broadcast_in_dim3A_1782, %add3A_1787 : vector<16xi32>
    %select_n3A_1789 = arith.select %lt3A_1785, %add3A_1788, %broadcast_in_dim3A_1782 : vector<16xi1>, vector<16xi32>
    %broadcast_in_dim3A_1790 = vector.shape_cast %select_n3A_1789 : vector<16xi32> to vector<16x1xi32>
    %gather3A_1791 = vector.shape_cast %broadcast_in_dim3A_1790 : vector<16x1xi32> to vector<16xi32>
    %gather3A_1792 = tpu.dynamic_gather %get3A_151[%gather3A_1791] in [0] : vector<16xf32>, vector<16xi32> -> vector<16xf32>
    %broadcast_in_dim3A_1793 = arith.constant 14 : i32
    %broadcast_in_dim3A_1794 = vector.broadcast %broadcast_in_dim3A_1793 : i32 to vector<16xi32>
    %lt3A_1795 = arith.constant 0 : i32
    %lt3A_1796 = vector.broadcast %lt3A_1795 : i32 to vector<16xi32>
    %lt3A_1797 = arith.cmpi slt, %broadcast_in_dim3A_1794, %lt3A_1796 : vector<16xi32>
    %add3A_1798 = arith.constant 16 : i32
    %add3A_1799 = vector.broadcast %add3A_1798 : i32 to vector<16xi32>
    %add3A_1800 = arith.addi %broadcast_in_dim3A_1794, %add3A_1799 : vector<16xi32>
    %select_n3A_1801 = arith.select %lt3A_1797, %add3A_1800, %broadcast_in_dim3A_1794 : vector<16xi1>, vector<16xi32>
    %broadcast_in_dim3A_1802 = vector.shape_cast %select_n3A_1801 : vector<16xi32> to vector<16x1xi32>
    %gather3A_1803 = vector.shape_cast %broadcast_in_dim3A_1802 : vector<16x1xi32> to vector<16xi32>
    %gather3A_1804 = tpu.dynamic_gather %get3A_151[%gather3A_1803] in [0] : vector<16xf32>, vector<16xi32> -> vector<16xf32>
    %broadcast_in_dim3A_1805 = arith.constant 15 : i32
    %broadcast_in_dim3A_1806 = vector.broadcast %broadcast_in_dim3A_1805 : i32 to vector<16xi32>
    %lt3A_1807 = arith.constant 0 : i32
    %lt3A_1808 = vector.broadcast %lt3A_1807 : i32 to vector<16xi32>
    %lt3A_1809 = arith.cmpi slt, %broadcast_in_dim3A_1806, %lt3A_1808 : vector<16xi32>
    %add3A_1810 = arith.constant 16 : i32
    %add3A_1811 = vector.broadcast %add3A_1810 : i32 to vector<16xi32>
    %add3A_1812 = arith.addi %broadcast_in_dim3A_1806, %add3A_1811 : vector<16xi32>
    %select_n3A_1813 = arith.select %lt3A_1809, %add3A_1812, %broadcast_in_dim3A_1806 : vector<16xi1>, vector<16xi32>
    %broadcast_in_dim3A_1814 = vector.shape_cast %select_n3A_1813 : vector<16xi32> to vector<16x1xi32>
    %gather3A_1815 = vector.shape_cast %broadcast_in_dim3A_1814 : vector<16x1xi32> to vector<16xi32>
    %gather3A_1816 = tpu.dynamic_gather %get3A_151[%gather3A_1815] in [0] : vector<16xf32>, vector<16xi32> -> vector<16xf32>
    %broadcast_in_dim3A_1817 = arith.constant 0 : i32
    %broadcast_in_dim3A_1818 = vector.broadcast %broadcast_in_dim3A_1817 : i32 to vector<16xi32>
    %lt3A_1819 = arith.constant 0 : i32
    %lt3A_1820 = vector.broadcast %lt3A_1819 : i32 to vector<16xi32>
    %lt3A_1821 = arith.cmpi slt, %broadcast_in_dim3A_1818, %lt3A_1820 : vector<16xi32>
    %add3A_1822 = arith.constant 16 : i32
    %add3A_1823 = vector.broadcast %add3A_1822 : i32 to vector<16xi32>
    %add3A_1824 = arith.addi %broadcast_in_dim3A_1818, %add3A_1823 : vector<16xi32>
    %select_n3A_1825 = arith.select %lt3A_1821, %add3A_1824, %broadcast_in_dim3A_1818 : vector<16xi1>, vector<16xi32>
    %broadcast_in_dim3A_1826 = vector.shape_cast %select_n3A_1825 : vector<16xi32> to vector<16x1xi32>
    %gather3A_1827 = vector.shape_cast %broadcast_in_dim3A_1826 : vector<16x1xi32> to vector<16xi32>
    %gather3A_1828 = tpu.dynamic_gather %get3A_153[%gather3A_1827] in [0] : vector<16xf32>, vector<16xi32> -> vector<16xf32>
    %broadcast_in_dim3A_1829 = arith.constant 1 : i32
    %broadcast_in_dim3A_1830 = vector.broadcast %broadcast_in_dim3A_1829 : i32 to vector<16xi32>
    %lt3A_1831 = arith.constant 0 : i32
    %lt3A_1832 = vector.broadcast %lt3A_1831 : i32 to vector<16xi32>
    %lt3A_1833 = arith.cmpi slt, %broadcast_in_dim3A_1830, %lt3A_1832 : vector<16xi32>
    %add3A_1834 = arith.constant 16 : i32
    %add3A_1835 = vector.broadcast %add3A_1834 : i32 to vector<16xi32>
    %add3A_1836 = arith.addi %broadcast_in_dim3A_1830, %add3A_1835 : vector<16xi32>
    %select_n3A_1837 = arith.select %lt3A_1833, %add3A_1836, %broadcast_in_dim3A_1830 : vector<16xi1>, vector<16xi32>
    %broadcast_in_dim3A_1838 = vector.shape_cast %select_n3A_1837 : vector<16xi32> to vector<16x1xi32>
    %gather3A_1839 = vector.shape_cast %broadcast_in_dim3A_1838 : vector<16x1xi32> to vector<16xi32>
    %gather3A_1840 = tpu.dynamic_gather %get3A_153[%gather3A_1839] in [0] : vector<16xf32>, vector<16xi32> -> vector<16xf32>
    %broadcast_in_dim3A_1841 = arith.constant 2 : i32
    %broadcast_in_dim3A_1842 = vector.broadcast %broadcast_in_dim3A_1841 : i32 to vector<16xi32>
    %lt3A_1843 = arith.constant 0 : i32
    %lt3A_1844 = vector.broadcast %lt3A_1843 : i32 to vector<16xi32>
    %lt3A_1845 = arith.cmpi slt, %broadcast_in_dim3A_1842, %lt3A_1844 : vector<16xi32>
    %add3A_1846 = arith.constant 16 : i32
    %add3A_1847 = vector.broadcast %add3A_1846 : i32 to vector<16xi32>
    %add3A_1848 = arith.addi %broadcast_in_dim3A_1842, %add3A_1847 : vector<16xi32>
    %select_n3A_1849 = arith.select %lt3A_1845, %add3A_1848, %broadcast_in_dim3A_1842 : vector<16xi1>, vector<16xi32>
    %broadcast_in_dim3A_1850 = vector.shape_cast %select_n3A_1849 : vector<16xi32> to vector<16x1xi32>
    %gather3A_1851 = vector.shape_cast %broadcast_in_dim3A_1850 : vector<16x1xi32> to vector<16xi32>
    %gather3A_1852 = tpu.dynamic_gather %get3A_153[%gather3A_1851] in [0] : vector<16xf32>, vector<16xi32> -> vector<16xf32>
    %broadcast_in_dim3A_1853 = arith.constant 3 : i32
    %broadcast_in_dim3A_1854 = vector.broadcast %broadcast_in_dim3A_1853 : i32 to vector<16xi32>
    %lt3A_1855 = arith.constant 0 : i32
    %lt3A_1856 = vector.broadcast %lt3A_1855 : i32 to vector<16xi32>
    %lt3A_1857 = arith.cmpi slt, %broadcast_in_dim3A_1854, %lt3A_1856 : vector<16xi32>
    %add3A_1858 = arith.constant 16 : i32
    %add3A_1859 = vector.broadcast %add3A_1858 : i32 to vector<16xi32>
    %add3A_1860 = arith.addi %broadcast_in_dim3A_1854, %add3A_1859 : vector<16xi32>
    %select_n3A_1861 = arith.select %lt3A_1857, %add3A_1860, %broadcast_in_dim3A_1854 : vector<16xi1>, vector<16xi32>
    %broadcast_in_dim3A_1862 = vector.shape_cast %select_n3A_1861 : vector<16xi32> to vector<16x1xi32>
    %gather3A_1863 = vector.shape_cast %broadcast_in_dim3A_1862 : vector<16x1xi32> to vector<16xi32>
    %gather3A_1864 = tpu.dynamic_gather %get3A_153[%gather3A_1863] in [0] : vector<16xf32>, vector<16xi32> -> vector<16xf32>
    %broadcast_in_dim3A_1865 = arith.constant 4 : i32
    %broadcast_in_dim3A_1866 = vector.broadcast %broadcast_in_dim3A_1865 : i32 to vector<16xi32>
    %lt3A_1867 = arith.constant 0 : i32
    %lt3A_1868 = vector.broadcast %lt3A_1867 : i32 to vector<16xi32>
    %lt3A_1869 = arith.cmpi slt, %broadcast_in_dim3A_1866, %lt3A_1868 : vector<16xi32>
    %add3A_1870 = arith.constant 16 : i32
    %add3A_1871 = vector.broadcast %add3A_1870 : i32 to vector<16xi32>
    %add3A_1872 = arith.addi %broadcast_in_dim3A_1866, %add3A_1871 : vector<16xi32>
    %select_n3A_1873 = arith.select %lt3A_1869, %add3A_1872, %broadcast_in_dim3A_1866 : vector<16xi1>, vector<16xi32>
    %broadcast_in_dim3A_1874 = vector.shape_cast %select_n3A_1873 : vector<16xi32> to vector<16x1xi32>
    %gather3A_1875 = vector.shape_cast %broadcast_in_dim3A_1874 : vector<16x1xi32> to vector<16xi32>
    %gather3A_1876 = tpu.dynamic_gather %get3A_153[%gather3A_1875] in [0] : vector<16xf32>, vector<16xi32> -> vector<16xf32>
    %broadcast_in_dim3A_1877 = arith.constant 5 : i32
    %broadcast_in_dim3A_1878 = vector.broadcast %broadcast_in_dim3A_1877 : i32 to vector<16xi32>
    %lt3A_1879 = arith.constant 0 : i32
    %lt3A_1880 = vector.broadcast %lt3A_1879 : i32 to vector<16xi32>
    %lt3A_1881 = arith.cmpi slt, %broadcast_in_dim3A_1878, %lt3A_1880 : vector<16xi32>
    %add3A_1882 = arith.constant 16 : i32
    %add3A_1883 = vector.broadcast %add3A_1882 : i32 to vector<16xi32>
    %add3A_1884 = arith.addi %broadcast_in_dim3A_1878, %add3A_1883 : vector<16xi32>
    %select_n3A_1885 = arith.select %lt3A_1881, %add3A_1884, %broadcast_in_dim3A_1878 : vector<16xi1>, vector<16xi32>
    %broadcast_in_dim3A_1886 = vector.shape_cast %select_n3A_1885 : vector<16xi32> to vector<16x1xi32>
    %gather3A_1887 = vector.shape_cast %broadcast_in_dim3A_1886 : vector<16x1xi32> to vector<16xi32>
    %gather3A_1888 = tpu.dynamic_gather %get3A_153[%gather3A_1887] in [0] : vector<16xf32>, vector<16xi32> -> vector<16xf32>
    %broadcast_in_dim3A_1889 = arith.constant 10 : i32
    %broadcast_in_dim3A_1890 = vector.broadcast %broadcast_in_dim3A_1889 : i32 to vector<16xi32>
    %lt3A_1891 = arith.constant 0 : i32
    %lt3A_1892 = vector.broadcast %lt3A_1891 : i32 to vector<16xi32>
    %lt3A_1893 = arith.cmpi slt, %broadcast_in_dim3A_1890, %lt3A_1892 : vector<16xi32>
    %add3A_1894 = arith.constant 16 : i32
    %add3A_1895 = vector.broadcast %add3A_1894 : i32 to vector<16xi32>
    %add3A_1896 = arith.addi %broadcast_in_dim3A_1890, %add3A_1895 : vector<16xi32>
    %select_n3A_1897 = arith.select %lt3A_1893, %add3A_1896, %broadcast_in_dim3A_1890 : vector<16xi1>, vector<16xi32>
    %broadcast_in_dim3A_1898 = vector.shape_cast %select_n3A_1897 : vector<16xi32> to vector<16x1xi32>
    %gather3A_1899 = vector.shape_cast %broadcast_in_dim3A_1898 : vector<16x1xi32> to vector<16xi32>
    %gather3A_1900 = tpu.dynamic_gather %get3A_165[%gather3A_1899] in [0] : vector<16xf32>, vector<16xi32> -> vector<16xf32>
    %broadcast_in_dim3A_1901 = arith.constant 11 : i32
    %broadcast_in_dim3A_1902 = vector.broadcast %broadcast_in_dim3A_1901 : i32 to vector<16xi32>
    %lt3A_1903 = arith.constant 0 : i32
    %lt3A_1904 = vector.broadcast %lt3A_1903 : i32 to vector<16xi32>
    %lt3A_1905 = arith.cmpi slt, %broadcast_in_dim3A_1902, %lt3A_1904 : vector<16xi32>
    %add3A_1906 = arith.constant 16 : i32
    %add3A_1907 = vector.broadcast %add3A_1906 : i32 to vector<16xi32>
    %add3A_1908 = arith.addi %broadcast_in_dim3A_1902, %add3A_1907 : vector<16xi32>
    %select_n3A_1909 = arith.select %lt3A_1905, %add3A_1908, %broadcast_in_dim3A_1902 : vector<16xi1>, vector<16xi32>
    %broadcast_in_dim3A_1910 = vector.shape_cast %select_n3A_1909 : vector<16xi32> to vector<16x1xi32>
    %gather3A_1911 = vector.shape_cast %broadcast_in_dim3A_1910 : vector<16x1xi32> to vector<16xi32>
    %gather3A_1912 = tpu.dynamic_gather %get3A_165[%gather3A_1911] in [0] : vector<16xf32>, vector<16xi32> -> vector<16xf32>
    %broadcast_in_dim3A_1913 = arith.constant 12 : i32
    %broadcast_in_dim3A_1914 = vector.broadcast %broadcast_in_dim3A_1913 : i32 to vector<16xi32>
    %lt3A_1915 = arith.constant 0 : i32
    %lt3A_1916 = vector.broadcast %lt3A_1915 : i32 to vector<16xi32>
    %lt3A_1917 = arith.cmpi slt, %broadcast_in_dim3A_1914, %lt3A_1916 : vector<16xi32>
    %add3A_1918 = arith.constant 16 : i32
    %add3A_1919 = vector.broadcast %add3A_1918 : i32 to vector<16xi32>
    %add3A_1920 = arith.addi %broadcast_in_dim3A_1914, %add3A_1919 : vector<16xi32>
    %select_n3A_1921 = arith.select %lt3A_1917, %add3A_1920, %broadcast_in_dim3A_1914 : vector<16xi1>, vector<16xi32>
    %broadcast_in_dim3A_1922 = vector.shape_cast %select_n3A_1921 : vector<16xi32> to vector<16x1xi32>
    %gather3A_1923 = vector.shape_cast %broadcast_in_dim3A_1922 : vector<16x1xi32> to vector<16xi32>
    %gather3A_1924 = tpu.dynamic_gather %get3A_165[%gather3A_1923] in [0] : vector<16xf32>, vector<16xi32> -> vector<16xf32>
    %broadcast_in_dim3A_1925 = arith.constant 13 : i32
    %broadcast_in_dim3A_1926 = vector.broadcast %broadcast_in_dim3A_1925 : i32 to vector<16xi32>
    %lt3A_1927 = arith.constant 0 : i32
    %lt3A_1928 = vector.broadcast %lt3A_1927 : i32 to vector<16xi32>
    %lt3A_1929 = arith.cmpi slt, %broadcast_in_dim3A_1926, %lt3A_1928 : vector<16xi32>
    %add3A_1930 = arith.constant 16 : i32
    %add3A_1931 = vector.broadcast %add3A_1930 : i32 to vector<16xi32>
    %add3A_1932 = arith.addi %broadcast_in_dim3A_1926, %add3A_1931 : vector<16xi32>
    %select_n3A_1933 = arith.select %lt3A_1929, %add3A_1932, %broadcast_in_dim3A_1926 : vector<16xi1>, vector<16xi32>
    %broadcast_in_dim3A_1934 = vector.shape_cast %select_n3A_1933 : vector<16xi32> to vector<16x1xi32>
    %gather3A_1935 = vector.shape_cast %broadcast_in_dim3A_1934 : vector<16x1xi32> to vector<16xi32>
    %gather3A_1936 = tpu.dynamic_gather %get3A_165[%gather3A_1935] in [0] : vector<16xf32>, vector<16xi32> -> vector<16xf32>
    %broadcast_in_dim3A_1937 = arith.constant 14 : i32
    %broadcast_in_dim3A_1938 = vector.broadcast %broadcast_in_dim3A_1937 : i32 to vector<16xi32>
    %lt3A_1939 = arith.constant 0 : i32
    %lt3A_1940 = vector.broadcast %lt3A_1939 : i32 to vector<16xi32>
    %lt3A_1941 = arith.cmpi slt, %broadcast_in_dim3A_1938, %lt3A_1940 : vector<16xi32>
    %add3A_1942 = arith.constant 16 : i32
    %add3A_1943 = vector.broadcast %add3A_1942 : i32 to vector<16xi32>
    %add3A_1944 = arith.addi %broadcast_in_dim3A_1938, %add3A_1943 : vector<16xi32>
    %select_n3A_1945 = arith.select %lt3A_1941, %add3A_1944, %broadcast_in_dim3A_1938 : vector<16xi1>, vector<16xi32>
    %broadcast_in_dim3A_1946 = vector.shape_cast %select_n3A_1945 : vector<16xi32> to vector<16x1xi32>
    %gather3A_1947 = vector.shape_cast %broadcast_in_dim3A_1946 : vector<16x1xi32> to vector<16xi32>
    %gather3A_1948 = tpu.dynamic_gather %get3A_165[%gather3A_1947] in [0] : vector<16xf32>, vector<16xi32> -> vector<16xf32>
    %broadcast_in_dim3A_1949 = arith.constant 15 : i32
    %broadcast_in_dim3A_1950 = vector.broadcast %broadcast_in_dim3A_1949 : i32 to vector<16xi32>
    %lt3A_1951 = arith.constant 0 : i32
    %lt3A_1952 = vector.broadcast %lt3A_1951 : i32 to vector<16xi32>
    %lt3A_1953 = arith.cmpi slt, %broadcast_in_dim3A_1950, %lt3A_1952 : vector<16xi32>
    %add3A_1954 = arith.constant 16 : i32
    %add3A_1955 = vector.broadcast %add3A_1954 : i32 to vector<16xi32>
    %add3A_1956 = arith.addi %broadcast_in_dim3A_1950, %add3A_1955 : vector<16xi32>
    %select_n3A_1957 = arith.select %lt3A_1953, %add3A_1956, %broadcast_in_dim3A_1950 : vector<16xi1>, vector<16xi32>
    %broadcast_in_dim3A_1958 = vector.shape_cast %select_n3A_1957 : vector<16xi32> to vector<16x1xi32>
    %gather3A_1959 = vector.shape_cast %broadcast_in_dim3A_1958 : vector<16x1xi32> to vector<16xi32>
    %gather3A_1960 = tpu.dynamic_gather %get3A_165[%gather3A_1959] in [0] : vector<16xf32>, vector<16xi32> -> vector<16xf32>
    %broadcast_in_dim3A_1961 = arith.constant 0 : i32
    %broadcast_in_dim3A_1962 = vector.broadcast %broadcast_in_dim3A_1961 : i32 to vector<16xi32>
    %lt3A_1963 = arith.constant 0 : i32
    %lt3A_1964 = vector.broadcast %lt3A_1963 : i32 to vector<16xi32>
    %lt3A_1965 = arith.cmpi slt, %broadcast_in_dim3A_1962, %lt3A_1964 : vector<16xi32>
    %add3A_1966 = arith.constant 16 : i32
    %add3A_1967 = vector.broadcast %add3A_1966 : i32 to vector<16xi32>
    %add3A_1968 = arith.addi %broadcast_in_dim3A_1962, %add3A_1967 : vector<16xi32>
    %select_n3A_1969 = arith.select %lt3A_1965, %add3A_1968, %broadcast_in_dim3A_1962 : vector<16xi1>, vector<16xi32>
    %broadcast_in_dim3A_1970 = vector.shape_cast %select_n3A_1969 : vector<16xi32> to vector<16x1xi32>
    %gather3A_1971 = vector.shape_cast %broadcast_in_dim3A_1970 : vector<16x1xi32> to vector<16xi32>
    %gather3A_1972 = tpu.dynamic_gather %get3A_167[%gather3A_1971] in [0] : vector<16xf32>, vector<16xi32> -> vector<16xf32>
    %broadcast_in_dim3A_1973 = arith.constant 1 : i32
    %broadcast_in_dim3A_1974 = vector.broadcast %broadcast_in_dim3A_1973 : i32 to vector<16xi32>
    %lt3A_1975 = arith.constant 0 : i32
    %lt3A_1976 = vector.broadcast %lt3A_1975 : i32 to vector<16xi32>
    %lt3A_1977 = arith.cmpi slt, %broadcast_in_dim3A_1974, %lt3A_1976 : vector<16xi32>
    %add3A_1978 = arith.constant 16 : i32
    %add3A_1979 = vector.broadcast %add3A_1978 : i32 to vector<16xi32>
    %add3A_1980 = arith.addi %broadcast_in_dim3A_1974, %add3A_1979 : vector<16xi32>
    %select_n3A_1981 = arith.select %lt3A_1977, %add3A_1980, %broadcast_in_dim3A_1974 : vector<16xi1>, vector<16xi32>
    %broadcast_in_dim3A_1982 = vector.shape_cast %select_n3A_1981 : vector<16xi32> to vector<16x1xi32>
    %gather3A_1983 = vector.shape_cast %broadcast_in_dim3A_1982 : vector<16x1xi32> to vector<16xi32>
    %gather3A_1984 = tpu.dynamic_gather %get3A_167[%gather3A_1983] in [0] : vector<16xf32>, vector<16xi32> -> vector<16xf32>
    %broadcast_in_dim3A_1985 = arith.constant 2 : i32
    %broadcast_in_dim3A_1986 = vector.broadcast %broadcast_in_dim3A_1985 : i32 to vector<16xi32>
    %lt3A_1987 = arith.constant 0 : i32
    %lt3A_1988 = vector.broadcast %lt3A_1987 : i32 to vector<16xi32>
    %lt3A_1989 = arith.cmpi slt, %broadcast_in_dim3A_1986, %lt3A_1988 : vector<16xi32>
    %add3A_1990 = arith.constant 16 : i32
    %add3A_1991 = vector.broadcast %add3A_1990 : i32 to vector<16xi32>
    %add3A_1992 = arith.addi %broadcast_in_dim3A_1986, %add3A_1991 : vector<16xi32>
    %select_n3A_1993 = arith.select %lt3A_1989, %add3A_1992, %broadcast_in_dim3A_1986 : vector<16xi1>, vector<16xi32>
    %broadcast_in_dim3A_1994 = vector.shape_cast %select_n3A_1993 : vector<16xi32> to vector<16x1xi32>
    %gather3A_1995 = vector.shape_cast %broadcast_in_dim3A_1994 : vector<16x1xi32> to vector<16xi32>
    %gather3A_1996 = tpu.dynamic_gather %get3A_167[%gather3A_1995] in [0] : vector<16xf32>, vector<16xi32> -> vector<16xf32>
    %broadcast_in_dim3A_1997 = arith.constant 3 : i32
    %broadcast_in_dim3A_1998 = vector.broadcast %broadcast_in_dim3A_1997 : i32 to vector<16xi32>
    %lt3A_1999 = arith.constant 0 : i32
    %lt3A_2000 = vector.broadcast %lt3A_1999 : i32 to vector<16xi32>
    %lt3A_2001 = arith.cmpi slt, %broadcast_in_dim3A_1998, %lt3A_2000 : vector<16xi32>
    %add3A_2002 = arith.constant 16 : i32
    %add3A_2003 = vector.broadcast %add3A_2002 : i32 to vector<16xi32>
    %add3A_2004 = arith.addi %broadcast_in_dim3A_1998, %add3A_2003 : vector<16xi32>
    %select_n3A_2005 = arith.select %lt3A_2001, %add3A_2004, %broadcast_in_dim3A_1998 : vector<16xi1>, vector<16xi32>
    %broadcast_in_dim3A_2006 = vector.shape_cast %select_n3A_2005 : vector<16xi32> to vector<16x1xi32>
    %gather3A_2007 = vector.shape_cast %broadcast_in_dim3A_2006 : vector<16x1xi32> to vector<16xi32>
    %gather3A_2008 = tpu.dynamic_gather %get3A_167[%gather3A_2007] in [0] : vector<16xf32>, vector<16xi32> -> vector<16xf32>
    %broadcast_in_dim3A_2009 = arith.constant 10 : i32
    %broadcast_in_dim3A_2010 = vector.broadcast %broadcast_in_dim3A_2009 : i32 to vector<16xi32>
    %lt3A_2011 = arith.constant 0 : i32
    %lt3A_2012 = vector.broadcast %lt3A_2011 : i32 to vector<16xi32>
    %lt3A_2013 = arith.cmpi slt, %broadcast_in_dim3A_2010, %lt3A_2012 : vector<16xi32>
    %add3A_2014 = arith.constant 16 : i32
    %add3A_2015 = vector.broadcast %add3A_2014 : i32 to vector<16xi32>
    %add3A_2016 = arith.addi %broadcast_in_dim3A_2010, %add3A_2015 : vector<16xi32>
    %select_n3A_2017 = arith.select %lt3A_2013, %add3A_2016, %broadcast_in_dim3A_2010 : vector<16xi1>, vector<16xi32>
    %broadcast_in_dim3A_2018 = vector.shape_cast %select_n3A_2017 : vector<16xi32> to vector<16x1xi32>
    %gather3A_2019 = vector.shape_cast %broadcast_in_dim3A_2018 : vector<16x1xi32> to vector<16xi32>
    %gather3A_2020 = tpu.dynamic_gather %get3A_157[%gather3A_2019] in [0] : vector<16xf32>, vector<16xi32> -> vector<16xf32>
    %broadcast_in_dim3A_2021 = arith.constant 8 : i32
    %broadcast_in_dim3A_2022 = vector.broadcast %broadcast_in_dim3A_2021 : i32 to vector<16xi32>
    %lt3A_2023 = arith.constant 0 : i32
    %lt3A_2024 = vector.broadcast %lt3A_2023 : i32 to vector<16xi32>
    %lt3A_2025 = arith.cmpi slt, %broadcast_in_dim3A_2022, %lt3A_2024 : vector<16xi32>
    %add3A_2026 = arith.constant 16 : i32
    %add3A_2027 = vector.broadcast %add3A_2026 : i32 to vector<16xi32>
    %add3A_2028 = arith.addi %broadcast_in_dim3A_2022, %add3A_2027 : vector<16xi32>
    %select_n3A_2029 = arith.select %lt3A_2025, %add3A_2028, %broadcast_in_dim3A_2022 : vector<16xi1>, vector<16xi32>
    %broadcast_in_dim3A_2030 = vector.shape_cast %select_n3A_2029 : vector<16xi32> to vector<16x1xi32>
    %gather3A_2031 = vector.shape_cast %broadcast_in_dim3A_2030 : vector<16x1xi32> to vector<16xi32>
    %gather3A_2032 = tpu.dynamic_gather %get3A_171[%gather3A_2031] in [0] : vector<16xf32>, vector<16xi32> -> vector<16xf32>
    %parallel_loop3A_2033 = arith.constant 0 : i32
    %parallel_loop3A_2034 = arith.constant 64 : i32
    %parallel_loop3A_2035 = arith.constant 1 : i32
    scf.for %parallel_loop3A_2977 = %parallel_loop3A_2033 to %parallel_loop3A_2034 step %parallel_loop3A_2035  : i32 {
      %parallel_loop3A_2978 = arith.constant 16 : i32
      %parallel_loop3A_2979 = arith.muli %parallel_loop3A_2977, %parallel_loop3A_2978 : i32
      %parallel_loop3A_2980 = arith.index_cast %parallel_loop3A_2979 : i32 to index
      %parallel_loop3A_2981 = tpu.vector_load %arg7[%parallel_loop3A_2980] {strides = array<i32>} : memref<1024xi32, #tpu.memory_space<vmem>>, vector<16xi32>,
      %parallel_loop3A_2982 = arith.constant 0 : i32
      %parallel_loop3A_2983 = arith.addi %parallel_loop3A_2982, %parallel_loop3A_2979 : i32
      %parallel_loop3A_2984 = arith.index_cast %parallel_loop3A_2983 : i32 to index
      %parallel_loop3A_2985 = tpu.vector_load %arg6[%parallel_loop3A_2984] {strides = array<i32>} : memref<10240xf32, #tpu.memory_space<vmem>>, vector<16xf32>,
      %parallel_loop3A_2986 = arith.constant 1024 : i32
      %parallel_loop3A_2987 = arith.addi %parallel_loop3A_2986, %parallel_loop3A_2979 : i32
      %parallel_loop3A_2988 = arith.index_cast %parallel_loop3A_2987 : i32 to index
      %parallel_loop3A_2989 = tpu.vector_load %arg6[%parallel_loop3A_2988] {strides = array<i32>} : memref<10240xf32, #tpu.memory_space<vmem>>, vector<16xf32>,
      %parallel_loop3A_2990 = arith.constant 2048 : i32
      %parallel_loop3A_2991 = arith.addi %parallel_loop3A_2990, %parallel_loop3A_2979 : i32
      %parallel_loop3A_2992 = arith.index_cast %parallel_loop3A_2991 : i32 to index
      %parallel_loop3A_2993 = tpu.vector_load %arg6[%parallel_loop3A_2992] {strides = array<i32>} : memref<10240xf32, #tpu.memory_space<vmem>>, vector<16xf32>,
      %parallel_loop3A_2994 = arith.constant 3072 : i32
      %parallel_loop3A_2995 = arith.addi %parallel_loop3A_2994, %parallel_loop3A_2979 : i32
      %parallel_loop3A_2996 = arith.index_cast %parallel_loop3A_2995 : i32 to index
      %parallel_loop3A_2997 = tpu.vector_load %arg6[%parallel_loop3A_2996] {strides = array<i32>} : memref<10240xf32, #tpu.memory_space<vmem>>, vector<16xf32>,
      %parallel_loop3A_2998 = arith.constant 4096 : i32
      %parallel_loop3A_2999 = arith.addi %parallel_loop3A_2998, %parallel_loop3A_2979 : i32
      %parallel_loop3A_3000 = arith.index_cast %parallel_loop3A_2999 : i32 to index
      %parallel_loop3A_3001 = tpu.vector_load %arg6[%parallel_loop3A_3000] {strides = array<i32>} : memref<10240xf32, #tpu.memory_space<vmem>>, vector<16xf32>,
      %parallel_loop3A_3002 = arith.constant 5120 : i32
      %parallel_loop3A_3003 = arith.addi %parallel_loop3A_3002, %parallel_loop3A_2979 : i32
      %parallel_loop3A_3004 = arith.index_cast %parallel_loop3A_3003 : i32 to index
      %parallel_loop3A_3005 = tpu.vector_load %arg6[%parallel_loop3A_3004] {strides = array<i32>} : memref<10240xf32, #tpu.memory_space<vmem>>, vector<16xf32>,
      %parallel_loop3A_3006 = arith.constant 6144 : i32
      %parallel_loop3A_3007 = arith.addi %parallel_loop3A_3006, %parallel_loop3A_2979 : i32
      %parallel_loop3A_3008 = arith.index_cast %parallel_loop3A_3007 : i32 to index
      %parallel_loop3A_3009 = tpu.vector_load %arg6[%parallel_loop3A_3008] {strides = array<i32>} : memref<10240xf32, #tpu.memory_space<vmem>>, vector<16xf32>,
      %parallel_loop3A_3010 = arith.constant 7168 : i32
      %parallel_loop3A_3011 = arith.addi %parallel_loop3A_3010, %parallel_loop3A_2979 : i32
      %parallel_loop3A_3012 = arith.index_cast %parallel_loop3A_3011 : i32 to index
      %parallel_loop3A_3013 = tpu.vector_load %arg6[%parallel_loop3A_3012] {strides = array<i32>} : memref<10240xf32, #tpu.memory_space<vmem>>, vector<16xf32>,
      %parallel_loop3A_3014 = arith.constant 8192 : i32
      %parallel_loop3A_3015 = arith.addi %parallel_loop3A_3014, %parallel_loop3A_2979 : i32
      %parallel_loop3A_3016 = arith.index_cast %parallel_loop3A_3015 : i32 to index
      %parallel_loop3A_3017 = tpu.vector_load %arg6[%parallel_loop3A_3016] {strides = array<i32>} : memref<10240xf32, #tpu.memory_space<vmem>>, vector<16xf32>,
      %parallel_loop3A_3018 = arith.constant 9216 : i32
      %parallel_loop3A_3019 = arith.addi %parallel_loop3A_3018, %parallel_loop3A_2979 : i32
      %parallel_loop3A_3020 = arith.index_cast %parallel_loop3A_3019 : i32 to index
      %parallel_loop3A_3021 = tpu.vector_load %arg6[%parallel_loop3A_3020] {strides = array<i32>} : memref<10240xf32, #tpu.memory_space<vmem>>, vector<16xf32>,
      %parallel_loop3A_3022 = arith.mulf %parallel_loop3A_2985, %gather3A_1780 : vector<16xf32>
      %parallel_loop3A_3023 = arith.mulf %parallel_loop3A_2989, %gather3A_1792 : vector<16xf32>
      %parallel_loop3A_3024 = arith.mulf %parallel_loop3A_2993, %gather3A_1804 : vector<16xf32>
      %parallel_loop3A_3025 = arith.mulf %parallel_loop3A_2997, %gather3A_1816 : vector<16xf32>
      %parallel_loop3A_3026 = arith.mulf %parallel_loop3A_3001, %gather3A_1828 : vector<16xf32>
      %parallel_loop3A_3027 = arith.mulf %parallel_loop3A_3005, %gather3A_1840 : vector<16xf32>
      %parallel_loop3A_3028 = arith.mulf %parallel_loop3A_3009, %gather3A_1852 : vector<16xf32>
      %parallel_loop3A_3029 = arith.mulf %parallel_loop3A_3013, %gather3A_1864 : vector<16xf32>
      %parallel_loop3A_3030 = arith.mulf %parallel_loop3A_3017, %gather3A_1876 : vector<16xf32>
      %parallel_loop3A_3031 = arith.mulf %parallel_loop3A_3021, %gather3A_1888 : vector<16xf32>
      %parallel_loop3A_3032 = arith.mulf %parallel_loop3A_2985, %gather3A_1900 : vector<16xf32>
      %parallel_loop3A_3033 = arith.mulf %parallel_loop3A_2989, %gather3A_1912 : vector<16xf32>
      %parallel_loop3A_3034 = arith.mulf %parallel_loop3A_2993, %gather3A_1924 : vector<16xf32>
      %parallel_loop3A_3035 = arith.mulf %parallel_loop3A_2997, %gather3A_1936 : vector<16xf32>
      %parallel_loop3A_3036 = arith.mulf %parallel_loop3A_3001, %gather3A_1948 : vector<16xf32>
      %parallel_loop3A_3037 = arith.mulf %parallel_loop3A_3005, %gather3A_1960 : vector<16xf32>
      %parallel_loop3A_3038 = arith.mulf %parallel_loop3A_3009, %gather3A_1972 : vector<16xf32>
      %parallel_loop3A_3039 = arith.mulf %parallel_loop3A_3013, %gather3A_1984 : vector<16xf32>
      %parallel_loop3A_3040 = arith.mulf %parallel_loop3A_3017, %gather3A_1996 : vector<16xf32>
      %parallel_loop3A_3041 = arith.mulf %parallel_loop3A_3021, %gather3A_2008 : vector<16xf32>
      %parallel_loop3A_3042 = arith.constant 0 : i32
      %parallel_loop3A_3043 = vector.broadcast %parallel_loop3A_3042 : i32 to vector<16xi32>
      %parallel_loop3A_3044 = arith.cmpi eq, %parallel_loop3A_2981, %parallel_loop3A_3043 : vector<16xi32>
      %parallel_loop3A_3045 = arith.addf %parallel_loop3A_3022, %parallel_loop3A_3023 : vector<16xf32>
      %parallel_loop3A_3046 = arith.addf %parallel_loop3A_3024, %parallel_loop3A_3025 : vector<16xf32>
      %parallel_loop3A_3047 = arith.addf %parallel_loop3A_3026, %parallel_loop3A_3027 : vector<16xf32>
      %parallel_loop3A_3048 = arith.addf %parallel_loop3A_3028, %parallel_loop3A_3029 : vector<16xf32>
      %parallel_loop3A_3049 = arith.addf %parallel_loop3A_3030, %parallel_loop3A_3031 : vector<16xf32>
      %parallel_loop3A_3050 = arith.addf %parallel_loop3A_3045, %parallel_loop3A_3046 : vector<16xf32>
      %parallel_loop3A_3051 = arith.addf %parallel_loop3A_3047, %parallel_loop3A_3048 : vector<16xf32>
      %parallel_loop3A_3052 = arith.addf %parallel_loop3A_3049, %gather3A_2020 : vector<16xf32>
      %parallel_loop3A_3053 = arith.addf %parallel_loop3A_3050, %parallel_loop3A_3051 : vector<16xf32>
      %parallel_loop3A_3054 = arith.addf %parallel_loop3A_3053, %parallel_loop3A_3052 : vector<16xf32>
      %parallel_loop3A_3055 = arith.addf %parallel_loop3A_3032, %parallel_loop3A_3033 : vector<16xf32>
      %parallel_loop3A_3056 = arith.addf %parallel_loop3A_3034, %parallel_loop3A_3035 : vector<16xf32>
      %parallel_loop3A_3057 = arith.addf %parallel_loop3A_3036, %parallel_loop3A_3037 : vector<16xf32>
      %parallel_loop3A_3058 = arith.addf %parallel_loop3A_3038, %parallel_loop3A_3039 : vector<16xf32>
      %parallel_loop3A_3059 = arith.addf %parallel_loop3A_3040, %parallel_loop3A_3041 : vector<16xf32>
      %parallel_loop3A_3060 = arith.addf %parallel_loop3A_3055, %parallel_loop3A_3056 : vector<16xf32>
      %parallel_loop3A_3061 = arith.addf %parallel_loop3A_3057, %parallel_loop3A_3058 : vector<16xf32>
      %parallel_loop3A_3062 = arith.addf %parallel_loop3A_3059, %gather3A_2032 : vector<16xf32>
      %parallel_loop3A_3063 = arith.addf %parallel_loop3A_3060, %parallel_loop3A_3061 : vector<16xf32>
      %parallel_loop3A_3064 = arith.addf %parallel_loop3A_3063, %parallel_loop3A_3062 : vector<16xf32>
      %parallel_loop3A_3065 = arith.select %parallel_loop3A_3044, %parallel_loop3A_3054, %parallel_loop3A_3064 : vector<16xi1>, vector<16xf32>
      %parallel_loop3A_3066 = arith.constant 6144 : i32
      %parallel_loop3A_3067 = arith.addi %parallel_loop3A_3066, %parallel_loop3A_2979 : i32
      %parallel_loop3A_3068 = arith.index_cast %parallel_loop3A_3067 : i32 to index
      %parallel_loop3A_3069 = tpu.vector_load %arg8[%parallel_loop3A_3068] {strides = array<i32>} : memref<10240xf32, #tpu.memory_space<vmem>>, vector<16xf32>,
      tpu.vector_store %arg8[%parallel_loop3A_3068], %parallel_loop3A_3065 {strides = array<i32>} : memref<10240xf32, #tpu.memory_space<vmem>>, vector<16xf32>,
    } {sc.loop_unroll_factor = 1 : i64, sc.parallel_access}
    %broadcast_in_dim3A_2036 = arith.constant 6 : i32
    %broadcast_in_dim3A_2037 = vector.broadcast %broadcast_in_dim3A_2036 : i32 to vector<16xi32>
    %lt3A_2038 = arith.constant 0 : i32
    %lt3A_2039 = vector.broadcast %lt3A_2038 : i32 to vector<16xi32>
    %lt3A_2040 = arith.cmpi slt, %broadcast_in_dim3A_2037, %lt3A_2039 : vector<16xi32>
    %add3A_2041 = arith.constant 16 : i32
    %add3A_2042 = vector.broadcast %add3A_2041 : i32 to vector<16xi32>
    %add3A_2043 = arith.addi %broadcast_in_dim3A_2037, %add3A_2042 : vector<16xi32>
    %select_n3A_2044 = arith.select %lt3A_2040, %add3A_2043, %broadcast_in_dim3A_2037 : vector<16xi1>, vector<16xi32>
    %broadcast_in_dim3A_2045 = vector.shape_cast %select_n3A_2044 : vector<16xi32> to vector<16x1xi32>
    %gather3A_2046 = vector.shape_cast %broadcast_in_dim3A_2045 : vector<16x1xi32> to vector<16xi32>
    %gather3A_2047 = tpu.dynamic_gather %get3A_153[%gather3A_2046] in [0] : vector<16xf32>, vector<16xi32> -> vector<16xf32>
    %broadcast_in_dim3A_2048 = arith.constant 7 : i32
    %broadcast_in_dim3A_2049 = vector.broadcast %broadcast_in_dim3A_2048 : i32 to vector<16xi32>
    %lt3A_2050 = arith.constant 0 : i32
    %lt3A_2051 = vector.broadcast %lt3A_2050 : i32 to vector<16xi32>
    %lt3A_2052 = arith.cmpi slt, %broadcast_in_dim3A_2049, %lt3A_2051 : vector<16xi32>
    %add3A_2053 = arith.constant 16 : i32
    %add3A_2054 = vector.broadcast %add3A_2053 : i32 to vector<16xi32>
    %add3A_2055 = arith.addi %broadcast_in_dim3A_2049, %add3A_2054 : vector<16xi32>
    %select_n3A_2056 = arith.select %lt3A_2052, %add3A_2055, %broadcast_in_dim3A_2049 : vector<16xi1>, vector<16xi32>
    %broadcast_in_dim3A_2057 = vector.shape_cast %select_n3A_2056 : vector<16xi32> to vector<16x1xi32>
    %gather3A_2058 = vector.shape_cast %broadcast_in_dim3A_2057 : vector<16x1xi32> to vector<16xi32>
    %gather3A_2059 = tpu.dynamic_gather %get3A_153[%gather3A_2058] in [0] : vector<16xf32>, vector<16xi32> -> vector<16xf32>
    %broadcast_in_dim3A_2060 = arith.constant 8 : i32
    %broadcast_in_dim3A_2061 = vector.broadcast %broadcast_in_dim3A_2060 : i32 to vector<16xi32>
    %lt3A_2062 = arith.constant 0 : i32
    %lt3A_2063 = vector.broadcast %lt3A_2062 : i32 to vector<16xi32>
    %lt3A_2064 = arith.cmpi slt, %broadcast_in_dim3A_2061, %lt3A_2063 : vector<16xi32>
    %add3A_2065 = arith.constant 16 : i32
    %add3A_2066 = vector.broadcast %add3A_2065 : i32 to vector<16xi32>
    %add3A_2067 = arith.addi %broadcast_in_dim3A_2061, %add3A_2066 : vector<16xi32>
    %select_n3A_2068 = arith.select %lt3A_2064, %add3A_2067, %broadcast_in_dim3A_2061 : vector<16xi1>, vector<16xi32>
    %broadcast_in_dim3A_2069 = vector.shape_cast %select_n3A_2068 : vector<16xi32> to vector<16x1xi32>
    %gather3A_2070 = vector.shape_cast %broadcast_in_dim3A_2069 : vector<16x1xi32> to vector<16xi32>
    %gather3A_2071 = tpu.dynamic_gather %get3A_153[%gather3A_2070] in [0] : vector<16xf32>, vector<16xi32> -> vector<16xf32>
    %broadcast_in_dim3A_2072 = arith.constant 9 : i32
    %broadcast_in_dim3A_2073 = vector.broadcast %broadcast_in_dim3A_2072 : i32 to vector<16xi32>
    %lt3A_2074 = arith.constant 0 : i32
    %lt3A_2075 = vector.broadcast %lt3A_2074 : i32 to vector<16xi32>
    %lt3A_2076 = arith.cmpi slt, %broadcast_in_dim3A_2073, %lt3A_2075 : vector<16xi32>
    %add3A_2077 = arith.constant 16 : i32
    %add3A_2078 = vector.broadcast %add3A_2077 : i32 to vector<16xi32>
    %add3A_2079 = arith.addi %broadcast_in_dim3A_2073, %add3A_2078 : vector<16xi32>
    %select_n3A_2080 = arith.select %lt3A_2076, %add3A_2079, %broadcast_in_dim3A_2073 : vector<16xi1>, vector<16xi32>
    %broadcast_in_dim3A_2081 = vector.shape_cast %select_n3A_2080 : vector<16xi32> to vector<16x1xi32>
    %gather3A_2082 = vector.shape_cast %broadcast_in_dim3A_2081 : vector<16x1xi32> to vector<16xi32>
    %gather3A_2083 = tpu.dynamic_gather %get3A_153[%gather3A_2082] in [0] : vector<16xf32>, vector<16xi32> -> vector<16xf32>
    %broadcast_in_dim3A_2084 = arith.constant 10 : i32
    %broadcast_in_dim3A_2085 = vector.broadcast %broadcast_in_dim3A_2084 : i32 to vector<16xi32>
    %lt3A_2086 = arith.constant 0 : i32
    %lt3A_2087 = vector.broadcast %lt3A_2086 : i32 to vector<16xi32>
    %lt3A_2088 = arith.cmpi slt, %broadcast_in_dim3A_2085, %lt3A_2087 : vector<16xi32>
    %add3A_2089 = arith.constant 16 : i32
    %add3A_2090 = vector.broadcast %add3A_2089 : i32 to vector<16xi32>
    %add3A_2091 = arith.addi %broadcast_in_dim3A_2085, %add3A_2090 : vector<16xi32>
    %select_n3A_2092 = arith.select %lt3A_2088, %add3A_2091, %broadcast_in_dim3A_2085 : vector<16xi1>, vector<16xi32>
    %broadcast_in_dim3A_2093 = vector.shape_cast %select_n3A_2092 : vector<16xi32> to vector<16x1xi32>
    %gather3A_2094 = vector.shape_cast %broadcast_in_dim3A_2093 : vector<16x1xi32> to vector<16xi32>
    %gather3A_2095 = tpu.dynamic_gather %get3A_153[%gather3A_2094] in [0] : vector<16xf32>, vector<16xi32> -> vector<16xf32>
    %broadcast_in_dim3A_2096 = arith.constant 11 : i32
    %broadcast_in_dim3A_2097 = vector.broadcast %broadcast_in_dim3A_2096 : i32 to vector<16xi32>
    %lt3A_2098 = arith.constant 0 : i32
    %lt3A_2099 = vector.broadcast %lt3A_2098 : i32 to vector<16xi32>
    %lt3A_2100 = arith.cmpi slt, %broadcast_in_dim3A_2097, %lt3A_2099 : vector<16xi32>
    %add3A_2101 = arith.constant 16 : i32
    %add3A_2102 = vector.broadcast %add3A_2101 : i32 to vector<16xi32>
    %add3A_2103 = arith.addi %broadcast_in_dim3A_2097, %add3A_2102 : vector<16xi32>
    %select_n3A_2104 = arith.select %lt3A_2100, %add3A_2103, %broadcast_in_dim3A_2097 : vector<16xi1>, vector<16xi32>
    %broadcast_in_dim3A_2105 = vector.shape_cast %select_n3A_2104 : vector<16xi32> to vector<16x1xi32>
    %gather3A_2106 = vector.shape_cast %broadcast_in_dim3A_2105 : vector<16x1xi32> to vector<16xi32>
    %gather3A_2107 = tpu.dynamic_gather %get3A_153[%gather3A_2106] in [0] : vector<16xf32>, vector<16xi32> -> vector<16xf32>
    %broadcast_in_dim3A_2108 = arith.constant 12 : i32
    %broadcast_in_dim3A_2109 = vector.broadcast %broadcast_in_dim3A_2108 : i32 to vector<16xi32>
    %lt3A_2110 = arith.constant 0 : i32
    %lt3A_2111 = vector.broadcast %lt3A_2110 : i32 to vector<16xi32>
    %lt3A_2112 = arith.cmpi slt, %broadcast_in_dim3A_2109, %lt3A_2111 : vector<16xi32>
    %add3A_2113 = arith.constant 16 : i32
    %add3A_2114 = vector.broadcast %add3A_2113 : i32 to vector<16xi32>
    %add3A_2115 = arith.addi %broadcast_in_dim3A_2109, %add3A_2114 : vector<16xi32>
    %select_n3A_2116 = arith.select %lt3A_2112, %add3A_2115, %broadcast_in_dim3A_2109 : vector<16xi1>, vector<16xi32>
    %broadcast_in_dim3A_2117 = vector.shape_cast %select_n3A_2116 : vector<16xi32> to vector<16x1xi32>
    %gather3A_2118 = vector.shape_cast %broadcast_in_dim3A_2117 : vector<16x1xi32> to vector<16xi32>
    %gather3A_2119 = tpu.dynamic_gather %get3A_153[%gather3A_2118] in [0] : vector<16xf32>, vector<16xi32> -> vector<16xf32>
    %broadcast_in_dim3A_2120 = arith.constant 13 : i32
    %broadcast_in_dim3A_2121 = vector.broadcast %broadcast_in_dim3A_2120 : i32 to vector<16xi32>
    %lt3A_2122 = arith.constant 0 : i32
    %lt3A_2123 = vector.broadcast %lt3A_2122 : i32 to vector<16xi32>
    %lt3A_2124 = arith.cmpi slt, %broadcast_in_dim3A_2121, %lt3A_2123 : vector<16xi32>
    %add3A_2125 = arith.constant 16 : i32
    %add3A_2126 = vector.broadcast %add3A_2125 : i32 to vector<16xi32>
    %add3A_2127 = arith.addi %broadcast_in_dim3A_2121, %add3A_2126 : vector<16xi32>
    %select_n3A_2128 = arith.select %lt3A_2124, %add3A_2127, %broadcast_in_dim3A_2121 : vector<16xi1>, vector<16xi32>
    %broadcast_in_dim3A_2129 = vector.shape_cast %select_n3A_2128 : vector<16xi32> to vector<16x1xi32>
    %gather3A_2130 = vector.shape_cast %broadcast_in_dim3A_2129 : vector<16x1xi32> to vector<16xi32>
    %gather3A_2131 = tpu.dynamic_gather %get3A_153[%gather3A_2130] in [0] : vector<16xf32>, vector<16xi32> -> vector<16xf32>
    %broadcast_in_dim3A_2132 = arith.constant 14 : i32
    %broadcast_in_dim3A_2133 = vector.broadcast %broadcast_in_dim3A_2132 : i32 to vector<16xi32>
    %lt3A_2134 = arith.constant 0 : i32
    %lt3A_2135 = vector.broadcast %lt3A_2134 : i32 to vector<16xi32>
    %lt3A_2136 = arith.cmpi slt, %broadcast_in_dim3A_2133, %lt3A_2135 : vector<16xi32>
    %add3A_2137 = arith.constant 16 : i32
    %add3A_2138 = vector.broadcast %add3A_2137 : i32 to vector<16xi32>
    %add3A_2139 = arith.addi %broadcast_in_dim3A_2133, %add3A_2138 : vector<16xi32>
    %select_n3A_2140 = arith.select %lt3A_2136, %add3A_2139, %broadcast_in_dim3A_2133 : vector<16xi1>, vector<16xi32>
    %broadcast_in_dim3A_2141 = vector.shape_cast %select_n3A_2140 : vector<16xi32> to vector<16x1xi32>
    %gather3A_2142 = vector.shape_cast %broadcast_in_dim3A_2141 : vector<16x1xi32> to vector<16xi32>
    %gather3A_2143 = tpu.dynamic_gather %get3A_153[%gather3A_2142] in [0] : vector<16xf32>, vector<16xi32> -> vector<16xf32>
    %broadcast_in_dim3A_2144 = arith.constant 15 : i32
    %broadcast_in_dim3A_2145 = vector.broadcast %broadcast_in_dim3A_2144 : i32 to vector<16xi32>
    %lt3A_2146 = arith.constant 0 : i32
    %lt3A_2147 = vector.broadcast %lt3A_2146 : i32 to vector<16xi32>
    %lt3A_2148 = arith.cmpi slt, %broadcast_in_dim3A_2145, %lt3A_2147 : vector<16xi32>
    %add3A_2149 = arith.constant 16 : i32
    %add3A_2150 = vector.broadcast %add3A_2149 : i32 to vector<16xi32>
    %add3A_2151 = arith.addi %broadcast_in_dim3A_2145, %add3A_2150 : vector<16xi32>
    %select_n3A_2152 = arith.select %lt3A_2148, %add3A_2151, %broadcast_in_dim3A_2145 : vector<16xi1>, vector<16xi32>
    %broadcast_in_dim3A_2153 = vector.shape_cast %select_n3A_2152 : vector<16xi32> to vector<16x1xi32>
    %gather3A_2154 = vector.shape_cast %broadcast_in_dim3A_2153 : vector<16x1xi32> to vector<16xi32>
    %gather3A_2155 = tpu.dynamic_gather %get3A_153[%gather3A_2154] in [0] : vector<16xf32>, vector<16xi32> -> vector<16xf32>
    %broadcast_in_dim3A_2156 = arith.constant 4 : i32
    %broadcast_in_dim3A_2157 = vector.broadcast %broadcast_in_dim3A_2156 : i32 to vector<16xi32>
    %lt3A_2158 = arith.constant 0 : i32
    %lt3A_2159 = vector.broadcast %lt3A_2158 : i32 to vector<16xi32>
    %lt3A_2160 = arith.cmpi slt, %broadcast_in_dim3A_2157, %lt3A_2159 : vector<16xi32>
    %add3A_2161 = arith.constant 16 : i32
    %add3A_2162 = vector.broadcast %add3A_2161 : i32 to vector<16xi32>
    %add3A_2163 = arith.addi %broadcast_in_dim3A_2157, %add3A_2162 : vector<16xi32>
    %select_n3A_2164 = arith.select %lt3A_2160, %add3A_2163, %broadcast_in_dim3A_2157 : vector<16xi1>, vector<16xi32>
    %broadcast_in_dim3A_2165 = vector.shape_cast %select_n3A_2164 : vector<16xi32> to vector<16x1xi32>
    %gather3A_2166 = vector.shape_cast %broadcast_in_dim3A_2165 : vector<16x1xi32> to vector<16xi32>
    %gather3A_2167 = tpu.dynamic_gather %get3A_167[%gather3A_2166] in [0] : vector<16xf32>, vector<16xi32> -> vector<16xf32>
    %broadcast_in_dim3A_2168 = arith.constant 5 : i32
    %broadcast_in_dim3A_2169 = vector.broadcast %broadcast_in_dim3A_2168 : i32 to vector<16xi32>
    %lt3A_2170 = arith.constant 0 : i32
    %lt3A_2171 = vector.broadcast %lt3A_2170 : i32 to vector<16xi32>
    %lt3A_2172 = arith.cmpi slt, %broadcast_in_dim3A_2169, %lt3A_2171 : vector<16xi32>
    %add3A_2173 = arith.constant 16 : i32
    %add3A_2174 = vector.broadcast %add3A_2173 : i32 to vector<16xi32>
    %add3A_2175 = arith.addi %broadcast_in_dim3A_2169, %add3A_2174 : vector<16xi32>
    %select_n3A_2176 = arith.select %lt3A_2172, %add3A_2175, %broadcast_in_dim3A_2169 : vector<16xi1>, vector<16xi32>
    %broadcast_in_dim3A_2177 = vector.shape_cast %select_n3A_2176 : vector<16xi32> to vector<16x1xi32>
    %gather3A_2178 = vector.shape_cast %broadcast_in_dim3A_2177 : vector<16x1xi32> to vector<16xi32>
    %gather3A_2179 = tpu.dynamic_gather %get3A_167[%gather3A_2178] in [0] : vector<16xf32>, vector<16xi32> -> vector<16xf32>
    %broadcast_in_dim3A_2180 = arith.constant 6 : i32
    %broadcast_in_dim3A_2181 = vector.broadcast %broadcast_in_dim3A_2180 : i32 to vector<16xi32>
    %lt3A_2182 = arith.constant 0 : i32
    %lt3A_2183 = vector.broadcast %lt3A_2182 : i32 to vector<16xi32>
    %lt3A_2184 = arith.cmpi slt, %broadcast_in_dim3A_2181, %lt3A_2183 : vector<16xi32>
    %add3A_2185 = arith.constant 16 : i32
    %add3A_2186 = vector.broadcast %add3A_2185 : i32 to vector<16xi32>
    %add3A_2187 = arith.addi %broadcast_in_dim3A_2181, %add3A_2186 : vector<16xi32>
    %select_n3A_2188 = arith.select %lt3A_2184, %add3A_2187, %broadcast_in_dim3A_2181 : vector<16xi1>, vector<16xi32>
    %broadcast_in_dim3A_2189 = vector.shape_cast %select_n3A_2188 : vector<16xi32> to vector<16x1xi32>
    %gather3A_2190 = vector.shape_cast %broadcast_in_dim3A_2189 : vector<16x1xi32> to vector<16xi32>
    %gather3A_2191 = tpu.dynamic_gather %get3A_167[%gather3A_2190] in [0] : vector<16xf32>, vector<16xi32> -> vector<16xf32>
    %broadcast_in_dim3A_2192 = arith.constant 7 : i32
    %broadcast_in_dim3A_2193 = vector.broadcast %broadcast_in_dim3A_2192 : i32 to vector<16xi32>
    %lt3A_2194 = arith.constant 0 : i32
    %lt3A_2195 = vector.broadcast %lt3A_2194 : i32 to vector<16xi32>
    %lt3A_2196 = arith.cmpi slt, %broadcast_in_dim3A_2193, %lt3A_2195 : vector<16xi32>
    %add3A_2197 = arith.constant 16 : i32
    %add3A_2198 = vector.broadcast %add3A_2197 : i32 to vector<16xi32>
    %add3A_2199 = arith.addi %broadcast_in_dim3A_2193, %add3A_2198 : vector<16xi32>
    %select_n3A_2200 = arith.select %lt3A_2196, %add3A_2199, %broadcast_in_dim3A_2193 : vector<16xi1>, vector<16xi32>
    %broadcast_in_dim3A_2201 = vector.shape_cast %select_n3A_2200 : vector<16xi32> to vector<16x1xi32>
    %gather3A_2202 = vector.shape_cast %broadcast_in_dim3A_2201 : vector<16x1xi32> to vector<16xi32>
    %gather3A_2203 = tpu.dynamic_gather %get3A_167[%gather3A_2202] in [0] : vector<16xf32>, vector<16xi32> -> vector<16xf32>
    %broadcast_in_dim3A_2204 = arith.constant 8 : i32
    %broadcast_in_dim3A_2205 = vector.broadcast %broadcast_in_dim3A_2204 : i32 to vector<16xi32>
    %lt3A_2206 = arith.constant 0 : i32
    %lt3A_2207 = vector.broadcast %lt3A_2206 : i32 to vector<16xi32>
    %lt3A_2208 = arith.cmpi slt, %broadcast_in_dim3A_2205, %lt3A_2207 : vector<16xi32>
    %add3A_2209 = arith.constant 16 : i32
    %add3A_2210 = vector.broadcast %add3A_2209 : i32 to vector<16xi32>
    %add3A_2211 = arith.addi %broadcast_in_dim3A_2205, %add3A_2210 : vector<16xi32>
    %select_n3A_2212 = arith.select %lt3A_2208, %add3A_2211, %broadcast_in_dim3A_2205 : vector<16xi1>, vector<16xi32>
    %broadcast_in_dim3A_2213 = vector.shape_cast %select_n3A_2212 : vector<16xi32> to vector<16x1xi32>
    %gather3A_2214 = vector.shape_cast %broadcast_in_dim3A_2213 : vector<16x1xi32> to vector<16xi32>
    %gather3A_2215 = tpu.dynamic_gather %get3A_167[%gather3A_2214] in [0] : vector<16xf32>, vector<16xi32> -> vector<16xf32>
    %broadcast_in_dim3A_2216 = arith.constant 9 : i32
    %broadcast_in_dim3A_2217 = vector.broadcast %broadcast_in_dim3A_2216 : i32 to vector<16xi32>
    %lt3A_2218 = arith.constant 0 : i32
    %lt3A_2219 = vector.broadcast %lt3A_2218 : i32 to vector<16xi32>
    %lt3A_2220 = arith.cmpi slt, %broadcast_in_dim3A_2217, %lt3A_2219 : vector<16xi32>
    %add3A_2221 = arith.constant 16 : i32
    %add3A_2222 = vector.broadcast %add3A_2221 : i32 to vector<16xi32>
    %add3A_2223 = arith.addi %broadcast_in_dim3A_2217, %add3A_2222 : vector<16xi32>
    %select_n3A_2224 = arith.select %lt3A_2220, %add3A_2223, %broadcast_in_dim3A_2217 : vector<16xi1>, vector<16xi32>
    %broadcast_in_dim3A_2225 = vector.shape_cast %select_n3A_2224 : vector<16xi32> to vector<16x1xi32>
    %gather3A_2226 = vector.shape_cast %broadcast_in_dim3A_2225 : vector<16x1xi32> to vector<16xi32>
    %gather3A_2227 = tpu.dynamic_gather %get3A_167[%gather3A_2226] in [0] : vector<16xf32>, vector<16xi32> -> vector<16xf32>
    %broadcast_in_dim3A_2228 = arith.constant 10 : i32
    %broadcast_in_dim3A_2229 = vector.broadcast %broadcast_in_dim3A_2228 : i32 to vector<16xi32>
    %lt3A_2230 = arith.constant 0 : i32
    %lt3A_2231 = vector.broadcast %lt3A_2230 : i32 to vector<16xi32>
    %lt3A_2232 = arith.cmpi slt, %broadcast_in_dim3A_2229, %lt3A_2231 : vector<16xi32>
    %add3A_2233 = arith.constant 16 : i32
    %add3A_2234 = vector.broadcast %add3A_2233 : i32 to vector<16xi32>
    %add3A_2235 = arith.addi %broadcast_in_dim3A_2229, %add3A_2234 : vector<16xi32>
    %select_n3A_2236 = arith.select %lt3A_2232, %add3A_2235, %broadcast_in_dim3A_2229 : vector<16xi1>, vector<16xi32>
    %broadcast_in_dim3A_2237 = vector.shape_cast %select_n3A_2236 : vector<16xi32> to vector<16x1xi32>
    %gather3A_2238 = vector.shape_cast %broadcast_in_dim3A_2237 : vector<16x1xi32> to vector<16xi32>
    %gather3A_2239 = tpu.dynamic_gather %get3A_167[%gather3A_2238] in [0] : vector<16xf32>, vector<16xi32> -> vector<16xf32>
    %broadcast_in_dim3A_2240 = arith.constant 11 : i32
    %broadcast_in_dim3A_2241 = vector.broadcast %broadcast_in_dim3A_2240 : i32 to vector<16xi32>
    %lt3A_2242 = arith.constant 0 : i32
    %lt3A_2243 = vector.broadcast %lt3A_2242 : i32 to vector<16xi32>
    %lt3A_2244 = arith.cmpi slt, %broadcast_in_dim3A_2241, %lt3A_2243 : vector<16xi32>
    %add3A_2245 = arith.constant 16 : i32
    %add3A_2246 = vector.broadcast %add3A_2245 : i32 to vector<16xi32>
    %add3A_2247 = arith.addi %broadcast_in_dim3A_2241, %add3A_2246 : vector<16xi32>
    %select_n3A_2248 = arith.select %lt3A_2244, %add3A_2247, %broadcast_in_dim3A_2241 : vector<16xi1>, vector<16xi32>
    %broadcast_in_dim3A_2249 = vector.shape_cast %select_n3A_2248 : vector<16xi32> to vector<16x1xi32>
    %gather3A_2250 = vector.shape_cast %broadcast_in_dim3A_2249 : vector<16x1xi32> to vector<16xi32>
    %gather3A_2251 = tpu.dynamic_gather %get3A_167[%gather3A_2250] in [0] : vector<16xf32>, vector<16xi32> -> vector<16xf32>
    %broadcast_in_dim3A_2252 = arith.constant 12 : i32
    %broadcast_in_dim3A_2253 = vector.broadcast %broadcast_in_dim3A_2252 : i32 to vector<16xi32>
    %lt3A_2254 = arith.constant 0 : i32
    %lt3A_2255 = vector.broadcast %lt3A_2254 : i32 to vector<16xi32>
    %lt3A_2256 = arith.cmpi slt, %broadcast_in_dim3A_2253, %lt3A_2255 : vector<16xi32>
    %add3A_2257 = arith.constant 16 : i32
    %add3A_2258 = vector.broadcast %add3A_2257 : i32 to vector<16xi32>
    %add3A_2259 = arith.addi %broadcast_in_dim3A_2253, %add3A_2258 : vector<16xi32>
    %select_n3A_2260 = arith.select %lt3A_2256, %add3A_2259, %broadcast_in_dim3A_2253 : vector<16xi1>, vector<16xi32>
    %broadcast_in_dim3A_2261 = vector.shape_cast %select_n3A_2260 : vector<16xi32> to vector<16x1xi32>
    %gather3A_2262 = vector.shape_cast %broadcast_in_dim3A_2261 : vector<16x1xi32> to vector<16xi32>
    %gather3A_2263 = tpu.dynamic_gather %get3A_167[%gather3A_2262] in [0] : vector<16xf32>, vector<16xi32> -> vector<16xf32>
    %broadcast_in_dim3A_2264 = arith.constant 13 : i32
    %broadcast_in_dim3A_2265 = vector.broadcast %broadcast_in_dim3A_2264 : i32 to vector<16xi32>
    %lt3A_2266 = arith.constant 0 : i32
    %lt3A_2267 = vector.broadcast %lt3A_2266 : i32 to vector<16xi32>
    %lt3A_2268 = arith.cmpi slt, %broadcast_in_dim3A_2265, %lt3A_2267 : vector<16xi32>
    %add3A_2269 = arith.constant 16 : i32
    %add3A_2270 = vector.broadcast %add3A_2269 : i32 to vector<16xi32>
    %add3A_2271 = arith.addi %broadcast_in_dim3A_2265, %add3A_2270 : vector<16xi32>
    %select_n3A_2272 = arith.select %lt3A_2268, %add3A_2271, %broadcast_in_dim3A_2265 : vector<16xi1>, vector<16xi32>
    %broadcast_in_dim3A_2273 = vector.shape_cast %select_n3A_2272 : vector<16xi32> to vector<16x1xi32>
    %gather3A_2274 = vector.shape_cast %broadcast_in_dim3A_2273 : vector<16x1xi32> to vector<16xi32>
    %gather3A_2275 = tpu.dynamic_gather %get3A_167[%gather3A_2274] in [0] : vector<16xf32>, vector<16xi32> -> vector<16xf32>
    %broadcast_in_dim3A_2276 = arith.constant 11 : i32
    %broadcast_in_dim3A_2277 = vector.broadcast %broadcast_in_dim3A_2276 : i32 to vector<16xi32>
    %lt3A_2278 = arith.constant 0 : i32
    %lt3A_2279 = vector.broadcast %lt3A_2278 : i32 to vector<16xi32>
    %lt3A_2280 = arith.cmpi slt, %broadcast_in_dim3A_2277, %lt3A_2279 : vector<16xi32>
    %add3A_2281 = arith.constant 16 : i32
    %add3A_2282 = vector.broadcast %add3A_2281 : i32 to vector<16xi32>
    %add3A_2283 = arith.addi %broadcast_in_dim3A_2277, %add3A_2282 : vector<16xi32>
    %select_n3A_2284 = arith.select %lt3A_2280, %add3A_2283, %broadcast_in_dim3A_2277 : vector<16xi1>, vector<16xi32>
    %broadcast_in_dim3A_2285 = vector.shape_cast %select_n3A_2284 : vector<16xi32> to vector<16x1xi32>
    %gather3A_2286 = vector.shape_cast %broadcast_in_dim3A_2285 : vector<16x1xi32> to vector<16xi32>
    %gather3A_2287 = tpu.dynamic_gather %get3A_157[%gather3A_2286] in [0] : vector<16xf32>, vector<16xi32> -> vector<16xf32>
    %broadcast_in_dim3A_2288 = arith.constant 9 : i32
    %broadcast_in_dim3A_2289 = vector.broadcast %broadcast_in_dim3A_2288 : i32 to vector<16xi32>
    %lt3A_2290 = arith.constant 0 : i32
    %lt3A_2291 = vector.broadcast %lt3A_2290 : i32 to vector<16xi32>
    %lt3A_2292 = arith.cmpi slt, %broadcast_in_dim3A_2289, %lt3A_2291 : vector<16xi32>
    %add3A_2293 = arith.constant 16 : i32
    %add3A_2294 = vector.broadcast %add3A_2293 : i32 to vector<16xi32>
    %add3A_2295 = arith.addi %broadcast_in_dim3A_2289, %add3A_2294 : vector<16xi32>
    %select_n3A_2296 = arith.select %lt3A_2292, %add3A_2295, %broadcast_in_dim3A_2289 : vector<16xi1>, vector<16xi32>
    %broadcast_in_dim3A_2297 = vector.shape_cast %select_n3A_2296 : vector<16xi32> to vector<16x1xi32>
    %gather3A_2298 = vector.shape_cast %broadcast_in_dim3A_2297 : vector<16x1xi32> to vector<16xi32>
    %gather3A_2299 = tpu.dynamic_gather %get3A_171[%gather3A_2298] in [0] : vector<16xf32>, vector<16xi32> -> vector<16xf32>
    %parallel_loop3A_2300 = arith.constant 0 : i32
    %parallel_loop3A_2301 = arith.constant 64 : i32
    %parallel_loop3A_2302 = arith.constant 1 : i32
    scf.for %parallel_loop3A_2977 = %parallel_loop3A_2300 to %parallel_loop3A_2301 step %parallel_loop3A_2302  : i32 {
      %parallel_loop3A_2978 = arith.constant 16 : i32
      %parallel_loop3A_2979 = arith.muli %parallel_loop3A_2977, %parallel_loop3A_2978 : i32
      %parallel_loop3A_2980 = arith.index_cast %parallel_loop3A_2979 : i32 to index
      %parallel_loop3A_2981 = tpu.vector_load %arg7[%parallel_loop3A_2980] {strides = array<i32>} : memref<1024xi32, #tpu.memory_space<vmem>>, vector<16xi32>,
      %parallel_loop3A_2982 = arith.constant 0 : i32
      %parallel_loop3A_2983 = arith.addi %parallel_loop3A_2982, %parallel_loop3A_2979 : i32
      %parallel_loop3A_2984 = arith.index_cast %parallel_loop3A_2983 : i32 to index
      %parallel_loop3A_2985 = tpu.vector_load %arg6[%parallel_loop3A_2984] {strides = array<i32>} : memref<10240xf32, #tpu.memory_space<vmem>>, vector<16xf32>,
      %parallel_loop3A_2986 = arith.constant 1024 : i32
      %parallel_loop3A_2987 = arith.addi %parallel_loop3A_2986, %parallel_loop3A_2979 : i32
      %parallel_loop3A_2988 = arith.index_cast %parallel_loop3A_2987 : i32 to index
      %parallel_loop3A_2989 = tpu.vector_load %arg6[%parallel_loop3A_2988] {strides = array<i32>} : memref<10240xf32, #tpu.memory_space<vmem>>, vector<16xf32>,
      %parallel_loop3A_2990 = arith.constant 2048 : i32
      %parallel_loop3A_2991 = arith.addi %parallel_loop3A_2990, %parallel_loop3A_2979 : i32
      %parallel_loop3A_2992 = arith.index_cast %parallel_loop3A_2991 : i32 to index
      %parallel_loop3A_2993 = tpu.vector_load %arg6[%parallel_loop3A_2992] {strides = array<i32>} : memref<10240xf32, #tpu.memory_space<vmem>>, vector<16xf32>,
      %parallel_loop3A_2994 = arith.constant 3072 : i32
      %parallel_loop3A_2995 = arith.addi %parallel_loop3A_2994, %parallel_loop3A_2979 : i32
      %parallel_loop3A_2996 = arith.index_cast %parallel_loop3A_2995 : i32 to index
      %parallel_loop3A_2997 = tpu.vector_load %arg6[%parallel_loop3A_2996] {strides = array<i32>} : memref<10240xf32, #tpu.memory_space<vmem>>, vector<16xf32>,
      %parallel_loop3A_2998 = arith.constant 4096 : i32
      %parallel_loop3A_2999 = arith.addi %parallel_loop3A_2998, %parallel_loop3A_2979 : i32
      %parallel_loop3A_3000 = arith.index_cast %parallel_loop3A_2999 : i32 to index
      %parallel_loop3A_3001 = tpu.vector_load %arg6[%parallel_loop3A_3000] {strides = array<i32>} : memref<10240xf32, #tpu.memory_space<vmem>>, vector<16xf32>,
      %parallel_loop3A_3002 = arith.constant 5120 : i32
      %parallel_loop3A_3003 = arith.addi %parallel_loop3A_3002, %parallel_loop3A_2979 : i32
      %parallel_loop3A_3004 = arith.index_cast %parallel_loop3A_3003 : i32 to index
      %parallel_loop3A_3005 = tpu.vector_load %arg6[%parallel_loop3A_3004] {strides = array<i32>} : memref<10240xf32, #tpu.memory_space<vmem>>, vector<16xf32>,
      %parallel_loop3A_3006 = arith.constant 6144 : i32
      %parallel_loop3A_3007 = arith.addi %parallel_loop3A_3006, %parallel_loop3A_2979 : i32
      %parallel_loop3A_3008 = arith.index_cast %parallel_loop3A_3007 : i32 to index
      %parallel_loop3A_3009 = tpu.vector_load %arg6[%parallel_loop3A_3008] {strides = array<i32>} : memref<10240xf32, #tpu.memory_space<vmem>>, vector<16xf32>,
      %parallel_loop3A_3010 = arith.constant 7168 : i32
      %parallel_loop3A_3011 = arith.addi %parallel_loop3A_3010, %parallel_loop3A_2979 : i32
      %parallel_loop3A_3012 = arith.index_cast %parallel_loop3A_3011 : i32 to index
      %parallel_loop3A_3013 = tpu.vector_load %arg6[%parallel_loop3A_3012] {strides = array<i32>} : memref<10240xf32, #tpu.memory_space<vmem>>, vector<16xf32>,
      %parallel_loop3A_3014 = arith.constant 8192 : i32
      %parallel_loop3A_3015 = arith.addi %parallel_loop3A_3014, %parallel_loop3A_2979 : i32
      %parallel_loop3A_3016 = arith.index_cast %parallel_loop3A_3015 : i32 to index
      %parallel_loop3A_3017 = tpu.vector_load %arg6[%parallel_loop3A_3016] {strides = array<i32>} : memref<10240xf32, #tpu.memory_space<vmem>>, vector<16xf32>,
      %parallel_loop3A_3018 = arith.constant 9216 : i32
      %parallel_loop3A_3019 = arith.addi %parallel_loop3A_3018, %parallel_loop3A_2979 : i32
      %parallel_loop3A_3020 = arith.index_cast %parallel_loop3A_3019 : i32 to index
      %parallel_loop3A_3021 = tpu.vector_load %arg6[%parallel_loop3A_3020] {strides = array<i32>} : memref<10240xf32, #tpu.memory_space<vmem>>, vector<16xf32>,
      %parallel_loop3A_3022 = arith.mulf %parallel_loop3A_2985, %gather3A_2047 : vector<16xf32>
      %parallel_loop3A_3023 = arith.mulf %parallel_loop3A_2989, %gather3A_2059 : vector<16xf32>
      %parallel_loop3A_3024 = arith.mulf %parallel_loop3A_2993, %gather3A_2071 : vector<16xf32>
      %parallel_loop3A_3025 = arith.mulf %parallel_loop3A_2997, %gather3A_2083 : vector<16xf32>
      %parallel_loop3A_3026 = arith.mulf %parallel_loop3A_3001, %gather3A_2095 : vector<16xf32>
      %parallel_loop3A_3027 = arith.mulf %parallel_loop3A_3005, %gather3A_2107 : vector<16xf32>
      %parallel_loop3A_3028 = arith.mulf %parallel_loop3A_3009, %gather3A_2119 : vector<16xf32>
      %parallel_loop3A_3029 = arith.mulf %parallel_loop3A_3013, %gather3A_2131 : vector<16xf32>
      %parallel_loop3A_3030 = arith.mulf %parallel_loop3A_3017, %gather3A_2143 : vector<16xf32>
      %parallel_loop3A_3031 = arith.mulf %parallel_loop3A_3021, %gather3A_2155 : vector<16xf32>
      %parallel_loop3A_3032 = arith.mulf %parallel_loop3A_2985, %gather3A_2167 : vector<16xf32>
      %parallel_loop3A_3033 = arith.mulf %parallel_loop3A_2989, %gather3A_2179 : vector<16xf32>
      %parallel_loop3A_3034 = arith.mulf %parallel_loop3A_2993, %gather3A_2191 : vector<16xf32>
      %parallel_loop3A_3035 = arith.mulf %parallel_loop3A_2997, %gather3A_2203 : vector<16xf32>
      %parallel_loop3A_3036 = arith.mulf %parallel_loop3A_3001, %gather3A_2215 : vector<16xf32>
      %parallel_loop3A_3037 = arith.mulf %parallel_loop3A_3005, %gather3A_2227 : vector<16xf32>
      %parallel_loop3A_3038 = arith.mulf %parallel_loop3A_3009, %gather3A_2239 : vector<16xf32>
      %parallel_loop3A_3039 = arith.mulf %parallel_loop3A_3013, %gather3A_2251 : vector<16xf32>
      %parallel_loop3A_3040 = arith.mulf %parallel_loop3A_3017, %gather3A_2263 : vector<16xf32>
      %parallel_loop3A_3041 = arith.mulf %parallel_loop3A_3021, %gather3A_2275 : vector<16xf32>
      %parallel_loop3A_3042 = arith.constant 0 : i32
      %parallel_loop3A_3043 = vector.broadcast %parallel_loop3A_3042 : i32 to vector<16xi32>
      %parallel_loop3A_3044 = arith.cmpi eq, %parallel_loop3A_2981, %parallel_loop3A_3043 : vector<16xi32>
      %parallel_loop3A_3045 = arith.addf %parallel_loop3A_3022, %parallel_loop3A_3023 : vector<16xf32>
      %parallel_loop3A_3046 = arith.addf %parallel_loop3A_3024, %parallel_loop3A_3025 : vector<16xf32>
      %parallel_loop3A_3047 = arith.addf %parallel_loop3A_3026, %parallel_loop3A_3027 : vector<16xf32>
      %parallel_loop3A_3048 = arith.addf %parallel_loop3A_3028, %parallel_loop3A_3029 : vector<16xf32>
      %parallel_loop3A_3049 = arith.addf %parallel_loop3A_3030, %parallel_loop3A_3031 : vector<16xf32>
      %parallel_loop3A_3050 = arith.addf %parallel_loop3A_3045, %parallel_loop3A_3046 : vector<16xf32>
      %parallel_loop3A_3051 = arith.addf %parallel_loop3A_3047, %parallel_loop3A_3048 : vector<16xf32>
      %parallel_loop3A_3052 = arith.addf %parallel_loop3A_3049, %gather3A_2287 : vector<16xf32>
      %parallel_loop3A_3053 = arith.addf %parallel_loop3A_3050, %parallel_loop3A_3051 : vector<16xf32>
      %parallel_loop3A_3054 = arith.addf %parallel_loop3A_3053, %parallel_loop3A_3052 : vector<16xf32>
      %parallel_loop3A_3055 = arith.addf %parallel_loop3A_3032, %parallel_loop3A_3033 : vector<16xf32>
      %parallel_loop3A_3056 = arith.addf %parallel_loop3A_3034, %parallel_loop3A_3035 : vector<16xf32>
      %parallel_loop3A_3057 = arith.addf %parallel_loop3A_3036, %parallel_loop3A_3037 : vector<16xf32>
      %parallel_loop3A_3058 = arith.addf %parallel_loop3A_3038, %parallel_loop3A_3039 : vector<16xf32>
      %parallel_loop3A_3059 = arith.addf %parallel_loop3A_3040, %parallel_loop3A_3041 : vector<16xf32>
      %parallel_loop3A_3060 = arith.addf %parallel_loop3A_3055, %parallel_loop3A_3056 : vector<16xf32>
      %parallel_loop3A_3061 = arith.addf %parallel_loop3A_3057, %parallel_loop3A_3058 : vector<16xf32>
      %parallel_loop3A_3062 = arith.addf %parallel_loop3A_3059, %gather3A_2299 : vector<16xf32>
      %parallel_loop3A_3063 = arith.addf %parallel_loop3A_3060, %parallel_loop3A_3061 : vector<16xf32>
      %parallel_loop3A_3064 = arith.addf %parallel_loop3A_3063, %parallel_loop3A_3062 : vector<16xf32>
      %parallel_loop3A_3065 = arith.select %parallel_loop3A_3044, %parallel_loop3A_3054, %parallel_loop3A_3064 : vector<16xi1>, vector<16xf32>
      %parallel_loop3A_3066 = arith.constant 7168 : i32
      %parallel_loop3A_3067 = arith.addi %parallel_loop3A_3066, %parallel_loop3A_2979 : i32
      %parallel_loop3A_3068 = arith.index_cast %parallel_loop3A_3067 : i32 to index
      %parallel_loop3A_3069 = tpu.vector_load %arg8[%parallel_loop3A_3068] {strides = array<i32>} : memref<10240xf32, #tpu.memory_space<vmem>>, vector<16xf32>,
      tpu.vector_store %arg8[%parallel_loop3A_3068], %parallel_loop3A_3065 {strides = array<i32>} : memref<10240xf32, #tpu.memory_space<vmem>>, vector<16xf32>,
    } {sc.loop_unroll_factor = 1 : i64, sc.parallel_access}
    %broadcast_in_dim3A_2303 = arith.constant 0 : i32
    %broadcast_in_dim3A_2304 = vector.broadcast %broadcast_in_dim3A_2303 : i32 to vector<16xi32>
    %lt3A_2305 = arith.constant 0 : i32
    %lt3A_2306 = vector.broadcast %lt3A_2305 : i32 to vector<16xi32>
    %lt3A_2307 = arith.cmpi slt, %broadcast_in_dim3A_2304, %lt3A_2306 : vector<16xi32>
    %add3A_2308 = arith.constant 16 : i32
    %add3A_2309 = vector.broadcast %add3A_2308 : i32 to vector<16xi32>
    %add3A_2310 = arith.addi %broadcast_in_dim3A_2304, %add3A_2309 : vector<16xi32>
    %select_n3A_2311 = arith.select %lt3A_2307, %add3A_2310, %broadcast_in_dim3A_2304 : vector<16xi1>, vector<16xi32>
    %broadcast_in_dim3A_2312 = vector.shape_cast %select_n3A_2311 : vector<16xi32> to vector<16x1xi32>
    %gather3A_2313 = vector.shape_cast %broadcast_in_dim3A_2312 : vector<16x1xi32> to vector<16xi32>
    %gather3A_2314 = tpu.dynamic_gather %get3A_155[%gather3A_2313] in [0] : vector<16xf32>, vector<16xi32> -> vector<16xf32>
    %broadcast_in_dim3A_2315 = arith.constant 1 : i32
    %broadcast_in_dim3A_2316 = vector.broadcast %broadcast_in_dim3A_2315 : i32 to vector<16xi32>
    %lt3A_2317 = arith.constant 0 : i32
    %lt3A_2318 = vector.broadcast %lt3A_2317 : i32 to vector<16xi32>
    %lt3A_2319 = arith.cmpi slt, %broadcast_in_dim3A_2316, %lt3A_2318 : vector<16xi32>
    %add3A_2320 = arith.constant 16 : i32
    %add3A_2321 = vector.broadcast %add3A_2320 : i32 to vector<16xi32>
    %add3A_2322 = arith.addi %broadcast_in_dim3A_2316, %add3A_2321 : vector<16xi32>
    %select_n3A_2323 = arith.select %lt3A_2319, %add3A_2322, %broadcast_in_dim3A_2316 : vector<16xi1>, vector<16xi32>
    %broadcast_in_dim3A_2324 = vector.shape_cast %select_n3A_2323 : vector<16xi32> to vector<16x1xi32>
    %gather3A_2325 = vector.shape_cast %broadcast_in_dim3A_2324 : vector<16x1xi32> to vector<16xi32>
    %gather3A_2326 = tpu.dynamic_gather %get3A_155[%gather3A_2325] in [0] : vector<16xf32>, vector<16xi32> -> vector<16xf32>
    %broadcast_in_dim3A_2327 = arith.constant 2 : i32
    %broadcast_in_dim3A_2328 = vector.broadcast %broadcast_in_dim3A_2327 : i32 to vector<16xi32>
    %lt3A_2329 = arith.constant 0 : i32
    %lt3A_2330 = vector.broadcast %lt3A_2329 : i32 to vector<16xi32>
    %lt3A_2331 = arith.cmpi slt, %broadcast_in_dim3A_2328, %lt3A_2330 : vector<16xi32>
    %add3A_2332 = arith.constant 16 : i32
    %add3A_2333 = vector.broadcast %add3A_2332 : i32 to vector<16xi32>
    %add3A_2334 = arith.addi %broadcast_in_dim3A_2328, %add3A_2333 : vector<16xi32>
    %select_n3A_2335 = arith.select %lt3A_2331, %add3A_2334, %broadcast_in_dim3A_2328 : vector<16xi1>, vector<16xi32>
    %broadcast_in_dim3A_2336 = vector.shape_cast %select_n3A_2335 : vector<16xi32> to vector<16x1xi32>
    %gather3A_2337 = vector.shape_cast %broadcast_in_dim3A_2336 : vector<16x1xi32> to vector<16xi32>
    %gather3A_2338 = tpu.dynamic_gather %get3A_155[%gather3A_2337] in [0] : vector<16xf32>, vector<16xi32> -> vector<16xf32>
    %broadcast_in_dim3A_2339 = arith.constant 3 : i32
    %broadcast_in_dim3A_2340 = vector.broadcast %broadcast_in_dim3A_2339 : i32 to vector<16xi32>
    %lt3A_2341 = arith.constant 0 : i32
    %lt3A_2342 = vector.broadcast %lt3A_2341 : i32 to vector<16xi32>
    %lt3A_2343 = arith.cmpi slt, %broadcast_in_dim3A_2340, %lt3A_2342 : vector<16xi32>
    %add3A_2344 = arith.constant 16 : i32
    %add3A_2345 = vector.broadcast %add3A_2344 : i32 to vector<16xi32>
    %add3A_2346 = arith.addi %broadcast_in_dim3A_2340, %add3A_2345 : vector<16xi32>
    %select_n3A_2347 = arith.select %lt3A_2343, %add3A_2346, %broadcast_in_dim3A_2340 : vector<16xi1>, vector<16xi32>
    %broadcast_in_dim3A_2348 = vector.shape_cast %select_n3A_2347 : vector<16xi32> to vector<16x1xi32>
    %gather3A_2349 = vector.shape_cast %broadcast_in_dim3A_2348 : vector<16x1xi32> to vector<16xi32>
    %gather3A_2350 = tpu.dynamic_gather %get3A_155[%gather3A_2349] in [0] : vector<16xf32>, vector<16xi32> -> vector<16xf32>
    %broadcast_in_dim3A_2351 = arith.constant 4 : i32
    %broadcast_in_dim3A_2352 = vector.broadcast %broadcast_in_dim3A_2351 : i32 to vector<16xi32>
    %lt3A_2353 = arith.constant 0 : i32
    %lt3A_2354 = vector.broadcast %lt3A_2353 : i32 to vector<16xi32>
    %lt3A_2355 = arith.cmpi slt, %broadcast_in_dim3A_2352, %lt3A_2354 : vector<16xi32>
    %add3A_2356 = arith.constant 16 : i32
    %add3A_2357 = vector.broadcast %add3A_2356 : i32 to vector<16xi32>
    %add3A_2358 = arith.addi %broadcast_in_dim3A_2352, %add3A_2357 : vector<16xi32>
    %select_n3A_2359 = arith.select %lt3A_2355, %add3A_2358, %broadcast_in_dim3A_2352 : vector<16xi1>, vector<16xi32>
    %broadcast_in_dim3A_2360 = vector.shape_cast %select_n3A_2359 : vector<16xi32> to vector<16x1xi32>
    %gather3A_2361 = vector.shape_cast %broadcast_in_dim3A_2360 : vector<16x1xi32> to vector<16xi32>
    %gather3A_2362 = tpu.dynamic_gather %get3A_155[%gather3A_2361] in [0] : vector<16xf32>, vector<16xi32> -> vector<16xf32>
    %broadcast_in_dim3A_2363 = arith.constant 5 : i32
    %broadcast_in_dim3A_2364 = vector.broadcast %broadcast_in_dim3A_2363 : i32 to vector<16xi32>
    %lt3A_2365 = arith.constant 0 : i32
    %lt3A_2366 = vector.broadcast %lt3A_2365 : i32 to vector<16xi32>
    %lt3A_2367 = arith.cmpi slt, %broadcast_in_dim3A_2364, %lt3A_2366 : vector<16xi32>
    %add3A_2368 = arith.constant 16 : i32
    %add3A_2369 = vector.broadcast %add3A_2368 : i32 to vector<16xi32>
    %add3A_2370 = arith.addi %broadcast_in_dim3A_2364, %add3A_2369 : vector<16xi32>
    %select_n3A_2371 = arith.select %lt3A_2367, %add3A_2370, %broadcast_in_dim3A_2364 : vector<16xi1>, vector<16xi32>
    %broadcast_in_dim3A_2372 = vector.shape_cast %select_n3A_2371 : vector<16xi32> to vector<16x1xi32>
    %gather3A_2373 = vector.shape_cast %broadcast_in_dim3A_2372 : vector<16x1xi32> to vector<16xi32>
    %gather3A_2374 = tpu.dynamic_gather %get3A_155[%gather3A_2373] in [0] : vector<16xf32>, vector<16xi32> -> vector<16xf32>
    %broadcast_in_dim3A_2375 = arith.constant 6 : i32
    %broadcast_in_dim3A_2376 = vector.broadcast %broadcast_in_dim3A_2375 : i32 to vector<16xi32>
    %lt3A_2377 = arith.constant 0 : i32
    %lt3A_2378 = vector.broadcast %lt3A_2377 : i32 to vector<16xi32>
    %lt3A_2379 = arith.cmpi slt, %broadcast_in_dim3A_2376, %lt3A_2378 : vector<16xi32>
    %add3A_2380 = arith.constant 16 : i32
    %add3A_2381 = vector.broadcast %add3A_2380 : i32 to vector<16xi32>
    %add3A_2382 = arith.addi %broadcast_in_dim3A_2376, %add3A_2381 : vector<16xi32>
    %select_n3A_2383 = arith.select %lt3A_2379, %add3A_2382, %broadcast_in_dim3A_2376 : vector<16xi1>, vector<16xi32>
    %broadcast_in_dim3A_2384 = vector.shape_cast %select_n3A_2383 : vector<16xi32> to vector<16x1xi32>
    %gather3A_2385 = vector.shape_cast %broadcast_in_dim3A_2384 : vector<16x1xi32> to vector<16xi32>
    %gather3A_2386 = tpu.dynamic_gather %get3A_155[%gather3A_2385] in [0] : vector<16xf32>, vector<16xi32> -> vector<16xf32>
    %broadcast_in_dim3A_2387 = arith.constant 7 : i32
    %broadcast_in_dim3A_2388 = vector.broadcast %broadcast_in_dim3A_2387 : i32 to vector<16xi32>
    %lt3A_2389 = arith.constant 0 : i32
    %lt3A_2390 = vector.broadcast %lt3A_2389 : i32 to vector<16xi32>
    %lt3A_2391 = arith.cmpi slt, %broadcast_in_dim3A_2388, %lt3A_2390 : vector<16xi32>
    %add3A_2392 = arith.constant 16 : i32
    %add3A_2393 = vector.broadcast %add3A_2392 : i32 to vector<16xi32>
    %add3A_2394 = arith.addi %broadcast_in_dim3A_2388, %add3A_2393 : vector<16xi32>
    %select_n3A_2395 = arith.select %lt3A_2391, %add3A_2394, %broadcast_in_dim3A_2388 : vector<16xi1>, vector<16xi32>
    %broadcast_in_dim3A_2396 = vector.shape_cast %select_n3A_2395 : vector<16xi32> to vector<16x1xi32>
    %gather3A_2397 = vector.shape_cast %broadcast_in_dim3A_2396 : vector<16x1xi32> to vector<16xi32>
    %gather3A_2398 = tpu.dynamic_gather %get3A_155[%gather3A_2397] in [0] : vector<16xf32>, vector<16xi32> -> vector<16xf32>
    %broadcast_in_dim3A_2399 = arith.constant 8 : i32
    %broadcast_in_dim3A_2400 = vector.broadcast %broadcast_in_dim3A_2399 : i32 to vector<16xi32>
    %lt3A_2401 = arith.constant 0 : i32
    %lt3A_2402 = vector.broadcast %lt3A_2401 : i32 to vector<16xi32>
    %lt3A_2403 = arith.cmpi slt, %broadcast_in_dim3A_2400, %lt3A_2402 : vector<16xi32>
    %add3A_2404 = arith.constant 16 : i32
    %add3A_2405 = vector.broadcast %add3A_2404 : i32 to vector<16xi32>
    %add3A_2406 = arith.addi %broadcast_in_dim3A_2400, %add3A_2405 : vector<16xi32>
    %select_n3A_2407 = arith.select %lt3A_2403, %add3A_2406, %broadcast_in_dim3A_2400 : vector<16xi1>, vector<16xi32>
    %broadcast_in_dim3A_2408 = vector.shape_cast %select_n3A_2407 : vector<16xi32> to vector<16x1xi32>
    %gather3A_2409 = vector.shape_cast %broadcast_in_dim3A_2408 : vector<16x1xi32> to vector<16xi32>
    %gather3A_2410 = tpu.dynamic_gather %get3A_155[%gather3A_2409] in [0] : vector<16xf32>, vector<16xi32> -> vector<16xf32>
    %broadcast_in_dim3A_2411 = arith.constant 9 : i32
    %broadcast_in_dim3A_2412 = vector.broadcast %broadcast_in_dim3A_2411 : i32 to vector<16xi32>
    %lt3A_2413 = arith.constant 0 : i32
    %lt3A_2414 = vector.broadcast %lt3A_2413 : i32 to vector<16xi32>
    %lt3A_2415 = arith.cmpi slt, %broadcast_in_dim3A_2412, %lt3A_2414 : vector<16xi32>
    %add3A_2416 = arith.constant 16 : i32
    %add3A_2417 = vector.broadcast %add3A_2416 : i32 to vector<16xi32>
    %add3A_2418 = arith.addi %broadcast_in_dim3A_2412, %add3A_2417 : vector<16xi32>
    %select_n3A_2419 = arith.select %lt3A_2415, %add3A_2418, %broadcast_in_dim3A_2412 : vector<16xi1>, vector<16xi32>
    %broadcast_in_dim3A_2420 = vector.shape_cast %select_n3A_2419 : vector<16xi32> to vector<16x1xi32>
    %gather3A_2421 = vector.shape_cast %broadcast_in_dim3A_2420 : vector<16x1xi32> to vector<16xi32>
    %gather3A_2422 = tpu.dynamic_gather %get3A_155[%gather3A_2421] in [0] : vector<16xf32>, vector<16xi32> -> vector<16xf32>
    %broadcast_in_dim3A_2423 = arith.constant 14 : i32
    %broadcast_in_dim3A_2424 = vector.broadcast %broadcast_in_dim3A_2423 : i32 to vector<16xi32>
    %lt3A_2425 = arith.constant 0 : i32
    %lt3A_2426 = vector.broadcast %lt3A_2425 : i32 to vector<16xi32>
    %lt3A_2427 = arith.cmpi slt, %broadcast_in_dim3A_2424, %lt3A_2426 : vector<16xi32>
    %add3A_2428 = arith.constant 16 : i32
    %add3A_2429 = vector.broadcast %add3A_2428 : i32 to vector<16xi32>
    %add3A_2430 = arith.addi %broadcast_in_dim3A_2424, %add3A_2429 : vector<16xi32>
    %select_n3A_2431 = arith.select %lt3A_2427, %add3A_2430, %broadcast_in_dim3A_2424 : vector<16xi1>, vector<16xi32>
    %broadcast_in_dim3A_2432 = vector.shape_cast %select_n3A_2431 : vector<16xi32> to vector<16x1xi32>
    %gather3A_2433 = vector.shape_cast %broadcast_in_dim3A_2432 : vector<16x1xi32> to vector<16xi32>
    %gather3A_2434 = tpu.dynamic_gather %get3A_167[%gather3A_2433] in [0] : vector<16xf32>, vector<16xi32> -> vector<16xf32>
    %broadcast_in_dim3A_2435 = arith.constant 15 : i32
    %broadcast_in_dim3A_2436 = vector.broadcast %broadcast_in_dim3A_2435 : i32 to vector<16xi32>
    %lt3A_2437 = arith.constant 0 : i32
    %lt3A_2438 = vector.broadcast %lt3A_2437 : i32 to vector<16xi32>
    %lt3A_2439 = arith.cmpi slt, %broadcast_in_dim3A_2436, %lt3A_2438 : vector<16xi32>
    %add3A_2440 = arith.constant 16 : i32
    %add3A_2441 = vector.broadcast %add3A_2440 : i32 to vector<16xi32>
    %add3A_2442 = arith.addi %broadcast_in_dim3A_2436, %add3A_2441 : vector<16xi32>
    %select_n3A_2443 = arith.select %lt3A_2439, %add3A_2442, %broadcast_in_dim3A_2436 : vector<16xi1>, vector<16xi32>
    %broadcast_in_dim3A_2444 = vector.shape_cast %select_n3A_2443 : vector<16xi32> to vector<16x1xi32>
    %gather3A_2445 = vector.shape_cast %broadcast_in_dim3A_2444 : vector<16x1xi32> to vector<16xi32>
    %gather3A_2446 = tpu.dynamic_gather %get3A_167[%gather3A_2445] in [0] : vector<16xf32>, vector<16xi32> -> vector<16xf32>
    %broadcast_in_dim3A_2447 = arith.constant 0 : i32
    %broadcast_in_dim3A_2448 = vector.broadcast %broadcast_in_dim3A_2447 : i32 to vector<16xi32>
    %lt3A_2449 = arith.constant 0 : i32
    %lt3A_2450 = vector.broadcast %lt3A_2449 : i32 to vector<16xi32>
    %lt3A_2451 = arith.cmpi slt, %broadcast_in_dim3A_2448, %lt3A_2450 : vector<16xi32>
    %add3A_2452 = arith.constant 16 : i32
    %add3A_2453 = vector.broadcast %add3A_2452 : i32 to vector<16xi32>
    %add3A_2454 = arith.addi %broadcast_in_dim3A_2448, %add3A_2453 : vector<16xi32>
    %select_n3A_2455 = arith.select %lt3A_2451, %add3A_2454, %broadcast_in_dim3A_2448 : vector<16xi1>, vector<16xi32>
    %broadcast_in_dim3A_2456 = vector.shape_cast %select_n3A_2455 : vector<16xi32> to vector<16x1xi32>
    %gather3A_2457 = vector.shape_cast %broadcast_in_dim3A_2456 : vector<16x1xi32> to vector<16xi32>
    %gather3A_2458 = tpu.dynamic_gather %get3A_169[%gather3A_2457] in [0] : vector<16xf32>, vector<16xi32> -> vector<16xf32>
    %broadcast_in_dim3A_2459 = arith.constant 1 : i32
    %broadcast_in_dim3A_2460 = vector.broadcast %broadcast_in_dim3A_2459 : i32 to vector<16xi32>
    %lt3A_2461 = arith.constant 0 : i32
    %lt3A_2462 = vector.broadcast %lt3A_2461 : i32 to vector<16xi32>
    %lt3A_2463 = arith.cmpi slt, %broadcast_in_dim3A_2460, %lt3A_2462 : vector<16xi32>
    %add3A_2464 = arith.constant 16 : i32
    %add3A_2465 = vector.broadcast %add3A_2464 : i32 to vector<16xi32>
    %add3A_2466 = arith.addi %broadcast_in_dim3A_2460, %add3A_2465 : vector<16xi32>
    %select_n3A_2467 = arith.select %lt3A_2463, %add3A_2466, %broadcast_in_dim3A_2460 : vector<16xi1>, vector<16xi32>
    %broadcast_in_dim3A_2468 = vector.shape_cast %select_n3A_2467 : vector<16xi32> to vector<16x1xi32>
    %gather3A_2469 = vector.shape_cast %broadcast_in_dim3A_2468 : vector<16x1xi32> to vector<16xi32>
    %gather3A_2470 = tpu.dynamic_gather %get3A_169[%gather3A_2469] in [0] : vector<16xf32>, vector<16xi32> -> vector<16xf32>
    %broadcast_in_dim3A_2471 = arith.constant 2 : i32
    %broadcast_in_dim3A_2472 = vector.broadcast %broadcast_in_dim3A_2471 : i32 to vector<16xi32>
    %lt3A_2473 = arith.constant 0 : i32
    %lt3A_2474 = vector.broadcast %lt3A_2473 : i32 to vector<16xi32>
    %lt3A_2475 = arith.cmpi slt, %broadcast_in_dim3A_2472, %lt3A_2474 : vector<16xi32>
    %add3A_2476 = arith.constant 16 : i32
    %add3A_2477 = vector.broadcast %add3A_2476 : i32 to vector<16xi32>
    %add3A_2478 = arith.addi %broadcast_in_dim3A_2472, %add3A_2477 : vector<16xi32>
    %select_n3A_2479 = arith.select %lt3A_2475, %add3A_2478, %broadcast_in_dim3A_2472 : vector<16xi1>, vector<16xi32>
    %broadcast_in_dim3A_2480 = vector.shape_cast %select_n3A_2479 : vector<16xi32> to vector<16x1xi32>
    %gather3A_2481 = vector.shape_cast %broadcast_in_dim3A_2480 : vector<16x1xi32> to vector<16xi32>
    %gather3A_2482 = tpu.dynamic_gather %get3A_169[%gather3A_2481] in [0] : vector<16xf32>, vector<16xi32> -> vector<16xf32>
    %broadcast_in_dim3A_2483 = arith.constant 3 : i32
    %broadcast_in_dim3A_2484 = vector.broadcast %broadcast_in_dim3A_2483 : i32 to vector<16xi32>
    %lt3A_2485 = arith.constant 0 : i32
    %lt3A_2486 = vector.broadcast %lt3A_2485 : i32 to vector<16xi32>
    %lt3A_2487 = arith.cmpi slt, %broadcast_in_dim3A_2484, %lt3A_2486 : vector<16xi32>
    %add3A_2488 = arith.constant 16 : i32
    %add3A_2489 = vector.broadcast %add3A_2488 : i32 to vector<16xi32>
    %add3A_2490 = arith.addi %broadcast_in_dim3A_2484, %add3A_2489 : vector<16xi32>
    %select_n3A_2491 = arith.select %lt3A_2487, %add3A_2490, %broadcast_in_dim3A_2484 : vector<16xi1>, vector<16xi32>
    %broadcast_in_dim3A_2492 = vector.shape_cast %select_n3A_2491 : vector<16xi32> to vector<16x1xi32>
    %gather3A_2493 = vector.shape_cast %broadcast_in_dim3A_2492 : vector<16x1xi32> to vector<16xi32>
    %gather3A_2494 = tpu.dynamic_gather %get3A_169[%gather3A_2493] in [0] : vector<16xf32>, vector<16xi32> -> vector<16xf32>
    %broadcast_in_dim3A_2495 = arith.constant 4 : i32
    %broadcast_in_dim3A_2496 = vector.broadcast %broadcast_in_dim3A_2495 : i32 to vector<16xi32>
    %lt3A_2497 = arith.constant 0 : i32
    %lt3A_2498 = vector.broadcast %lt3A_2497 : i32 to vector<16xi32>
    %lt3A_2499 = arith.cmpi slt, %broadcast_in_dim3A_2496, %lt3A_2498 : vector<16xi32>
    %add3A_2500 = arith.constant 16 : i32
    %add3A_2501 = vector.broadcast %add3A_2500 : i32 to vector<16xi32>
    %add3A_2502 = arith.addi %broadcast_in_dim3A_2496, %add3A_2501 : vector<16xi32>
    %select_n3A_2503 = arith.select %lt3A_2499, %add3A_2502, %broadcast_in_dim3A_2496 : vector<16xi1>, vector<16xi32>
    %broadcast_in_dim3A_2504 = vector.shape_cast %select_n3A_2503 : vector<16xi32> to vector<16x1xi32>
    %gather3A_2505 = vector.shape_cast %broadcast_in_dim3A_2504 : vector<16x1xi32> to vector<16xi32>
    %gather3A_2506 = tpu.dynamic_gather %get3A_169[%gather3A_2505] in [0] : vector<16xf32>, vector<16xi32> -> vector<16xf32>
    %broadcast_in_dim3A_2507 = arith.constant 5 : i32
    %broadcast_in_dim3A_2508 = vector.broadcast %broadcast_in_dim3A_2507 : i32 to vector<16xi32>
    %lt3A_2509 = arith.constant 0 : i32
    %lt3A_2510 = vector.broadcast %lt3A_2509 : i32 to vector<16xi32>
    %lt3A_2511 = arith.cmpi slt, %broadcast_in_dim3A_2508, %lt3A_2510 : vector<16xi32>
    %add3A_2512 = arith.constant 16 : i32
    %add3A_2513 = vector.broadcast %add3A_2512 : i32 to vector<16xi32>
    %add3A_2514 = arith.addi %broadcast_in_dim3A_2508, %add3A_2513 : vector<16xi32>
    %select_n3A_2515 = arith.select %lt3A_2511, %add3A_2514, %broadcast_in_dim3A_2508 : vector<16xi1>, vector<16xi32>
    %broadcast_in_dim3A_2516 = vector.shape_cast %select_n3A_2515 : vector<16xi32> to vector<16x1xi32>
    %gather3A_2517 = vector.shape_cast %broadcast_in_dim3A_2516 : vector<16x1xi32> to vector<16xi32>
    %gather3A_2518 = tpu.dynamic_gather %get3A_169[%gather3A_2517] in [0] : vector<16xf32>, vector<16xi32> -> vector<16xf32>
    %broadcast_in_dim3A_2519 = arith.constant 6 : i32
    %broadcast_in_dim3A_2520 = vector.broadcast %broadcast_in_dim3A_2519 : i32 to vector<16xi32>
    %lt3A_2521 = arith.constant 0 : i32
    %lt3A_2522 = vector.broadcast %lt3A_2521 : i32 to vector<16xi32>
    %lt3A_2523 = arith.cmpi slt, %broadcast_in_dim3A_2520, %lt3A_2522 : vector<16xi32>
    %add3A_2524 = arith.constant 16 : i32
    %add3A_2525 = vector.broadcast %add3A_2524 : i32 to vector<16xi32>
    %add3A_2526 = arith.addi %broadcast_in_dim3A_2520, %add3A_2525 : vector<16xi32>
    %select_n3A_2527 = arith.select %lt3A_2523, %add3A_2526, %broadcast_in_dim3A_2520 : vector<16xi1>, vector<16xi32>
    %broadcast_in_dim3A_2528 = vector.shape_cast %select_n3A_2527 : vector<16xi32> to vector<16x1xi32>
    %gather3A_2529 = vector.shape_cast %broadcast_in_dim3A_2528 : vector<16x1xi32> to vector<16xi32>
    %gather3A_2530 = tpu.dynamic_gather %get3A_169[%gather3A_2529] in [0] : vector<16xf32>, vector<16xi32> -> vector<16xf32>
    %broadcast_in_dim3A_2531 = arith.constant 7 : i32
    %broadcast_in_dim3A_2532 = vector.broadcast %broadcast_in_dim3A_2531 : i32 to vector<16xi32>
    %lt3A_2533 = arith.constant 0 : i32
    %lt3A_2534 = vector.broadcast %lt3A_2533 : i32 to vector<16xi32>
    %lt3A_2535 = arith.cmpi slt, %broadcast_in_dim3A_2532, %lt3A_2534 : vector<16xi32>
    %add3A_2536 = arith.constant 16 : i32
    %add3A_2537 = vector.broadcast %add3A_2536 : i32 to vector<16xi32>
    %add3A_2538 = arith.addi %broadcast_in_dim3A_2532, %add3A_2537 : vector<16xi32>
    %select_n3A_2539 = arith.select %lt3A_2535, %add3A_2538, %broadcast_in_dim3A_2532 : vector<16xi1>, vector<16xi32>
    %broadcast_in_dim3A_2540 = vector.shape_cast %select_n3A_2539 : vector<16xi32> to vector<16x1xi32>
    %gather3A_2541 = vector.shape_cast %broadcast_in_dim3A_2540 : vector<16x1xi32> to vector<16xi32>
    %gather3A_2542 = tpu.dynamic_gather %get3A_169[%gather3A_2541] in [0] : vector<16xf32>, vector<16xi32> -> vector<16xf32>
    %broadcast_in_dim3A_2543 = arith.constant 12 : i32
    %broadcast_in_dim3A_2544 = vector.broadcast %broadcast_in_dim3A_2543 : i32 to vector<16xi32>
    %lt3A_2545 = arith.constant 0 : i32
    %lt3A_2546 = vector.broadcast %lt3A_2545 : i32 to vector<16xi32>
    %lt3A_2547 = arith.cmpi slt, %broadcast_in_dim3A_2544, %lt3A_2546 : vector<16xi32>
    %add3A_2548 = arith.constant 16 : i32
    %add3A_2549 = vector.broadcast %add3A_2548 : i32 to vector<16xi32>
    %add3A_2550 = arith.addi %broadcast_in_dim3A_2544, %add3A_2549 : vector<16xi32>
    %select_n3A_2551 = arith.select %lt3A_2547, %add3A_2550, %broadcast_in_dim3A_2544 : vector<16xi1>, vector<16xi32>
    %broadcast_in_dim3A_2552 = vector.shape_cast %select_n3A_2551 : vector<16xi32> to vector<16x1xi32>
    %gather3A_2553 = vector.shape_cast %broadcast_in_dim3A_2552 : vector<16x1xi32> to vector<16xi32>
    %gather3A_2554 = tpu.dynamic_gather %get3A_157[%gather3A_2553] in [0] : vector<16xf32>, vector<16xi32> -> vector<16xf32>
    %broadcast_in_dim3A_2555 = arith.constant 10 : i32
    %broadcast_in_dim3A_2556 = vector.broadcast %broadcast_in_dim3A_2555 : i32 to vector<16xi32>
    %lt3A_2557 = arith.constant 0 : i32
    %lt3A_2558 = vector.broadcast %lt3A_2557 : i32 to vector<16xi32>
    %lt3A_2559 = arith.cmpi slt, %broadcast_in_dim3A_2556, %lt3A_2558 : vector<16xi32>
    %add3A_2560 = arith.constant 16 : i32
    %add3A_2561 = vector.broadcast %add3A_2560 : i32 to vector<16xi32>
    %add3A_2562 = arith.addi %broadcast_in_dim3A_2556, %add3A_2561 : vector<16xi32>
    %select_n3A_2563 = arith.select %lt3A_2559, %add3A_2562, %broadcast_in_dim3A_2556 : vector<16xi1>, vector<16xi32>
    %broadcast_in_dim3A_2564 = vector.shape_cast %select_n3A_2563 : vector<16xi32> to vector<16x1xi32>
    %gather3A_2565 = vector.shape_cast %broadcast_in_dim3A_2564 : vector<16x1xi32> to vector<16xi32>
    %gather3A_2566 = tpu.dynamic_gather %get3A_171[%gather3A_2565] in [0] : vector<16xf32>, vector<16xi32> -> vector<16xf32>
    %parallel_loop3A_2567 = arith.constant 0 : i32
    %parallel_loop3A_2568 = arith.constant 64 : i32
    %parallel_loop3A_2569 = arith.constant 1 : i32
    scf.for %parallel_loop3A_2977 = %parallel_loop3A_2567 to %parallel_loop3A_2568 step %parallel_loop3A_2569  : i32 {
      %parallel_loop3A_2978 = arith.constant 16 : i32
      %parallel_loop3A_2979 = arith.muli %parallel_loop3A_2977, %parallel_loop3A_2978 : i32
      %parallel_loop3A_2980 = arith.index_cast %parallel_loop3A_2979 : i32 to index
      %parallel_loop3A_2981 = tpu.vector_load %arg7[%parallel_loop3A_2980] {strides = array<i32>} : memref<1024xi32, #tpu.memory_space<vmem>>, vector<16xi32>,
      %parallel_loop3A_2982 = arith.constant 0 : i32
      %parallel_loop3A_2983 = arith.addi %parallel_loop3A_2982, %parallel_loop3A_2979 : i32
      %parallel_loop3A_2984 = arith.index_cast %parallel_loop3A_2983 : i32 to index
      %parallel_loop3A_2985 = tpu.vector_load %arg6[%parallel_loop3A_2984] {strides = array<i32>} : memref<10240xf32, #tpu.memory_space<vmem>>, vector<16xf32>,
      %parallel_loop3A_2986 = arith.constant 1024 : i32
      %parallel_loop3A_2987 = arith.addi %parallel_loop3A_2986, %parallel_loop3A_2979 : i32
      %parallel_loop3A_2988 = arith.index_cast %parallel_loop3A_2987 : i32 to index
      %parallel_loop3A_2989 = tpu.vector_load %arg6[%parallel_loop3A_2988] {strides = array<i32>} : memref<10240xf32, #tpu.memory_space<vmem>>, vector<16xf32>,
      %parallel_loop3A_2990 = arith.constant 2048 : i32
      %parallel_loop3A_2991 = arith.addi %parallel_loop3A_2990, %parallel_loop3A_2979 : i32
      %parallel_loop3A_2992 = arith.index_cast %parallel_loop3A_2991 : i32 to index
      %parallel_loop3A_2993 = tpu.vector_load %arg6[%parallel_loop3A_2992] {strides = array<i32>} : memref<10240xf32, #tpu.memory_space<vmem>>, vector<16xf32>,
      %parallel_loop3A_2994 = arith.constant 3072 : i32
      %parallel_loop3A_2995 = arith.addi %parallel_loop3A_2994, %parallel_loop3A_2979 : i32
      %parallel_loop3A_2996 = arith.index_cast %parallel_loop3A_2995 : i32 to index
      %parallel_loop3A_2997 = tpu.vector_load %arg6[%parallel_loop3A_2996] {strides = array<i32>} : memref<10240xf32, #tpu.memory_space<vmem>>, vector<16xf32>,
      %parallel_loop3A_2998 = arith.constant 4096 : i32
      %parallel_loop3A_2999 = arith.addi %parallel_loop3A_2998, %parallel_loop3A_2979 : i32
      %parallel_loop3A_3000 = arith.index_cast %parallel_loop3A_2999 : i32 to index
      %parallel_loop3A_3001 = tpu.vector_load %arg6[%parallel_loop3A_3000] {strides = array<i32>} : memref<10240xf32, #tpu.memory_space<vmem>>, vector<16xf32>,
      %parallel_loop3A_3002 = arith.constant 5120 : i32
      %parallel_loop3A_3003 = arith.addi %parallel_loop3A_3002, %parallel_loop3A_2979 : i32
      %parallel_loop3A_3004 = arith.index_cast %parallel_loop3A_3003 : i32 to index
      %parallel_loop3A_3005 = tpu.vector_load %arg6[%parallel_loop3A_3004] {strides = array<i32>} : memref<10240xf32, #tpu.memory_space<vmem>>, vector<16xf32>,
      %parallel_loop3A_3006 = arith.constant 6144 : i32
      %parallel_loop3A_3007 = arith.addi %parallel_loop3A_3006, %parallel_loop3A_2979 : i32
      %parallel_loop3A_3008 = arith.index_cast %parallel_loop3A_3007 : i32 to index
      %parallel_loop3A_3009 = tpu.vector_load %arg6[%parallel_loop3A_3008] {strides = array<i32>} : memref<10240xf32, #tpu.memory_space<vmem>>, vector<16xf32>,
      %parallel_loop3A_3010 = arith.constant 7168 : i32
      %parallel_loop3A_3011 = arith.addi %parallel_loop3A_3010, %parallel_loop3A_2979 : i32
      %parallel_loop3A_3012 = arith.index_cast %parallel_loop3A_3011 : i32 to index
      %parallel_loop3A_3013 = tpu.vector_load %arg6[%parallel_loop3A_3012] {strides = array<i32>} : memref<10240xf32, #tpu.memory_space<vmem>>, vector<16xf32>,
      %parallel_loop3A_3014 = arith.constant 8192 : i32
      %parallel_loop3A_3015 = arith.addi %parallel_loop3A_3014, %parallel_loop3A_2979 : i32
      %parallel_loop3A_3016 = arith.index_cast %parallel_loop3A_3015 : i32 to index
      %parallel_loop3A_3017 = tpu.vector_load %arg6[%parallel_loop3A_3016] {strides = array<i32>} : memref<10240xf32, #tpu.memory_space<vmem>>, vector<16xf32>,
      %parallel_loop3A_3018 = arith.constant 9216 : i32
      %parallel_loop3A_3019 = arith.addi %parallel_loop3A_3018, %parallel_loop3A_2979 : i32
      %parallel_loop3A_3020 = arith.index_cast %parallel_loop3A_3019 : i32 to index
      %parallel_loop3A_3021 = tpu.vector_load %arg6[%parallel_loop3A_3020] {strides = array<i32>} : memref<10240xf32, #tpu.memory_space<vmem>>, vector<16xf32>,
      %parallel_loop3A_3022 = arith.mulf %parallel_loop3A_2985, %gather3A_2314 : vector<16xf32>
      %parallel_loop3A_3023 = arith.mulf %parallel_loop3A_2989, %gather3A_2326 : vector<16xf32>
      %parallel_loop3A_3024 = arith.mulf %parallel_loop3A_2993, %gather3A_2338 : vector<16xf32>
      %parallel_loop3A_3025 = arith.mulf %parallel_loop3A_2997, %gather3A_2350 : vector<16xf32>
      %parallel_loop3A_3026 = arith.mulf %parallel_loop3A_3001, %gather3A_2362 : vector<16xf32>
      %parallel_loop3A_3027 = arith.mulf %parallel_loop3A_3005, %gather3A_2374 : vector<16xf32>
      %parallel_loop3A_3028 = arith.mulf %parallel_loop3A_3009, %gather3A_2386 : vector<16xf32>
      %parallel_loop3A_3029 = arith.mulf %parallel_loop3A_3013, %gather3A_2398 : vector<16xf32>
      %parallel_loop3A_3030 = arith.mulf %parallel_loop3A_3017, %gather3A_2410 : vector<16xf32>
      %parallel_loop3A_3031 = arith.mulf %parallel_loop3A_3021, %gather3A_2422 : vector<16xf32>
      %parallel_loop3A_3032 = arith.mulf %parallel_loop3A_2985, %gather3A_2434 : vector<16xf32>
      %parallel_loop3A_3033 = arith.mulf %parallel_loop3A_2989, %gather3A_2446 : vector<16xf32>
      %parallel_loop3A_3034 = arith.mulf %parallel_loop3A_2993, %gather3A_2458 : vector<16xf32>
      %parallel_loop3A_3035 = arith.mulf %parallel_loop3A_2997, %gather3A_2470 : vector<16xf32>
      %parallel_loop3A_3036 = arith.mulf %parallel_loop3A_3001, %gather3A_2482 : vector<16xf32>
      %parallel_loop3A_3037 = arith.mulf %parallel_loop3A_3005, %gather3A_2494 : vector<16xf32>
      %parallel_loop3A_3038 = arith.mulf %parallel_loop3A_3009, %gather3A_2506 : vector<16xf32>
      %parallel_loop3A_3039 = arith.mulf %parallel_loop3A_3013, %gather3A_2518 : vector<16xf32>
      %parallel_loop3A_3040 = arith.mulf %parallel_loop3A_3017, %gather3A_2530 : vector<16xf32>
      %parallel_loop3A_3041 = arith.mulf %parallel_loop3A_3021, %gather3A_2542 : vector<16xf32>
      %parallel_loop3A_3042 = arith.constant 0 : i32
      %parallel_loop3A_3043 = vector.broadcast %parallel_loop3A_3042 : i32 to vector<16xi32>
      %parallel_loop3A_3044 = arith.cmpi eq, %parallel_loop3A_2981, %parallel_loop3A_3043 : vector<16xi32>
      %parallel_loop3A_3045 = arith.addf %parallel_loop3A_3022, %parallel_loop3A_3023 : vector<16xf32>
      %parallel_loop3A_3046 = arith.addf %parallel_loop3A_3024, %parallel_loop3A_3025 : vector<16xf32>
      %parallel_loop3A_3047 = arith.addf %parallel_loop3A_3026, %parallel_loop3A_3027 : vector<16xf32>
      %parallel_loop3A_3048 = arith.addf %parallel_loop3A_3028, %parallel_loop3A_3029 : vector<16xf32>
      %parallel_loop3A_3049 = arith.addf %parallel_loop3A_3030, %parallel_loop3A_3031 : vector<16xf32>
      %parallel_loop3A_3050 = arith.addf %parallel_loop3A_3045, %parallel_loop3A_3046 : vector<16xf32>
      %parallel_loop3A_3051 = arith.addf %parallel_loop3A_3047, %parallel_loop3A_3048 : vector<16xf32>
      %parallel_loop3A_3052 = arith.addf %parallel_loop3A_3049, %gather3A_2554 : vector<16xf32>
      %parallel_loop3A_3053 = arith.addf %parallel_loop3A_3050, %parallel_loop3A_3051 : vector<16xf32>
      %parallel_loop3A_3054 = arith.addf %parallel_loop3A_3053, %parallel_loop3A_3052 : vector<16xf32>
      %parallel_loop3A_3055 = arith.addf %parallel_loop3A_3032, %parallel_loop3A_3033 : vector<16xf32>
      %parallel_loop3A_3056 = arith.addf %parallel_loop3A_3034, %parallel_loop3A_3035 : vector<16xf32>
      %parallel_loop3A_3057 = arith.addf %parallel_loop3A_3036, %parallel_loop3A_3037 : vector<16xf32>
      %parallel_loop3A_3058 = arith.addf %parallel_loop3A_3038, %parallel_loop3A_3039 : vector<16xf32>
      %parallel_loop3A_3059 = arith.addf %parallel_loop3A_3040, %parallel_loop3A_3041 : vector<16xf32>
      %parallel_loop3A_3060 = arith.addf %parallel_loop3A_3055, %parallel_loop3A_3056 : vector<16xf32>
      %parallel_loop3A_3061 = arith.addf %parallel_loop3A_3057, %parallel_loop3A_3058 : vector<16xf32>
      %parallel_loop3A_3062 = arith.addf %parallel_loop3A_3059, %gather3A_2566 : vector<16xf32>
      %parallel_loop3A_3063 = arith.addf %parallel_loop3A_3060, %parallel_loop3A_3061 : vector<16xf32>
      %parallel_loop3A_3064 = arith.addf %parallel_loop3A_3063, %parallel_loop3A_3062 : vector<16xf32>
      %parallel_loop3A_3065 = arith.select %parallel_loop3A_3044, %parallel_loop3A_3054, %parallel_loop3A_3064 : vector<16xi1>, vector<16xf32>
      %parallel_loop3A_3066 = arith.constant 8192 : i32
      %parallel_loop3A_3067 = arith.addi %parallel_loop3A_3066, %parallel_loop3A_2979 : i32
      %parallel_loop3A_3068 = arith.index_cast %parallel_loop3A_3067 : i32 to index
      %parallel_loop3A_3069 = tpu.vector_load %arg8[%parallel_loop3A_3068] {strides = array<i32>} : memref<10240xf32, #tpu.memory_space<vmem>>, vector<16xf32>,
      tpu.vector_store %arg8[%parallel_loop3A_3068], %parallel_loop3A_3065 {strides = array<i32>} : memref<10240xf32, #tpu.memory_space<vmem>>, vector<16xf32>,
    } {sc.loop_unroll_factor = 1 : i64, sc.parallel_access}
    %broadcast_in_dim3A_2570 = arith.constant 10 : i32
    %broadcast_in_dim3A_2571 = vector.broadcast %broadcast_in_dim3A_2570 : i32 to vector<16xi32>
    %lt3A_2572 = arith.constant 0 : i32
    %lt3A_2573 = vector.broadcast %lt3A_2572 : i32 to vector<16xi32>
    %lt3A_2574 = arith.cmpi slt, %broadcast_in_dim3A_2571, %lt3A_2573 : vector<16xi32>
    %add3A_2575 = arith.constant 16 : i32
    %add3A_2576 = vector.broadcast %add3A_2575 : i32 to vector<16xi32>
    %add3A_2577 = arith.addi %broadcast_in_dim3A_2571, %add3A_2576 : vector<16xi32>
    %select_n3A_2578 = arith.select %lt3A_2574, %add3A_2577, %broadcast_in_dim3A_2571 : vector<16xi1>, vector<16xi32>
    %broadcast_in_dim3A_2579 = vector.shape_cast %select_n3A_2578 : vector<16xi32> to vector<16x1xi32>
    %gather3A_2580 = vector.shape_cast %broadcast_in_dim3A_2579 : vector<16x1xi32> to vector<16xi32>
    %gather3A_2581 = tpu.dynamic_gather %get3A_155[%gather3A_2580] in [0] : vector<16xf32>, vector<16xi32> -> vector<16xf32>
    %broadcast_in_dim3A_2582 = arith.constant 11 : i32
    %broadcast_in_dim3A_2583 = vector.broadcast %broadcast_in_dim3A_2582 : i32 to vector<16xi32>
    %lt3A_2584 = arith.constant 0 : i32
    %lt3A_2585 = vector.broadcast %lt3A_2584 : i32 to vector<16xi32>
    %lt3A_2586 = arith.cmpi slt, %broadcast_in_dim3A_2583, %lt3A_2585 : vector<16xi32>
    %add3A_2587 = arith.constant 16 : i32
    %add3A_2588 = vector.broadcast %add3A_2587 : i32 to vector<16xi32>
    %add3A_2589 = arith.addi %broadcast_in_dim3A_2583, %add3A_2588 : vector<16xi32>
    %select_n3A_2590 = arith.select %lt3A_2586, %add3A_2589, %broadcast_in_dim3A_2583 : vector<16xi1>, vector<16xi32>
    %broadcast_in_dim3A_2591 = vector.shape_cast %select_n3A_2590 : vector<16xi32> to vector<16x1xi32>
    %gather3A_2592 = vector.shape_cast %broadcast_in_dim3A_2591 : vector<16x1xi32> to vector<16xi32>
    %gather3A_2593 = tpu.dynamic_gather %get3A_155[%gather3A_2592] in [0] : vector<16xf32>, vector<16xi32> -> vector<16xf32>
    %broadcast_in_dim3A_2594 = arith.constant 12 : i32
    %broadcast_in_dim3A_2595 = vector.broadcast %broadcast_in_dim3A_2594 : i32 to vector<16xi32>
    %lt3A_2596 = arith.constant 0 : i32
    %lt3A_2597 = vector.broadcast %lt3A_2596 : i32 to vector<16xi32>
    %lt3A_2598 = arith.cmpi slt, %broadcast_in_dim3A_2595, %lt3A_2597 : vector<16xi32>
    %add3A_2599 = arith.constant 16 : i32
    %add3A_2600 = vector.broadcast %add3A_2599 : i32 to vector<16xi32>
    %add3A_2601 = arith.addi %broadcast_in_dim3A_2595, %add3A_2600 : vector<16xi32>
    %select_n3A_2602 = arith.select %lt3A_2598, %add3A_2601, %broadcast_in_dim3A_2595 : vector<16xi1>, vector<16xi32>
    %broadcast_in_dim3A_2603 = vector.shape_cast %select_n3A_2602 : vector<16xi32> to vector<16x1xi32>
    %gather3A_2604 = vector.shape_cast %broadcast_in_dim3A_2603 : vector<16x1xi32> to vector<16xi32>
    %gather3A_2605 = tpu.dynamic_gather %get3A_155[%gather3A_2604] in [0] : vector<16xf32>, vector<16xi32> -> vector<16xf32>
    %broadcast_in_dim3A_2606 = arith.constant 13 : i32
    %broadcast_in_dim3A_2607 = vector.broadcast %broadcast_in_dim3A_2606 : i32 to vector<16xi32>
    %lt3A_2608 = arith.constant 0 : i32
    %lt3A_2609 = vector.broadcast %lt3A_2608 : i32 to vector<16xi32>
    %lt3A_2610 = arith.cmpi slt, %broadcast_in_dim3A_2607, %lt3A_2609 : vector<16xi32>
    %add3A_2611 = arith.constant 16 : i32
    %add3A_2612 = vector.broadcast %add3A_2611 : i32 to vector<16xi32>
    %add3A_2613 = arith.addi %broadcast_in_dim3A_2607, %add3A_2612 : vector<16xi32>
    %select_n3A_2614 = arith.select %lt3A_2610, %add3A_2613, %broadcast_in_dim3A_2607 : vector<16xi1>, vector<16xi32>
    %broadcast_in_dim3A_2615 = vector.shape_cast %select_n3A_2614 : vector<16xi32> to vector<16x1xi32>
    %gather3A_2616 = vector.shape_cast %broadcast_in_dim3A_2615 : vector<16x1xi32> to vector<16xi32>
    %gather3A_2617 = tpu.dynamic_gather %get3A_155[%gather3A_2616] in [0] : vector<16xf32>, vector<16xi32> -> vector<16xf32>
    %broadcast_in_dim3A_2618 = arith.constant 14 : i32
    %broadcast_in_dim3A_2619 = vector.broadcast %broadcast_in_dim3A_2618 : i32 to vector<16xi32>
    %lt3A_2620 = arith.constant 0 : i32
    %lt3A_2621 = vector.broadcast %lt3A_2620 : i32 to vector<16xi32>
    %lt3A_2622 = arith.cmpi slt, %broadcast_in_dim3A_2619, %lt3A_2621 : vector<16xi32>
    %add3A_2623 = arith.constant 16 : i32
    %add3A_2624 = vector.broadcast %add3A_2623 : i32 to vector<16xi32>
    %add3A_2625 = arith.addi %broadcast_in_dim3A_2619, %add3A_2624 : vector<16xi32>
    %select_n3A_2626 = arith.select %lt3A_2622, %add3A_2625, %broadcast_in_dim3A_2619 : vector<16xi1>, vector<16xi32>
    %broadcast_in_dim3A_2627 = vector.shape_cast %select_n3A_2626 : vector<16xi32> to vector<16x1xi32>
    %gather3A_2628 = vector.shape_cast %broadcast_in_dim3A_2627 : vector<16x1xi32> to vector<16xi32>
    %gather3A_2629 = tpu.dynamic_gather %get3A_155[%gather3A_2628] in [0] : vector<16xf32>, vector<16xi32> -> vector<16xf32>
    %broadcast_in_dim3A_2630 = arith.constant 15 : i32
    %broadcast_in_dim3A_2631 = vector.broadcast %broadcast_in_dim3A_2630 : i32 to vector<16xi32>
    %lt3A_2632 = arith.constant 0 : i32
    %lt3A_2633 = vector.broadcast %lt3A_2632 : i32 to vector<16xi32>
    %lt3A_2634 = arith.cmpi slt, %broadcast_in_dim3A_2631, %lt3A_2633 : vector<16xi32>
    %add3A_2635 = arith.constant 16 : i32
    %add3A_2636 = vector.broadcast %add3A_2635 : i32 to vector<16xi32>
    %add3A_2637 = arith.addi %broadcast_in_dim3A_2631, %add3A_2636 : vector<16xi32>
    %select_n3A_2638 = arith.select %lt3A_2634, %add3A_2637, %broadcast_in_dim3A_2631 : vector<16xi1>, vector<16xi32>
    %broadcast_in_dim3A_2639 = vector.shape_cast %select_n3A_2638 : vector<16xi32> to vector<16x1xi32>
    %gather3A_2640 = vector.shape_cast %broadcast_in_dim3A_2639 : vector<16x1xi32> to vector<16xi32>
    %gather3A_2641 = tpu.dynamic_gather %get3A_155[%gather3A_2640] in [0] : vector<16xf32>, vector<16xi32> -> vector<16xf32>
    %broadcast_in_dim3A_2642 = arith.constant 0 : i32
    %broadcast_in_dim3A_2643 = vector.broadcast %broadcast_in_dim3A_2642 : i32 to vector<16xi32>
    %lt3A_2644 = arith.constant 0 : i32
    %lt3A_2645 = vector.broadcast %lt3A_2644 : i32 to vector<16xi32>
    %lt3A_2646 = arith.cmpi slt, %broadcast_in_dim3A_2643, %lt3A_2645 : vector<16xi32>
    %add3A_2647 = arith.constant 16 : i32
    %add3A_2648 = vector.broadcast %add3A_2647 : i32 to vector<16xi32>
    %add3A_2649 = arith.addi %broadcast_in_dim3A_2643, %add3A_2648 : vector<16xi32>
    %select_n3A_2650 = arith.select %lt3A_2646, %add3A_2649, %broadcast_in_dim3A_2643 : vector<16xi1>, vector<16xi32>
    %broadcast_in_dim3A_2651 = vector.shape_cast %select_n3A_2650 : vector<16xi32> to vector<16x1xi32>
    %gather3A_2652 = vector.shape_cast %broadcast_in_dim3A_2651 : vector<16x1xi32> to vector<16xi32>
    %gather3A_2653 = tpu.dynamic_gather %get3A_157[%gather3A_2652] in [0] : vector<16xf32>, vector<16xi32> -> vector<16xf32>
    %broadcast_in_dim3A_2654 = arith.constant 1 : i32
    %broadcast_in_dim3A_2655 = vector.broadcast %broadcast_in_dim3A_2654 : i32 to vector<16xi32>
    %lt3A_2656 = arith.constant 0 : i32
    %lt3A_2657 = vector.broadcast %lt3A_2656 : i32 to vector<16xi32>
    %lt3A_2658 = arith.cmpi slt, %broadcast_in_dim3A_2655, %lt3A_2657 : vector<16xi32>
    %add3A_2659 = arith.constant 16 : i32
    %add3A_2660 = vector.broadcast %add3A_2659 : i32 to vector<16xi32>
    %add3A_2661 = arith.addi %broadcast_in_dim3A_2655, %add3A_2660 : vector<16xi32>
    %select_n3A_2662 = arith.select %lt3A_2658, %add3A_2661, %broadcast_in_dim3A_2655 : vector<16xi1>, vector<16xi32>
    %broadcast_in_dim3A_2663 = vector.shape_cast %select_n3A_2662 : vector<16xi32> to vector<16x1xi32>
    %gather3A_2664 = vector.shape_cast %broadcast_in_dim3A_2663 : vector<16x1xi32> to vector<16xi32>
    %gather3A_2665 = tpu.dynamic_gather %get3A_157[%gather3A_2664] in [0] : vector<16xf32>, vector<16xi32> -> vector<16xf32>
    %broadcast_in_dim3A_2666 = arith.constant 2 : i32
    %broadcast_in_dim3A_2667 = vector.broadcast %broadcast_in_dim3A_2666 : i32 to vector<16xi32>
    %lt3A_2668 = arith.constant 0 : i32
    %lt3A_2669 = vector.broadcast %lt3A_2668 : i32 to vector<16xi32>
    %lt3A_2670 = arith.cmpi slt, %broadcast_in_dim3A_2667, %lt3A_2669 : vector<16xi32>
    %add3A_2671 = arith.constant 16 : i32
    %add3A_2672 = vector.broadcast %add3A_2671 : i32 to vector<16xi32>
    %add3A_2673 = arith.addi %broadcast_in_dim3A_2667, %add3A_2672 : vector<16xi32>
    %select_n3A_2674 = arith.select %lt3A_2670, %add3A_2673, %broadcast_in_dim3A_2667 : vector<16xi1>, vector<16xi32>
    %broadcast_in_dim3A_2675 = vector.shape_cast %select_n3A_2674 : vector<16xi32> to vector<16x1xi32>
    %gather3A_2676 = vector.shape_cast %broadcast_in_dim3A_2675 : vector<16x1xi32> to vector<16xi32>
    %gather3A_2677 = tpu.dynamic_gather %get3A_157[%gather3A_2676] in [0] : vector<16xf32>, vector<16xi32> -> vector<16xf32>
    %broadcast_in_dim3A_2678 = arith.constant 3 : i32
    %broadcast_in_dim3A_2679 = vector.broadcast %broadcast_in_dim3A_2678 : i32 to vector<16xi32>
    %lt3A_2680 = arith.constant 0 : i32
    %lt3A_2681 = vector.broadcast %lt3A_2680 : i32 to vector<16xi32>
    %lt3A_2682 = arith.cmpi slt, %broadcast_in_dim3A_2679, %lt3A_2681 : vector<16xi32>
    %add3A_2683 = arith.constant 16 : i32
    %add3A_2684 = vector.broadcast %add3A_2683 : i32 to vector<16xi32>
    %add3A_2685 = arith.addi %broadcast_in_dim3A_2679, %add3A_2684 : vector<16xi32>
    %select_n3A_2686 = arith.select %lt3A_2682, %add3A_2685, %broadcast_in_dim3A_2679 : vector<16xi1>, vector<16xi32>
    %broadcast_in_dim3A_2687 = vector.shape_cast %select_n3A_2686 : vector<16xi32> to vector<16x1xi32>
    %gather3A_2688 = vector.shape_cast %broadcast_in_dim3A_2687 : vector<16x1xi32> to vector<16xi32>
    %gather3A_2689 = tpu.dynamic_gather %get3A_157[%gather3A_2688] in [0] : vector<16xf32>, vector<16xi32> -> vector<16xf32>
    %broadcast_in_dim3A_2690 = arith.constant 8 : i32
    %broadcast_in_dim3A_2691 = vector.broadcast %broadcast_in_dim3A_2690 : i32 to vector<16xi32>
    %lt3A_2692 = arith.constant 0 : i32
    %lt3A_2693 = vector.broadcast %lt3A_2692 : i32 to vector<16xi32>
    %lt3A_2694 = arith.cmpi slt, %broadcast_in_dim3A_2691, %lt3A_2693 : vector<16xi32>
    %add3A_2695 = arith.constant 16 : i32
    %add3A_2696 = vector.broadcast %add3A_2695 : i32 to vector<16xi32>
    %add3A_2697 = arith.addi %broadcast_in_dim3A_2691, %add3A_2696 : vector<16xi32>
    %select_n3A_2698 = arith.select %lt3A_2694, %add3A_2697, %broadcast_in_dim3A_2691 : vector<16xi1>, vector<16xi32>
    %broadcast_in_dim3A_2699 = vector.shape_cast %select_n3A_2698 : vector<16xi32> to vector<16x1xi32>
    %gather3A_2700 = vector.shape_cast %broadcast_in_dim3A_2699 : vector<16x1xi32> to vector<16xi32>
    %gather3A_2701 = tpu.dynamic_gather %get3A_169[%gather3A_2700] in [0] : vector<16xf32>, vector<16xi32> -> vector<16xf32>
    %broadcast_in_dim3A_2702 = arith.constant 9 : i32
    %broadcast_in_dim3A_2703 = vector.broadcast %broadcast_in_dim3A_2702 : i32 to vector<16xi32>
    %lt3A_2704 = arith.constant 0 : i32
    %lt3A_2705 = vector.broadcast %lt3A_2704 : i32 to vector<16xi32>
    %lt3A_2706 = arith.cmpi slt, %broadcast_in_dim3A_2703, %lt3A_2705 : vector<16xi32>
    %add3A_2707 = arith.constant 16 : i32
    %add3A_2708 = vector.broadcast %add3A_2707 : i32 to vector<16xi32>
    %add3A_2709 = arith.addi %broadcast_in_dim3A_2703, %add3A_2708 : vector<16xi32>
    %select_n3A_2710 = arith.select %lt3A_2706, %add3A_2709, %broadcast_in_dim3A_2703 : vector<16xi1>, vector<16xi32>
    %broadcast_in_dim3A_2711 = vector.shape_cast %select_n3A_2710 : vector<16xi32> to vector<16x1xi32>
    %gather3A_2712 = vector.shape_cast %broadcast_in_dim3A_2711 : vector<16x1xi32> to vector<16xi32>
    %gather3A_2713 = tpu.dynamic_gather %get3A_169[%gather3A_2712] in [0] : vector<16xf32>, vector<16xi32> -> vector<16xf32>
    %broadcast_in_dim3A_2714 = arith.constant 10 : i32
    %broadcast_in_dim3A_2715 = vector.broadcast %broadcast_in_dim3A_2714 : i32 to vector<16xi32>
    %lt3A_2716 = arith.constant 0 : i32
    %lt3A_2717 = vector.broadcast %lt3A_2716 : i32 to vector<16xi32>
    %lt3A_2718 = arith.cmpi slt, %broadcast_in_dim3A_2715, %lt3A_2717 : vector<16xi32>
    %add3A_2719 = arith.constant 16 : i32
    %add3A_2720 = vector.broadcast %add3A_2719 : i32 to vector<16xi32>
    %add3A_2721 = arith.addi %broadcast_in_dim3A_2715, %add3A_2720 : vector<16xi32>
    %select_n3A_2722 = arith.select %lt3A_2718, %add3A_2721, %broadcast_in_dim3A_2715 : vector<16xi1>, vector<16xi32>
    %broadcast_in_dim3A_2723 = vector.shape_cast %select_n3A_2722 : vector<16xi32> to vector<16x1xi32>
    %gather3A_2724 = vector.shape_cast %broadcast_in_dim3A_2723 : vector<16x1xi32> to vector<16xi32>
    %gather3A_2725 = tpu.dynamic_gather %get3A_169[%gather3A_2724] in [0] : vector<16xf32>, vector<16xi32> -> vector<16xf32>
    %broadcast_in_dim3A_2726 = arith.constant 11 : i32
    %broadcast_in_dim3A_2727 = vector.broadcast %broadcast_in_dim3A_2726 : i32 to vector<16xi32>
    %lt3A_2728 = arith.constant 0 : i32
    %lt3A_2729 = vector.broadcast %lt3A_2728 : i32 to vector<16xi32>
    %lt3A_2730 = arith.cmpi slt, %broadcast_in_dim3A_2727, %lt3A_2729 : vector<16xi32>
    %add3A_2731 = arith.constant 16 : i32
    %add3A_2732 = vector.broadcast %add3A_2731 : i32 to vector<16xi32>
    %add3A_2733 = arith.addi %broadcast_in_dim3A_2727, %add3A_2732 : vector<16xi32>
    %select_n3A_2734 = arith.select %lt3A_2730, %add3A_2733, %broadcast_in_dim3A_2727 : vector<16xi1>, vector<16xi32>
    %broadcast_in_dim3A_2735 = vector.shape_cast %select_n3A_2734 : vector<16xi32> to vector<16x1xi32>
    %gather3A_2736 = vector.shape_cast %broadcast_in_dim3A_2735 : vector<16x1xi32> to vector<16xi32>
    %gather3A_2737 = tpu.dynamic_gather %get3A_169[%gather3A_2736] in [0] : vector<16xf32>, vector<16xi32> -> vector<16xf32>
    %broadcast_in_dim3A_2738 = arith.constant 12 : i32
    %broadcast_in_dim3A_2739 = vector.broadcast %broadcast_in_dim3A_2738 : i32 to vector<16xi32>
    %lt3A_2740 = arith.constant 0 : i32
    %lt3A_2741 = vector.broadcast %lt3A_2740 : i32 to vector<16xi32>
    %lt3A_2742 = arith.cmpi slt, %broadcast_in_dim3A_2739, %lt3A_2741 : vector<16xi32>
    %add3A_2743 = arith.constant 16 : i32
    %add3A_2744 = vector.broadcast %add3A_2743 : i32 to vector<16xi32>
    %add3A_2745 = arith.addi %broadcast_in_dim3A_2739, %add3A_2744 : vector<16xi32>
    %select_n3A_2746 = arith.select %lt3A_2742, %add3A_2745, %broadcast_in_dim3A_2739 : vector<16xi1>, vector<16xi32>
    %broadcast_in_dim3A_2747 = vector.shape_cast %select_n3A_2746 : vector<16xi32> to vector<16x1xi32>
    %gather3A_2748 = vector.shape_cast %broadcast_in_dim3A_2747 : vector<16x1xi32> to vector<16xi32>
    %gather3A_2749 = tpu.dynamic_gather %get3A_169[%gather3A_2748] in [0] : vector<16xf32>, vector<16xi32> -> vector<16xf32>
    %broadcast_in_dim3A_2750 = arith.constant 13 : i32
    %broadcast_in_dim3A_2751 = vector.broadcast %broadcast_in_dim3A_2750 : i32 to vector<16xi32>
    %lt3A_2752 = arith.constant 0 : i32
    %lt3A_2753 = vector.broadcast %lt3A_2752 : i32 to vector<16xi32>
    %lt3A_2754 = arith.cmpi slt, %broadcast_in_dim3A_2751, %lt3A_2753 : vector<16xi32>
    %add3A_2755 = arith.constant 16 : i32
    %add3A_2756 = vector.broadcast %add3A_2755 : i32 to vector<16xi32>
    %add3A_2757 = arith.addi %broadcast_in_dim3A_2751, %add3A_2756 : vector<16xi32>
    %select_n3A_2758 = arith.select %lt3A_2754, %add3A_2757, %broadcast_in_dim3A_2751 : vector<16xi1>, vector<16xi32>
    %broadcast_in_dim3A_2759 = vector.shape_cast %select_n3A_2758 : vector<16xi32> to vector<16x1xi32>
    %gather3A_2760 = vector.shape_cast %broadcast_in_dim3A_2759 : vector<16x1xi32> to vector<16xi32>
    %gather3A_2761 = tpu.dynamic_gather %get3A_169[%gather3A_2760] in [0] : vector<16xf32>, vector<16xi32> -> vector<16xf32>
    %broadcast_in_dim3A_2762 = arith.constant 14 : i32
    %broadcast_in_dim3A_2763 = vector.broadcast %broadcast_in_dim3A_2762 : i32 to vector<16xi32>
    %lt3A_2764 = arith.constant 0 : i32
    %lt3A_2765 = vector.broadcast %lt3A_2764 : i32 to vector<16xi32>
    %lt3A_2766 = arith.cmpi slt, %broadcast_in_dim3A_2763, %lt3A_2765 : vector<16xi32>
    %add3A_2767 = arith.constant 16 : i32
    %add3A_2768 = vector.broadcast %add3A_2767 : i32 to vector<16xi32>
    %add3A_2769 = arith.addi %broadcast_in_dim3A_2763, %add3A_2768 : vector<16xi32>
    %select_n3A_2770 = arith.select %lt3A_2766, %add3A_2769, %broadcast_in_dim3A_2763 : vector<16xi1>, vector<16xi32>
    %broadcast_in_dim3A_2771 = vector.shape_cast %select_n3A_2770 : vector<16xi32> to vector<16x1xi32>
    %gather3A_2772 = vector.shape_cast %broadcast_in_dim3A_2771 : vector<16x1xi32> to vector<16xi32>
    %gather3A_2773 = tpu.dynamic_gather %get3A_169[%gather3A_2772] in [0] : vector<16xf32>, vector<16xi32> -> vector<16xf32>
    %broadcast_in_dim3A_2774 = arith.constant 15 : i32
    %broadcast_in_dim3A_2775 = vector.broadcast %broadcast_in_dim3A_2774 : i32 to vector<16xi32>
    %lt3A_2776 = arith.constant 0 : i32
    %lt3A_2777 = vector.broadcast %lt3A_2776 : i32 to vector<16xi32>
    %lt3A_2778 = arith.cmpi slt, %broadcast_in_dim3A_2775, %lt3A_2777 : vector<16xi32>
    %add3A_2779 = arith.constant 16 : i32
    %add3A_2780 = vector.broadcast %add3A_2779 : i32 to vector<16xi32>
    %add3A_2781 = arith.addi %broadcast_in_dim3A_2775, %add3A_2780 : vector<16xi32>
    %select_n3A_2782 = arith.select %lt3A_2778, %add3A_2781, %broadcast_in_dim3A_2775 : vector<16xi1>, vector<16xi32>
    %broadcast_in_dim3A_2783 = vector.shape_cast %select_n3A_2782 : vector<16xi32> to vector<16x1xi32>
    %gather3A_2784 = vector.shape_cast %broadcast_in_dim3A_2783 : vector<16x1xi32> to vector<16xi32>
    %gather3A_2785 = tpu.dynamic_gather %get3A_169[%gather3A_2784] in [0] : vector<16xf32>, vector<16xi32> -> vector<16xf32>
    %broadcast_in_dim3A_2786 = arith.constant 0 : i32
    %broadcast_in_dim3A_2787 = vector.broadcast %broadcast_in_dim3A_2786 : i32 to vector<16xi32>
    %lt3A_2788 = arith.constant 0 : i32
    %lt3A_2789 = vector.broadcast %lt3A_2788 : i32 to vector<16xi32>
    %lt3A_2790 = arith.cmpi slt, %broadcast_in_dim3A_2787, %lt3A_2789 : vector<16xi32>
    %add3A_2791 = arith.constant 16 : i32
    %add3A_2792 = vector.broadcast %add3A_2791 : i32 to vector<16xi32>
    %add3A_2793 = arith.addi %broadcast_in_dim3A_2787, %add3A_2792 : vector<16xi32>
    %select_n3A_2794 = arith.select %lt3A_2790, %add3A_2793, %broadcast_in_dim3A_2787 : vector<16xi1>, vector<16xi32>
    %broadcast_in_dim3A_2795 = vector.shape_cast %select_n3A_2794 : vector<16xi32> to vector<16x1xi32>
    %gather3A_2796 = vector.shape_cast %broadcast_in_dim3A_2795 : vector<16x1xi32> to vector<16xi32>
    %gather3A_2797 = tpu.dynamic_gather %get3A_171[%gather3A_2796] in [0] : vector<16xf32>, vector<16xi32> -> vector<16xf32>
    %broadcast_in_dim3A_2798 = arith.constant 1 : i32
    %broadcast_in_dim3A_2799 = vector.broadcast %broadcast_in_dim3A_2798 : i32 to vector<16xi32>
    %lt3A_2800 = arith.constant 0 : i32
    %lt3A_2801 = vector.broadcast %lt3A_2800 : i32 to vector<16xi32>
    %lt3A_2802 = arith.cmpi slt, %broadcast_in_dim3A_2799, %lt3A_2801 : vector<16xi32>
    %add3A_2803 = arith.constant 16 : i32
    %add3A_2804 = vector.broadcast %add3A_2803 : i32 to vector<16xi32>
    %add3A_2805 = arith.addi %broadcast_in_dim3A_2799, %add3A_2804 : vector<16xi32>
    %select_n3A_2806 = arith.select %lt3A_2802, %add3A_2805, %broadcast_in_dim3A_2799 : vector<16xi1>, vector<16xi32>
    %broadcast_in_dim3A_2807 = vector.shape_cast %select_n3A_2806 : vector<16xi32> to vector<16x1xi32>
    %gather3A_2808 = vector.shape_cast %broadcast_in_dim3A_2807 : vector<16x1xi32> to vector<16xi32>
    %gather3A_2809 = tpu.dynamic_gather %get3A_171[%gather3A_2808] in [0] : vector<16xf32>, vector<16xi32> -> vector<16xf32>
    %broadcast_in_dim3A_2810 = arith.constant 13 : i32
    %broadcast_in_dim3A_2811 = vector.broadcast %broadcast_in_dim3A_2810 : i32 to vector<16xi32>
    %lt3A_2812 = arith.constant 0 : i32
    %lt3A_2813 = vector.broadcast %lt3A_2812 : i32 to vector<16xi32>
    %lt3A_2814 = arith.cmpi slt, %broadcast_in_dim3A_2811, %lt3A_2813 : vector<16xi32>
    %add3A_2815 = arith.constant 16 : i32
    %add3A_2816 = vector.broadcast %add3A_2815 : i32 to vector<16xi32>
    %add3A_2817 = arith.addi %broadcast_in_dim3A_2811, %add3A_2816 : vector<16xi32>
    %select_n3A_2818 = arith.select %lt3A_2814, %add3A_2817, %broadcast_in_dim3A_2811 : vector<16xi1>, vector<16xi32>
    %broadcast_in_dim3A_2819 = vector.shape_cast %select_n3A_2818 : vector<16xi32> to vector<16x1xi32>
    %gather3A_2820 = vector.shape_cast %broadcast_in_dim3A_2819 : vector<16x1xi32> to vector<16xi32>
    %gather3A_2821 = tpu.dynamic_gather %get3A_157[%gather3A_2820] in [0] : vector<16xf32>, vector<16xi32> -> vector<16xf32>
    %broadcast_in_dim3A_2822 = arith.constant 11 : i32
    %broadcast_in_dim3A_2823 = vector.broadcast %broadcast_in_dim3A_2822 : i32 to vector<16xi32>
    %lt3A_2824 = arith.constant 0 : i32
    %lt3A_2825 = vector.broadcast %lt3A_2824 : i32 to vector<16xi32>
    %lt3A_2826 = arith.cmpi slt, %broadcast_in_dim3A_2823, %lt3A_2825 : vector<16xi32>
    %add3A_2827 = arith.constant 16 : i32
    %add3A_2828 = vector.broadcast %add3A_2827 : i32 to vector<16xi32>
    %add3A_2829 = arith.addi %broadcast_in_dim3A_2823, %add3A_2828 : vector<16xi32>
    %select_n3A_2830 = arith.select %lt3A_2826, %add3A_2829, %broadcast_in_dim3A_2823 : vector<16xi1>, vector<16xi32>
    %broadcast_in_dim3A_2831 = vector.shape_cast %select_n3A_2830 : vector<16xi32> to vector<16x1xi32>
    %gather3A_2832 = vector.shape_cast %broadcast_in_dim3A_2831 : vector<16x1xi32> to vector<16xi32>
    %gather3A_2833 = tpu.dynamic_gather %get3A_171[%gather3A_2832] in [0] : vector<16xf32>, vector<16xi32> -> vector<16xf32>
    %parallel_loop3A_2834 = arith.constant 0 : i32
    %parallel_loop3A_2835 = arith.constant 64 : i32
    %parallel_loop3A_2836 = arith.constant 1 : i32
    scf.for %parallel_loop3A_2977 = %parallel_loop3A_2834 to %parallel_loop3A_2835 step %parallel_loop3A_2836  : i32 {
      %parallel_loop3A_2978 = arith.constant 16 : i32
      %parallel_loop3A_2979 = arith.muli %parallel_loop3A_2977, %parallel_loop3A_2978 : i32
      %parallel_loop3A_2980 = arith.index_cast %parallel_loop3A_2979 : i32 to index
      %parallel_loop3A_2981 = tpu.vector_load %arg7[%parallel_loop3A_2980] {strides = array<i32>} : memref<1024xi32, #tpu.memory_space<vmem>>, vector<16xi32>,
      %parallel_loop3A_2982 = arith.constant 0 : i32
      %parallel_loop3A_2983 = arith.addi %parallel_loop3A_2982, %parallel_loop3A_2979 : i32
      %parallel_loop3A_2984 = arith.index_cast %parallel_loop3A_2983 : i32 to index
      %parallel_loop3A_2985 = tpu.vector_load %arg6[%parallel_loop3A_2984] {strides = array<i32>} : memref<10240xf32, #tpu.memory_space<vmem>>, vector<16xf32>,
      %parallel_loop3A_2986 = arith.constant 1024 : i32
      %parallel_loop3A_2987 = arith.addi %parallel_loop3A_2986, %parallel_loop3A_2979 : i32
      %parallel_loop3A_2988 = arith.index_cast %parallel_loop3A_2987 : i32 to index
      %parallel_loop3A_2989 = tpu.vector_load %arg6[%parallel_loop3A_2988] {strides = array<i32>} : memref<10240xf32, #tpu.memory_space<vmem>>, vector<16xf32>,
      %parallel_loop3A_2990 = arith.constant 2048 : i32
      %parallel_loop3A_2991 = arith.addi %parallel_loop3A_2990, %parallel_loop3A_2979 : i32
      %parallel_loop3A_2992 = arith.index_cast %parallel_loop3A_2991 : i32 to index
      %parallel_loop3A_2993 = tpu.vector_load %arg6[%parallel_loop3A_2992] {strides = array<i32>} : memref<10240xf32, #tpu.memory_space<vmem>>, vector<16xf32>,
      %parallel_loop3A_2994 = arith.constant 3072 : i32
      %parallel_loop3A_2995 = arith.addi %parallel_loop3A_2994, %parallel_loop3A_2979 : i32
      %parallel_loop3A_2996 = arith.index_cast %parallel_loop3A_2995 : i32 to index
      %parallel_loop3A_2997 = tpu.vector_load %arg6[%parallel_loop3A_2996] {strides = array<i32>} : memref<10240xf32, #tpu.memory_space<vmem>>, vector<16xf32>,
      %parallel_loop3A_2998 = arith.constant 4096 : i32
      %parallel_loop3A_2999 = arith.addi %parallel_loop3A_2998, %parallel_loop3A_2979 : i32
      %parallel_loop3A_3000 = arith.index_cast %parallel_loop3A_2999 : i32 to index
      %parallel_loop3A_3001 = tpu.vector_load %arg6[%parallel_loop3A_3000] {strides = array<i32>} : memref<10240xf32, #tpu.memory_space<vmem>>, vector<16xf32>,
      %parallel_loop3A_3002 = arith.constant 5120 : i32
      %parallel_loop3A_3003 = arith.addi %parallel_loop3A_3002, %parallel_loop3A_2979 : i32
      %parallel_loop3A_3004 = arith.index_cast %parallel_loop3A_3003 : i32 to index
      %parallel_loop3A_3005 = tpu.vector_load %arg6[%parallel_loop3A_3004] {strides = array<i32>} : memref<10240xf32, #tpu.memory_space<vmem>>, vector<16xf32>,
      %parallel_loop3A_3006 = arith.constant 6144 : i32
      %parallel_loop3A_3007 = arith.addi %parallel_loop3A_3006, %parallel_loop3A_2979 : i32
      %parallel_loop3A_3008 = arith.index_cast %parallel_loop3A_3007 : i32 to index
      %parallel_loop3A_3009 = tpu.vector_load %arg6[%parallel_loop3A_3008] {strides = array<i32>} : memref<10240xf32, #tpu.memory_space<vmem>>, vector<16xf32>,
      %parallel_loop3A_3010 = arith.constant 7168 : i32
      %parallel_loop3A_3011 = arith.addi %parallel_loop3A_3010, %parallel_loop3A_2979 : i32
      %parallel_loop3A_3012 = arith.index_cast %parallel_loop3A_3011 : i32 to index
      %parallel_loop3A_3013 = tpu.vector_load %arg6[%parallel_loop3A_3012] {strides = array<i32>} : memref<10240xf32, #tpu.memory_space<vmem>>, vector<16xf32>,
      %parallel_loop3A_3014 = arith.constant 8192 : i32
      %parallel_loop3A_3015 = arith.addi %parallel_loop3A_3014, %parallel_loop3A_2979 : i32
      %parallel_loop3A_3016 = arith.index_cast %parallel_loop3A_3015 : i32 to index
      %parallel_loop3A_3017 = tpu.vector_load %arg6[%parallel_loop3A_3016] {strides = array<i32>} : memref<10240xf32, #tpu.memory_space<vmem>>, vector<16xf32>,
      %parallel_loop3A_3018 = arith.constant 9216 : i32
      %parallel_loop3A_3019 = arith.addi %parallel_loop3A_3018, %parallel_loop3A_2979 : i32
      %parallel_loop3A_3020 = arith.index_cast %parallel_loop3A_3019 : i32 to index
      %parallel_loop3A_3021 = tpu.vector_load %arg6[%parallel_loop3A_3020] {strides = array<i32>} : memref<10240xf32, #tpu.memory_space<vmem>>, vector<16xf32>,
      %parallel_loop3A_3022 = arith.mulf %parallel_loop3A_2985, %gather3A_2581 : vector<16xf32>
      %parallel_loop3A_3023 = arith.mulf %parallel_loop3A_2989, %gather3A_2593 : vector<16xf32>
      %parallel_loop3A_3024 = arith.mulf %parallel_loop3A_2993, %gather3A_2605 : vector<16xf32>
      %parallel_loop3A_3025 = arith.mulf %parallel_loop3A_2997, %gather3A_2617 : vector<16xf32>
      %parallel_loop3A_3026 = arith.mulf %parallel_loop3A_3001, %gather3A_2629 : vector<16xf32>
      %parallel_loop3A_3027 = arith.mulf %parallel_loop3A_3005, %gather3A_2641 : vector<16xf32>
      %parallel_loop3A_3028 = arith.mulf %parallel_loop3A_3009, %gather3A_2653 : vector<16xf32>
      %parallel_loop3A_3029 = arith.mulf %parallel_loop3A_3013, %gather3A_2665 : vector<16xf32>
      %parallel_loop3A_3030 = arith.mulf %parallel_loop3A_3017, %gather3A_2677 : vector<16xf32>
      %parallel_loop3A_3031 = arith.mulf %parallel_loop3A_3021, %gather3A_2689 : vector<16xf32>
      %parallel_loop3A_3032 = arith.mulf %parallel_loop3A_2985, %gather3A_2701 : vector<16xf32>
      %parallel_loop3A_3033 = arith.mulf %parallel_loop3A_2989, %gather3A_2713 : vector<16xf32>
      %parallel_loop3A_3034 = arith.mulf %parallel_loop3A_2993, %gather3A_2725 : vector<16xf32>
      %parallel_loop3A_3035 = arith.mulf %parallel_loop3A_2997, %gather3A_2737 : vector<16xf32>
      %parallel_loop3A_3036 = arith.mulf %parallel_loop3A_3001, %gather3A_2749 : vector<16xf32>
      %parallel_loop3A_3037 = arith.mulf %parallel_loop3A_3005, %gather3A_2761 : vector<16xf32>
      %parallel_loop3A_3038 = arith.mulf %parallel_loop3A_3009, %gather3A_2773 : vector<16xf32>
      %parallel_loop3A_3039 = arith.mulf %parallel_loop3A_3013, %gather3A_2785 : vector<16xf32>
      %parallel_loop3A_3040 = arith.mulf %parallel_loop3A_3017, %gather3A_2797 : vector<16xf32>
      %parallel_loop3A_3041 = arith.mulf %parallel_loop3A_3021, %gather3A_2809 : vector<16xf32>
      %parallel_loop3A_3042 = arith.constant 0 : i32
      %parallel_loop3A_3043 = vector.broadcast %parallel_loop3A_3042 : i32 to vector<16xi32>
      %parallel_loop3A_3044 = arith.cmpi eq, %parallel_loop3A_2981, %parallel_loop3A_3043 : vector<16xi32>
      %parallel_loop3A_3045 = arith.addf %parallel_loop3A_3022, %parallel_loop3A_3023 : vector<16xf32>
      %parallel_loop3A_3046 = arith.addf %parallel_loop3A_3024, %parallel_loop3A_3025 : vector<16xf32>
      %parallel_loop3A_3047 = arith.addf %parallel_loop3A_3026, %parallel_loop3A_3027 : vector<16xf32>
      %parallel_loop3A_3048 = arith.addf %parallel_loop3A_3028, %parallel_loop3A_3029 : vector<16xf32>
      %parallel_loop3A_3049 = arith.addf %parallel_loop3A_3030, %parallel_loop3A_3031 : vector<16xf32>
      %parallel_loop3A_3050 = arith.addf %parallel_loop3A_3045, %parallel_loop3A_3046 : vector<16xf32>
      %parallel_loop3A_3051 = arith.addf %parallel_loop3A_3047, %parallel_loop3A_3048 : vector<16xf32>
      %parallel_loop3A_3052 = arith.addf %parallel_loop3A_3049, %gather3A_2821 : vector<16xf32>
      %parallel_loop3A_3053 = arith.addf %parallel_loop3A_3050, %parallel_loop3A_3051 : vector<16xf32>
      %parallel_loop3A_3054 = arith.addf %parallel_loop3A_3053, %parallel_loop3A_3052 : vector<16xf32>
      %parallel_loop3A_3055 = arith.addf %parallel_loop3A_3032, %parallel_loop3A_3033 : vector<16xf32>
      %parallel_loop3A_3056 = arith.addf %parallel_loop3A_3034, %parallel_loop3A_3035 : vector<16xf32>
      %parallel_loop3A_3057 = arith.addf %parallel_loop3A_3036, %parallel_loop3A_3037 : vector<16xf32>
      %parallel_loop3A_3058 = arith.addf %parallel_loop3A_3038, %parallel_loop3A_3039 : vector<16xf32>
      %parallel_loop3A_3059 = arith.addf %parallel_loop3A_3040, %parallel_loop3A_3041 : vector<16xf32>
      %parallel_loop3A_3060 = arith.addf %parallel_loop3A_3055, %parallel_loop3A_3056 : vector<16xf32>
      %parallel_loop3A_3061 = arith.addf %parallel_loop3A_3057, %parallel_loop3A_3058 : vector<16xf32>
      %parallel_loop3A_3062 = arith.addf %parallel_loop3A_3059, %gather3A_2833 : vector<16xf32>
      %parallel_loop3A_3063 = arith.addf %parallel_loop3A_3060, %parallel_loop3A_3061 : vector<16xf32>
      %parallel_loop3A_3064 = arith.addf %parallel_loop3A_3063, %parallel_loop3A_3062 : vector<16xf32>
      %parallel_loop3A_3065 = arith.select %parallel_loop3A_3044, %parallel_loop3A_3054, %parallel_loop3A_3064 : vector<16xi1>, vector<16xf32>
      %parallel_loop3A_3066 = arith.constant 9216 : i32
      %parallel_loop3A_3067 = arith.addi %parallel_loop3A_3066, %parallel_loop3A_2979 : i32
      %parallel_loop3A_3068 = arith.index_cast %parallel_loop3A_3067 : i32 to index
      %parallel_loop3A_3069 = tpu.vector_load %arg8[%parallel_loop3A_3068] {strides = array<i32>} : memref<10240xf32, #tpu.memory_space<vmem>>, vector<16xf32>,
      tpu.vector_store %arg8[%parallel_loop3A_3068], %parallel_loop3A_3065 {strides = array<i32>} : memref<10240xf32, #tpu.memory_space<vmem>>, vector<16xf32>,
    } {sc.loop_unroll_factor = 1 : i64, sc.parallel_access}
    %add3A_2837 = arith.constant 0 : i32
    %add3A_2838 = arith.addi %add3A_2837, %mul3A_2 : i32
    %dma_start3A_2839 = arith.constant 0 : i32
    %dma_start3A_2840 = tpu.memref_slice %arg8[%dma_start3A_2839] : memref<10240xf32, #tpu.memory_space<vmem>> -> memref<1024xf32, #tpu.memory_space<vmem>>
    %dma_start3A_2841 = tpu.memref_slice %arg5[%add3A_2838] : memref<327680xf32, #tpu.memory_space<hbm>> -> memref<1024xf32, #tpu.memory_space<hbm>>
    %dma_start3A_2842 = tpu.memref_slice %arg5[%add3A_2838] : memref<327680xf32, #tpu.memory_space<hbm>> -> memref<1024xf32, #tpu.memory_space<hbm>>
    %dma_start3A_2843 = arith.constant 0 : i32
    %dma_start3A_2844 = tpu.memref_slice %arg8[%dma_start3A_2843] : memref<10240xf32, #tpu.memory_space<vmem>> -> memref<1024xf32, #tpu.memory_space<vmem>>
    tpu.enqueue_dma source(%dma_start3A_2844 : memref<1024xf32, #tpu.memory_space<vmem>>) target(%dma_start3A_2842 : memref<1024xf32, #tpu.memory_space<hbm>>) target_semaphore(%arg10 : memref<!tpu.dma_semaphore, #tpu.memory_space<semaphore_mem>>)
    %add3A_2845 = arith.constant 32768 : i32
    %add3A_2846 = arith.addi %add3A_2845, %mul3A_2 : i32
    %dma_start3A_2847 = arith.constant 1024 : i32
    %dma_start3A_2848 = tpu.memref_slice %arg8[%dma_start3A_2847] : memref<10240xf32, #tpu.memory_space<vmem>> -> memref<1024xf32, #tpu.memory_space<vmem>>
    %dma_start3A_2849 = tpu.memref_slice %arg5[%add3A_2846] : memref<327680xf32, #tpu.memory_space<hbm>> -> memref<1024xf32, #tpu.memory_space<hbm>>
    %dma_start3A_2850 = tpu.memref_slice %arg5[%add3A_2846] : memref<327680xf32, #tpu.memory_space<hbm>> -> memref<1024xf32, #tpu.memory_space<hbm>>
    %dma_start3A_2851 = arith.constant 1024 : i32
    %dma_start3A_2852 = tpu.memref_slice %arg8[%dma_start3A_2851] : memref<10240xf32, #tpu.memory_space<vmem>> -> memref<1024xf32, #tpu.memory_space<vmem>>
    tpu.enqueue_dma source(%dma_start3A_2852 : memref<1024xf32, #tpu.memory_space<vmem>>) target(%dma_start3A_2850 : memref<1024xf32, #tpu.memory_space<hbm>>) target_semaphore(%arg10 : memref<!tpu.dma_semaphore, #tpu.memory_space<semaphore_mem>>)
    %add3A_2853 = arith.constant 65536 : i32
    %add3A_2854 = arith.addi %add3A_2853, %mul3A_2 : i32
    %dma_start3A_2855 = arith.constant 2048 : i32
    %dma_start3A_2856 = tpu.memref_slice %arg8[%dma_start3A_2855] : memref<10240xf32, #tpu.memory_space<vmem>> -> memref<1024xf32, #tpu.memory_space<vmem>>
    %dma_start3A_2857 = tpu.memref_slice %arg5[%add3A_2854] : memref<327680xf32, #tpu.memory_space<hbm>> -> memref<1024xf32, #tpu.memory_space<hbm>>
    %dma_start3A_2858 = tpu.memref_slice %arg5[%add3A_2854] : memref<327680xf32, #tpu.memory_space<hbm>> -> memref<1024xf32, #tpu.memory_space<hbm>>
    %dma_start3A_2859 = arith.constant 2048 : i32
    %dma_start3A_2860 = tpu.memref_slice %arg8[%dma_start3A_2859] : memref<10240xf32, #tpu.memory_space<vmem>> -> memref<1024xf32, #tpu.memory_space<vmem>>
    tpu.enqueue_dma source(%dma_start3A_2860 : memref<1024xf32, #tpu.memory_space<vmem>>) target(%dma_start3A_2858 : memref<1024xf32, #tpu.memory_space<hbm>>) target_semaphore(%arg10 : memref<!tpu.dma_semaphore, #tpu.memory_space<semaphore_mem>>)
    %add3A_2861 = arith.constant 98304 : i32
    %add3A_2862 = arith.addi %add3A_2861, %mul3A_2 : i32
    %dma_start3A_2863 = arith.constant 3072 : i32
    %dma_start3A_2864 = tpu.memref_slice %arg8[%dma_start3A_2863] : memref<10240xf32, #tpu.memory_space<vmem>> -> memref<1024xf32, #tpu.memory_space<vmem>>
    %dma_start3A_2865 = tpu.memref_slice %arg5[%add3A_2862] : memref<327680xf32, #tpu.memory_space<hbm>> -> memref<1024xf32, #tpu.memory_space<hbm>>
    %dma_start3A_2866 = tpu.memref_slice %arg5[%add3A_2862] : memref<327680xf32, #tpu.memory_space<hbm>> -> memref<1024xf32, #tpu.memory_space<hbm>>
    %dma_start3A_2867 = arith.constant 3072 : i32
    %dma_start3A_2868 = tpu.memref_slice %arg8[%dma_start3A_2867] : memref<10240xf32, #tpu.memory_space<vmem>> -> memref<1024xf32, #tpu.memory_space<vmem>>
    tpu.enqueue_dma source(%dma_start3A_2868 : memref<1024xf32, #tpu.memory_space<vmem>>) target(%dma_start3A_2866 : memref<1024xf32, #tpu.memory_space<hbm>>) target_semaphore(%arg10 : memref<!tpu.dma_semaphore, #tpu.memory_space<semaphore_mem>>)
    %add3A_2869 = arith.constant 131072 : i32
    %add3A_2870 = arith.addi %add3A_2869, %mul3A_2 : i32
    %dma_start3A_2871 = arith.constant 4096 : i32
    %dma_start3A_2872 = tpu.memref_slice %arg8[%dma_start3A_2871] : memref<10240xf32, #tpu.memory_space<vmem>> -> memref<1024xf32, #tpu.memory_space<vmem>>
    %dma_start3A_2873 = tpu.memref_slice %arg5[%add3A_2870] : memref<327680xf32, #tpu.memory_space<hbm>> -> memref<1024xf32, #tpu.memory_space<hbm>>
    %dma_start3A_2874 = tpu.memref_slice %arg5[%add3A_2870] : memref<327680xf32, #tpu.memory_space<hbm>> -> memref<1024xf32, #tpu.memory_space<hbm>>
    %dma_start3A_2875 = arith.constant 4096 : i32
    %dma_start3A_2876 = tpu.memref_slice %arg8[%dma_start3A_2875] : memref<10240xf32, #tpu.memory_space<vmem>> -> memref<1024xf32, #tpu.memory_space<vmem>>
    tpu.enqueue_dma source(%dma_start3A_2876 : memref<1024xf32, #tpu.memory_space<vmem>>) target(%dma_start3A_2874 : memref<1024xf32, #tpu.memory_space<hbm>>) target_semaphore(%arg10 : memref<!tpu.dma_semaphore, #tpu.memory_space<semaphore_mem>>)
    %add3A_2877 = arith.constant 163840 : i32
    %add3A_2878 = arith.addi %add3A_2877, %mul3A_2 : i32
    %dma_start3A_2879 = arith.constant 5120 : i32
    %dma_start3A_2880 = tpu.memref_slice %arg8[%dma_start3A_2879] : memref<10240xf32, #tpu.memory_space<vmem>> -> memref<1024xf32, #tpu.memory_space<vmem>>
    %dma_start3A_2881 = tpu.memref_slice %arg5[%add3A_2878] : memref<327680xf32, #tpu.memory_space<hbm>> -> memref<1024xf32, #tpu.memory_space<hbm>>
    %dma_start3A_2882 = tpu.memref_slice %arg5[%add3A_2878] : memref<327680xf32, #tpu.memory_space<hbm>> -> memref<1024xf32, #tpu.memory_space<hbm>>
    %dma_start3A_2883 = arith.constant 5120 : i32
    %dma_start3A_2884 = tpu.memref_slice %arg8[%dma_start3A_2883] : memref<10240xf32, #tpu.memory_space<vmem>> -> memref<1024xf32, #tpu.memory_space<vmem>>
    tpu.enqueue_dma source(%dma_start3A_2884 : memref<1024xf32, #tpu.memory_space<vmem>>) target(%dma_start3A_2882 : memref<1024xf32, #tpu.memory_space<hbm>>) target_semaphore(%arg10 : memref<!tpu.dma_semaphore, #tpu.memory_space<semaphore_mem>>)
    %add3A_2885 = arith.constant 196608 : i32
    %add3A_2886 = arith.addi %add3A_2885, %mul3A_2 : i32
    %dma_start3A_2887 = arith.constant 6144 : i32
    %dma_start3A_2888 = tpu.memref_slice %arg8[%dma_start3A_2887] : memref<10240xf32, #tpu.memory_space<vmem>> -> memref<1024xf32, #tpu.memory_space<vmem>>
    %dma_start3A_2889 = tpu.memref_slice %arg5[%add3A_2886] : memref<327680xf32, #tpu.memory_space<hbm>> -> memref<1024xf32, #tpu.memory_space<hbm>>
    %dma_start3A_2890 = tpu.memref_slice %arg5[%add3A_2886] : memref<327680xf32, #tpu.memory_space<hbm>> -> memref<1024xf32, #tpu.memory_space<hbm>>
    %dma_start3A_2891 = arith.constant 6144 : i32
    %dma_start3A_2892 = tpu.memref_slice %arg8[%dma_start3A_2891] : memref<10240xf32, #tpu.memory_space<vmem>> -> memref<1024xf32, #tpu.memory_space<vmem>>
    tpu.enqueue_dma source(%dma_start3A_2892 : memref<1024xf32, #tpu.memory_space<vmem>>) target(%dma_start3A_2890 : memref<1024xf32, #tpu.memory_space<hbm>>) target_semaphore(%arg10 : memref<!tpu.dma_semaphore, #tpu.memory_space<semaphore_mem>>)
    %add3A_2893 = arith.constant 229376 : i32
    %add3A_2894 = arith.addi %add3A_2893, %mul3A_2 : i32
    %dma_start3A_2895 = arith.constant 7168 : i32
    %dma_start3A_2896 = tpu.memref_slice %arg8[%dma_start3A_2895] : memref<10240xf32, #tpu.memory_space<vmem>> -> memref<1024xf32, #tpu.memory_space<vmem>>
    %dma_start3A_2897 = tpu.memref_slice %arg5[%add3A_2894] : memref<327680xf32, #tpu.memory_space<hbm>> -> memref<1024xf32, #tpu.memory_space<hbm>>
    %dma_start3A_2898 = tpu.memref_slice %arg5[%add3A_2894] : memref<327680xf32, #tpu.memory_space<hbm>> -> memref<1024xf32, #tpu.memory_space<hbm>>
    %dma_start3A_2899 = arith.constant 7168 : i32
    %dma_start3A_2900 = tpu.memref_slice %arg8[%dma_start3A_2899] : memref<10240xf32, #tpu.memory_space<vmem>> -> memref<1024xf32, #tpu.memory_space<vmem>>
    tpu.enqueue_dma source(%dma_start3A_2900 : memref<1024xf32, #tpu.memory_space<vmem>>) target(%dma_start3A_2898 : memref<1024xf32, #tpu.memory_space<hbm>>) target_semaphore(%arg10 : memref<!tpu.dma_semaphore, #tpu.memory_space<semaphore_mem>>)
    %add3A_2901 = arith.constant 262144 : i32
    %add3A_2902 = arith.addi %add3A_2901, %mul3A_2 : i32
    %dma_start3A_2903 = arith.constant 8192 : i32
    %dma_start3A_2904 = tpu.memref_slice %arg8[%dma_start3A_2903] : memref<10240xf32, #tpu.memory_space<vmem>> -> memref<1024xf32, #tpu.memory_space<vmem>>
    %dma_start3A_2905 = tpu.memref_slice %arg5[%add3A_2902] : memref<327680xf32, #tpu.memory_space<hbm>> -> memref<1024xf32, #tpu.memory_space<hbm>>
    %dma_start3A_2906 = tpu.memref_slice %arg5[%add3A_2902] : memref<327680xf32, #tpu.memory_space<hbm>> -> memref<1024xf32, #tpu.memory_space<hbm>>
    %dma_start3A_2907 = arith.constant 8192 : i32
    %dma_start3A_2908 = tpu.memref_slice %arg8[%dma_start3A_2907] : memref<10240xf32, #tpu.memory_space<vmem>> -> memref<1024xf32, #tpu.memory_space<vmem>>
    tpu.enqueue_dma source(%dma_start3A_2908 : memref<1024xf32, #tpu.memory_space<vmem>>) target(%dma_start3A_2906 : memref<1024xf32, #tpu.memory_space<hbm>>) target_semaphore(%arg10 : memref<!tpu.dma_semaphore, #tpu.memory_space<semaphore_mem>>)
    %add3A_2909 = arith.constant 294912 : i32
    %add3A_2910 = arith.addi %add3A_2909, %mul3A_2 : i32
    %dma_start3A_2911 = arith.constant 9216 : i32
    %dma_start3A_2912 = tpu.memref_slice %arg8[%dma_start3A_2911] : memref<10240xf32, #tpu.memory_space<vmem>> -> memref<1024xf32, #tpu.memory_space<vmem>>
    %dma_start3A_2913 = tpu.memref_slice %arg5[%add3A_2910] : memref<327680xf32, #tpu.memory_space<hbm>> -> memref<1024xf32, #tpu.memory_space<hbm>>
    %dma_start3A_2914 = tpu.memref_slice %arg5[%add3A_2910] : memref<327680xf32, #tpu.memory_space<hbm>> -> memref<1024xf32, #tpu.memory_space<hbm>>
    %dma_start3A_2915 = arith.constant 9216 : i32
    %dma_start3A_2916 = tpu.memref_slice %arg8[%dma_start3A_2915] : memref<10240xf32, #tpu.memory_space<vmem>> -> memref<1024xf32, #tpu.memory_space<vmem>>
    tpu.enqueue_dma source(%dma_start3A_2916 : memref<1024xf32, #tpu.memory_space<vmem>>) target(%dma_start3A_2914 : memref<1024xf32, #tpu.memory_space<hbm>>) target_semaphore(%arg10 : memref<!tpu.dma_semaphore, #tpu.memory_space<semaphore_mem>>)
    %dma_wait3A_2917 = arith.constant 0 : i32
    %dma_wait3A_2918 = tpu.memref_slice %arg8[%dma_wait3A_2917] : memref<10240xf32, #tpu.memory_space<vmem>> -> memref<1024xf32, #tpu.memory_space<vmem>>
    %dma_wait3A_2919 = tpu.memref_slice %arg5[%add3A_2838] : memref<327680xf32, #tpu.memory_space<hbm>> -> memref<1024xf32, #tpu.memory_space<hbm>>
    %dma_wait3A_2920 = tpu.memref_slice %arg5[%add3A_2838] : memref<327680xf32, #tpu.memory_space<hbm>> -> memref<1024xf32, #tpu.memory_space<hbm>>
    %dma_wait3A_2921 = arith.constant 0 : i32
    %dma_wait3A_2922 = tpu.memref_slice %arg8[%dma_wait3A_2921] : memref<10240xf32, #tpu.memory_space<vmem>> -> memref<1024xf32, #tpu.memory_space<vmem>>
    tpu.wait_dma2 semaphore(%arg10 : memref<!tpu.dma_semaphore, #tpu.memory_space<semaphore_mem>>) src(%dma_wait3A_2922 : memref<1024xf32, #tpu.memory_space<vmem>>) dst(%dma_wait3A_2920 : memref<1024xf32, #tpu.memory_space<hbm>>)
    %dma_wait3A_2923 = arith.constant 1024 : i32
    %dma_wait3A_2924 = tpu.memref_slice %arg8[%dma_wait3A_2923] : memref<10240xf32, #tpu.memory_space<vmem>> -> memref<1024xf32, #tpu.memory_space<vmem>>
    %dma_wait3A_2925 = tpu.memref_slice %arg5[%add3A_2846] : memref<327680xf32, #tpu.memory_space<hbm>> -> memref<1024xf32, #tpu.memory_space<hbm>>
    %dma_wait3A_2926 = tpu.memref_slice %arg5[%add3A_2846] : memref<327680xf32, #tpu.memory_space<hbm>> -> memref<1024xf32, #tpu.memory_space<hbm>>
    %dma_wait3A_2927 = arith.constant 1024 : i32
    %dma_wait3A_2928 = tpu.memref_slice %arg8[%dma_wait3A_2927] : memref<10240xf32, #tpu.memory_space<vmem>> -> memref<1024xf32, #tpu.memory_space<vmem>>
    tpu.wait_dma2 semaphore(%arg10 : memref<!tpu.dma_semaphore, #tpu.memory_space<semaphore_mem>>) src(%dma_wait3A_2928 : memref<1024xf32, #tpu.memory_space<vmem>>) dst(%dma_wait3A_2926 : memref<1024xf32, #tpu.memory_space<hbm>>)
    %dma_wait3A_2929 = arith.constant 2048 : i32
    %dma_wait3A_2930 = tpu.memref_slice %arg8[%dma_wait3A_2929] : memref<10240xf32, #tpu.memory_space<vmem>> -> memref<1024xf32, #tpu.memory_space<vmem>>
    %dma_wait3A_2931 = tpu.memref_slice %arg5[%add3A_2854] : memref<327680xf32, #tpu.memory_space<hbm>> -> memref<1024xf32, #tpu.memory_space<hbm>>
    %dma_wait3A_2932 = tpu.memref_slice %arg5[%add3A_2854] : memref<327680xf32, #tpu.memory_space<hbm>> -> memref<1024xf32, #tpu.memory_space<hbm>>
    %dma_wait3A_2933 = arith.constant 2048 : i32
    %dma_wait3A_2934 = tpu.memref_slice %arg8[%dma_wait3A_2933] : memref<10240xf32, #tpu.memory_space<vmem>> -> memref<1024xf32, #tpu.memory_space<vmem>>
    tpu.wait_dma2 semaphore(%arg10 : memref<!tpu.dma_semaphore, #tpu.memory_space<semaphore_mem>>) src(%dma_wait3A_2934 : memref<1024xf32, #tpu.memory_space<vmem>>) dst(%dma_wait3A_2932 : memref<1024xf32, #tpu.memory_space<hbm>>)
    %dma_wait3A_2935 = arith.constant 3072 : i32
    %dma_wait3A_2936 = tpu.memref_slice %arg8[%dma_wait3A_2935] : memref<10240xf32, #tpu.memory_space<vmem>> -> memref<1024xf32, #tpu.memory_space<vmem>>
    %dma_wait3A_2937 = tpu.memref_slice %arg5[%add3A_2862] : memref<327680xf32, #tpu.memory_space<hbm>> -> memref<1024xf32, #tpu.memory_space<hbm>>
    %dma_wait3A_2938 = tpu.memref_slice %arg5[%add3A_2862] : memref<327680xf32, #tpu.memory_space<hbm>> -> memref<1024xf32, #tpu.memory_space<hbm>>
    %dma_wait3A_2939 = arith.constant 3072 : i32
    %dma_wait3A_2940 = tpu.memref_slice %arg8[%dma_wait3A_2939] : memref<10240xf32, #tpu.memory_space<vmem>> -> memref<1024xf32, #tpu.memory_space<vmem>>
    tpu.wait_dma2 semaphore(%arg10 : memref<!tpu.dma_semaphore, #tpu.memory_space<semaphore_mem>>) src(%dma_wait3A_2940 : memref<1024xf32, #tpu.memory_space<vmem>>) dst(%dma_wait3A_2938 : memref<1024xf32, #tpu.memory_space<hbm>>)
    %dma_wait3A_2941 = arith.constant 4096 : i32
    %dma_wait3A_2942 = tpu.memref_slice %arg8[%dma_wait3A_2941] : memref<10240xf32, #tpu.memory_space<vmem>> -> memref<1024xf32, #tpu.memory_space<vmem>>
    %dma_wait3A_2943 = tpu.memref_slice %arg5[%add3A_2870] : memref<327680xf32, #tpu.memory_space<hbm>> -> memref<1024xf32, #tpu.memory_space<hbm>>
    %dma_wait3A_2944 = tpu.memref_slice %arg5[%add3A_2870] : memref<327680xf32, #tpu.memory_space<hbm>> -> memref<1024xf32, #tpu.memory_space<hbm>>
    %dma_wait3A_2945 = arith.constant 4096 : i32
    %dma_wait3A_2946 = tpu.memref_slice %arg8[%dma_wait3A_2945] : memref<10240xf32, #tpu.memory_space<vmem>> -> memref<1024xf32, #tpu.memory_space<vmem>>
    tpu.wait_dma2 semaphore(%arg10 : memref<!tpu.dma_semaphore, #tpu.memory_space<semaphore_mem>>) src(%dma_wait3A_2946 : memref<1024xf32, #tpu.memory_space<vmem>>) dst(%dma_wait3A_2944 : memref<1024xf32, #tpu.memory_space<hbm>>)
    %dma_wait3A_2947 = arith.constant 5120 : i32
    %dma_wait3A_2948 = tpu.memref_slice %arg8[%dma_wait3A_2947] : memref<10240xf32, #tpu.memory_space<vmem>> -> memref<1024xf32, #tpu.memory_space<vmem>>
    %dma_wait3A_2949 = tpu.memref_slice %arg5[%add3A_2878] : memref<327680xf32, #tpu.memory_space<hbm>> -> memref<1024xf32, #tpu.memory_space<hbm>>
    %dma_wait3A_2950 = tpu.memref_slice %arg5[%add3A_2878] : memref<327680xf32, #tpu.memory_space<hbm>> -> memref<1024xf32, #tpu.memory_space<hbm>>
    %dma_wait3A_2951 = arith.constant 5120 : i32
    %dma_wait3A_2952 = tpu.memref_slice %arg8[%dma_wait3A_2951] : memref<10240xf32, #tpu.memory_space<vmem>> -> memref<1024xf32, #tpu.memory_space<vmem>>
    tpu.wait_dma2 semaphore(%arg10 : memref<!tpu.dma_semaphore, #tpu.memory_space<semaphore_mem>>) src(%dma_wait3A_2952 : memref<1024xf32, #tpu.memory_space<vmem>>) dst(%dma_wait3A_2950 : memref<1024xf32, #tpu.memory_space<hbm>>)
    %dma_wait3A_2953 = arith.constant 6144 : i32
    %dma_wait3A_2954 = tpu.memref_slice %arg8[%dma_wait3A_2953] : memref<10240xf32, #tpu.memory_space<vmem>> -> memref<1024xf32, #tpu.memory_space<vmem>>
    %dma_wait3A_2955 = tpu.memref_slice %arg5[%add3A_2886] : memref<327680xf32, #tpu.memory_space<hbm>> -> memref<1024xf32, #tpu.memory_space<hbm>>
    %dma_wait3A_2956 = tpu.memref_slice %arg5[%add3A_2886] : memref<327680xf32, #tpu.memory_space<hbm>> -> memref<1024xf32, #tpu.memory_space<hbm>>
    %dma_wait3A_2957 = arith.constant 6144 : i32
    %dma_wait3A_2958 = tpu.memref_slice %arg8[%dma_wait3A_2957] : memref<10240xf32, #tpu.memory_space<vmem>> -> memref<1024xf32, #tpu.memory_space<vmem>>
    tpu.wait_dma2 semaphore(%arg10 : memref<!tpu.dma_semaphore, #tpu.memory_space<semaphore_mem>>) src(%dma_wait3A_2958 : memref<1024xf32, #tpu.memory_space<vmem>>) dst(%dma_wait3A_2956 : memref<1024xf32, #tpu.memory_space<hbm>>)
    %dma_wait3A_2959 = arith.constant 7168 : i32
    %dma_wait3A_2960 = tpu.memref_slice %arg8[%dma_wait3A_2959] : memref<10240xf32, #tpu.memory_space<vmem>> -> memref<1024xf32, #tpu.memory_space<vmem>>
    %dma_wait3A_2961 = tpu.memref_slice %arg5[%add3A_2894] : memref<327680xf32, #tpu.memory_space<hbm>> -> memref<1024xf32, #tpu.memory_space<hbm>>
    %dma_wait3A_2962 = tpu.memref_slice %arg5[%add3A_2894] : memref<327680xf32, #tpu.memory_space<hbm>> -> memref<1024xf32, #tpu.memory_space<hbm>>
    %dma_wait3A_2963 = arith.constant 7168 : i32
    %dma_wait3A_2964 = tpu.memref_slice %arg8[%dma_wait3A_2963] : memref<10240xf32, #tpu.memory_space<vmem>> -> memref<1024xf32, #tpu.memory_space<vmem>>
    tpu.wait_dma2 semaphore(%arg10 : memref<!tpu.dma_semaphore, #tpu.memory_space<semaphore_mem>>) src(%dma_wait3A_2964 : memref<1024xf32, #tpu.memory_space<vmem>>) dst(%dma_wait3A_2962 : memref<1024xf32, #tpu.memory_space<hbm>>)
    %dma_wait3A_2965 = arith.constant 8192 : i32
    %dma_wait3A_2966 = tpu.memref_slice %arg8[%dma_wait3A_2965] : memref<10240xf32, #tpu.memory_space<vmem>> -> memref<1024xf32, #tpu.memory_space<vmem>>
    %dma_wait3A_2967 = tpu.memref_slice %arg5[%add3A_2902] : memref<327680xf32, #tpu.memory_space<hbm>> -> memref<1024xf32, #tpu.memory_space<hbm>>
    %dma_wait3A_2968 = tpu.memref_slice %arg5[%add3A_2902] : memref<327680xf32, #tpu.memory_space<hbm>> -> memref<1024xf32, #tpu.memory_space<hbm>>
    %dma_wait3A_2969 = arith.constant 8192 : i32
    %dma_wait3A_2970 = tpu.memref_slice %arg8[%dma_wait3A_2969] : memref<10240xf32, #tpu.memory_space<vmem>> -> memref<1024xf32, #tpu.memory_space<vmem>>
    tpu.wait_dma2 semaphore(%arg10 : memref<!tpu.dma_semaphore, #tpu.memory_space<semaphore_mem>>) src(%dma_wait3A_2970 : memref<1024xf32, #tpu.memory_space<vmem>>) dst(%dma_wait3A_2968 : memref<1024xf32, #tpu.memory_space<hbm>>)
    %dma_wait3A_2971 = arith.constant 9216 : i32
    %dma_wait3A_2972 = tpu.memref_slice %arg8[%dma_wait3A_2971] : memref<10240xf32, #tpu.memory_space<vmem>> -> memref<1024xf32, #tpu.memory_space<vmem>>
    %dma_wait3A_2973 = tpu.memref_slice %arg5[%add3A_2910] : memref<327680xf32, #tpu.memory_space<hbm>> -> memref<1024xf32, #tpu.memory_space<hbm>>
    %dma_wait3A_2974 = tpu.memref_slice %arg5[%add3A_2910] : memref<327680xf32, #tpu.memory_space<hbm>> -> memref<1024xf32, #tpu.memory_space<hbm>>
    %dma_wait3A_2975 = arith.constant 9216 : i32
    %dma_wait3A_2976 = tpu.memref_slice %arg8[%dma_wait3A_2975] : memref<10240xf32, #tpu.memory_space<vmem>> -> memref<1024xf32, #tpu.memory_space<vmem>>
    tpu.wait_dma2 semaphore(%arg10 : memref<!tpu.dma_semaphore, #tpu.memory_space<semaphore_mem>>) src(%dma_wait3A_2976 : memref<1024xf32, #tpu.memory_space<vmem>>) dst(%dma_wait3A_2974 : memref<1024xf32, #tpu.memory_space<hbm>>)
    return
  }
}

</mosaic_0001>

<sc_bundles>
// kernel: _moe.3.cloned.1.call-start
scs
__scs_entry_jumppad:
0x0: {  	(pc) =	sbr.rel $0x88, $3  }
0x1: {  	(tag) =	ssettag $0x0;
	lr =	simm.s32 $0x1  }
0x2: {  	[smem:$0x3F9E] =	sst lr;
	_ =	strace $0xD0000000  }
0x3: {  	_ = 	snop  }
0x4: {  	_ = 	snop  }
0x5: {  	_ = 	snop  }
0x6: {  	_ = 	snop  }
0x7: {  	_ = 	snop  }
__scs_overlays_trampoline_lowered:
0x8: {  	[smem:$0x3FAD] =	sst s0  }
0x9: {  	[smem:$0x3FAE] =	sst s1  }
0xa: {  	[smem:$0x3FAF] =	sst s2  }
0xb: {  	[smem:$0x3FB0] =	sst s3  }
0xc: {  	[smem:$0x3FB1] =	sst s4  }
0xd: {  	[smem:$0x3FB2] =	sst s5  }
0xe: {  	[smem:$0x3FB3] =	sst s6  }
0xf: {  	[smem:$0x3FB4] =	sst s7  }
0x10: {  	[smem:$0x3FB5] =	sst s8  }
0x11: {  	[smem:$0x3FB6] =	sst s9;
	s0 =	simm.s32 @!p0 $0x0  }
0x12: {  	s1 =	sld [smem:$0x3F9C];
	s0 =	simm.s32 @p0 $0x1  }
0x13: {  	[smem:$0x3FB7] =	sst s0;
	s0 =	simm.s32 @!p1 $0x0  }
0x14: {  	s2 =	sld [smem:$0x3F9B];
	s0 =	simm.s32 @p1 $0x1  }
0x15: {  	[smem:$0x3FB8] =	sst s0;
	s0 =	simm.s32 @!p2 $0x0  }
0x16: {  	s3 =	sld [smem:$0x3FDB];
	s0 =	simm.s32 @p2 $0x1  }
0x17: {  	s4 =	simm.s32 $0x1BF5;
	[smem:$0x3FBA] =	sst s0  }
0x18: {  	s0 =	sld [smem:$0x3F9D];
	_ =	swait.ge [sflag:s4], $0x0  }
0x19: {  	s7 =	sld [smem:$0x3F9E]  }
0x1a: {  	s8 =	sadd.s32 $0xFFFFE003, lr  }
0x1b: {  	s9 =	sadd.s32 $0xFFFFFEF7, lr;
	s5 =	simm.s32 $0xFFFFFFFF;
	p2 =	slt.u32 s8, $0xFFFFF086  }
0x1c: {  	p1 =	slt.u32 s9, $0xF7A;
	s5 =	simm.s32 @!p2 $0x0  }
0x1d: {  	s5 =	simm.s32 @p1 $0x1;
	p0 =	seq.s32 s7, s2  }
0x1e: {  	s7 =	smul.u32 @!p0 $0xF7A, s2;
	p2 =	seq.s32 @!p0 s5, $0x0  }
0x1f: {  	s9 =	smul.u32 $0xF7A, s1;
	s8 =	simm.s32 @!p0 $0x1BF5;
	p2 =	por !p2, p0  }
0x20: {  	[sflag:s8] =	ssyncset.s32 @!p0 $0xFFFFF086;
	s6 =	sadd.s32 @!p0 s3, s7;
	s7 =	simm.s32 @!p0 $0x108  }
0x21: {  	s3 =	sadd.s32 s3, s9;
	s6 =	sadd.s32 @!p0 $0x88, s6;
	s7 =	simm.s32 @p2 $0x1082  }
0x22: {  	[simem:s7], [sflag:s8] =	dma.local @!p0 [hbm:s6], $0xF7A  }
0x23: {  	s9 =	sor.u32 $0xD0000000, s2;
	s6 =	simm.s32 $0x108;
	_ =	swait.ge @!p0 [sflag:s8], $0x0  }
0x24: {  	s3 =	sadd.s32 $0x88, s3;
	s6 =	simm.s32 @!p1 $0x1082;
	[sflag:s4] =	ssyncset.s32 $0xFFFFF086  }
0x25: {  	[simem:s6], [sflag:s4] =	dma.local [hbm:s3], $0xF7A  }
0x26: {  	[smem:$0x3F9E] =	sst s1;
	(tag) =	ssettag s2;
	_ =	strace s9  }
0x27: {  	s1 =	sld [smem:$0x3FAE]  }
0x28: {  	s2 =	sld [smem:$0x3FAF]  }
0x29: {  	s4 =	sld [smem:$0x3FB1]  }
0x2a: {  	p0 =	seq.s32 s5, $0x0;
	s5 =	sld [smem:$0x3FB2]  }
0x2b: {  	s6 =	sld [smem:$0x3FB3]  }
0x2c: {  	s7 =	sld [smem:$0x3FB4]  }
0x2d: {  	s3 =	simm.s32 $0x108;
	s8 =	sld [smem:$0x3FB5]  }
0x2e: {  	s3 =	simm.s32 @!p0 $0x1082;
	s9 =	sld [smem:$0x3FB6]  }
0x2f: {  	lr =	sadd.s32 s0, s3;
	s0 =	sld [smem:$0x3FAD]  }
0x30: {  	s3 =	sld [smem:$0x3FB0]  }
0x31: {  	[smem:$0x3FB9] =	sst s10  }
0x32: {  	s10 =	sld [smem:$0x3FB7];
	_ =	sdelay $0x3  }
0x33: {  	p0 =	seq.s32 s10, $0x1;
	s10 =	sld [smem:$0x3FB9];
	_ =	sdelay $0x3  }
0x34: {  	[smem:$0x3FB9] =	sst s10  }
0x35: {  	s10 =	sld [smem:$0x3FB8];
	_ =	sdelay $0x3  }
0x36: {  	p1 =	seq.s32 s10, $0x1;
	s10 =	sld [smem:$0x3FB9];
	_ =	sdelay $0x3  }
0x37: {  	[smem:$0x3FB9] =	sst s10  }
0x38: {  	s10 =	sld [smem:$0x3FBA]  }
0x39: {  	_ = 	snop;
	(pc) =	sbr.ind lr, $3  }
0x3a: {  	_ = 	snop  }
0x3b: {  	_ = 	snop  }
0x3c: {  	p2 =	seq.s32 s10, $0x1;
	s10 =	sld [smem:$0x3FB9]  }
0x3d: {  	_ =	shalt  }
0x3e: {  	_ =	shalt  }
0x3f: {  	_ =	shalt  }
0x40: {  	_ =	shalt  }
0x41: {  	_ =	shalt  }
0x42: {  	_ =	shalt  }
0x43: {  	_ =	shalt  }
0x44: {  	_ =	shalt  }
0x45: {  	_ =	shalt  }
0x46: {  	_ =	shalt  }
0x47: {  	_ =	shalt  }
0x48: {  	_ =	shalt  }
0x49: {  	_ =	shalt  }
0x4a: {  	_ =	shalt  }
0x4b: {  	_ =	shalt  }
0x4c: {  	_ =	shalt  }
0x4d: {  	_ =	shalt  }
0x4e: {  	_ =	shalt  }
0x4f: {  	_ =	shalt  }
0x50: {  	_ =	shalt  }
0x51: {  	_ =	shalt  }
0x52: {  	_ =	shalt  }
0x53: {  	_ =	shalt  }
0x54: {  	_ =	shalt  }
0x55: {  	_ =	shalt  }
0x56: {  	_ =	shalt  }
0x57: {  	_ =	shalt  }
0x58: {  	_ =	shalt  }
0x59: {  	_ =	shalt  }
0x5a: {  	_ =	shalt  }
0x5b: {  	_ =	shalt  }
0x5c: {  	_ =	shalt  }
0x5d: {  	_ =	shalt  }
0x5e: {  	_ =	shalt  }
0x5f: {  	_ =	shalt  }
0x60: {  	_ =	shalt  }
0x61: {  	_ =	shalt  }
0x62: {  	_ =	shalt  }
0x63: {  	_ =	shalt  }
0x64: {  	_ =	shalt  }
0x65: {  	_ =	shalt  }
0x66: {  	_ =	shalt  }
0x67: {  	_ =	shalt  }
0x68: {  	_ =	shalt  }
0x69: {  	_ =	shalt  }
0x6a: {  	_ =	shalt  }
0x6b: {  	_ =	shalt  }
0x6c: {  	_ =	shalt  }
0x6d: {  	_ =	shalt  }
0x6e: {  	_ =	shalt  }
0x6f: {  	_ =	shalt  }
0x70: {  	_ =	shalt  }
0x71: {  	_ =	shalt  }
0x72: {  	_ =	shalt  }
0x73: {  	_ =	shalt  }
0x74: {  	_ =	shalt  }
0x75: {  	_ =	shalt  }
0x76: {  	_ =	shalt  }
0x77: {  	_ =	shalt  }
0x78: {  	_ =	shalt  }
0x79: {  	_ =	shalt  }
0x7a: {  	_ =	shalt  }
0x7b: {  	_ =	shalt  }
0x7c: {  	_ =	shalt  }
0x7d: {  	_ =	shalt  }
0x7e: {  	_ =	shalt  }
0x7f: {  	_ =	shalt  }
0x80: {  	_ =	shalt  }
0x81: {  	_ =	shalt  }
0x82: {  	_ =	shalt  }
0x83: {  	_ =	shalt  }
0x84: {  	_ =	shalt  }
0x85: {  	_ =	shalt  }
0x86: {  	_ =	shalt  }
0x87: {  	_ =	shalt  }
.Lfunc_end0:
.L_simem_size_0:
called_computation_lowered:
.L_overlay_start_0:
0x88: {  	s2 =	sld [smem:$0x3FD9]  }
0x89: {  	s3 =	sld [smem:$0x3FFE];
	_ =	sdelay $0x1  }
0x8a: {  	s1 =	srdreg.scid  }
0x8b: {  	s0 =	sand.u32 $0x1, s1  }
0x8c: {  	s18 =	sshll.u32 s0, $0xA;
	s2 =	sadd.s32 s3, s2  }
0x8d: {  	s2 =	sadd.s32 s2, s18  }
0x8e: {  	[smem:$0x3FC5] =	sst s2  }
0x8f: {  	_ = 	snop  }
0x90: {  	s2 =	sld [smem:$0x3FC9]  }
0x91: {  	s19 =	sld [smem:$0x3FC8]  }
0x92: {  	s4 =	sld [smem:$0x3FC7]  }
0x93: {  	s5 =	sld [smem:$0x3FD0];
	(tm) =	ssettm $0x1  }
0x94: {  	s6 =	sld [smem:$0x3FFB];
	_ =	sdelay $0x3  }
0x95: {  	_ =	strace s6  }
0x96: {  	s6 =	sld [smem:$0x3FFC];
	_ =	sdelay $0x3  }
0x97: {  	_ =	strace s6  }
0x98: {  	s6 =	sld [smem:$0x3FFD];
	_ =	sdelay $0x3  }
0x99: {  	_ =	strace s6  }
0x9a: {  	_ =	strace $0x8FFFFFFF  }
0x9b: {  	s20 =	sld [smem:$0x3FDB];
	_ =	sdelay $0x1  }
0x9c: {  	s7 =	simm.s32 $_scs_section_size  }
0x9d: {  	s8 =	simm.s32 $_size__tile_overlayer_lowered;
	s9 =	simm.s32 $_tile_overlayer_lowered  }
0x9e: {  	s23 =	simm.s32 $0x1BFF;
	s22 =	sshll.u32 s9, $0x1;
	s6 =	sadd.s32 s7, s20  }
0x9f: {  	s10 =	simm.s32 $0x0;
	s21 =	sshll.u32 s8, $0x1;
	s8 =	sadd.s32 s22, s6  }
0xa0: {  	[timem:s10], [sflag:s23] =	dma.local [hbm:s8], s21  }
0xa1: {  	_ =	swait.ge [sflag:s23], s21  }
0xa2: {  	s7 =	ssub.s32 $0x0, s21;
	[sflag:s23] =	ssyncset.done $0x0  }
0xa3: {  	[sflag:s23] =	ssyncadd.s32 s7;
	_ =	sdelay $0x1  }
0xa4: {  	s24 =	simm.s32 $0x1B8B  }
0xa5: {  	_ =	swait.ge [sflag:s24], $0x1  }
0xa6: {  	[sflag:s24] =	ssyncset.done $0x0  }
0xa7: {  	s25 =	simm.s32 $0x1B8E;
	[sflag:s24] =	ssyncadd.s32 $0xFFFFFFFF  }
0xa8: {  	s26 =	simm.s32 $execute0_lowered;
	[smem:$0x3FD2] =	sst s25  }
0xa9: {  	s7 =	sshll.u32 s26, $0x1;
	_ =	strace $0x80000046;
	[dreg:$0x1] =	wrdreg $0xFFFFFFFF  }
0xaa: {  	s28 =	simm.s32 $_size_execute0_lowered;
	s6 =	sadd.s32 s6, s7;
	[dreg:$0x0] =	wrdreg $0x0  }
0xab: {  	s7 =	sshll.u32 s28, $0x1;
	[dreg:$0x2] =	wrdreg s6  }
0xac: {  	[dreg:$0x3] =	wrdreg s7  }
0xad: {  	[dreg:$0x4] =	wrdreg $0xC0  }
0xae: {  	_ =	task [dreg:s10], $0x5FFFF  }
0xaf: {  	[dreg:$0x1] =	wrdreg $0xFFFFFFFF  }
0xb0: {  	[dreg:$0x0] =	wrdreg $0x60  }
0xb1: {  	[dreg:$0x2] =	wrdreg s2  }
0xb2: {  	[dreg:$0x3] =	wrdreg s19  }
0xb3: {  	[dreg:$0x4] =	wrdreg s4  }
0xb4: {  	[dreg:$0x5] =	wrdreg s5  }
0xb5: {  	[dreg:$0x6] =	wrdreg $0x9  }
0xb6: {  	_ =	task.clear_ibuf [dreg:s10], $0x7FFFF;
	_ =	strace $0x90000046  }
0xb7: {  	s29 =	simm.s32 $0x9;
	_ =	strace $0x80000048  }
0xb8: {  	_ =	swait.ge [sflag:s29], $0x1  }
0xb9: {  	[sflag:s29] =	ssyncadd.s32 $0xFFFFFFFF  }
0xba: {  	_ =	strace $0x90000048  }
0xbb: {  	_ =	sfence  }
0xbc: {  	s30 =	sld [smem:$0x0];
	_ =	sdelay $0x2  }
0xbd: {  	s31 =	sshll.u32 s1, $0xD;
	s1 =	sshrl.u32 s1, $0x2  }
0xbe: {  	s3 =	sand.u32 $0x4000, s31;
	s1 =	sadd.s32 s1, s30  }
0xbf: {  	s0 =	sor.u32 s3, s0;
	s1 =	sshll.u32 s1, $0x11  }
0xc0: {  	s0 =	sor.u32 s1, s0  }
0xc1: {  	s0 =	sadd.s32 $0x8F2B, s0  }
0xc2: {  	[sflag:s0] =	ssyncadd.remote.s32 $0x1  }
0xc3: {  	_ =	sfence.sel $0xFFFF  }
0xc4: {  	[dreg:$0x0] =	wrdreg $0xFFFFFFFF;
	(pc) =	sbr.abs _section_cstart, $3  }
0xc5: {  	[dreg:$0x1] =	wrdreg $0xFFFFFFFF  }
0xc6: {  	_ =	task.clear_ibuf [dreg:s10], $0x2FFFF;
	_ =	strace $0x9FFFFFFF  }
0xc7: {  	(tm) =	ssettm $0x7FFFFFFF  }
tec
execute0_lowered:
.L_overlay_start_1:
0x0: {  	(tag) =	ssettag $0x1  }
0x1: {  	s0 =	rddreg [dreg:$0x0]  }
0x2: {  	s1 =	rddreg [dreg:$0x1]  }
0x3: {  	s2 =	srdreg.scid;
	s24 =	rddreg [dreg:$0x3]  }
0x4: {  	s4 =	stileid.u32;
	s22 =	simm.s32 $0x0;
	s29 =	simm.s32 $0x1  }
0x5: {  	s30 =	simm.s32 $0x2C00;
	s2 =	sand.u32 $0x1, s2;
	s4 =	sshll.u32 s4, $0x8  }
0x6: {  	[smem:$0x7FF] =	sst s22;
	s3 =	ssub.s32 $0x2, s2;
	s2 =	sshll.u32 s2, $0x7  }
0x7: {  	_ =	strace $0x80000047;
	s5 =	sshrl.u32 s3, $0x1;
	s2 =	sor.u32 s2, s4  }
0x8: {  	s25 =	ssub.s32 s3, s5;
	s3 =	sadd.s32 s0, s2;
	s15 =	sor.u32 $0x1000, s2  }
0x9: {  	s16 =	sor.u32 $0x2000, s2;
	s17 =	sor.u32 $0x3000, s2;
	s18 =	sor.u32 $0x4000, s2  }
0xa: {  	s19 =	sor.u32 $0x5000, s2;
	s20 =	sor.u32 $0x6000, s2;
	s21 =	sor.u32 $0x7000, s2  }
0xb: {  	s23 =	sor.u32 $0x8000, s2;
	s26 =	sor.u32 $0x9000, s2;
	s13 =	sadd.s32 s1, s2  }
0xc: {  	s14 =	sadd.s32 s24, s2;
	s1 =	simm.s32 $0x0;
	s4 =	sadd.s32 s0, s15  }
0xd: {  	s5 =	sadd.s32 s0, s16;
	s6 =	sadd.s32 s0, s17;
	s7 =	sadd.s32 s0, s18  }
0xe: {  	s8 =	sadd.s32 s0, s19;
	s9 =	sadd.s32 s0, s20;
	s10 =	sadd.s32 s0, s21  }
0xf: {  	s11 =	sadd.s32 s0, s23;
	s12 =	sadd.s32 s0, s26;
	s15 =	sadd.s32 s24, s15  }
0x10: {  	s16 =	sadd.s32 s24, s16;
	s17 =	sadd.s32 s24, s17;
	s18 =	sadd.s32 s24, s18  }
0x11: {  	v62 =	vimm.s32 $0x0;
	v63 =	vimm.s32 $0x1;
	v60 =	vimm.s32 $0x2;
	s19 =	sadd.s32 s24, s19;
	s20 =	sadd.s32 s24, s20;
	s21 =	sadd.s32 s24, s21  }
0x12: {  	v61 =	vimm.s32 $0x3;
	v58 =	vimm.s32 $0xE;
	v59 =	vimm.s32 $0xF;
	s23 =	sadd.s32 s24, s23;
	s24 =	sadd.s32 s24, s26;
	s25 =	smax.u32 s25, $0x1  }
.LBB2_1:
0x13: {  	[tilespmem:s22], [sflag:$0x1] =	stream.linear.gather [hbm4b:s3+s22], $0x400, $0x38;
	[tilespmem:$0x5500] =	vst v63  }
0x14: {  	s0 =	simm.s32 $0x400  }
0x15: {  	[tilespmem:s0], [sflag:$0x1] =	stream.linear.gather [hbm4b:s4+s22], $0x400, $0x38;
	[tilespmem:$0x5500] =	vst v63  }
0x16: {  	s2 =	simm.s32 $0x800  }
0x17: {  	[tilespmem:s2], [sflag:$0x1] =	stream.linear.gather [hbm4b:s5+s22], $0x400, $0x38;
	[tilespmem:$0x5500] =	vst v63  }
0x18: {  	s26 =	simm.s32 $0xC00  }
0x19: {  	[tilespmem:s26], [sflag:$0x1] =	stream.linear.gather [hbm4b:s6+s22], $0x400, $0x38;
	[tilespmem:$0x5500] =	vst v63  }
0x1a: {  	s2 =	simm.s32 $0x1000  }
0x1b: {  	[tilespmem:s2], [sflag:$0x1] =	stream.linear.gather [hbm4b:s7+s22], $0x400, $0x38;
	[tilespmem:$0x5500] =	vst v63  }
0x1c: {  	s26 =	simm.s32 $0x1400  }
0x1d: {  	[tilespmem:s26], [sflag:$0x1] =	stream.linear.gather [hbm4b:s8+s22], $0x400, $0x38;
	[tilespmem:$0x5500] =	vst v63  }
0x1e: {  	s2 =	simm.s32 $0x1800  }
0x1f: {  	[tilespmem:s2], [sflag:$0x1] =	stream.linear.gather [hbm4b:s9+s22], $0x400, $0x38;
	[tilespmem:$0x5500] =	vst v63  }
0x20: {  	s26 =	simm.s32 $0x1C00  }
0x21: {  	[tilespmem:s26], [sflag:$0x1] =	stream.linear.gather [hbm4b:s10+s22], $0x400, $0x38;
	[tilespmem:$0x5500] =	vst v63  }
0x22: {  	s2 =	simm.s32 $0x2000  }
0x23: {  	[tilespmem:s2], [sflag:$0x1] =	stream.linear.gather [hbm4b:s11+s22], $0x400, $0x38;
	[tilespmem:$0x5500] =	vst v63  }
0x24: {  	s26 =	simm.s32 $0x2400  }
0x25: {  	[tilespmem:s26], [sflag:$0x1] =	stream.linear.gather [hbm4b:s12+s22], $0x400, $0x38;
	[tilespmem:$0x5500] =	vst v63  }
0x26: {  	s26 =	simm.s32 $0x2800  }
0x27: {  	[tilespmem:s26], [sflag:$0x1] =	stream.linear.gather [hbm4b:s13+s22], $0x400, $0x38;
	[tilespmem:$0x5500] =	vst v63  }
0x28: {  	s0 =	rddreg [dreg:$0x2];
	s2 =	simm.s32 $0x5400  }
0x29: {  	[tilespmem:s2], [sflag:$0x1] =	stream.linear.gather [hbm4b:s0+s22], $0x100, $0x38;
	[tilespmem:$0x5500] =	vst v63  }
0x2a: {  	_ =	swait.ge [sflag:s29], $0x400  }
0x2b: {  	[sflag:s29] =	ssyncset.done $0x0  }
0x2c: {  	[sflag:s29] =	ssyncadd.s32 $0xFFFFFC00  }
0x2d: {  	_ =	swait.ge [sflag:s29], $0x400  }
0x2e: {  	[sflag:s29] =	ssyncset.done $0x0  }
0x2f: {  	[sflag:s29] =	ssyncadd.s32 $0xFFFFFC00  }
0x30: {  	_ =	swait.ge [sflag:s29], $0x400  }
0x31: {  	[sflag:s29] =	ssyncset.done $0x0  }
0x32: {  	[sflag:s29] =	ssyncadd.s32 $0xFFFFFC00  }
0x33: {  	_ =	swait.ge [sflag:s29], $0x400  }
0x34: {  	[sflag:s29] =	ssyncset.done $0x0  }
0x35: {  	[sflag:s29] =	ssyncadd.s32 $0xFFFFFC00  }
0x36: {  	_ =	swait.ge [sflag:s29], $0x400  }
0x37: {  	[sflag:s29] =	ssyncset.done $0x0  }
0x38: {  	[sflag:s29] =	ssyncadd.s32 $0xFFFFFC00  }
0x39: {  	_ =	swait.ge [sflag:s29], $0x400  }
0x3a: {  	[sflag:s29] =	ssyncset.done $0x0  }
0x3b: {  	[sflag:s29] =	ssyncadd.s32 $0xFFFFFC00  }
0x3c: {  	_ =	swait.ge [sflag:s29], $0x400  }
0x3d: {  	[sflag:s29] =	ssyncset.done $0x0  }
0x3e: {  	[sflag:s29] =	ssyncadd.s32 $0xFFFFFC00  }
0x3f: {  	_ =	swait.ge [sflag:s29], $0x400  }
0x40: {  	[sflag:s29] =	ssyncset.done $0x0  }
0x41: {  	[sflag:s29] =	ssyncadd.s32 $0xFFFFFC00  }
0x42: {  	_ =	swait.ge [sflag:s29], $0x400  }
0x43: {  	[sflag:s29] =	ssyncset.done $0x0  }
0x44: {  	[sflag:s29] =	ssyncadd.s32 $0xFFFFFC00  }
0x45: {  	_ =	swait.ge [sflag:s29], $0x400  }
0x46: {  	[sflag:s29] =	ssyncset.done $0x0  }
0x47: {  	[sflag:s29] =	ssyncadd.s32 $0xFFFFFC00  }
0x48: {  	_ =	swait.ge [sflag:s29], $0x400  }
0x49: {  	[sflag:s29] =	ssyncset.done $0x0  }
0x4a: {  	[sflag:s29] =	ssyncadd.s32 $0xFFFFFC00  }
0x4b: {  	_ =	swait.ge [sflag:s29], $0x100  }
0x4c: {  	[sflag:s29] =	ssyncset.done $0x0  }
0x4d: {  	[sflag:s29] =	ssyncadd.s32 $0xFFFFFF00  }
0x4e: {  	v29 =	vld [tilespmem:$0x5400];
	_ =	sdelay $0x3  }
0x4f: {  	v4 =	vimm.s32 $0x4;
	v8 =	vld [tilespmem:$0x5460]  }
0x50: {  	v5 =	vimm.s32 $0x5;
	v28 =	vld [tilespmem:$0x5470];
	v30 =	vperm.xlane v29, v62;
	v31 =	vperm.xlane v29, v63  }
0x51: {  	v6 =	vimm.s32 $0x6;
	v32 =	vperm.xlane v29, v60;
	v33 =	vperm.xlane v29, v61  }
0x52: {  	v7 =	vimm.s32 $0x7;
	s0 =	sand.u32 $0x3F0, s22;
	v9 =	vld [tilespmem:$0x54D0];
	v36 =	vperm.xlane v29, v4;
	v37 =	vperm.xlane v29, v5  }
0x53: {  	v1 =	vimm.s32 $0x8;
	v0 =	vld [tilespmem:s0+$0x2000];
	v38 =	vperm.xlane v29, v6;
	v39 =	vperm.xlane v29, v7  }
0x54: {  	v2 =	vld [tilespmem:s22+$0x0];
	v41 =	vperm.xlane v29, v1;
	v49 =	vperm.xlane v8, v58  }
0x55: {  	v3 =	vld [tilespmem:s0+$0x400];
	v42 =	vperm.xlane v8, v59;
	v44 =	vperm.xlane v28, v62  }
0x56: {  	v10 =	vld [tilespmem:s0+$0x800];
	v45 =	vperm.xlane v28, v63;
	v47 =	vperm.xlane v28, v60  }
0x57: {  	v11 =	vld [tilespmem:s0+$0xC00];
	v48 =	vperm.xlane v28, v61;
	v46 =	vperm.xlane v28, v4  }
0x58: {  	v14 =	vld [tilespmem:s0+$0x1000];
	v40 =	vperm.xlane v28, v5;
	v50 =	vperm.xlane v28, v6  }
0x59: {  	v26 =	vld [tilespmem:$0x5410];
	v1 =	vimm.s32 $0x9;
	v51 =	vperm.xlane v28, v7;
	v34 =	vperm.xlane v8, v4  }
0x5a: {  	v35 =	vperm.xlane v9, v60;
	v43 =	vperm.xlane v29, v1;
	v1 =	vld [tilespmem:s0+$0x2400];
	[tilespmem:$0x1FFE0] =	vst v8  }
0x5b: {  	v24 =	vld [tilespmem:$0x5420];
	[tilespmem:$0x1FFF0] =	vst v9;
	v18 =	vmul.f32 v0, v41;
	v0 =	vmul.f32 v0, v50  }
0x5c: {  	v15 =	vld [tilespmem:s0+$0x1400];
	v23 =	vmul.f32 v2, v30;
	v2 =	vmul.f32 v2, v49  }
0x5d: {  	v20 =	vld [tilespmem:s0+$0x1800];
	v25 =	vmul.f32 v3, v31;
	v27 =	vmul.f32 v10, v32  }
0x5e: {  	v21 =	vld [tilespmem:s0+$0x1C00];
	v52 =	vmul.f32 v11, v33;
	v3 =	vmul.f32 v3, v42  }
0x5f: {  	v22 =	vld [tilespmem:$0x5430];
	s0 =	simm.s32 $0x10;
	v10 =	vmul.f32 v10, v44;
	v11 =	vmul.f32 v11, v45  }
0x60: {  	v53 =	vmul.f32 v14, v36;
	v55 =	vld [tilespmem:s26+$0x0];
	v14 =	vmul.f32 v14, v47;
	s28 =	sand.u32 $0x3F0, s0;
	v2 =	vadd.f32 v3, v2  }
0x61: {  	v58 =	vld [tilespmem:s28+$0x2000];
	v3 =	vadd.f32 v11, v10;
	v19 =	vmul.f32 v1, v43;
	v1 =	vmul.f32 v1, v51  }
0x62: {  	v59 =	vld [tilespmem:s28+$0x2400];
	v54 =	vmul.f32 v15, v37;
	v56 =	vmul.f32 v20, v38  }
0x63: {  	v6 =	vld [tilespmem:s0+$0x0];
	v2 =	vadd.f32 v3, v2;
	v57 =	vmul.f32 v21, v39;
	v15 =	vmul.f32 v15, v48  }
0x64: {  	v7 =	vld [tilespmem:s28+$0x800];
	v21 =	vmul.f32 v21, v40;
	v18 =	vadd.f32 v19, v18;
	v0 =	vadd.f32 v1, v0  }
0x65: {  	v10 =	vld [tilespmem:s28+$0x1000];
	v19 =	vmul.f32 v20, v46;
	v20 =	vadd.f32 v25, v23;
	v23 =	vadd.f32 v52, v27  }
0x66: {  	vm0 =	veq.s32 v55, $0x0;
	v1 =	vld [tilespmem:s28+$0x400];
	v25 =	vadd.f32 v54, v53;
	v27 =	vadd.f32 v57, v56  }
0x67: {  	s26 =	simm.s32 $0x20;
	v53 =	vld [tilespmem:s28+$0xC00];
	v54 =	vmul.f32 v58, v41;
	v11 =	vmul.f32 v59, v43;
	v14 =	vadd.f32 v15, v14  }
0x68: {  	s0 =	sand.u32 $0x3F0, s26;
	v56 =	vmul.f32 v58, v50;
	v57 =	vld [tilespmem:s28+$0x1800];
	v58 =	vmul.f32 v59, v51;
	v15 =	vadd.f32 v21, v19  }
0x69: {  	v62 =	vld [tilespmem:s0+$0x2000];
	v59 =	vmul.f32 v6, v49;
	v20 =	vadd.f32 v23, v20;
	v23 =	vadd.f32 v27, v25  }
0x6a: {  	v5 =	vld [tilespmem:s0+$0x2400];
	v4 =	vmul.f32 v7, v44;
	v0 =	vadd.f32 v0, v35;
	v3 =	vadd.f32 v15, v14  }
0x6b: {  	v52 =	vld [tilespmem:s0+$0x400];
	v25 =	vadd.f32 v18, v34;
	v15 =	vmul.f32 v6, v30;
	v20 =	vadd.f32 v23, v20  }
0x6c: {  	v19 =	vld [tilespmem:s28+$0x1400];
	v23 =	vmul.f32 v7, v32;
	v2 =	vadd.f32 v3, v2;
	v3 =	vmul.f32 v1, v31  }
0x6d: {  	v21 =	vld [tilespmem:$0x5440];
	v6 =	vadd.f32 v58, v56;
	v60 =	vmul.f32 v53, v33;
	v61 =	vmul.f32 v57, v38  }
0x6e: {  	v11 =	vadd.f32 v11, v54;
	v14 =	vld [tilespmem:s28+$0x1C00];
	v1 =	vmul.f32 v1, v42;
	v56 =	vmul.f32 v53, v45  }
0x6f: {  	v18 =	vld [tilespmem:$0x5450];
	v57 =	vmul.f32 v57, v46;
	v6 =	vadd.f32 v6, v35;
	v63 =	vadd.f32 v25, v20  }
0x70: {  	v27 =	vld [tilespmem:$0x5480];
	v20 =	vmul.f32 v10, v36;
	v10 =	vmul.f32 v10, v47;
	v0 =	vadd.f32 v0, v2  }
0x71: {  	v54 =	vld [tilespmem:s0+$0x800];
	v2 =	vmul.f32 v19, v37;
	v3 =	vadd.f32 v3, v15;
	v23 =	vadd.f32 v60, v23  }
0x72: {  	s28 =	simm.s32 $0x2810;
	v58 =	vld [tilespmem:s0+$0x1000];
	v19 =	vmul.f32 v19, v48;
	v1 =	vadd.f32 v1, v59;
	v4 =	vadd.f32 v56, v4  }
0x73: {  	v7 =	vld [tilespmem:s28+$0x0];
	v55 =	vmul.f32 v14, v39;
	v14 =	vmul.f32 v14, v40;
	v2 =	vadd.f32 v2, v20  }
0x74: {  	v15 =	vld [tilespmem:s26+$0x0];
	v10 =	vadd.f32 v19, v10;
	v3 =	vadd.f32 v23, v3  }
0x75: {  	v53 =	vmul.f32 v62, v41;
	v56 =	vld [tilespmem:s0+$0xC00];
	v20 =	vadd.f32 v55, v61;
	v14 =	vadd.f32 v14, v57  }
0x76: {  	v60 =	vld [tilespmem:s0+$0x1400];
	v1 =	vadd.f32 v4, v1;
	v0 =	vsel vm0, v63, v0;
	v55 =	vmul.f32 v5, v43  }
0x77: {  	v63 =	vld [tilespmem:s0+$0x1800];
	v57 =	vmul.f32 v62, v50;
	v2 =	vadd.f32 v20, v2;
	v4 =	vadd.f32 v14, v10  }
0x78: {  	v61 =	vmul.f32 v5, v51;
	v5 =	vadd.f32 v11, v34;
	v11 =	vmul.f32 v52, v31;
	v10 =	vld [tilespmem:s0+$0x1C00]  }
0x79: {  	v25 =	vld [tilespmem:$0x5490];
	v62 =	vmul.f32 v15, v30;
	v2 =	vadd.f32 v2, v3;
	v3 =	vadd.f32 v4, v1  }
0x7a: {  	v23 =	vld [tilespmem:$0x54A0];
	v59 =	vmul.f32 v15, v49;
	v14 =	vmul.f32 v54, v32  }
0x7b: {  	v19 =	vld [tilespmem:$0x54C0];
	v15 =	vmul.f32 v56, v33;
	v1 =	vadd.f32 v5, v2;
	v3 =	vadd.f32 v6, v3  }
0x7c: {  	s31 =	simm.s32 $0x2820;
	s2 =	simm.s32 $0x30;
	s28 =	simm.s32 $0x2C00;
	vm0 =	veq.s32 v7, $0x0;
	v20 =	vld [tilespmem:$0x54B0];
	[tilespmem:s30+$0x0] =	vst v0;
	v0 =	vmul.f32 v58, v36;
	v2 =	vmul.f32 v60, v37  }
.LBB2_2:
0x7d: {  	s0 =	sand.u32 $0x3F0, s2;
	p0 =	sne.s32 s2, $0x3F0;
	v4 =	vld [tilespmem:s31+$0x0];
	v5 =	vmul.f32 v63, v38;
	v6 =	vmul.f32 v10, v39;
	v1 =	vsel vm0, v1, v3;
	s28 =	sadd.s32 $0x10, s28  }
0x7e: {  	v7 =	vmul.f32 v52, v42;
	v8 =	vmul.f32 v54, v44;
	v3 =	vld [tilespmem:s0+$0x2000];
	[tilespmem:s28+$0x0] =	vst v1  }
0x7f: {  	v9 =	vmul.f32 v56, v45;
	v12 =	vmul.f32 v58, v47;
	s26 =	sadd.s32 $0x10, s26;
	v1 =	vld [tilespmem:s0+$0x2400]  }
0x80: {  	v60 =	vmul.f32 v60, v48;
	v17 =	vadd.f32 v55, v53;
	v16 =	vadd.f32 v61, v57;
	v13 =	vld [tilespmem:s26+$0x0]  }
0x81: {  	v57 =	vmul.f32 v63, v46;
	v11 =	vadd.f32 v11, v62;
	v14 =	vadd.f32 v15, v14;
	v52 =	vld [tilespmem:s0+$0x400]  }
0x82: {  	v10 =	vmul.f32 v10, v40;
	v0 =	vadd.f32 v2, v0;
	v2 =	vadd.f32 v6, v5;
	v54 =	vld [tilespmem:s0+$0x800]  }
0x83: {  	v5 =	vadd.f32 v7, v59;
	v6 =	vadd.f32 v9, v8;
	v56 =	vld [tilespmem:s0+$0xC00];
	v53 =	vmul.f32 v3, v41  }
0x84: {  	v7 =	vadd.f32 v60, v12;
	v8 =	vadd.f32 v10, v57;
	v58 =	vld [tilespmem:s0+$0x1000];
	v55 =	vmul.f32 v1, v43  }
0x85: {  	v0 =	vadd.f32 v2, v0;
	v57 =	vmul.f32 v3, v50;
	v3 =	vadd.f32 v14, v11;
	v60 =	vld [tilespmem:s0+$0x1400]  }
0x86: {  	v2 =	vadd.f32 v8, v7;
	v61 =	vmul.f32 v1, v51;
	v1 =	vadd.f32 v6, v5;
	v63 =	vld [tilespmem:s0+$0x1800]  }
.Ltmp0:
0x87: {  	v5 =	vadd.f32 v17, v34;
	v6 =	vadd.f32 v16, v35;
	v62 =	vmul.f32 v13, v30;
	v10 =	vld [tilespmem:s0+$0x1C00];
	(pc) =	sbr.rel @p0 .LBB2_2-.Ltmp0, $4  }
0x88: {  	v59 =	vmul.f32 v13, v49;
	v0 =	vadd.f32 v0, v3;
	v2 =	vadd.f32 v2, v1  }
0x89: {  	v11 =	vmul.f32 v52, v31;
	v14 =	vmul.f32 v54, v32  }
0x8a: {  	v1 =	vadd.f32 v5, v0;
	v15 =	vmul.f32 v56, v33;
	v3 =	vadd.f32 v6, v2  }
0x8b: {  	s2 =	sadd.s32 $0x10, s2;
	s31 =	sadd.s32 $0x10, s31;
	vm0 =	veq.s32 v4, $0x0;
	v0 =	vmul.f32 v58, v36;
	v2 =	vmul.f32 v60, v37  }
0x8c: {  	v4 =	vmul.f32 v63, v38;
	v5 =	vmul.f32 v10, v39  }
0x8d: {  	v6 =	vmul.f32 v52, v42;
	v7 =	vmul.f32 v54, v44  }
0x8e: {  	v8 =	vmul.f32 v56, v45;
	v9 =	vmul.f32 v58, v47  }
0x8f: {  	v12 =	vmul.f32 v60, v48;
	v13 =	vadd.f32 v55, v53;
	v16 =	vadd.f32 v61, v57  }
0x90: {  	v17 =	vmul.f32 v63, v46;
	v11 =	vadd.f32 v11, v62;
	v14 =	vadd.f32 v15, v14  }
0x91: {  	v10 =	vmul.f32 v10, v40;
	v0 =	vadd.f32 v2, v0;
	v2 =	vadd.f32 v5, v4  }
0x92: {  	v4 =	vadd.f32 v6, v59;
	v5 =	vadd.f32 v8, v7  }
0x93: {  	v51 =	vadd.f32 v12, v9;
	v52 =	vadd.f32 v10, v17  }
0x94: {  	v8 =	vadd.f32 v14, v11;
	v0 =	vadd.f32 v2, v0  }
0x95: {  	v1 =	vsel vm0, v1, v3;
	v2 =	vld [tilespmem:s31+$0x0];
	v4 =	vadd.f32 v5, v4;
	v5 =	vadd.f32 v52, v51  }
0x96: {  	v55 =	vimm.s32 $0x1;
	v53 =	vadd.f32 v13, v34;
	v54 =	vadd.f32 v16, v35  }
0x97: {  	s0 =	sadd.s32 $0x10, s28;
	v56 =	vimm.s32 $0x3;
	v0 =	vadd.f32 v0, v8;
	v4 =	vadd.f32 v5, v4  }
0x98: {  	[tilespmem:s0+$0x0] =	vst v1;
	v37 =	vperm.xlane v26, v55;
	v40 =	vperm.xlane v26, v56;
	v1 =	vimm.s32 $0x8  }
0x99: {  	v49 =	vperm.xlane v27, v55;
	v0 =	vadd.f32 v53, v0;
	v3 =	vadd.f32 v54, v4  }
0x9a: {  	v9 =	vimm.s32 $0xA;
	v10 =	vimm.s32 $0xB;
	vm0 =	veq.s32 v2, $0x0  }
0x9b: {  	s2 =	simm.s32 $0x0;
	s0 =	sadd.s32 $0x10, s0;
	v11 =	vimm.s32 $0xC;
	v43 =	vperm.xlane v28, v1;
	v0 =	vsel vm0, v0, v3  }
0x9c: {  	v30 =	vperm.xlane v29, v9;
	v31 =	vperm.xlane v29, v10;
	[tilespmem:s0+$0x0] =	vst v0;
	s0 =	sand.u32 $0x3F0, s2;
	v0 =	vimm.s32 $0x2  }
0x9d: {  	v12 =	vimm.s32 $0xD;
	v32 =	vperm.xlane v29, v11;
	v38 =	vperm.xlane v26, v0;
	v0 =	vld [tilespmem:s0+$0x2000]  }
0x9e: {  	v33 =	vperm.xlane v29, v12;
	v41 =	vperm.xlane v28, v9;
	v8 =	vimm.s32 $0xF;
	v1 =	vld [tilespmem:s0+$0x2400]  }
0x9f: {  	s26 =	simm.s32 $0x400;
	v35 =	vperm.xlane v29, v8;
	v39 =	vperm.xlane v28, v8;
	v2 =	vimm.s32 $0x9;
	v8 =	vld [tilespmem:$0x1FFE0]  }
0xa0: {  	v44 =	vperm.xlane v28, v10;
	v47 =	vperm.xlane v28, v2;
	v2 =	vld [tilespmem:s26+$0xFFFFFC00]  }
0xa1: {  	v45 =	vperm.xlane v28, v11;
	v46 =	vperm.xlane v28, v12;
	v4 =	vimm.s32 $0xE;
	v3 =	vld [tilespmem:s26+$0x0]  }
0xa2: {  	v5 =	vimm.s32 $0x0;
	v34 =	vperm.xlane v29, v4;
	v42 =	vperm.xlane v28, v4;
	v4 =	vld [tilespmem:s0+$0x800]  }
0xa3: {  	v57 =	vimm.s32 $0x5;
	v36 =	vperm.xlane v26, v5;
	v48 =	vperm.xlane v27, v5;
	v5 =	vld [tilespmem:s0+$0xC00]  }
0xa4: {  	v10 =	vld [tilespmem:s0+$0x1800];
	v28 =	vperm.xlane v8, v57;
	v59 =	vmul.f32 v0, v38  }
0xa5: {  	v12 =	vld [tilespmem:s0+$0x1C00];
	v9 =	vmul.f32 v1, v40;
	v0 =	vmul.f32 v0, v48  }
0xa6: {  	v8 =	vld [tilespmem:$0x1FFF0];
	v1 =	vmul.f32 v1, v49;
	v11 =	vmul.f32 v2, v30  }
0xa7: {  	v13 =	vmul.f32 v3, v31;
	v2 =	vmul.f32 v2, v43  }
0xa8: {  	v3 =	vmul.f32 v3, v47;
	v14 =	vmul.f32 v4, v32  }
0xa9: {  	v58 =	vld [tilespmem:s0+$0x1000];
	s26 =	simm.s32 $0x2800;
	v15 =	vmul.f32 v5, v33;
	v50 =	vmul.f32 v10, v36  }
0xaa: {  	v62 =	vld [tilespmem:s26+$0x0];
	v60 =	vmul.f32 v12, v37;
	v4 =	vmul.f32 v4, v41  }
0xab: {  	s26 =	simm.s32 $0x410;
	v5 =	vmul.f32 v5, v44;
	v29 =	vperm.xlane v8, v56;
	v8 =	vld [tilespmem:s0+$0x1400]  }
0xac: {  	s2 =	simm.s32 $0x10;
	v7 =	vadd.f32 v9, v59;
	v9 =	vmul.f32 v10, v42;
	v2 =	vadd.f32 v3, v2;
	v3 =	vld [tilespmem:s26+$0x0]  }
0xad: {  	v10 =	vadd.f32 v13, v11;
	v11 =	vmul.f32 v12, v39;
	v12 =	vadd.f32 v15, v14;
	s0 =	sand.u32 $0x3F0, s2  }
0xae: {  	v16 =	vmul.f32 v58, v34;
	v6 =	vmul.f32 v58, v45;
	v4 =	vadd.f32 v5, v4;
	v51 =	vld [tilespmem:s0+$0x2000]  }
0xaf: {  	vm0 =	veq.s32 v62, $0x0;
	v0 =	vadd.f32 v1, v0;
	v10 =	vadd.f32 v12, v10;
	v61 =	vld [tilespmem:s0+$0x2400]  }
0xb0: {  	v1 =	vld [tilespmem:s26+$0xFFFFFC00];
	v2 =	vadd.f32 v4, v2;
	v7 =	vadd.f32 v7, v28;
	v17 =	vmul.f32 v8, v35  }
0xb1: {  	v14 =	vld [tilespmem:s0+$0x800];
	v0 =	vadd.f32 v0, v29;
	v57 =	vmul.f32 v3, v31;
	v8 =	vmul.f32 v8, v46  }
0xb2: {  	v56 =	vld [tilespmem:s0+$0x1C00];
	v3 =	vmul.f32 v3, v47;
	v13 =	vadd.f32 v17, v16;
	v16 =	vadd.f32 v60, v50  }
0xb3: {  	v5 =	vld [tilespmem:s0+$0xC00];
	v15 =	vmul.f32 v51, v38;
	v6 =	vadd.f32 v8, v6;
	v8 =	vadd.f32 v11, v9  }
0xb4: {  	v17 =	vmul.f32 v61, v40;
	v9 =	vld [tilespmem:s0+$0x1000];
	v11 =	vmul.f32 v51, v48;
	v12 =	vadd.f32 v16, v13  }
0xb5: {  	v13 =	vld [tilespmem:s0+$0x1400];
	v16 =	vmul.f32 v61, v49;
	v4 =	vadd.f32 v8, v6;
	v8 =	vmul.f32 v1, v30  }
0xb6: {  	s26 =	simm.s32 $0x20;
	v6 =	vld [tilespmem:s0+$0x1800];
	v1 =	vmul.f32 v1, v43;
	v15 =	vadd.f32 v17, v15;
	v10 =	vadd.f32 v12, v10  }
0xb7: {  	s0 =	sand.u32 $0x3F0, s26;
	v17 =	vmul.f32 v56, v37;
	v61 =	vmul.f32 v56, v39;
	v2 =	vadd.f32 v4, v2  }
0xb8: {  	v59 =	vld [tilespmem:s0+$0x2000];
	v4 =	vmul.f32 v14, v32;
	v14 =	vmul.f32 v14, v41;
	v7 =	vadd.f32 v7, v10  }
0xb9: {  	s26 =	simm.s32 $0x2810;
	v0 =	vadd.f32 v0, v2;
	v2 =	vmul.f32 v5, v33;
	v10 =	vmul.f32 v9, v34  }
0xba: {  	v62 =	vld [tilespmem:s26+$0x0];
	v11 =	vadd.f32 v16, v11;
	v5 =	vmul.f32 v5, v44;
	v9 =	vmul.f32 v9, v45  }
0xbb: {  	v52 =	vld [tilespmem:s0+$0x800];
	v8 =	vadd.f32 v57, v8;
	v12 =	vmul.f32 v13, v35;
	v58 =	vmul.f32 v6, v36  }
0xbc: {  	v16 =	vld [tilespmem:s0+$0x2400];
	v1 =	vadd.f32 v3, v1;
	v13 =	vmul.f32 v13, v46;
	v6 =	vmul.f32 v6, v42  }
0xbd: {  	s31 =	simm.s32 $0x420;
	v54 =	vld [tilespmem:s0+$0xC00];
	v2 =	vadd.f32 v2, v4;
	v50 =	vmul.f32 v59, v38;
	v5 =	vadd.f32 v5, v14  }
0xbe: {  	v3 =	vld [tilespmem:s31+$0xFFFFFC00];
	v53 =	vmul.f32 v59, v48;
	v4 =	vadd.f32 v12, v10;
	v10 =	vadd.f32 v17, v58  }
0xbf: {  	v57 =	vld [tilespmem:s0+$0x1000];
	v0 =	vsel vm0, v7, v0;
	v9 =	vadd.f32 v13, v9;
	v6 =	vadd.f32 v61, v6  }
0xc0: {  	v14 =	vmul.f32 v52, v32;
	v12 =	vld [tilespmem:s31+$0x0];
	v2 =	vadd.f32 v2, v8;
	v1 =	vadd.f32 v5, v1  }
0xc1: {  	v59 =	vld [tilespmem:s0+$0x1800];
	v51 =	vmul.f32 v16, v40;
	v4 =	vadd.f32 v10, v4;
	v5 =	vadd.f32 v6, v9  }
0xc2: {  	v55 =	vmul.f32 v16, v49;
	v58 =	vld [tilespmem:s0+$0x1400];
	v8 =	vadd.f32 v11, v29;
	v6 =	vadd.f32 v15, v28  }
0xc3: {  	s28 =	simm.s32 $0x3000;
	v60 =	vld [tilespmem:s0+$0x1C00];
	v56 =	vmul.f32 v3, v30;
	v2 =	vadd.f32 v4, v2;
	v1 =	vadd.f32 v5, v1  }
0xc4: {  	v63 =	vimm.s32 $0x3;
	[tilespmem:s28+$0x0] =	vst v0;
	v0 =	vmul.f32 v54, v33;
	v11 =	vmul.f32 v3, v43  }
0xc5: {  	v10 =	vmul.f32 v12, v31;
	v2 =	vadd.f32 v6, v2;
	v3 =	vadd.f32 v8, v1  }
0xc6: {  	s2 =	simm.s32 $0x30;
	vm0 =	veq.s32 v62, $0x0;
	v61 =	vmul.f32 v12, v47;
	v1 =	vmul.f32 v57, v34  }
.LBB2_4:
0xc7: {  	s0 =	sand.u32 $0x3F0, s2;
	p0 =	sne.s32 s2, $0x3F0;
	v4 =	vmul.f32 v58, v35;
	v5 =	vmul.f32 v59, v36;
	v2 =	vsel vm0, v2, v3;
	s28 =	sadd.s32 $0x10, s28  }
0xc8: {  	v7 =	vmul.f32 v52, v41;
	v3 =	vld [tilespmem:s0+$0x2000];
	v6 =	vmul.f32 v60, v37;
	[tilespmem:s28+$0x0] =	vst v2  }
0xc9: {  	v8 =	vmul.f32 v54, v44;
	v9 =	vmul.f32 v57, v45;
	s26 =	sadd.s32 $0x10, s26;
	v2 =	vld [tilespmem:s0+$0x2400]  }
0xca: {  	v13 =	vmul.f32 v58, v46;
	v15 =	vadd.f32 v51, v50;
	v16 =	vadd.f32 v55, v53;
	s31 =	sadd.s32 $0x10, s31;
	v12 =	vld [tilespmem:s26+$0x0]  }
0xcb: {  	v53 =	vmul.f32 v59, v42;
	v10 =	vadd.f32 v10, v56;
	v11 =	vadd.f32 v61, v11;
	v17 =	vld [tilespmem:s31+$0xFFFFFC00]  }
0xcc: {  	v55 =	vmul.f32 v60, v39;
	v0 =	vadd.f32 v0, v14;
	v1 =	vadd.f32 v4, v1;
	v61 =	vld [tilespmem:s31+$0x0]  }
0xcd: {  	v4 =	vadd.f32 v6, v5;
	v5 =	vadd.f32 v8, v7;
	v52 =	vld [tilespmem:s0+$0x800];
	v50 =	vmul.f32 v3, v38  }
0xce: {  	v6 =	vadd.f32 v13, v9;
	v7 =	vadd.f32 v55, v53;
	v54 =	vld [tilespmem:s0+$0xC00];
	v51 =	vmul.f32 v2, v40  }
0xcf: {  	v0 =	vadd.f32 v0, v10;
	v1 =	vadd.f32 v4, v1;
	v53 =	vmul.f32 v3, v48;
	v57 =	vld [tilespmem:s0+$0x1000]  }
0xd0: {  	v3 =	vadd.f32 v7, v6;
	v55 =	vmul.f32 v2, v49;
	v2 =	vadd.f32 v5, v11;
	v58 =	vld [tilespmem:s0+$0x1400]  }
.Ltmp1:
0xd1: {  	v4 =	vadd.f32 v15, v28;
	v5 =	vadd.f32 v16, v29;
	v56 =	vmul.f32 v17, v30;
	v59 =	vld [tilespmem:s0+$0x1800];
	(pc) =	sbr.rel @p0 .LBB2_4-.Ltmp1, $4  }
0xd2: {  	v0 =	vadd.f32 v1, v0;
	v1 =	vadd.f32 v3, v2;
	v10 =	vmul.f32 v61, v31;
	v60 =	vld [tilespmem:s0+$0x1C00]  }
0xd3: {  	v11 =	vmul.f32 v17, v43;
	v61 =	vmul.f32 v61, v47  }
0xd4: {  	v2 =	vadd.f32 v4, v0;
	v14 =	vmul.f32 v52, v32;
	v3 =	vadd.f32 v5, v1  }
0xd5: {  	s2 =	sadd.s32 $0x10, s2;
	vm0 =	veq.s32 v12, $0x0;
	v0 =	vmul.f32 v54, v33;
	v1 =	vmul.f32 v57, v34  }
0xd6: {  	v4 =	vmul.f32 v58, v35;
	v5 =	vmul.f32 v59, v36  }
0xd7: {  	v7 =	vmul.f32 v52, v41;
	v8 =	vmul.f32 v54, v44  }
0xd8: {  	v9 =	vmul.f32 v57, v45;
	v12 =	vmul.f32 v58, v46  }
0xd9: {  	v13 =	vadd.f32 v51, v50;
	v15 =	vadd.f32 v55, v53;
	v16 =	vmul.f32 v59, v42  }
0xda: {  	v10 =	vadd.f32 v10, v56;
	v11 =	vadd.f32 v61, v11;
	v6 =	vmul.f32 v60, v37  }
0xdb: {  	v17 =	vmul.f32 v60, v39;
	v0 =	vadd.f32 v0, v14;
	v1 =	vadd.f32 v4, v1  }
0xdc: {  	v53 =	vadd.f32 v12, v9;
	v4 =	vadd.f32 v6, v5  }
0xdd: {  	v5 =	vadd.f32 v8, v7;
	v54 =	vadd.f32 v17, v16  }
0xde: {  	s0 =	sadd.s32 $0x10, s26;
	v0 =	vadd.f32 v0, v10;
	v1 =	vadd.f32 v4, v1  }
0xdf: {  	v4 =	vld [tilespmem:s0+$0x0];
	v5 =	vadd.f32 v5, v11;
	v6 =	vadd.f32 v54, v53  }
0xe0: {  	v55 =	vadd.f32 v13, v28;
	v8 =	vadd.f32 v15, v29  }
0xe1: {  	v0 =	vadd.f32 v1, v0;
	v1 =	vadd.f32 v6, v5  }
0xe2: {  	v2 =	vsel vm0, v2, v3;
	v56 =	vimm.s32 $0x4;
	v3 =	vimm.s32 $0x5  }
0xe3: {  	v57 =	vimm.s32 $0x6;
	v0 =	vadd.f32 v55, v0;
	v1 =	vadd.f32 v8, v1  }
0xe4: {  	s2 =	sadd.s32 $0x10, s28;
	v30 =	vperm.xlane v26, v57;
	v39 =	vperm.xlane v27, v63;
	vm0 =	veq.s32 v4, $0x0  }
0xe5: {  	[tilespmem:s2+$0x0] =	vst v2;
	v47 =	vperm.xlane v27, v56;
	v44 =	vperm.xlane v27, v3;
	s0 =	sadd.s32 $0x10, s2;
	s2 =	simm.s32 $0x0;
	v0 =	vsel vm0, v0, v1  }
0xe6: {  	v45 =	vperm.xlane v27, v57;
	v1 =	vimm.s32 $0xD;
	[tilespmem:s0+$0x0] =	vst v0;
	s0 =	sand.u32 $0x3F0, s2;
	v0 =	vimm.s32 $0xC  }
0xe7: {  	v41 =	vperm.xlane v26, v1;
	v1 =	vimm.s32 $0x2;
	v38 =	vperm.xlane v26, v0;
	v0 =	vld [tilespmem:s0+$0x2000]  }
0xe8: {  	v28 =	vperm.xlane v26, v56;
	v8 =	vimm.s32 $0x9;
	v43 =	vperm.xlane v27, v1;
	v1 =	vld [tilespmem:s0+$0x2400]  }
0xe9: {  	s26 =	simm.s32 $0x800;
	v9 =	vimm.s32 $0xA;
	v35 =	vperm.xlane v26, v8;
	v40 =	vperm.xlane v27, v8;
	v8 =	vld [tilespmem:$0x1FFE0]  }
0xea: {  	v29 =	vperm.xlane v26, v3;
	v36 =	vperm.xlane v26, v9;
	v10 =	vimm.s32 $0xB;
	v2 =	vld [tilespmem:s26+$0xFFFFF800]  }
0xeb: {  	v48 =	vperm.xlane v27, v9;
	v37 =	vperm.xlane v26, v10;
	v4 =	vimm.s32 $0x7;
	v3 =	vld [tilespmem:s26+$0x0]  }
0xec: {  	v5 =	vimm.s32 $0x8;
	v31 =	vperm.xlane v26, v4;
	v46 =	vperm.xlane v27, v4;
	v4 =	vld [tilespmem:s0+$0x400]  }
0xed: {  	v33 =	vperm.xlane v26, v5;
	v42 =	vperm.xlane v27, v5;
	v5 =	vld [tilespmem:s0+$0xC00]  }
0xee: {  	v49 =	vperm.xlane v27, v10;
	v58 =	vld [tilespmem:s0+$0x1000];
	v32 =	vperm.xlane v8, v57  }
0xef: {  	v10 =	vld [tilespmem:s0+$0x1800];
	v7 =	vmul.f32 v0, v38;
	v9 =	vmul.f32 v1, v41  }
0xf0: {  	v0 =	vmul.f32 v0, v48;
	v1 =	vmul.f32 v1, v49  }
0xf1: {  	v8 =	vld [tilespmem:$0x1FFF0];
	v11 =	vmul.f32 v2, v28;
	v13 =	vmul.f32 v3, v30  }
0xf2: {  	v2 =	vmul.f32 v2, v43;
	v3 =	vmul.f32 v3, v47  }
0xf3: {  	v12 =	vld [tilespmem:s0+$0x1C00];
	v59 =	vmul.f32 v4, v29;
	v60 =	vmul.f32 v5, v31  }
0xf4: {  	s26 =	simm.s32 $0x2800;
	v16 =	vmul.f32 v58, v33;
	v61 =	vmul.f32 v10, v36  }
0xf5: {  	v4 =	vmul.f32 v4, v39;
	v6 =	vmul.f32 v58, v45;
	v58 =	vld [tilespmem:s26+$0x0]  }
0xf6: {  	s2 =	simm.s32 $0x10;
	v5 =	vmul.f32 v5, v44;
	s26 =	simm.s32 $0x810;
	v34 =	vperm.xlane v8, v56;
	v8 =	vld [tilespmem:s0+$0x1400]  }
0xf7: {  	v7 =	vadd.f32 v9, v7;
	v9 =	vmul.f32 v10, v42;
	v10 =	vadd.f32 v59, v11;
	v59 =	vld [tilespmem:s26+$0x0];
	s0 =	sand.u32 $0x3F0, s2  }
0xf8: {  	v63 =	vmul.f32 v12, v37;
	v0 =	vadd.f32 v1, v0;
	v11 =	vadd.f32 v60, v13;
	v57 =	vld [tilespmem:s0+$0x2400]  }
0xf9: {  	v2 =	vadd.f32 v4, v2;
	v3 =	vadd.f32 v5, v3;
	v14 =	vld [tilespmem:s0+$0x1400]  }
0xfa: {  	v12 =	vmul.f32 v12, v40;
	v61 =	vadd.f32 v63, v61;
	v10 =	vadd.f32 v11, v10;
	v62 =	vld [tilespmem:s0+$0x2000]  }
0xfb: {  	v1 =	vld [tilespmem:s26+$0xFFFFF800];
	v2 =	vadd.f32 v3, v2;
	v7 =	vadd.f32 v7, v32;
	v17 =	vmul.f32 v8, v35  }
0xfc: {  	vm0 =	veq.s32 v58, $0x0;
	v50 =	vld [tilespmem:s0+$0x1C00];
	v56 =	vmul.f32 v59, v30;
	v8 =	vmul.f32 v8, v46  }
0xfd: {  	v5 =	vmul.f32 v57, v41;
	v63 =	vmul.f32 v57, v49;
	v60 =	vadd.f32 v17, v16  }
0xfe: {  	v57 =	vmul.f32 v14, v35;
	v16 =	vld [tilespmem:s0+$0x400];
	v6 =	vadd.f32 v8, v6;
	v8 =	vadd.f32 v12, v9  }
0xff: {  	v4 =	vld [tilespmem:s0+$0xC00];
	v0 =	vadd.f32 v0, v34;
	v17 =	vmul.f32 v62, v38;
	v62 =	vmul.f32 v62, v48  }
0x100: {  	v9 =	vld [tilespmem:s0+$0x1000];
	v11 =	vadd.f32 v61, v60;
	v3 =	vadd.f32 v8, v6;
	v8 =	vmul.f32 v1, v28  }
0x101: {  	v6 =	vld [tilespmem:s0+$0x1800];
	v1 =	vmul.f32 v1, v43;
	v5 =	vadd.f32 v5, v17;
	v17 =	vmul.f32 v50, v37  }
0x102: {  	s26 =	simm.s32 $0x20;
	v12 =	vadd.f32 v63, v62;
	v61 =	vmul.f32 v50, v40;
	v2 =	vadd.f32 v3, v2  }
0x103: {  	s0 =	sand.u32 $0x3F0, s26;
	v10 =	vadd.f32 v11, v10;
	v3 =	vmul.f32 v59, v47;
	v11 =	vmul.f32 v16, v29  }
0x104: {  	s26 =	simm.s32 $0x2810;
	v15 =	vld [tilespmem:s0+$0x2400];
	v16 =	vmul.f32 v16, v39;
	v0 =	vadd.f32 v0, v2;
	v2 =	vmul.f32 v4, v31  }
0x105: {  	v63 =	vld [tilespmem:s26+$0x0];
	v7 =	vadd.f32 v7, v10;
	v10 =	vmul.f32 v9, v33;
	v4 =	vmul.f32 v4, v44  }
0x106: {  	v52 =	vld [tilespmem:s0+$0x400];
	v9 =	vmul.f32 v9, v45;
	v58 =	vmul.f32 v6, v36;
	v8 =	vadd.f32 v11, v8  }
0x107: {  	v59 =	vld [tilespmem:s0+$0x2000];
	v11 =	vmul.f32 v14, v46;
	v1 =	vadd.f32 v16, v1;
	v2 =	vadd.f32 v2, v56  }
0x108: {  	s31 =	simm.s32 $0x820;
	v54 =	vld [tilespmem:s0+$0xC00];
	v6 =	vmul.f32 v6, v42;
	v10 =	vadd.f32 v57, v10;
	v3 =	vadd.f32 v4, v3  }
0x109: {  	v14 =	vld [tilespmem:s31+$0xFFFFF800];
	v51 =	vmul.f32 v15, v41;
	v55 =	vmul.f32 v15, v49;
	v62 =	vadd.f32 v17, v58  }
0x10a: {  	v57 =	vld [tilespmem:s0+$0x1000];
	v15 =	vsel vm0, v7, v0;
	v4 =	vadd.f32 v11, v9;
	v6 =	vadd.f32 v61, v6  }
0x10b: {  	v0 =	vmul.f32 v52, v29;
	v17 =	vld [tilespmem:s31+$0x0];
	v2 =	vadd.f32 v2, v8;
	v1 =	vadd.f32 v3, v1  }
0x10c: {  	v50 =	vmul.f32 v59, v38;
	v61 =	vld [tilespmem:s0+$0x1800];
	v8 =	vadd.f32 v62, v10;
	v3 =	vadd.f32 v6, v4  }
0x10d: {  	v53 =	vmul.f32 v59, v48;
	v4 =	vadd.f32 v5, v32;
	v5 =	vadd.f32 v12, v34;
	v10 =	vld [tilespmem:s0+$0x1400]  }
0x10e: {  	v11 =	vmul.f32 v54, v31;
	v62 =	vld [tilespmem:s0+$0x1C00];
	v2 =	vadd.f32 v8, v2;
	v1 =	vadd.f32 v3, v1  }
0x10f: {  	v56 =	vmul.f32 v14, v28;
	v58 =	vmul.f32 v14, v43  }
0x110: {  	s28 =	simm.s32 $0x3400;
	v60 =	vmul.f32 v17, v30;
	v2 =	vadd.f32 v4, v2;
	v3 =	vadd.f32 v5, v1  }
0x111: {  	s2 =	simm.s32 $0x30;
	vm0 =	veq.s32 v63, $0x0;
	[tilespmem:s28+$0x0] =	vst v15;
	v59 =	vmul.f32 v17, v47;
	v1 =	vmul.f32 v57, v33  }
.LBB2_6:
0x112: {  	s0 =	sand.u32 $0x3F0, s2;
	p0 =	sne.s32 s2, $0x3F0;
	v4 =	vmul.f32 v10, v35;
	v5 =	vmul.f32 v61, v36;
	v2 =	vsel vm0, v2, v3;
	s28 =	sadd.s32 $0x10, s28  }
0x113: {  	v7 =	vmul.f32 v52, v39;
	v3 =	vld [tilespmem:s0+$0x2000];
	v6 =	vmul.f32 v62, v37;
	[tilespmem:s28+$0x0] =	vst v2  }
0x114: {  	v8 =	vmul.f32 v54, v44;
	v9 =	vmul.f32 v57, v45;
	s26 =	sadd.s32 $0x10, s26;
	v2 =	vld [tilespmem:s0+$0x2400]  }
0x115: {  	v10 =	vmul.f32 v10, v46;
	v13 =	vadd.f32 v51, v50;
	v14 =	vadd.f32 v55, v53;
	s31 =	sadd.s32 $0x10, s31;
	v12 =	vld [tilespmem:s26+$0x0]  }
0x116: {  	v16 =	vmul.f32 v61, v42;
	v0 =	vadd.f32 v0, v56;
	v11 =	vadd.f32 v11, v60;
	v15 =	vld [tilespmem:s31+$0xFFFFF800]  }
0x117: {  	v53 =	vmul.f32 v62, v40;
	v1 =	vadd.f32 v4, v1;
	v4 =	vadd.f32 v6, v5;
	v17 =	vld [tilespmem:s31+$0x0]  }
0x118: {  	v5 =	vadd.f32 v7, v58;
	v6 =	vadd.f32 v8, v59;
	v52 =	vld [tilespmem:s0+$0x400];
	v50 =	vmul.f32 v3, v38  }
0x119: {  	v7 =	vadd.f32 v10, v9;
	v8 =	vadd.f32 v53, v16;
	v54 =	vld [tilespmem:s0+$0xC00];
	v51 =	vmul.f32 v2, v41  }
0x11a: {  	v0 =	vadd.f32 v11, v0;
	v1 =	vadd.f32 v4, v1;
	v53 =	vmul.f32 v3, v48;
	v57 =	vld [tilespmem:s0+$0x1000]  }
0x11b: {  	v3 =	vadd.f32 v8, v7;
	v55 =	vmul.f32 v2, v49;
	v2 =	vadd.f32 v6, v5;
	v10 =	vld [tilespmem:s0+$0x1400]  }
.Ltmp2:
0x11c: {  	v4 =	vadd.f32 v13, v32;
	v5 =	vadd.f32 v14, v34;
	v56 =	vmul.f32 v15, v28;
	v61 =	vld [tilespmem:s0+$0x1800];
	(pc) =	sbr.rel @p0 .LBB2_6-.Ltmp2, $4  }
0x11d: {  	v1 =	vadd.f32 v1, v0;
	v3 =	vadd.f32 v3, v2;
	v60 =	vmul.f32 v17, v30;
	v62 =	vld [tilespmem:s0+$0x1C00]  }
0x11e: {  	v58 =	vmul.f32 v15, v43;
	v59 =	vmul.f32 v17, v47  }
0x11f: {  	v2 =	vadd.f32 v4, v1;
	v0 =	vmul.f32 v52, v29;
	v3 =	vadd.f32 v5, v3  }
0x120: {  	s2 =	sadd.s32 $0x10, s2;
	vm0 =	veq.s32 v12, $0x0;
	v11 =	vmul.f32 v54, v31;
	v1 =	vmul.f32 v57, v33  }
0x121: {  	v4 =	vmul.f32 v10, v35;
	v5 =	vmul.f32 v61, v36  }
0x122: {  	v7 =	vmul.f32 v52, v39;
	v8 =	vmul.f32 v54, v44  }
0x123: {  	v9 =	vmul.f32 v57, v45;
	v10 =	vmul.f32 v10, v46  }
0x124: {  	v12 =	vadd.f32 v51, v50;
	v13 =	vadd.f32 v55, v53;
	v14 =	vmul.f32 v61, v42  }
0x125: {  	v0 =	vadd.f32 v0, v56;
	v6 =	vmul.f32 v62, v37;
	v11 =	vadd.f32 v11, v60  }
0x126: {  	v15 =	vmul.f32 v62, v40;
	v1 =	vadd.f32 v4, v1;
	v49 =	vadd.f32 v8, v59  }
0x127: {  	v50 =	vadd.f32 v10, v9;
	v4 =	vadd.f32 v6, v5  }
0x128: {  	v5 =	vadd.f32 v7, v58;
	v8 =	vadd.f32 v15, v14  }
0x129: {  	s0 =	sadd.s32 $0x10, s26;
	v0 =	vadd.f32 v11, v0;
	v1 =	vadd.f32 v4, v1  }
0x12a: {  	v4 =	vld [tilespmem:s0+$0x0];
	v5 =	vadd.f32 v49, v5;
	v51 =	vadd.f32 v8, v50  }
0x12b: {  	v52 =	vadd.f32 v12, v32;
	v8 =	vadd.f32 v13, v34  }
0x12c: {  	v0 =	vadd.f32 v1, v0;
	v1 =	vadd.f32 v51, v5  }
0x12d: {  	v2 =	vsel vm0, v2, v3;
	v3 =	vimm.s32 $0xE;
	v63 =	vimm.s32 $0x1  }
0x12e: {  	v53 =	vimm.s32 $0x4;
	v0 =	vadd.f32 v52, v0;
	v1 =	vadd.f32 v8, v1  }
0x12f: {  	s2 =	sadd.s32 $0x10, s28;
	v54 =	vimm.s32 $0x5;
	v28 =	vperm.xlane v26, v3;
	vm0 =	veq.s32 v4, $0x0  }
0x130: {  	v62 =	vimm.s32 $0x0;
	[tilespmem:s2+$0x0] =	vst v2;
	v30 =	vperm.xlane v24, v63;
	s0 =	sadd.s32 $0x10, s2;
	s2 =	simm.s32 $0x0;
	v0 =	vsel vm0, v0, v1  }
0x131: {  	v35 =	vperm.xlane v24, v54;
	v38 =	vperm.xlane v27, v3;
	[tilespmem:s0+$0x0] =	vst v0;
	s0 =	sand.u32 $0x3F0, s2;
	v0 =	vimm.s32 $0x6  }
0x132: {  	v46 =	vperm.xlane v25, v53;
	v1 =	vimm.s32 $0xC;
	v36 =	vperm.xlane v24, v0;
	v0 =	vld [tilespmem:s0+$0x2000]  }
0x133: {  	v2 =	vimm.s32 $0xD;
	v47 =	vperm.xlane v25, v54;
	v42 =	vperm.xlane v27, v1;
	v1 =	vld [tilespmem:s0+$0x2400]  }
0x134: {  	s26 =	simm.s32 $0xC00;
	v9 =	vimm.s32 $0xF;
	v29 =	vperm.xlane v24, v62;
	v37 =	vperm.xlane v27, v2;
	v55 =	vld [tilespmem:$0x1FFE0]  }
0x135: {  	v43 =	vperm.xlane v25, v62;
	v26 =	vperm.xlane v26, v9;
	v5 =	vimm.s32 $0x3;
	v2 =	vld [tilespmem:s26+$0xFFFFF400]  }
0x136: {  	v45 =	vperm.xlane v27, v9;
	v33 =	vperm.xlane v24, v5;
	v4 =	vimm.s32 $0x2;
	v3 =	vld [tilespmem:s26+$0x0]  }
0x137: {  	v8 =	vimm.s32 $0x7;
	v31 =	vperm.xlane v24, v4;
	v41 =	vperm.xlane v25, v4;
	v4 =	vld [tilespmem:s0+$0x400]  }
0x138: {  	v39 =	vperm.xlane v25, v5;
	v40 =	vperm.xlane v24, v8;
	v5 =	vld [tilespmem:s0+$0x800]  }
0x139: {  	v34 =	vperm.xlane v24, v53;
	v56 =	vld [tilespmem:s0+$0x1000];
	v27 =	vperm.xlane v55, v8  }
0x13a: {  	v10 =	vld [tilespmem:s0+$0x1800];
	v7 =	vmul.f32 v0, v36;
	v9 =	vmul.f32 v1, v40  }
0x13b: {  	v12 =	vld [tilespmem:s0+$0x1C00];
	v0 =	vmul.f32 v0, v46;
	v1 =	vmul.f32 v1, v47  }
0x13c: {  	v8 =	vld [tilespmem:$0x1FFF0];
	v11 =	vmul.f32 v2, v28;
	v57 =	vmul.f32 v3, v30  }
0x13d: {  	v2 =	vmul.f32 v2, v42;
	v3 =	vmul.f32 v3, v45  }
0x13e: {  	v58 =	vmul.f32 v4, v26;
	v59 =	vmul.f32 v5, v29  }
0x13f: {  	s26 =	simm.s32 $0x2800;
	v16 =	vmul.f32 v56, v31;
	v48 =	vmul.f32 v10, v34  }
0x140: {  	s2 =	simm.s32 $0x10;
	v60 =	vmul.f32 v12, v35;
	v6 =	vmul.f32 v56, v43;
	v56 =	vld [tilespmem:s26+$0x0]  }
0x141: {  	v4 =	vmul.f32 v4, v37;
	v32 =	vperm.xlane v8, v54;
	v8 =	vld [tilespmem:s0+$0x1400];
	s0 =	sand.u32 $0x3F0, s2  }
0x142: {  	v5 =	vmul.f32 v5, v38;
	v7 =	vadd.f32 v9, v7;
	v0 =	vadd.f32 v1, v0;
	v49 =	vld [tilespmem:s0+$0x2000]  }
0x143: {  	s26 =	simm.s32 $0xC10;
	v9 =	vmul.f32 v10, v41;
	v10 =	vadd.f32 v58, v11;
	v11 =	vadd.f32 v57, v59;
	v61 =	vld [tilespmem:s0+$0x2400]  }
0x144: {  	v44 =	vperm.xlane v25, v63;
	v1 =	vld [tilespmem:s26+$0xFFFFF400];
	v2 =	vadd.f32 v4, v2;
	v3 =	vadd.f32 v3, v5  }
0x145: {  	v12 =	vmul.f32 v12, v39;
	v59 =	vadd.f32 v60, v48;
	v10 =	vadd.f32 v11, v10;
	v14 =	vld [tilespmem:s0+$0x1400]  }
0x146: {  	v57 =	vld [tilespmem:s26+$0x0];
	v2 =	vadd.f32 v3, v2;
	v7 =	vadd.f32 v7, v27;
	v17 =	vmul.f32 v8, v33  }
0x147: {  	vm0 =	veq.s32 v56, $0x0;
	v54 =	vld [tilespmem:s0+$0x1800];
	v0 =	vadd.f32 v0, v32;
	v8 =	vmul.f32 v8, v44  }
0x148: {  	v55 =	vld [tilespmem:s0+$0x1C00];
	v5 =	vmul.f32 v61, v40;
	v60 =	vmul.f32 v49, v46;
	v58 =	vadd.f32 v17, v16  }
0x149: {  	v4 =	vld [tilespmem:s0+$0x800];
	v61 =	vmul.f32 v61, v47;
	v6 =	vadd.f32 v8, v6;
	v8 =	vadd.f32 v12, v9  }
0x14a: {  	v13 =	vmul.f32 v14, v33;
	v16 =	vld [tilespmem:s0+$0x400];
	v17 =	vmul.f32 v49, v36;
	v11 =	vadd.f32 v59, v58  }
0x14b: {  	s26 =	simm.s32 $0x20;
	v9 =	vld [tilespmem:s0+$0x1000];
	v3 =	vadd.f32 v8, v6;
	v8 =	vmul.f32 v1, v28;
	v58 =	vmul.f32 v57, v30  }
0x14c: {  	s0 =	sand.u32 $0x3F0, s26;
	v12 =	vadd.f32 v61, v60;
	v1 =	vmul.f32 v1, v42;
	v59 =	vmul.f32 v54, v34  }
0x14d: {  	v56 =	vld [tilespmem:s0+$0x2000];
	v5 =	vadd.f32 v5, v17;
	v17 =	vmul.f32 v55, v35;
	v10 =	vadd.f32 v11, v10  }
0x14e: {  	v6 =	vmul.f32 v54, v41;
	v2 =	vadd.f32 v3, v2;
	v3 =	vmul.f32 v57, v45  }
0x14f: {  	s26 =	simm.s32 $0x2810;
	v11 =	vmul.f32 v16, v26;
	v16 =	vmul.f32 v16, v37;
	v7 =	vadd.f32 v7, v10  }
0x150: {  	v61 =	vld [tilespmem:s26+$0x0];
	v0 =	vadd.f32 v0, v2;
	v2 =	vmul.f32 v4, v29;
	v10 =	vmul.f32 v9, v31  }
0x151: {  	v50 =	vld [tilespmem:s0+$0x400];
	v59 =	vadd.f32 v17, v59;
	v4 =	vmul.f32 v4, v38;
	v9 =	vmul.f32 v9, v43  }
0x152: {  	v57 =	vld [tilespmem:s0+$0x2400];
	v48 =	vmul.f32 v56, v36;
	v8 =	vadd.f32 v11, v8;
	v11 =	vmul.f32 v14, v44  }
0x153: {  	s31 =	simm.s32 $0xC20;
	v52 =	vld [tilespmem:s0+$0x800];
	v1 =	vadd.f32 v16, v1;
	v2 =	vadd.f32 v58, v2;
	v58 =	vmul.f32 v55, v39  }
0x154: {  	v17 =	vld [tilespmem:s31+$0x0];
	v51 =	vmul.f32 v56, v46;
	v10 =	vadd.f32 v13, v10;
	v3 =	vadd.f32 v3, v4  }
0x155: {  	v14 =	vld [tilespmem:s31+$0xFFFFF400];
	v60 =	vsel vm0, v7, v0;
	v4 =	vadd.f32 v11, v9;
	v6 =	vadd.f32 v58, v6  }
0x156: {  	v55 =	vld [tilespmem:s0+$0x1000];
	v0 =	vmul.f32 v50, v26;
	v2 =	vadd.f32 v2, v8;
	v8 =	vadd.f32 v59, v10  }
0x157: {  	v49 =	vmul.f32 v57, v40;
	v1 =	vadd.f32 v3, v1;
	v10 =	vld [tilespmem:s0+$0x1400];
	v3 =	vadd.f32 v6, v4  }
0x158: {  	s28 =	simm.s32 $0x3800;
	v53 =	vmul.f32 v57, v47;
	v59 =	vld [tilespmem:s0+$0x1800];
	v4 =	vadd.f32 v5, v27;
	v5 =	vadd.f32 v12, v32  }
0x159: {  	v57 =	vmul.f32 v17, v45;
	[tilespmem:s28+$0x0] =	vst v60;
	v60 =	vld [tilespmem:s0+$0x1C00];
	v2 =	vadd.f32 v8, v2;
	v1 =	vadd.f32 v3, v1  }
0x15a: {  	v11 =	vmul.f32 v52, v29;
	v58 =	vmul.f32 v17, v30  }
0x15b: {  	v54 =	vmul.f32 v14, v28;
	v2 =	vadd.f32 v4, v2;
	v3 =	vadd.f32 v5, v1  }
0x15c: {  	s2 =	simm.s32 $0x30;
	vm0 =	veq.s32 v61, $0x0;
	v56 =	vmul.f32 v14, v42;
	v1 =	vmul.f32 v55, v31  }
.LBB2_8:
0x15d: {  	s0 =	sand.u32 $0x3F0, s2;
	p0 =	sne.s32 s2, $0x3F0;
	v4 =	vmul.f32 v10, v33;
	v5 =	vmul.f32 v59, v34;
	v2 =	vsel vm0, v2, v3;
	s28 =	sadd.s32 $0x10, s28  }
0x15e: {  	v7 =	vmul.f32 v50, v37;
	v3 =	vld [tilespmem:s0+$0x2000];
	v6 =	vmul.f32 v60, v35;
	[tilespmem:s28+$0x0] =	vst v2  }
0x15f: {  	v8 =	vmul.f32 v52, v38;
	v9 =	vmul.f32 v55, v43;
	s26 =	sadd.s32 $0x10, s26;
	v2 =	vld [tilespmem:s0+$0x2400]  }
0x160: {  	v10 =	vmul.f32 v10, v44;
	v13 =	vadd.f32 v49, v48;
	v14 =	vadd.f32 v53, v51;
	s31 =	sadd.s32 $0x10, s31;
	v12 =	vld [tilespmem:s26+$0x0]  }
0x161: {  	v16 =	vmul.f32 v59, v41;
	v0 =	vadd.f32 v0, v54;
	v11 =	vadd.f32 v58, v11;
	v15 =	vld [tilespmem:s31+$0xFFFFF400]  }
0x162: {  	v51 =	vmul.f32 v60, v39;
	v1 =	vadd.f32 v4, v1;
	v4 =	vadd.f32 v6, v5;
	v17 =	vld [tilespmem:s31+$0x0]  }
0x163: {  	v5 =	vadd.f32 v7, v56;
	v6 =	vadd.f32 v57, v8;
	v50 =	vld [tilespmem:s0+$0x400];
	v48 =	vmul.f32 v3, v36  }
0x164: {  	v7 =	vadd.f32 v10, v9;
	v8 =	vadd.f32 v51, v16;
	v52 =	vld [tilespmem:s0+$0x800];
	v49 =	vmul.f32 v2, v40  }
0x165: {  	v0 =	vadd.f32 v11, v0;
	v1 =	vadd.f32 v4, v1;
	v51 =	vmul.f32 v3, v46;
	v55 =	vld [tilespmem:s0+$0x1000]  }
0x166: {  	v3 =	vadd.f32 v8, v7;
	v53 =	vmul.f32 v2, v47;
	v2 =	vadd.f32 v6, v5;
	v10 =	vld [tilespmem:s0+$0x1400]  }
.Ltmp3:
0x167: {  	v4 =	vadd.f32 v13, v27;
	v5 =	vadd.f32 v14, v32;
	v54 =	vmul.f32 v15, v28;
	v59 =	vld [tilespmem:s0+$0x1800];
	(pc) =	sbr.rel @p0 .LBB2_8-.Ltmp3, $4  }
0x168: {  	v1 =	vadd.f32 v1, v0;
	v3 =	vadd.f32 v3, v2;
	v58 =	vmul.f32 v17, v30;
	v60 =	vld [tilespmem:s0+$0x1C00]  }
0x169: {  	v56 =	vmul.f32 v15, v42;
	v57 =	vmul.f32 v17, v45  }
0x16a: {  	v2 =	vadd.f32 v4, v1;
	v0 =	vmul.f32 v50, v26;
	v3 =	vadd.f32 v5, v3  }
0x16b: {  	s2 =	sadd.s32 $0x10, s2;
	vm0 =	veq.s32 v12, $0x0;
	v11 =	vmul.f32 v52, v29;
	v1 =	vmul.f32 v55, v31  }
0x16c: {  	v4 =	vmul.f32 v10, v33;
	v5 =	vmul.f32 v59, v34  }
0x16d: {  	v7 =	vmul.f32 v50, v37;
	v8 =	vmul.f32 v52, v38  }
0x16e: {  	v9 =	vmul.f32 v55, v43;
	v10 =	vmul.f32 v10, v44  }
0x16f: {  	v12 =	vadd.f32 v49, v48;
	v13 =	vadd.f32 v53, v51;
	v14 =	vmul.f32 v59, v41  }
0x170: {  	v0 =	vadd.f32 v0, v54;
	v6 =	vmul.f32 v60, v35;
	v11 =	vadd.f32 v58, v11  }
0x171: {  	v15 =	vmul.f32 v60, v39;
	v1 =	vadd.f32 v4, v1;
	v50 =	vadd.f32 v57, v8  }
0x172: {  	v51 =	vadd.f32 v10, v9;
	v4 =	vadd.f32 v6, v5  }
0x173: {  	v5 =	vadd.f32 v7, v56;
	v8 =	vadd.f32 v15, v14  }
0x174: {  	s0 =	sadd.s32 $0x10, s26;
	v0 =	vadd.f32 v11, v0;
	v1 =	vadd.f32 v4, v1  }
0x175: {  	v4 =	vld [tilespmem:s0+$0x0];
	v5 =	vadd.f32 v50, v5;
	v52 =	vadd.f32 v8, v51  }
0x176: {  	v2 =	vsel vm0, v2, v3;
	v53 =	vadd.f32 v12, v27;
	v8 =	vadd.f32 v13, v32  }
0x177: {  	v54 =	vimm.s32 $0x8;
	v0 =	vadd.f32 v1, v0;
	v1 =	vadd.f32 v52, v5  }
0x178: {  	v3 =	vimm.s32 $0x9;
	v34 =	vperm.xlane v22, v62;
	v38 =	vperm.xlane v22, v63  }
0x179: {  	v55 =	vimm.s32 $0x6;
	v0 =	vadd.f32 v53, v0;
	v1 =	vadd.f32 v8, v1  }
0x17a: {  	s2 =	sadd.s32 $0x10, s28;
	v26 =	vperm.xlane v24, v54;
	v41 =	vperm.xlane v25, v55;
	vm0 =	veq.s32 v4, $0x0  }
0x17b: {  	[tilespmem:s2+$0x0] =	vst v2;
	v2 =	vimm.s32 $0x7;
	v36 =	vperm.xlane v25, v54;
	s0 =	sadd.s32 $0x10, s2;
	s2 =	simm.s32 $0x0;
	v0 =	vsel vm0, v0, v1  }
0x17c: {  	v39 =	vperm.xlane v25, v3;
	v27 =	vperm.xlane v24, v3;
	v9 =	vimm.s32 $0xB;
	[tilespmem:s0+$0x0] =	vst v0;
	s0 =	sand.u32 $0x3F0, s2  }
0x17d: {  	v35 =	vperm.xlane v25, v2;
	v29 =	vperm.xlane v24, v9;
	v8 =	vimm.s32 $0xF;
	v0 =	vld [tilespmem:s0+$0x2000]  }
0x17e: {  	v10 =	vimm.s32 $0xC;
	v33 =	vperm.xlane v24, v8;
	v45 =	vperm.xlane v25, v8;
	v8 =	vld [tilespmem:$0x1FFE0]  }
0x17f: {  	s26 =	simm.s32 $0x1000;
	v30 =	vperm.xlane v24, v10;
	v11 =	vimm.s32 $0xD;
	v42 =	vperm.xlane v25, v9;
	v1 =	vld [tilespmem:s0+$0x2400]  }
0x180: {  	v40 =	vperm.xlane v25, v10;
	v31 =	vperm.xlane v24, v11;
	v4 =	vimm.s32 $0xA;
	v2 =	vld [tilespmem:s26+$0xFFFFF000]  }
0x181: {  	v5 =	vimm.s32 $0xE;
	v28 =	vperm.xlane v24, v4;
	v43 =	vperm.xlane v25, v4;
	v4 =	vld [tilespmem:s0+$0x400]  }
0x182: {  	v32 =	vperm.xlane v24, v5;
	v44 =	vperm.xlane v25, v5;
	v5 =	vld [tilespmem:s0+$0x800]  }
0x183: {  	v37 =	vperm.xlane v25, v11;
	v56 =	vld [tilespmem:s0+$0xC00];
	v24 =	vperm.xlane v8, v54  }
0x184: {  	v8 =	vld [tilespmem:$0x1FFF0];
	v57 =	vmul.f32 v0, v34;
	v9 =	vmul.f32 v1, v38  }
0x185: {  	v10 =	vld [tilespmem:s0+$0x1800];
	v0 =	vmul.f32 v0, v44;
	v1 =	vmul.f32 v1, v45  }
0x186: {  	v58 =	vld [tilespmem:s0+$0x1C00];
	v11 =	vmul.f32 v2, v26;
	v2 =	vmul.f32 v2, v41  }
0x187: {  	v3 =	vld [tilespmem:s26+$0x0];
	s26 =	simm.s32 $0x2800;
	v60 =	vmul.f32 v4, v27;
	v61 =	vmul.f32 v5, v28  }
0x188: {  	v4 =	vmul.f32 v4, v35;
	v5 =	vmul.f32 v5, v36;
	v54 =	vld [tilespmem:s26+$0x0]  }
0x189: {  	s2 =	simm.s32 $0x10;
	v6 =	vmul.f32 v56, v39;
	s26 =	simm.s32 $0x1010;
	v25 =	vperm.xlane v8, v55;
	v8 =	vld [tilespmem:s0+$0x1400]  }
0x18a: {  	v16 =	vmul.f32 v56, v29;
	v46 =	vmul.f32 v10, v32;
	s0 =	sand.u32 $0x3F0, s2;
	v55 =	vld [tilespmem:s26+$0x0]  }
0x18b: {  	v52 =	vmul.f32 v58, v33;
	v2 =	vadd.f32 v4, v2;
	v4 =	vadd.f32 v6, v5;
	v47 =	vld [tilespmem:s0+$0x2000]  }
0x18c: {  	v7 =	vadd.f32 v9, v57;
	v9 =	vmul.f32 v10, v40;
	v10 =	vadd.f32 v60, v11;
	v53 =	vld [tilespmem:s0+$0x2400]  }
0x18d: {  	v59 =	vmul.f32 v3, v30;
	v11 =	vadd.f32 v16, v61;
	v2 =	vadd.f32 v4, v2;
	v4 =	vld [tilespmem:s0+$0x1800]  }
0x18e: {  	v3 =	vmul.f32 v3, v43;
	v0 =	vadd.f32 v1, v0;
	v56 =	vadd.f32 v52, v46  }
0x18f: {  	v12 =	vmul.f32 v58, v37;
	v10 =	vadd.f32 v11, v10;
	v7 =	vadd.f32 v7, v24  }
0x190: {  	v1 =	vld [tilespmem:s26+$0xFFFFF000];
	vm0 =	veq.s32 v54, $0x0;
	v17 =	vmul.f32 v8, v31;
	v8 =	vmul.f32 v8, v42  }
0x191: {  	v60 =	vld [tilespmem:s0+$0x1C00];
	v0 =	vadd.f32 v0, v25;
	v52 =	vmul.f32 v55, v30;
	v57 =	vmul.f32 v53, v38  }
0x192: {  	v16 =	vld [tilespmem:s0+$0x400];
	v58 =	vmul.f32 v47, v44;
	v54 =	vmul.f32 v4, v32;
	v13 =	vadd.f32 v17, v59  }
0x193: {  	v5 =	vld [tilespmem:s0+$0x800];
	v4 =	vmul.f32 v4, v40;
	v3 =	vadd.f32 v8, v3;
	v8 =	vadd.f32 v12, v9  }
0x194: {  	v17 =	vmul.f32 v47, v34;
	v9 =	vld [tilespmem:s0+$0xC00];
	v59 =	vmul.f32 v53, v45;
	v11 =	vadd.f32 v56, v13  }
0x195: {  	v3 =	vadd.f32 v8, v3;
	v8 =	vmul.f32 v1, v26;
	v1 =	vmul.f32 v1, v41  }
0x196: {  	v13 =	vld [tilespmem:s0+$0x1400];
	v6 =	vadd.f32 v57, v17;
	v17 =	vmul.f32 v60, v33;
	v10 =	vadd.f32 v11, v10  }
0x197: {  	s31 =	simm.s32 $0x1020;
	s26 =	simm.s32 $0x20;
	v12 =	vadd.f32 v59, v58;
	v2 =	vadd.f32 v3, v2;
	v3 =	vmul.f32 v55, v43  }
0x198: {  	s0 =	sand.u32 $0x3F0, s26;
	v58 =	vld [tilespmem:s31+$0xFFFFF000];
	v11 =	vmul.f32 v16, v27;
	v16 =	vmul.f32 v16, v35;
	v7 =	vadd.f32 v7, v10  }
0x199: {  	v61 =	vld [tilespmem:s0+$0x2400];
	v0 =	vadd.f32 v0, v2;
	v2 =	vmul.f32 v5, v28;
	v10 =	vmul.f32 v9, v29  }
0x19a: {  	s26 =	simm.s32 $0x2810;
	v55 =	vld [tilespmem:s0+$0x2000];
	v17 =	vadd.f32 v17, v54;
	v5 =	vmul.f32 v5, v36;
	v9 =	vmul.f32 v9, v39  }
0x19b: {  	v59 =	vld [tilespmem:s26+$0x0];
	v8 =	vadd.f32 v11, v8;
	v1 =	vadd.f32 v16, v1;
	v53 =	vmul.f32 v13, v31  }
0x19c: {  	v48 =	vld [tilespmem:s0+$0x400];
	v11 =	vmul.f32 v13, v42;
	v2 =	vadd.f32 v10, v2;
	v10 =	vmul.f32 v60, v37  }
0x19d: {  	v50 =	vld [tilespmem:s0+$0x800];
	v56 =	vmul.f32 v58, v41;
	v5 =	vadd.f32 v9, v5;
	v14 =	vadd.f32 v53, v52  }
0x19e: {  	v60 =	vld [tilespmem:s31+$0x0];
	v47 =	vmul.f32 v61, v38;
	v3 =	vadd.f32 v11, v3;
	v4 =	vadd.f32 v10, v4  }
0x19f: {  	v57 =	vld [tilespmem:s0+$0x1800];
	v46 =	vmul.f32 v55, v34;
	v2 =	vadd.f32 v2, v8;
	v1 =	vadd.f32 v5, v1  }
0x1a0: {  	v49 =	vmul.f32 v55, v44;
	v55 =	vld [tilespmem:s0+$0xC00];
	v8 =	vadd.f32 v17, v14;
	v3 =	vadd.f32 v4, v3  }
0x1a1: {  	v52 =	vmul.f32 v61, v45;
	v5 =	vadd.f32 v12, v25;
	v10 =	vld [tilespmem:s0+$0x1400];
	v4 =	vadd.f32 v6, v24  }
0x1a2: {  	v53 =	vmul.f32 v58, v26;
	v58 =	vld [tilespmem:s0+$0x1C00];
	v2 =	vadd.f32 v8, v2;
	v3 =	vadd.f32 v3, v1  }
0x1a3: {  	v61 =	vsel vm0, v7, v0;
	v0 =	vmul.f32 v48, v27;
	v54 =	vmul.f32 v60, v30  }
0x1a4: {  	s28 =	simm.s32 $0x3C00;
	v51 =	vmul.f32 v60, v43;
	v1 =	vadd.f32 v4, v2;
	v2 =	vadd.f32 v5, v3  }
0x1a5: {  	s2 =	simm.s32 $0x30;
	vm0 =	veq.s32 v59, $0x0;
	[tilespmem:s28+$0x0] =	vst v61;
	v11 =	vmul.f32 v55, v29;
	v3 =	vmul.f32 v50, v28  }
.LBB2_10:
0x1a6: {  	s0 =	sand.u32 $0x3F0, s2;
	p0 =	sne.s32 s2, $0x3F0;
	v4 =	vmul.f32 v10, v31;
	v5 =	vmul.f32 v57, v32;
	v1 =	vsel vm0, v1, v2;
	s28 =	sadd.s32 $0x10, s28  }
0x1a7: {  	v7 =	vmul.f32 v48, v35;
	v2 =	vld [tilespmem:s0+$0x2000];
	v6 =	vmul.f32 v58, v33;
	[tilespmem:s28+$0x0] =	vst v1  }
0x1a8: {  	v8 =	vmul.f32 v50, v36;
	v9 =	vmul.f32 v55, v39;
	s26 =	sadd.s32 $0x10, s26;
	v1 =	vld [tilespmem:s0+$0x2400]  }
0x1a9: {  	v10 =	vmul.f32 v10, v42;
	v13 =	vadd.f32 v47, v46;
	v14 =	vadd.f32 v52, v49;
	s31 =	sadd.s32 $0x10, s31;
	v12 =	vld [tilespmem:s26+$0x0]  }
0x1aa: {  	v16 =	vmul.f32 v57, v40;
	v0 =	vadd.f32 v0, v53;
	v3 =	vadd.f32 v11, v3;
	v15 =	vld [tilespmem:s31+$0xFFFFF000]  }
0x1ab: {  	v17 =	vmul.f32 v58, v37;
	v4 =	vadd.f32 v4, v54;
	v5 =	vadd.f32 v6, v5;
	v11 =	vld [tilespmem:s31+$0x0]  }
0x1ac: {  	v6 =	vadd.f32 v7, v56;
	v7 =	vadd.f32 v9, v8;
	v48 =	vld [tilespmem:s0+$0x400];
	v46 =	vmul.f32 v2, v34  }
0x1ad: {  	v8 =	vadd.f32 v10, v51;
	v9 =	vadd.f32 v17, v16;
	v50 =	vld [tilespmem:s0+$0x800];
	v47 =	vmul.f32 v1, v38  }
0x1ae: {  	v0 =	vadd.f32 v3, v0;
	v49 =	vmul.f32 v2, v44;
	v2 =	vadd.f32 v5, v4;
	v55 =	vld [tilespmem:s0+$0xC00]  }
0x1af: {  	v3 =	vadd.f32 v9, v8;
	v52 =	vmul.f32 v1, v45;
	v1 =	vadd.f32 v7, v6;
	v10 =	vld [tilespmem:s0+$0x1400]  }
.Ltmp4:
0x1b0: {  	v4 =	vadd.f32 v13, v24;
	v5 =	vadd.f32 v14, v25;
	v53 =	vmul.f32 v15, v26;
	v57 =	vld [tilespmem:s0+$0x1800];
	(pc) =	sbr.rel @p0 .LBB2_10-.Ltmp4, $4  }
0x1b1: {  	v2 =	vadd.f32 v2, v0;
	v3 =	vadd.f32 v3, v1;
	v54 =	vmul.f32 v11, v30;
	v58 =	vld [tilespmem:s0+$0x1C00]  }
0x1b2: {  	v56 =	vmul.f32 v15, v41;
	v51 =	vmul.f32 v11, v43  }
0x1b3: {  	v1 =	vadd.f32 v4, v2;
	v0 =	vmul.f32 v48, v27;
	v2 =	vadd.f32 v5, v3  }
0x1b4: {  	s2 =	sadd.s32 $0x10, s2;
	vm0 =	veq.s32 v12, $0x0;
	v3 =	vmul.f32 v50, v28;
	v11 =	vmul.f32 v55, v29  }
0x1b5: {  	v4 =	vmul.f32 v10, v31;
	v5 =	vmul.f32 v57, v32  }
0x1b6: {  	v7 =	vmul.f32 v48, v35;
	v8 =	vmul.f32 v50, v36  }
0x1b7: {  	v9 =	vmul.f32 v55, v39;
	v10 =	vmul.f32 v10, v42  }
0x1b8: {  	v12 =	vadd.f32 v47, v46;
	v13 =	vadd.f32 v52, v49;
	v14 =	vmul.f32 v57, v40  }
0x1b9: {  	v0 =	vadd.f32 v0, v53;
	v6 =	vmul.f32 v58, v33;
	v3 =	vadd.f32 v11, v3  }
0x1ba: {  	v11 =	vmul.f32 v58, v37;
	v4 =	vadd.f32 v4, v54;
	v47 =	vadd.f32 v7, v56  }
0x1bb: {  	v48 =	vadd.f32 v9, v8;
	v5 =	vadd.f32 v6, v5  }
0x1bc: {  	v8 =	vadd.f32 v10, v51;
	v9 =	vadd.f32 v11, v14  }
0x1bd: {  	s0 =	sadd.s32 $0x10, s26;
	v0 =	vadd.f32 v3, v0;
	v3 =	vadd.f32 v5, v4  }
0x1be: {  	v4 =	vld [tilespmem:s0+$0x0];
	v5 =	vadd.f32 v48, v47;
	v49 =	vadd.f32 v9, v8  }
0x1bf: {  	v1 =	vsel vm0, v1, v2;
	v50 =	vadd.f32 v12, v24;
	v8 =	vadd.f32 v13, v25  }
0x1c0: {  	v60 =	vimm.s32 $0x2;
	v0 =	vadd.f32 v3, v0;
	v3 =	vadd.f32 v49, v5  }
0x1c1: {  	v61 =	vimm.s32 $0x3;
	v52 =	vimm.s32 $0x8;
	v42 =	vperm.xlane v23, v62  }
0x1c2: {  	s2 =	sadd.s32 $0x10, s28;
	v35 =	vperm.xlane v23, v63;
	v0 =	vadd.f32 v50, v0;
	v2 =	vadd.f32 v8, v3  }
0x1c3: {  	[tilespmem:s2+$0x0] =	vst v1;
	v31 =	vperm.xlane v22, v52;
	v1 =	vimm.s32 $0xB;
	vm0 =	veq.s32 v4, $0x0  }
0x1c4: {  	v36 =	vperm.xlane v23, v60;
	v39 =	vperm.xlane v23, v61;
	s0 =	sadd.s32 $0x10, s2;
	s2 =	simm.s32 $0x0;
	v0 =	vsel vm0, v0, v2  }
0x1c5: {  	v44 =	vperm.xlane v23, v52;
	v24 =	vperm.xlane v22, v60;
	[tilespmem:s0+$0x0] =	vst v0;
	s0 =	sand.u32 $0x3F0, s2;
	v0 =	vimm.s32 $0xA  }
0x1c6: {  	v51 =	vimm.s32 $0x7;
	v38 =	vperm.xlane v22, v1;
	v34 =	vperm.xlane v22, v0;
	v0 =	vld [tilespmem:s0+$0x2000]  }
0x1c7: {  	v33 =	vperm.xlane v22, v51;
	v37 =	vperm.xlane v23, v51;
	v5 =	vimm.s32 $0x6;
	v53 =	vld [tilespmem:$0x1FFE0]  }
0x1c8: {  	s26 =	simm.s32 $0x1400;
	v25 =	vperm.xlane v22, v61;
	v27 =	vperm.xlane v22, v5;
	v3 =	vimm.s32 $0x4;
	v1 =	vld [tilespmem:s0+$0x2400]  }
0x1c9: {  	v41 =	vperm.xlane v23, v5;
	v26 =	vperm.xlane v22, v3;
	v4 =	vimm.s32 $0x5;
	v2 =	vld [tilespmem:s26+$0xFFFFEC00]  }
0x1ca: {  	v8 =	vimm.s32 $0x9;
	v28 =	vperm.xlane v22, v4;
	v43 =	vperm.xlane v23, v4;
	v4 =	vld [tilespmem:s0+$0x400]  }
0x1cb: {  	v32 =	vperm.xlane v22, v8;
	v40 =	vperm.xlane v23, v3;
	v5 =	vld [tilespmem:s0+$0x800]  }
0x1cc: {  	v45 =	vperm.xlane v23, v8;
	v54 =	vld [tilespmem:s0+$0xC00];
	v29 =	vperm.xlane v53, v8  }
0x1cd: {  	v55 =	vmul.f32 v0, v34;
	v9 =	vmul.f32 v1, v38  }
0x1ce: {  	v8 =	vld [tilespmem:$0x1FFF0];
	v0 =	vmul.f32 v0, v44;
	v11 =	vmul.f32 v2, v24  }
0x1cf: {  	v3 =	vld [tilespmem:s26+$0x0];
	v2 =	vmul.f32 v2, v42;
	v57 =	vmul.f32 v4, v25  }
0x1d0: {  	v10 =	vld [tilespmem:s0+$0x1800];
	v15 =	vmul.f32 v5, v26;
	v4 =	vmul.f32 v4, v35  }
0x1d1: {  	v12 =	vld [tilespmem:s0+$0x1C00];
	s26 =	simm.s32 $0x2800;
	v5 =	vmul.f32 v5, v36;
	v6 =	vmul.f32 v54, v39  }
0x1d2: {  	s2 =	simm.s32 $0x10;
	v1 =	vmul.f32 v1, v45;
	v16 =	vmul.f32 v54, v28;
	v54 =	vld [tilespmem:s26+$0x0]  }
0x1d3: {  	v2 =	vadd.f32 v4, v2;
	v4 =	vadd.f32 v6, v5;
	v30 =	vperm.xlane v8, v51;
	v8 =	vld [tilespmem:s0+$0x1000];
	s0 =	sand.u32 $0x3F0, s2  }
0x1d4: {  	v56 =	vmul.f32 v3, v33;
	v3 =	vmul.f32 v3, v43;
	v53 =	vld [tilespmem:s0+$0x2400]  }
0x1d5: {  	v58 =	vmul.f32 v10, v31;
	v7 =	vadd.f32 v9, v55;
	v2 =	vadd.f32 v4, v2;
	v4 =	vld [tilespmem:s0+$0x1800]  }
0x1d6: {  	v9 =	vmul.f32 v10, v41;
	v10 =	vadd.f32 v57, v11;
	v11 =	vadd.f32 v16, v15;
	v59 =	vld [tilespmem:s0+$0x2000]  }
0x1d7: {  	v52 =	vmul.f32 v12, v32;
	s26 =	simm.s32 $0x1410;
	v12 =	vmul.f32 v12, v37;
	v0 =	vadd.f32 v1, v0  }
0x1d8: {  	v55 =	vld [tilespmem:s26+$0x0];
	v10 =	vadd.f32 v11, v10;
	v7 =	vadd.f32 v7, v29;
	v17 =	vmul.f32 v8, v27  }
0x1d9: {  	v1 =	vld [tilespmem:s26+$0xFFFFEC00];
	vm0 =	veq.s32 v54, $0x0;
	v8 =	vmul.f32 v8, v40;
	v57 =	vmul.f32 v53, v38  }
0x1da: {  	v46 =	vld [tilespmem:s0+$0x1C00];
	v0 =	vadd.f32 v0, v30;
	v54 =	vmul.f32 v4, v31;
	v4 =	vmul.f32 v4, v41  }
0x1db: {  	v16 =	vld [tilespmem:s0+$0x400];
	v13 =	vadd.f32 v56, v17;
	v56 =	vadd.f32 v52, v58;
	v17 =	vmul.f32 v59, v34  }
0x1dc: {  	v5 =	vld [tilespmem:s0+$0x800];
	v3 =	vadd.f32 v3, v8;
	v8 =	vadd.f32 v12, v9;
	v58 =	vmul.f32 v59, v44  }
0x1dd: {  	v9 =	vld [tilespmem:s0+$0xC00];
	v59 =	vmul.f32 v53, v45;
	v52 =	vmul.f32 v55, v33;
	v11 =	vadd.f32 v56, v13  }
0x1de: {  	v3 =	vadd.f32 v8, v3;
	v8 =	vmul.f32 v1, v24;
	v1 =	vmul.f32 v1, v42  }
0x1df: {  	v13 =	vld [tilespmem:s0+$0x1000];
	v6 =	vadd.f32 v57, v17;
	v17 =	vmul.f32 v46, v32;
	v10 =	vadd.f32 v11, v10  }
0x1e0: {  	s31 =	simm.s32 $0x1420;
	v12 =	vadd.f32 v59, v58;
	v2 =	vadd.f32 v3, v2;
	v3 =	vmul.f32 v55, v43  }
0x1e1: {  	s26 =	simm.s32 $0x20;
	v51 =	vld [tilespmem:s31+$0x0];
	v11 =	vmul.f32 v16, v25;
	v16 =	vmul.f32 v16, v35;
	v7 =	vadd.f32 v7, v10  }
0x1e2: {  	s0 =	sand.u32 $0x3F0, s26;
	v58 =	vld [tilespmem:s31+$0xFFFFEC00];
	v0 =	vadd.f32 v0, v2;
	v2 =	vmul.f32 v5, v26;
	v10 =	vmul.f32 v9, v28  }
0x1e3: {  	v55 =	vld [tilespmem:s0+$0x2000];
	v17 =	vadd.f32 v17, v54;
	v5 =	vmul.f32 v5, v36;
	v9 =	vmul.f32 v9, v39  }
0x1e4: {  	s26 =	simm.s32 $0x2810;
	v15 =	vld [tilespmem:s0+$0x2400];
	v8 =	vadd.f32 v11, v8;
	v1 =	vadd.f32 v16, v1;
	v53 =	vmul.f32 v13, v27  }
0x1e5: {  	v59 =	vld [tilespmem:s26+$0x0];
	v11 =	vmul.f32 v13, v40;
	v2 =	vadd.f32 v10, v2;
	v10 =	vmul.f32 v46, v37  }
0x1e6: {  	v48 =	vld [tilespmem:s0+$0x400];
	v54 =	vmul.f32 v51, v33;
	v5 =	vadd.f32 v9, v5;
	v14 =	vadd.f32 v52, v53  }
0x1e7: {  	v50 =	vld [tilespmem:s0+$0x800];
	v51 =	vmul.f32 v51, v43;
	v3 =	vadd.f32 v3, v11;
	v4 =	vadd.f32 v10, v4  }
0x1e8: {  	v57 =	vld [tilespmem:s0+$0x1800];
	v46 =	vmul.f32 v55, v34;
	v2 =	vadd.f32 v2, v8;
	v1 =	vadd.f32 v5, v1  }
0x1e9: {  	v49 =	vmul.f32 v55, v44;
	v55 =	vld [tilespmem:s0+$0xC00];
	v8 =	vadd.f32 v17, v14;
	v3 =	vadd.f32 v4, v3  }
0x1ea: {  	v56 =	vmul.f32 v58, v42;
	v5 =	vadd.f32 v12, v30;
	v10 =	vld [tilespmem:s0+$0x1000];
	v4 =	vadd.f32 v6, v29  }
0x1eb: {  	v53 =	vmul.f32 v58, v24;
	v58 =	vld [tilespmem:s0+$0x1C00];
	v2 =	vadd.f32 v8, v2;
	v3 =	vadd.f32 v3, v1  }
0x1ec: {  	v47 =	vmul.f32 v15, v38;
	v52 =	vmul.f32 v15, v45;
	v15 =	vsel vm0, v7, v0  }
0x1ed: {  	s28 =	simm.s32 $0x4000;
	v0 =	vmul.f32 v48, v25;
	v1 =	vadd.f32 v4, v2;
	v2 =	vadd.f32 v5, v3  }
0x1ee: {  	s2 =	simm.s32 $0x30;
	vm0 =	veq.s32 v59, $0x0;
	[tilespmem:s28+$0x0] =	vst v15;
	v11 =	vmul.f32 v55, v28;
	v3 =	vmul.f32 v50, v26  }
.LBB2_12:
0x1ef: {  	s0 =	sand.u32 $0x3F0, s2;
	p0 =	sne.s32 s2, $0x3F0;
	v4 =	vmul.f32 v10, v27;
	v5 =	vmul.f32 v57, v31;
	v1 =	vsel vm0, v1, v2;
	s28 =	sadd.s32 $0x10, s28  }
0x1f0: {  	v7 =	vmul.f32 v48, v35;
	v2 =	vld [tilespmem:s0+$0x2000];
	v6 =	vmul.f32 v58, v32;
	[tilespmem:s28+$0x0] =	vst v1  }
0x1f1: {  	v8 =	vmul.f32 v50, v36;
	v9 =	vmul.f32 v55, v39;
	s26 =	sadd.s32 $0x10, s26;
	v1 =	vld [tilespmem:s0+$0x2400]  }
0x1f2: {  	v10 =	vmul.f32 v10, v40;
	v13 =	vadd.f32 v47, v46;
	v14 =	vadd.f32 v52, v49;
	s31 =	sadd.s32 $0x10, s31;
	v12 =	vld [tilespmem:s26+$0x0]  }
0x1f3: {  	v16 =	vmul.f32 v57, v41;
	v0 =	vadd.f32 v0, v53;
	v3 =	vadd.f32 v11, v3;
	v15 =	vld [tilespmem:s31+$0xFFFFEC00]  }
0x1f4: {  	v17 =	vmul.f32 v58, v37;
	v4 =	vadd.f32 v54, v4;
	v5 =	vadd.f32 v6, v5;
	v11 =	vld [tilespmem:s31+$0x0]  }
0x1f5: {  	v6 =	vadd.f32 v7, v56;
	v7 =	vadd.f32 v9, v8;
	v48 =	vld [tilespmem:s0+$0x400];
	v46 =	vmul.f32 v2, v34  }
0x1f6: {  	v8 =	vadd.f32 v51, v10;
	v9 =	vadd.f32 v17, v16;
	v50 =	vld [tilespmem:s0+$0x800];
	v47 =	vmul.f32 v1, v38  }
0x1f7: {  	v0 =	vadd.f32 v3, v0;
	v49 =	vmul.f32 v2, v44;
	v2 =	vadd.f32 v5, v4;
	v55 =	vld [tilespmem:s0+$0xC00]  }
0x1f8: {  	v3 =	vadd.f32 v9, v8;
	v52 =	vmul.f32 v1, v45;
	v1 =	vadd.f32 v7, v6;
	v10 =	vld [tilespmem:s0+$0x1000]  }
.Ltmp5:
0x1f9: {  	v4 =	vadd.f32 v13, v29;
	v5 =	vadd.f32 v14, v30;
	v53 =	vmul.f32 v15, v24;
	v57 =	vld [tilespmem:s0+$0x1800];
	(pc) =	sbr.rel @p0 .LBB2_12-.Ltmp5, $4  }
0x1fa: {  	v2 =	vadd.f32 v2, v0;
	v3 =	vadd.f32 v3, v1;
	v54 =	vmul.f32 v11, v33;
	v58 =	vld [tilespmem:s0+$0x1C00]  }
0x1fb: {  	v56 =	vmul.f32 v15, v42;
	v51 =	vmul.f32 v11, v43  }
0x1fc: {  	v1 =	vadd.f32 v4, v2;
	v0 =	vmul.f32 v48, v25;
	v2 =	vadd.f32 v5, v3  }
0x1fd: {  	s2 =	sadd.s32 $0x10, s2;
	vm0 =	veq.s32 v12, $0x0;
	v3 =	vmul.f32 v50, v26;
	v11 =	vmul.f32 v55, v28  }
0x1fe: {  	v4 =	vmul.f32 v10, v27;
	v5 =	vmul.f32 v57, v31  }
0x1ff: {  	v7 =	vmul.f32 v48, v35;
	v8 =	vmul.f32 v50, v36  }
0x200: {  	v9 =	vmul.f32 v55, v39;
	v10 =	vmul.f32 v10, v40  }
0x201: {  	v12 =	vadd.f32 v47, v46;
	v13 =	vadd.f32 v52, v49;
	v14 =	vmul.f32 v57, v41  }
0x202: {  	v0 =	vadd.f32 v0, v53;
	v6 =	vmul.f32 v58, v32;
	v3 =	vadd.f32 v11, v3  }
0x203: {  	v11 =	vmul.f32 v58, v37;
	v4 =	vadd.f32 v54, v4;
	v45 =	vadd.f32 v7, v56  }
0x204: {  	v46 =	vadd.f32 v9, v8;
	v5 =	vadd.f32 v6, v5  }
0x205: {  	v8 =	vadd.f32 v51, v10;
	v9 =	vadd.f32 v11, v14  }
0x206: {  	s0 =	sadd.s32 $0x10, s26;
	v0 =	vadd.f32 v3, v0;
	v3 =	vadd.f32 v5, v4  }
0x207: {  	v4 =	vld [tilespmem:s0+$0x0];
	v5 =	vadd.f32 v46, v45;
	v47 =	vadd.f32 v9, v8  }
0x208: {  	v48 =	vadd.f32 v12, v29;
	v8 =	vadd.f32 v13, v30  }
0x209: {  	v0 =	vadd.f32 v3, v0;
	v3 =	vadd.f32 v47, v5;
	_ =	sdelay $0x1  }
0x20a: {  	v1 =	vsel vm0, v1, v2;
	v0 =	vadd.f32 v48, v0;
	v2 =	vadd.f32 v8, v3  }
0x20b: {  	s2 =	sadd.s32 $0x10, s28;
	v59 =	vimm.s32 $0xF;
	vm0 =	veq.s32 v4, $0x0  }
0x20c: {  	v28 =	vperm.xlane v21, v63;
	v31 =	vperm.xlane v21, v60;
	[tilespmem:s2+$0x0] =	vst v1;
	s0 =	sadd.s32 $0x10, s2;
	s2 =	simm.s32 $0x0;
	v0 =	vsel vm0, v0, v2  }
0x20d: {  	v41 =	vperm.xlane v20, v62;
	v36 =	vperm.xlane v20, v63;
	[tilespmem:s0+$0x0] =	vst v0;
	s0 =	sand.u32 $0x3F0, s2;
	v0 =	vimm.s32 $0x4  }
0x20e: {  	v42 =	vperm.xlane v20, v60;
	v1 =	vimm.s32 $0x5;
	v32 =	vperm.xlane v21, v0;
	v0 =	vld [tilespmem:s0+$0x2000]  }
0x20f: {  	v49 =	vimm.s32 $0xA;
	v43 =	vperm.xlane v20, v61;
	v37 =	vperm.xlane v21, v1;
	v1 =	vld [tilespmem:s0+$0x2400]  }
0x210: {  	s26 =	simm.s32 $0x1800;
	v27 =	vperm.xlane v22, v59;
	v40 =	vperm.xlane v23, v49;
	v2 =	vimm.s32 $0xB;
	v8 =	vld [tilespmem:$0x1FFF0]  }
0x211: {  	v35 =	vperm.xlane v23, v59;
	v3 =	vimm.s32 $0xC;
	v33 =	vperm.xlane v23, v2;
	v2 =	vld [tilespmem:s26+$0xFFFFE800]  }
0x212: {  	v24 =	vperm.xlane v22, v3;
	v4 =	vimm.s32 $0xD;
	v34 =	vperm.xlane v23, v3;
	v3 =	vld [tilespmem:s26+$0x0]  }
0x213: {  	v58 =	vimm.s32 $0xE;
	v25 =	vperm.xlane v22, v4;
	v38 =	vperm.xlane v23, v4;
	v4 =	vld [tilespmem:s0+$0x400]  }
0x214: {  	v53 =	vimm.s32 $0x8;
	v26 =	vperm.xlane v22, v58;
	v39 =	vperm.xlane v23, v58;
	v5 =	vld [tilespmem:s0+$0x800]  }
0x215: {  	v30 =	vperm.xlane v21, v61;
	v51 =	vld [tilespmem:s0+$0xC00];
	v29 =	vperm.xlane v8, v53  }
0x216: {  	v10 =	vld [tilespmem:s0+$0x1400];
	v54 =	vmul.f32 v0, v32;
	v9 =	vmul.f32 v1, v37  }
0x217: {  	v55 =	vld [tilespmem:s0+$0x1C00];
	v0 =	vmul.f32 v0, v42;
	v1 =	vmul.f32 v1, v43  }
0x218: {  	v11 =	vmul.f32 v2, v24;
	v13 =	vmul.f32 v3, v31  }
0x219: {  	v2 =	vmul.f32 v2, v40;
	v3 =	vmul.f32 v3, v41  }
0x21a: {  	v56 =	vmul.f32 v4, v25;
	v15 =	vmul.f32 v5, v26  }
0x21b: {  	v50 =	vld [tilespmem:$0x1FFE0];
	v16 =	vmul.f32 v51, v27;
	v44 =	vmul.f32 v10, v28  }
0x21c: {  	s2 =	simm.s32 $0x10;
	s26 =	simm.s32 $0x2800;
	v8 =	vld [tilespmem:s0+$0x1000];
	v57 =	vmul.f32 v55, v30;
	v4 =	vmul.f32 v4, v33  }
0x21d: {  	s0 =	sand.u32 $0x3F0, s2;
	v5 =	vmul.f32 v5, v34;
	v6 =	vmul.f32 v51, v38;
	v53 =	vld [tilespmem:s26+$0x0]  }
0x21e: {  	v12 =	vmul.f32 v55, v36;
	v45 =	vld [tilespmem:s0+$0x2000];
	v7 =	vadd.f32 v9, v54;
	v0 =	vadd.f32 v1, v0  }
0x21f: {  	v52 =	vld [tilespmem:s0+$0x2400];
	v9 =	vmul.f32 v10, v35;
	v10 =	vadd.f32 v56, v11;
	v11 =	vadd.f32 v16, v15  }
0x220: {  	v23 =	vperm.xlane v50, v49;
	v49 =	vld [tilespmem:s0+$0x1000];
	v2 =	vadd.f32 v4, v2;
	v4 =	vadd.f32 v6, v5  }
0x221: {  	v22 =	vperm.xlane v21, v62;
	s26 =	simm.s32 $0x1810;
	v51 =	vld [tilespmem:s0+$0x1C00];
	v13 =	vadd.f32 v57, v13;
	v3 =	vadd.f32 v12, v3  }
0x222: {  	v54 =	vld [tilespmem:s26+$0x0];
	v10 =	vadd.f32 v11, v10;
	v2 =	vadd.f32 v4, v2  }
0x223: {  	v1 =	vld [tilespmem:s26+$0xFFFFE800];
	v7 =	vadd.f32 v7, v23;
	v17 =	vmul.f32 v8, v22;
	v8 =	vmul.f32 v8, v39  }
0x224: {  	v16 =	vld [tilespmem:s0+$0x400];
	v0 =	vadd.f32 v0, v29;
	v56 =	vmul.f32 v52, v37;
	v57 =	vmul.f32 v45, v42  }
0x225: {  	v4 =	vld [tilespmem:s0+$0x1400];
	v50 =	vmul.f32 v52, v43;
	v55 =	vadd.f32 v44, v17;
	v8 =	vadd.f32 v9, v8  }
0x226: {  	vm0 =	veq.s32 v53, $0x0;
	v53 =	vmul.f32 v49, v22;
	v17 =	vmul.f32 v45, v32  }
0x227: {  	v5 =	vld [tilespmem:s0+$0x800];
	v52 =	vmul.f32 v54, v31;
	v11 =	vadd.f32 v13, v55;
	v3 =	vadd.f32 v3, v8  }
0x228: {  	v9 =	vld [tilespmem:s0+$0xC00];
	v8 =	vmul.f32 v1, v24;
	v1 =	vmul.f32 v1, v40;
	v6 =	vadd.f32 v56, v17  }
0x229: {  	s26 =	simm.s32 $0x20;
	v17 =	vmul.f32 v51, v30;
	v2 =	vadd.f32 v3, v2;
	v3 =	vmul.f32 v54, v41  }
0x22a: {  	s0 =	sand.u32 $0x3F0, s26;
	v10 =	vadd.f32 v11, v10;
	v11 =	vmul.f32 v16, v25;
	v54 =	vmul.f32 v4, v28  }
0x22b: {  	v12 =	vadd.f32 v50, v57;
	v15 =	vld [tilespmem:s0+$0x2400];
	v16 =	vmul.f32 v16, v33;
	v4 =	vmul.f32 v4, v35  }
0x22c: {  	s26 =	simm.s32 $0x2810;
	v55 =	vld [tilespmem:s0+$0x2000];
	v17 =	vadd.f32 v17, v52;
	v0 =	vadd.f32 v0, v2;
	v2 =	vmul.f32 v5, v26  }
0x22d: {  	s31 =	simm.s32 $0x1820;
	v57 =	vld [tilespmem:s26+$0x0];
	v7 =	vadd.f32 v7, v10;
	v10 =	vmul.f32 v9, v27;
	v5 =	vmul.f32 v5, v34  }
0x22e: {  	v56 =	vld [tilespmem:s31+$0xFFFFE800];
	v9 =	vmul.f32 v9, v38;
	v8 =	vadd.f32 v11, v8;
	v11 =	vmul.f32 v49, v39  }
0x22f: {  	v46 =	vld [tilespmem:s0+$0x400];
	v14 =	vadd.f32 v54, v53;
	v2 =	vadd.f32 v10, v2;
	v10 =	vmul.f32 v51, v36  }
0x230: {  	v48 =	vld [tilespmem:s0+$0x800];
	v1 =	vadd.f32 v16, v1;
	v45 =	vmul.f32 v15, v37;
	v5 =	vadd.f32 v9, v5  }
0x231: {  	v49 =	vld [tilespmem:s31+$0x0];
	v44 =	vmul.f32 v55, v32;
	v4 =	vadd.f32 v4, v11;
	v3 =	vadd.f32 v10, v3  }
0x232: {  	v53 =	vld [tilespmem:s0+$0xC00];
	v47 =	vmul.f32 v55, v42;
	v2 =	vadd.f32 v2, v8;
	v8 =	vadd.f32 v17, v14  }
0x233: {  	v52 =	vmul.f32 v56, v24;
	v55 =	vld [tilespmem:s0+$0x1400];
	v1 =	vadd.f32 v5, v1;
	v3 =	vadd.f32 v3, v4  }
0x234: {  	v54 =	vmul.f32 v56, v40;
	v5 =	vadd.f32 v12, v29;
	v10 =	vld [tilespmem:s0+$0x1000];
	v4 =	vadd.f32 v6, v23  }
0x235: {  	v56 =	vld [tilespmem:s0+$0x1C00];
	v51 =	vmul.f32 v15, v43;
	v2 =	vadd.f32 v8, v2;
	v3 =	vadd.f32 v3, v1  }
0x236: {  	v15 =	vsel vm0, v7, v0;
	v0 =	vmul.f32 v46, v25;
	v50 =	vmul.f32 v49, v31  }
0x237: {  	s28 =	simm.s32 $0x4400;
	v49 =	vmul.f32 v49, v41;
	v1 =	vadd.f32 v4, v2;
	v2 =	vadd.f32 v5, v3  }
0x238: {  	s2 =	simm.s32 $0x30;
	vm0 =	veq.s32 v57, $0x0;
	[tilespmem:s28+$0x0] =	vst v15;
	v11 =	vmul.f32 v53, v27;
	v3 =	vmul.f32 v48, v26  }
.LBB2_14:
0x239: {  	s0 =	sand.u32 $0x3F0, s2;
	p0 =	sne.s32 s2, $0x3F0;
	v4 =	vmul.f32 v10, v22;
	v5 =	vmul.f32 v55, v28;
	v1 =	vsel vm0, v1, v2;
	s28 =	sadd.s32 $0x10, s28  }
0x23a: {  	v7 =	vmul.f32 v46, v33;
	v2 =	vld [tilespmem:s0+$0x2000];
	v6 =	vmul.f32 v56, v30;
	[tilespmem:s28+$0x0] =	vst v1  }
0x23b: {  	v8 =	vmul.f32 v48, v34;
	v9 =	vmul.f32 v53, v38;
	s26 =	sadd.s32 $0x10, s26;
	v1 =	vld [tilespmem:s0+$0x2400]  }
0x23c: {  	v10 =	vmul.f32 v10, v39;
	v13 =	vadd.f32 v45, v44;
	v14 =	vadd.f32 v51, v47;
	s31 =	sadd.s32 $0x10, s31;
	v12 =	vld [tilespmem:s26+$0x0]  }
0x23d: {  	v16 =	vmul.f32 v55, v35;
	v0 =	vadd.f32 v0, v52;
	v3 =	vadd.f32 v11, v3;
	v15 =	vld [tilespmem:s31+$0xFFFFE800]  }
0x23e: {  	v17 =	vmul.f32 v56, v36;
	v4 =	vadd.f32 v5, v4;
	v5 =	vadd.f32 v6, v50;
	v11 =	vld [tilespmem:s31+$0x0]  }
0x23f: {  	v6 =	vadd.f32 v7, v54;
	v7 =	vadd.f32 v9, v8;
	v46 =	vld [tilespmem:s0+$0x400];
	v44 =	vmul.f32 v2, v32  }
0x240: {  	v8 =	vadd.f32 v16, v10;
	v9 =	vadd.f32 v17, v49;
	v48 =	vld [tilespmem:s0+$0x800];
	v45 =	vmul.f32 v1, v37  }
0x241: {  	v0 =	vadd.f32 v3, v0;
	v47 =	vmul.f32 v2, v42;
	v2 =	vadd.f32 v5, v4;
	v53 =	vld [tilespmem:s0+$0xC00]  }
0x242: {  	v3 =	vadd.f32 v9, v8;
	v51 =	vmul.f32 v1, v43;
	v1 =	vadd.f32 v7, v6;
	v10 =	vld [tilespmem:s0+$0x1000]  }
.Ltmp6:
0x243: {  	v4 =	vadd.f32 v13, v23;
	v5 =	vadd.f32 v14, v29;
	v52 =	vmul.f32 v15, v24;
	v55 =	vld [tilespmem:s0+$0x1400];
	(pc) =	sbr.rel @p0 .LBB2_14-.Ltmp6, $4  }
0x244: {  	v2 =	vadd.f32 v2, v0;
	v3 =	vadd.f32 v3, v1;
	v50 =	vmul.f32 v11, v31;
	v56 =	vld [tilespmem:s0+$0x1C00]  }
0x245: {  	v54 =	vmul.f32 v15, v40;
	v49 =	vmul.f32 v11, v41  }
0x246: {  	v1 =	vadd.f32 v4, v2;
	v0 =	vmul.f32 v46, v25;
	v2 =	vadd.f32 v5, v3  }
0x247: {  	s2 =	sadd.s32 $0x10, s2;
	vm0 =	veq.s32 v12, $0x0;
	v3 =	vmul.f32 v48, v26;
	v11 =	vmul.f32 v53, v27  }
0x248: {  	v4 =	vmul.f32 v10, v22;
	v5 =	vmul.f32 v55, v28  }
0x249: {  	v7 =	vmul.f32 v46, v33;
	v8 =	vmul.f32 v48, v34  }
0x24a: {  	v9 =	vmul.f32 v53, v38;
	v10 =	vmul.f32 v10, v39  }
0x24b: {  	v12 =	vadd.f32 v45, v44;
	v13 =	vadd.f32 v51, v47;
	v14 =	vmul.f32 v55, v35  }
0x24c: {  	v0 =	vadd.f32 v0, v52;
	v6 =	vmul.f32 v56, v30;
	v3 =	vadd.f32 v11, v3  }
0x24d: {  	v11 =	vmul.f32 v56, v36;
	v4 =	vadd.f32 v5, v4;
	v46 =	vadd.f32 v7, v54  }
0x24e: {  	v47 =	vadd.f32 v9, v8;
	v5 =	vadd.f32 v6, v50  }
0x24f: {  	v8 =	vadd.f32 v14, v10;
	v9 =	vadd.f32 v11, v49  }
0x250: {  	s0 =	sadd.s32 $0x10, s26;
	v0 =	vadd.f32 v3, v0;
	v3 =	vadd.f32 v5, v4  }
0x251: {  	v4 =	vld [tilespmem:s0+$0x0];
	v5 =	vadd.f32 v47, v46;
	v48 =	vadd.f32 v9, v8  }
0x252: {  	v49 =	vadd.f32 v12, v23;
	v8 =	vadd.f32 v13, v29  }
0x253: {  	v0 =	vadd.f32 v3, v0;
	v3 =	vadd.f32 v48, v5  }
0x254: {  	v1 =	vsel vm0, v1, v2;
	v51 =	vimm.s32 $0xA;
	v32 =	vperm.xlane v21, v58  }
0x255: {  	s2 =	sadd.s32 $0x10, s28;
	v25 =	vperm.xlane v21, v51;
	v0 =	vadd.f32 v49, v0;
	v2 =	vadd.f32 v8, v3  }
0x256: {  	[tilespmem:s2+$0x0] =	vst v1;
	v36 =	vperm.xlane v21, v59;
	v1 =	vimm.s32 $0x4;
	vm0 =	veq.s32 v4, $0x0  }
0x257: {  	v31 =	vperm.xlane v20, v51;
	v10 =	vimm.s32 $0xD;
	s0 =	sadd.s32 $0x10, s2;
	s2 =	simm.s32 $0x0;
	v0 =	vsel vm0, v0, v2  }
0x258: {  	v39 =	vperm.xlane v20, v1;
	v50 =	vimm.s32 $0x9;
	v30 =	vperm.xlane v21, v10;
	[tilespmem:s0+$0x0] =	vst v0;
	s0 =	sand.u32 $0x3F0, s2  }
0x259: {  	v42 =	vperm.xlane v20, v10;
	v26 =	vperm.xlane v21, v50;
	v9 =	vimm.s32 $0xC;
	v0 =	vld [tilespmem:s0+$0x2000]  }
0x25a: {  	v35 =	vperm.xlane v20, v50;
	v28 =	vperm.xlane v21, v9;
	v5 =	vimm.s32 $0x8;
	v1 =	vld [tilespmem:s0+$0x2400]  }
0x25b: {  	s26 =	simm.s32 $0x1C00;
	v41 =	vperm.xlane v20, v9;
	v24 =	vperm.xlane v21, v5;
	v2 =	vimm.s32 $0x5;
	v52 =	vld [tilespmem:$0x1FFE0]  }
0x25c: {  	v38 =	vperm.xlane v20, v5;
	v3 =	vimm.s32 $0x6;
	v33 =	vperm.xlane v20, v2;
	v2 =	vld [tilespmem:s26+$0xFFFFE400]  }
0x25d: {  	v22 =	vperm.xlane v21, v3;
	v4 =	vimm.s32 $0x7;
	v34 =	vperm.xlane v20, v3;
	v3 =	vld [tilespmem:s26+$0x0]  }
0x25e: {  	v8 =	vimm.s32 $0xB;
	v23 =	vperm.xlane v21, v4;
	v37 =	vperm.xlane v20, v4;
	v4 =	vld [tilespmem:s0+$0x400]  }
0x25f: {  	v27 =	vperm.xlane v21, v8;
	v40 =	vperm.xlane v20, v8;
	v5 =	vld [tilespmem:s0+$0x800]  }
0x260: {  	v53 =	vld [tilespmem:s0+$0xC00];
	v21 =	vperm.xlane v52, v8;
	v54 =	vmul.f32 v0, v32  }
0x261: {  	v10 =	vld [tilespmem:s0+$0x1400];
	v9 =	vmul.f32 v1, v36;
	v0 =	vmul.f32 v0, v41  }
0x262: {  	v1 =	vmul.f32 v1, v42;
	v11 =	vmul.f32 v2, v22  }
0x263: {  	v8 =	vld [tilespmem:$0x1FFF0];
	v56 =	vmul.f32 v3, v30;
	v2 =	vmul.f32 v2, v39  }
0x264: {  	v55 =	vld [tilespmem:s0+$0x1800];
	v3 =	vmul.f32 v3, v40;
	v48 =	vmul.f32 v4, v23  }
0x265: {  	s26 =	simm.s32 $0x2800;
	v15 =	vmul.f32 v5, v24;
	v16 =	vmul.f32 v53, v26  }
0x266: {  	v43 =	vmul.f32 v10, v27;
	v4 =	vmul.f32 v4, v33;
	v52 =	vld [tilespmem:s26+$0x0];
	s26 =	simm.s32 $0x1C10  }
0x267: {  	s2 =	simm.s32 $0x10;
	v5 =	vmul.f32 v5, v34;
	v6 =	vmul.f32 v53, v37;
	v53 =	vld [tilespmem:s26+$0x0]  }
0x268: {  	v7 =	vadd.f32 v9, v54;
	v0 =	vadd.f32 v1, v0;
	v29 =	vperm.xlane v8, v50;
	v8 =	vld [tilespmem:s0+$0x1000];
	s0 =	sand.u32 $0x3F0, s2  }
0x269: {  	v12 =	vmul.f32 v55, v31;
	v2 =	vadd.f32 v4, v2;
	v4 =	vadd.f32 v6, v5;
	v51 =	vld [tilespmem:s0+$0x2400]  }
0x26a: {  	v9 =	vmul.f32 v10, v35;
	v10 =	vadd.f32 v48, v11;
	v11 =	vadd.f32 v16, v15;
	v49 =	vld [tilespmem:s0+$0x2000]  }
0x26b: {  	v3 =	vadd.f32 v3, v12;
	v2 =	vadd.f32 v4, v2;
	v50 =	vmul.f32 v55, v28;
	v4 =	vld [tilespmem:s0+$0x1400]  }
0x26c: {  	v10 =	vadd.f32 v11, v10;
	v7 =	vadd.f32 v7, v21;
	vm0 =	veq.s32 v52, $0x0  }
0x26d: {  	v1 =	vld [tilespmem:s26+$0xFFFFE400];
	v13 =	vadd.f32 v56, v50;
	v17 =	vmul.f32 v8, v25;
	v8 =	vmul.f32 v8, v38  }
0x26e: {  	v16 =	vld [tilespmem:s0+$0x400];
	v0 =	vadd.f32 v0, v29;
	v50 =	vmul.f32 v53, v30;
	v55 =	vmul.f32 v51, v36  }
0x26f: {  	v5 =	vld [tilespmem:s0+$0x800];
	v56 =	vmul.f32 v49, v41;
	v48 =	vmul.f32 v51, v42;
	v8 =	vadd.f32 v9, v8  }
0x270: {  	v52 =	vmul.f32 v4, v27;
	v54 =	vadd.f32 v43, v17;
	v17 =	vmul.f32 v49, v32;
	v49 =	vld [tilespmem:s0+$0x1800]  }
0x271: {  	v4 =	vmul.f32 v4, v35;
	v9 =	vld [tilespmem:s0+$0xC00];
	v12 =	vadd.f32 v48, v56;
	v3 =	vadd.f32 v3, v8  }
0x272: {  	v11 =	vadd.f32 v13, v54;
	v8 =	vmul.f32 v1, v22;
	v1 =	vmul.f32 v1, v39  }
0x273: {  	s26 =	simm.s32 $0x20;
	v13 =	vld [tilespmem:s0+$0x1000];
	v6 =	vadd.f32 v55, v17;
	v2 =	vadd.f32 v3, v2;
	v3 =	vmul.f32 v53, v40  }
0x274: {  	s0 =	sand.u32 $0x3F0, s26;
	v10 =	vadd.f32 v11, v10;
	v11 =	vmul.f32 v16, v23;
	v16 =	vmul.f32 v16, v33  }
0x275: {  	s31 =	simm.s32 $0x1C20;
	v15 =	vld [tilespmem:s0+$0x2400];
	v17 =	vmul.f32 v49, v28;
	v0 =	vadd.f32 v0, v2;
	v2 =	vmul.f32 v5, v24  }
0x276: {  	v48 =	vld [tilespmem:s31+$0x0];
	s26 =	simm.s32 $0x2810;
	v7 =	vadd.f32 v7, v10;
	v10 =	vmul.f32 v9, v26;
	v5 =	vmul.f32 v5, v34  }
0x277: {  	v56 =	vld [tilespmem:s26+$0x0];
	v9 =	vmul.f32 v9, v37;
	v8 =	vadd.f32 v11, v8;
	v1 =	vadd.f32 v16, v1  }
0x278: {  	v45 =	vld [tilespmem:s0+$0x400];
	v51 =	vmul.f32 v13, v25;
	v11 =	vmul.f32 v13, v38;
	v17 =	vadd.f32 v50, v17  }
0x279: {  	v47 =	vld [tilespmem:s0+$0x800];
	v2 =	vadd.f32 v10, v2;
	v10 =	vmul.f32 v49, v31;
	v5 =	vadd.f32 v9, v5  }
0x27a: {  	v53 =	vld [tilespmem:s0+$0x2000];
	v44 =	vmul.f32 v15, v36;
	v50 =	vmul.f32 v15, v42;
	v14 =	vadd.f32 v52, v51  }
0x27b: {  	v13 =	vld [tilespmem:s31+$0xFFFFE400];
	v49 =	vmul.f32 v48, v30;
	v4 =	vadd.f32 v4, v11;
	v3 =	vadd.f32 v3, v10  }
0x27c: {  	v54 =	vld [tilespmem:s0+$0x1400];
	v15 =	vsel vm0, v7, v0;
	v2 =	vadd.f32 v2, v8;
	v1 =	vadd.f32 v5, v1  }
0x27d: {  	v48 =	vmul.f32 v48, v40;
	v52 =	vld [tilespmem:s0+$0xC00];
	v8 =	vadd.f32 v17, v14;
	v3 =	vadd.f32 v3, v4  }
0x27e: {  	v0 =	vmul.f32 v45, v23;
	v5 =	vadd.f32 v12, v29;
	v10 =	vld [tilespmem:s0+$0x1000];
	v4 =	vadd.f32 v6, v21  }
0x27f: {  	v55 =	vld [tilespmem:s0+$0x1800];
	v43 =	vmul.f32 v53, v32;
	v2 =	vadd.f32 v8, v2;
	v3 =	vadd.f32 v3, v1  }
0x280: {  	v57 =	vimm.s32 $0xC;
	v46 =	vmul.f32 v53, v41;
	v51 =	vmul.f32 v13, v22  }
0x281: {  	s28 =	simm.s32 $0x4800;
	v53 =	vmul.f32 v13, v39;
	v1 =	vadd.f32 v4, v2;
	v2 =	vadd.f32 v5, v3  }
0x282: {  	s2 =	simm.s32 $0x30;
	vm0 =	veq.s32 v56, $0x0;
	[tilespmem:s28+$0x0] =	vst v15;
	v11 =	vmul.f32 v52, v26;
	v3 =	vmul.f32 v47, v24  }
.LBB2_16:
0x283: {  	s0 =	sand.u32 $0x3F0, s2;
	p0 =	sne.s32 s2, $0x3F0;
	v4 =	vmul.f32 v10, v25;
	v5 =	vmul.f32 v54, v27;
	v1 =	vsel vm0, v1, v2;
	s28 =	sadd.s32 $0x10, s28  }
0x284: {  	v7 =	vmul.f32 v45, v33;
	v2 =	vld [tilespmem:s0+$0x2000];
	v6 =	vmul.f32 v55, v28;
	[tilespmem:s28+$0x0] =	vst v1  }
0x285: {  	v8 =	vmul.f32 v47, v34;
	v9 =	vmul.f32 v52, v37;
	s26 =	sadd.s32 $0x10, s26;
	v1 =	vld [tilespmem:s0+$0x2400]  }
0x286: {  	v10 =	vmul.f32 v10, v38;
	v13 =	vadd.f32 v44, v43;
	v14 =	vadd.f32 v50, v46;
	s31 =	sadd.s32 $0x10, s31;
	v12 =	vld [tilespmem:s26+$0x0]  }
0x287: {  	v16 =	vmul.f32 v54, v35;
	v0 =	vadd.f32 v0, v51;
	v3 =	vadd.f32 v11, v3;
	v15 =	vld [tilespmem:s31+$0xFFFFE400]  }
0x288: {  	v17 =	vmul.f32 v55, v31;
	v4 =	vadd.f32 v5, v4;
	v5 =	vadd.f32 v49, v6;
	v11 =	vld [tilespmem:s31+$0x0]  }
0x289: {  	v6 =	vadd.f32 v7, v53;
	v7 =	vadd.f32 v9, v8;
	v45 =	vld [tilespmem:s0+$0x400];
	v43 =	vmul.f32 v2, v32  }
0x28a: {  	v8 =	vadd.f32 v16, v10;
	v9 =	vadd.f32 v48, v17;
	v47 =	vld [tilespmem:s0+$0x800];
	v44 =	vmul.f32 v1, v36  }
0x28b: {  	v0 =	vadd.f32 v3, v0;
	v46 =	vmul.f32 v2, v41;
	v2 =	vadd.f32 v5, v4;
	v52 =	vld [tilespmem:s0+$0xC00]  }
0x28c: {  	v3 =	vadd.f32 v9, v8;
	v50 =	vmul.f32 v1, v42;
	v1 =	vadd.f32 v7, v6;
	v10 =	vld [tilespmem:s0+$0x1000]  }
.Ltmp7:
0x28d: {  	v4 =	vadd.f32 v13, v21;
	v5 =	vadd.f32 v14, v29;
	v51 =	vmul.f32 v15, v22;
	v54 =	vld [tilespmem:s0+$0x1400];
	(pc) =	sbr.rel @p0 .LBB2_16-.Ltmp7, $4  }
0x28e: {  	v2 =	vadd.f32 v2, v0;
	v3 =	vadd.f32 v3, v1;
	v49 =	vmul.f32 v11, v30;
	v55 =	vld [tilespmem:s0+$0x1800]  }
0x28f: {  	v53 =	vmul.f32 v15, v39;
	v48 =	vmul.f32 v11, v40  }
0x290: {  	v1 =	vadd.f32 v4, v2;
	v0 =	vmul.f32 v45, v23;
	v2 =	vadd.f32 v5, v3  }
0x291: {  	s2 =	sadd.s32 $0x10, s2;
	vm0 =	veq.s32 v12, $0x0;
	v3 =	vmul.f32 v47, v24;
	v11 =	vmul.f32 v52, v26  }
0x292: {  	v4 =	vmul.f32 v10, v25;
	v5 =	vmul.f32 v54, v27  }
0x293: {  	v7 =	vmul.f32 v45, v33;
	v8 =	vmul.f32 v47, v34  }
0x294: {  	v9 =	vmul.f32 v52, v37;
	v10 =	vmul.f32 v10, v38  }
0x295: {  	v12 =	vadd.f32 v44, v43;
	v13 =	vadd.f32 v50, v46;
	v14 =	vmul.f32 v54, v35  }
0x296: {  	v0 =	vadd.f32 v0, v51;
	v6 =	vmul.f32 v55, v28;
	v3 =	vadd.f32 v11, v3  }
0x297: {  	v11 =	vmul.f32 v55, v31;
	v4 =	vadd.f32 v5, v4;
	v46 =	vadd.f32 v7, v53  }
0x298: {  	v47 =	vadd.f32 v9, v8;
	v8 =	vadd.f32 v14, v10  }
0x299: {  	v45 =	vadd.f32 v49, v6;
	v9 =	vadd.f32 v48, v11  }
0x29a: {  	s0 =	sadd.s32 $0x10, s26;
	v0 =	vadd.f32 v3, v0;
	v49 =	vadd.f32 v47, v46  }
0x29b: {  	v48 =	vld [tilespmem:s0+$0x0];
	v3 =	vadd.f32 v45, v4;
	v50 =	vadd.f32 v9, v8  }
0x29c: {  	v51 =	vadd.f32 v12, v21;
	v8 =	vadd.f32 v13, v29  }
0x29d: {  	v0 =	vadd.f32 v3, v0;
	v3 =	vadd.f32 v50, v49;
	_ =	sdelay $0x1  }
0x29e: {  	v0 =	vadd.f32 v51, v0;
	v3 =	vadd.f32 v8, v3  }
0x29f: {  	v1 =	vsel vm0, v1, v2;
	s2 =	sadd.s32 $0x10, s28;
	vm0 =	veq.s32 v48, $0x0  }
0x2a0: {  	v22 =	vperm.xlane v18, v63;
	[tilespmem:s2+$0x0] =	vst v1;
	s0 =	sadd.s32 $0x10, s2;
	v0 =	vsel vm0, v0, v3  }
0x2a1: {  	v23 =	vperm.xlane v18, v60;
	v24 =	vperm.xlane v18, v61;
	s26 =	simm.s32 $0x0;
	s2 =	simm.s32 $0x2000;
	[tilespmem:s0+$0x0] =	vst v0  }
0x2a2: {  	v38 =	vperm.xlane v20, v58;
	v32 =	vperm.xlane v20, v59;
	v1 =	vimm.s32 $0x8;
	s0 =	sand.u32 $0x3F0, s26;
	v0 =	vld [tilespmem:s2+$0x0]  }
0x2a3: {  	v2 =	vimm.s32 $0x9;
	v33 =	vperm.xlane v19, v62;
	v30 =	vperm.xlane v18, v1;
	v1 =	vld [tilespmem:s0+$0x2400]  }
0x2a4: {  	v52 =	vimm.s32 $0x4;
	v36 =	vperm.xlane v19, v63;
	v35 =	vperm.xlane v18, v2;
	v2 =	vld [tilespmem:s2+$0xFFFFE000]  }
0x2a5: {  	v54 =	vimm.s32 $0x6;
	v37 =	vperm.xlane v19, v60;
	v39 =	vperm.xlane v19, v61;
	v49 =	vld [tilespmem:$0x1FFE0]  }
0x2a6: {  	v25 =	vperm.xlane v18, v52;
	v27 =	vperm.xlane v18, v54;
	v9 =	vld [tilespmem:$0x1FFF0]  }
0x2a7: {  	v34 =	vperm.xlane v19, v52;
	v40 =	vperm.xlane v19, v54;
	v53 =	vimm.s32 $0x5;
	v3 =	vld [tilespmem:s0+$0x400]  }
0x2a8: {  	v21 =	vperm.xlane v18, v62;
	v28 =	vperm.xlane v18, v53;
	v8 =	vimm.s32 $0x7;
	v55 =	vld [tilespmem:s0+$0x800]  }
0x2a9: {  	v31 =	vperm.xlane v19, v53;
	v29 =	vperm.xlane v18, v8;
	v56 =	vld [tilespmem:s0+$0xC00]  }
0x2aa: {  	v41 =	vperm.xlane v19, v8;
	v8 =	vimm.s32 $0xA;
	v48 =	vld [tilespmem:s0+$0x1000];
	v20 =	vperm.xlane v49, v57  }
0x2ab: {  	v50 =	vld [tilespmem:s0+$0x1400];
	v26 =	vperm.xlane v9, v8;
	v8 =	vmul.f32 v0, v30  }
0x2ac: {  	v11 =	vld [tilespmem:s0+$0x1C00];
	v0 =	vmul.f32 v0, v40;
	v10 =	vmul.f32 v1, v35  }
0x2ad: {  	v1 =	vmul.f32 v1, v41;
	v12 =	vmul.f32 v2, v21  }
0x2ae: {  	v2 =	vmul.f32 v2, v38;
	v13 =	vmul.f32 v3, v22  }
0x2af: {  	s26 =	simm.s32 $0x2800;
	v14 =	vmul.f32 v55, v23;
	v15 =	vmul.f32 v56, v24  }
0x2b0: {  	v42 =	vld [tilespmem:s26+$0x0];
	s26 =	simm.s32 $0x2010;
	v16 =	vmul.f32 v48, v25;
	v17 =	vmul.f32 v50, v28  }
0x2b1: {  	v53 =	vld [tilespmem:s26+$0x0];
	v52 =	vmul.f32 v11, v29;
	v3 =	vmul.f32 v3, v32  }
0x2b2: {  	s2 =	simm.s32 $0x10;
	v9 =	vld [tilespmem:s0+$0x1800];
	v4 =	vmul.f32 v55, v33;
	v5 =	vmul.f32 v56, v36  }
0x2b3: {  	s2 =	sand.u32 $0x3F0, s2;
	v6 =	vmul.f32 v48, v37;
	v55 =	vld [tilespmem:s26+$0xFFFFE000];
	v7 =	vmul.f32 v50, v39;
	v8 =	vadd.f32 v10, v8  }
0x2b4: {  	v11 =	vmul.f32 v11, v31;
	v56 =	vld [tilespmem:s2+$0x1000];
	v0 =	vadd.f32 v1, v0;
	v10 =	vadd.f32 v13, v12  }
0x2b5: {  	v54 =	vld [tilespmem:s2+$0x2400];
	vm0 =	veq.s32 v42, $0x0;
	v12 =	vadd.f32 v15, v14;
	v14 =	vadd.f32 v17, v16  }
0x2b6: {  	v57 =	vmul.f32 v53, v40;
	v16 =	vld [tilespmem:s2+$0xC00];
	v2 =	vadd.f32 v3, v2;
	v3 =	vadd.f32 v5, v4  }
0x2b7: {  	v17 =	vmul.f32 v53, v30;
	v6 =	vadd.f32 v7, v6;
	v10 =	vadd.f32 v12, v10  }
0x2b8: {  	v49 =	vld [tilespmem:s2+$0x1C00];
	v2 =	vadd.f32 v3, v2;
	v51 =	vmul.f32 v9, v27;
	v9 =	vmul.f32 v9, v34  }
0x2b9: {  	v1 =	vld [tilespmem:s2+$0x400];
	v8 =	vadd.f32 v8, v20;
	v50 =	vmul.f32 v55, v21;
	v4 =	vmul.f32 v56, v37  }
0x2ba: {  	v13 =	vld [tilespmem:s2+$0x800];
	v15 =	vadd.f32 v52, v51;
	v48 =	vadd.f32 v11, v9;
	v11 =	vmul.f32 v54, v35  }
0x2bb: {  	v0 =	vadd.f32 v0, v26;
	v51 =	vmul.f32 v55, v38;
	v52 =	vmul.f32 v16, v24  }
0x2bc: {  	s0 =	simm.s32 $0x20;
	v16 =	vmul.f32 v16, v36;
	v12 =	vadd.f32 v15, v14;
	v3 =	vadd.f32 v48, v6  }
0x2bd: {  	s0 =	sand.u32 $0x3F0, s0;
	v9 =	vld [tilespmem:s2+$0x1400];
	v15 =	vmul.f32 v54, v41;
	v54 =	vmul.f32 v49, v29;
	v11 =	vadd.f32 v11, v17  }
0x2be: {  	v42 =	vld [tilespmem:s0+$0x400];
	v6 =	vmul.f32 v49, v31;
	v2 =	vadd.f32 v3, v2;
	v3 =	vmul.f32 v1, v22  }
0x2bf: {  	v14 =	vld [tilespmem:s2+$0x1800];
	v10 =	vadd.f32 v12, v10;
	v12 =	vmul.f32 v13, v23;
	v1 =	vmul.f32 v1, v32  }
0x2c0: {  	v44 =	vld [tilespmem:s0+$0x800];
	v13 =	vmul.f32 v13, v33;
	v5 =	vadd.f32 v15, v57;
	v57 =	vadd.f32 v11, v20  }
0x2c1: {  	s26 =	simm.s32 $0x2020;
	v46 =	vld [tilespmem:s0+$0xC00];
	v8 =	vadd.f32 v8, v10;
	v0 =	vadd.f32 v0, v2;
	v2 =	vmul.f32 v56, v25  }
0x2c2: {  	v55 =	vld [tilespmem:s26+$0x0];
	v10 =	vmul.f32 v9, v28;
	v3 =	vadd.f32 v3, v50;
	v12 =	vadd.f32 v52, v12  }
0x2c3: {  	v47 =	vld [tilespmem:s0+$0x1000];
	v9 =	vmul.f32 v9, v39;
	v1 =	vadd.f32 v1, v51;
	v13 =	vadd.f32 v16, v13  }
0x2c4: {  	s2 =	simm.s32 $0x2810;
	v15 =	vld [tilespmem:s0+$0x2400];
	v5 =	vadd.f32 v5, v26;
	v53 =	vmul.f32 v14, v27;
	v14 =	vmul.f32 v14, v34  }
0x2c5: {  	v17 =	vld [tilespmem:s2+$0x0];
	v2 =	vadd.f32 v10, v2;
	v4 =	vadd.f32 v9, v4  }
0x2c6: {  	v11 =	vmul.f32 v42, v22;
	v56 =	vld [tilespmem:s26+$0xFFFFE000];
	v10 =	vadd.f32 v54, v53;
	v6 =	vadd.f32 v6, v14  }
0x2c7: {  	v43 =	vmul.f32 v55, v30;
	v50 =	vld [tilespmem:s0+$0x1400];
	v3 =	vadd.f32 v12, v3;
	v1 =	vadd.f32 v13, v1  }
0x2c8: {  	v45 =	vmul.f32 v55, v40;
	v53 =	vld [tilespmem:s0+$0x1800];
	v2 =	vadd.f32 v10, v2;
	v4 =	vadd.f32 v6, v4  }
0x2c9: {  	v0 =	vsel vm0, v8, v0;
	v48 =	vmul.f32 v15, v35;
	v51 =	vmul.f32 v15, v41;
	v10 =	vld [tilespmem:s0+$0x1C00]  }
0x2ca: {  	s28 =	simm.s32 $0x4C00;
	v14 =	vmul.f32 v44, v23;
	v2 =	vadd.f32 v2, v3;
	v3 =	vadd.f32 v4, v1  }
0x2cb: {  	v15 =	vmul.f32 v46, v24;
	[tilespmem:s28+$0x0] =	vst v0;
	v0 =	vmul.f32 v47, v25  }
0x2cc: {  	v52 =	vmul.f32 v56, v21;
	v1 =	vadd.f32 v57, v2;
	v54 =	vadd.f32 v5, v3  }
0x2cd: {  	s31 =	simm.s32 $0x2820;
	s2 =	simm.s32 $0x30;
	vm0 =	veq.s32 v17, $0x0;
	v49 =	vmul.f32 v56, v38;
	v2 =	vmul.f32 v50, v28  }
.LBB2_18:
0x2ce: {  	p0 =	sne.s32 s2, $0x3F0;
	v3 =	vld [tilespmem:s31+$0x0];
	v4 =	vmul.f32 v53, v27;
	v5 =	vmul.f32 v10, v29;
	s26 =	sadd.s32 $0x10, s26;
	v1 =	vsel vm0, v1, v54;
	s28 =	sadd.s32 $0x10, s28  }
0x2cf: {  	s0 =	sand.u32 $0x3F0, s2;
	v7 =	vmul.f32 v42, v32;
	v8 =	vmul.f32 v44, v33;
	v6 =	vld [tilespmem:s26+$0x0];
	[tilespmem:s28+$0x0] =	vst v1  }
0x2d0: {  	v9 =	vmul.f32 v46, v36;
	v12 =	vmul.f32 v47, v37;
	v1 =	vld [tilespmem:s0+$0x2400]  }
0x2d1: {  	v16 =	vmul.f32 v50, v39;
	v17 =	vadd.f32 v48, v43;
	v54 =	vadd.f32 v51, v45;
	v13 =	vld [tilespmem:s26+$0xFFFFE000]  }
0x2d2: {  	v48 =	vmul.f32 v53, v34;
	v11 =	vadd.f32 v11, v52;
	v14 =	vadd.f32 v15, v14;
	v42 =	vld [tilespmem:s0+$0x400]  }
0x2d3: {  	v10 =	vmul.f32 v10, v31;
	v0 =	vadd.f32 v2, v0;
	v2 =	vadd.f32 v5, v4;
	v44 =	vld [tilespmem:s0+$0x800]  }
0x2d4: {  	v4 =	vadd.f32 v7, v49;
	v5 =	vadd.f32 v9, v8;
	v46 =	vld [tilespmem:s0+$0xC00];
	v43 =	vmul.f32 v6, v30  }
0x2d5: {  	v7 =	vadd.f32 v10, v48;
	v45 =	vmul.f32 v6, v40;
	v6 =	vadd.f32 v16, v12;
	v47 =	vld [tilespmem:s0+$0x1000]  }
0x2d6: {  	v8 =	vadd.f32 v14, v11;
	v0 =	vadd.f32 v2, v0;
	v48 =	vmul.f32 v1, v35;
	v50 =	vld [tilespmem:s0+$0x1400]  }
0x2d7: {  	v51 =	vmul.f32 v1, v41;
	v1 =	vadd.f32 v5, v4;
	v2 =	vadd.f32 v7, v6;
	v53 =	vld [tilespmem:s0+$0x1800]  }
.Ltmp8:
0x2d8: {  	v4 =	vadd.f32 v17, v20;
	v5 =	vadd.f32 v54, v26;
	v52 =	vmul.f32 v13, v21;
	v10 =	vld [tilespmem:s0+$0x1C00];
	(pc) =	sbr.rel @p0 .LBB2_18-.Ltmp8, $4  }
0x2d9: {  	v0 =	vadd.f32 v0, v8;
	v49 =	vmul.f32 v13, v38;
	v2 =	vadd.f32 v2, v1  }
0x2da: {  	v11 =	vmul.f32 v42, v22;
	v14 =	vmul.f32 v44, v23  }
0x2db: {  	v1 =	vadd.f32 v4, v0;
	v15 =	vmul.f32 v46, v24;
	v54 =	vadd.f32 v5, v2  }
0x2dc: {  	s2 =	sadd.s32 $0x10, s2;
	s31 =	sadd.s32 $0x10, s31;
	vm0 =	veq.s32 v3, $0x0;
	v0 =	vmul.f32 v47, v25;
	v2 =	vmul.f32 v50, v28  }
0x2dd: {  	v3 =	vmul.f32 v53, v27;
	v4 =	vmul.f32 v10, v29  }
0x2de: {  	v5 =	vmul.f32 v42, v32;
	v6 =	vmul.f32 v44, v33  }
0x2df: {  	v7 =	vmul.f32 v46, v36;
	v8 =	vmul.f32 v47, v37  }
0x2e0: {  	v9 =	vmul.f32 v50, v39;
	v12 =	vadd.f32 v48, v43;
	v13 =	vadd.f32 v51, v45  }
0x2e1: {  	v16 =	vmul.f32 v53, v34;
	v11 =	vadd.f32 v11, v52;
	v14 =	vadd.f32 v15, v14  }
0x2e2: {  	v10 =	vmul.f32 v10, v31;
	v0 =	vadd.f32 v2, v0;
	v2 =	vadd.f32 v4, v3  }
0x2e3: {  	v3 =	vadd.f32 v5, v49;
	v45 =	vadd.f32 v7, v6  }
0x2e4: {  	v46 =	vadd.f32 v9, v8;
	v47 =	vadd.f32 v10, v16  }
0x2e5: {  	v48 =	vadd.f32 v14, v11;
	v0 =	vadd.f32 v2, v0  }
0x2e6: {  	v2 =	vld [tilespmem:s31+$0x0];
	v3 =	vadd.f32 v45, v3;
	v49 =	vadd.f32 v47, v46  }
0x2e7: {  	v50 =	vadd.f32 v12, v20;
	v51 =	vadd.f32 v13, v26  }
0x2e8: {  	v0 =	vadd.f32 v0, v48;
	v3 =	vadd.f32 v49, v3;
	_ =	sdelay $0x1  }
0x2e9: {  	v0 =	vadd.f32 v50, v0;
	v3 =	vadd.f32 v51, v3  }
0x2ea: {  	v1 =	vsel vm0, v1, v54;
	s0 =	sadd.s32 $0x10, s28;
	v52 =	vimm.s32 $0xA;
	vm0 =	veq.s32 v2, $0x0  }
0x2eb: {  	v53 =	vimm.s32 $0xC;
	v24 =	vperm.xlane v18, v58;
	[tilespmem:s0+$0x0] =	vst v1;
	s0 =	sadd.s32 $0x10, s0;
	v0 =	vsel vm0, v0, v3  }
0x2ec: {  	v54 =	vimm.s32 $0xD;
	v25 =	vperm.xlane v18, v59;
	v30 =	vperm.xlane v19, v58;
	[tilespmem:s0+$0x0] =	vst v0  }
0x2ed: {  	s2 =	simm.s32 $0x2400;
	v22 =	vperm.xlane v18, v53;
	v23 =	vperm.xlane v18, v54;
	v2 =	vimm.s32 $0x8;
	v9 =	vld [tilespmem:$0x1FFE0]  }
0x2ee: {  	s26 =	simm.s32 $0x0;
	v29 =	vperm.xlane v19, v52;
	v34 =	vperm.xlane v19, v2;
	v2 =	vld [tilespmem:s2+$0xFFFFDC00]  }
0x2ef: {  	v33 =	vperm.xlane v19, v53;
	v35 =	vperm.xlane v19, v54;
	v3 =	vimm.s32 $0x9;
	s0 =	sand.u32 $0x3F0, s26;
	v10 =	vld [tilespmem:$0x1FFF0]  }
0x2f0: {  	v20 =	vperm.xlane v18, v52;
	v8 =	vimm.s32 $0xB;
	v28 =	vperm.xlane v19, v3;
	v3 =	vld [tilespmem:s0+$0x400]  }
0x2f1: {  	v21 =	vperm.xlane v18, v8;
	v32 =	vperm.xlane v19, v8;
	v55 =	vld [tilespmem:s0+$0x800]  }
0x2f2: {  	v19 =	vperm.xlane v19, v59;
	v56 =	vld [tilespmem:s0+$0xC00];
	v18 =	vperm.xlane v9, v62  }
0x2f3: {  	v57 =	vld [tilespmem:s0+$0x1000];
	v26 =	vperm.xlane v9, v63;
	v27 =	vperm.xlane v9, v60  }
0x2f4: {  	v48 =	vld [tilespmem:s0+$0x1400];
	v31 =	vperm.xlane v9, v61;
	v36 =	vperm.xlane v10, v62  }
0x2f5: {  	s26 =	simm.s32 $0x2800;
	v37 =	vperm.xlane v10, v63;
	v16 =	vperm.xlane v9, v54  }
0x2f6: {  	v40 =	vld [tilespmem:s26+$0x0];
	s26 =	simm.s32 $0x2410;
	v17 =	vperm.xlane v10, v8;
	v12 =	vmul.f32 v2, v20  }
0x2f7: {  	v53 =	vld [tilespmem:s26+$0xFFFFDC00];
	v2 =	vmul.f32 v2, v34;
	v13 =	vmul.f32 v3, v21  }
0x2f8: {  	v0 =	vld [tilespmem:s2+$0x0];
	v14 =	vmul.f32 v55, v22;
	v15 =	vmul.f32 v56, v23  }
0x2f9: {  	v1 =	vld [tilespmem:s0+$0x2000];
	v38 =	vmul.f32 v57, v24;
	v49 =	vmul.f32 v48, v25  }
0x2fa: {  	v11 =	vld [tilespmem:s0+$0x1C00];
	v3 =	vmul.f32 v3, v28;
	v4 =	vmul.f32 v55, v29  }
0x2fb: {  	v5 =	vmul.f32 v56, v32;
	v6 =	vmul.f32 v57, v33  }
0x2fc: {  	v51 =	vld [tilespmem:s26+$0x0];
	v7 =	vmul.f32 v48, v35;
	v56 =	vmul.f32 v53, v20  }
0x2fd: {  	v9 =	vld [tilespmem:s0+$0x1800];
	vm0 =	veq.s32 v40, $0x0;
	v8 =	vmul.f32 v0, v31;
	v0 =	vmul.f32 v0, v37  }
0x2fe: {  	s2 =	simm.s32 $0x10;
	s26 =	simm.s32 $0x2420;
	v10 =	vmul.f32 v1, v27;
	v1 =	vmul.f32 v1, v36;
	v2 =	vadd.f32 v3, v2  }
0x2ff: {  	s2 =	sand.u32 $0x3F0, s2;
	v57 =	vld [tilespmem:s26+$0x0];
	v50 =	vmul.f32 v11, v26;
	v3 =	vadd.f32 v5, v4;
	v6 =	vadd.f32 v7, v6  }
0x300: {  	v52 =	vld [tilespmem:s2+$0x2000];
	v11 =	vmul.f32 v11, v19;
	v8 =	vadd.f32 v8, v10;
	v0 =	vadd.f32 v0, v1  }
0x301: {  	v54 =	vmul.f32 v51, v31;
	v10 =	vadd.f32 v13, v12;
	v12 =	vadd.f32 v15, v14  }
0x302: {  	v14 =	vadd.f32 v49, v38;
	v38 =	vld [tilespmem:s2+$0xC00];
	v41 =	vmul.f32 v9, v18;
	v9 =	vmul.f32 v9, v30  }
0x303: {  	v5 =	vmul.f32 v51, v37;
	v1 =	vld [tilespmem:s2+$0x400];
	v2 =	vadd.f32 v3, v2;
	v10 =	vadd.f32 v12, v10  }
0x304: {  	v13 =	vld [tilespmem:s2+$0x800];
	v39 =	vmul.f32 v57, v31;
	v15 =	vadd.f32 v50, v41;
	v55 =	vadd.f32 v11, v9  }
0x305: {  	v4 =	vld [tilespmem:s2+$0x1000];
	v8 =	vadd.f32 v8, v16;
	v11 =	vmul.f32 v52, v27;
	v41 =	vmul.f32 v53, v34  }
0x306: {  	v9 =	vld [tilespmem:s2+$0x1400];
	v12 =	vadd.f32 v15, v14;
	v15 =	vmul.f32 v52, v36;
	v3 =	vadd.f32 v55, v6  }
0x307: {  	v0 =	vadd.f32 v0, v17;
	v42 =	vmul.f32 v38, v23;
	v55 =	vmul.f32 v38, v32  }
0x308: {  	v14 =	vld [tilespmem:s2+$0x1800];
	v10 =	vadd.f32 v12, v10;
	v2 =	vadd.f32 v3, v2;
	v3 =	vmul.f32 v1, v21  }
0x309: {  	s0 =	simm.s32 $0x20;
	v6 =	vld [tilespmem:s2+$0x1C00];
	v11 =	vadd.f32 v54, v11;
	v12 =	vmul.f32 v13, v22;
	v1 =	vmul.f32 v1, v28  }
0x30a: {  	s0 =	sand.u32 $0x3F0, s0;
	v13 =	vmul.f32 v13, v29;
	v5 =	vadd.f32 v5, v15;
	v8 =	vadd.f32 v8, v10  }
0x30b: {  	v46 =	vld [tilespmem:s0+$0x1400];
	v0 =	vadd.f32 v0, v2;
	v2 =	vmul.f32 v4, v24;
	v10 =	vmul.f32 v9, v25  }
0x30c: {  	v49 =	vld [tilespmem:s0+$0x1800];
	v4 =	vmul.f32 v4, v33;
	v3 =	vadd.f32 v3, v56;
	v9 =	vmul.f32 v9, v35  }
0x30d: {  	s2 =	simm.s32 $0x2810;
	v38 =	vld [tilespmem:s0+$0x400];
	v12 =	vadd.f32 v42, v12;
	v1 =	vadd.f32 v1, v41;
	v41 =	vmul.f32 v57, v37  }
0x30e: {  	v54 =	vld [tilespmem:s2+$0x0];
	v13 =	vadd.f32 v55, v13;
	v40 =	vmul.f32 v14, v18;
	v43 =	vmul.f32 v6, v26  }
0x30f: {  	v15 =	vld [tilespmem:s0+$0x2000];
	v57 =	vadd.f32 v11, v16;
	v14 =	vmul.f32 v14, v30;
	v6 =	vmul.f32 v6, v19  }
0x310: {  	v56 =	vld [tilespmem:s26+$0xFFFFDC00];
	v2 =	vadd.f32 v10, v2;
	v4 =	vadd.f32 v9, v4  }
0x311: {  	v42 =	vld [tilespmem:s0+$0xC00];
	v10 =	vadd.f32 v43, v40;
	v6 =	vadd.f32 v6, v14  }
0x312: {  	v3 =	vadd.f32 v12, v3;
	v1 =	vadd.f32 v13, v1;
	v40 =	vld [tilespmem:s0+$0x800]  }
0x313: {  	v11 =	vmul.f32 v38, v21;
	v43 =	vld [tilespmem:s0+$0x1000];
	v2 =	vadd.f32 v10, v2;
	v4 =	vadd.f32 v6, v4  }
0x314: {  	v5 =	vadd.f32 v5, v17;
	v44 =	vmul.f32 v15, v27;
	v47 =	vmul.f32 v15, v36;
	v10 =	vld [tilespmem:s0+$0x1C00]  }
0x315: {  	v48 =	vmul.f32 v56, v20;
	v2 =	vadd.f32 v2, v3;
	v3 =	vadd.f32 v4, v1  }
0x316: {  	v0 =	vsel vm0, v8, v0;
	v45 =	vmul.f32 v56, v34;
	v15 =	vmul.f32 v42, v23  }
0x317: {  	s28 =	simm.s32 $0x5000;
	v14 =	vmul.f32 v40, v22;
	v1 =	vadd.f32 v57, v2;
	v50 =	vadd.f32 v5, v3  }
0x318: {  	s31 =	simm.s32 $0x2820;
	s2 =	simm.s32 $0x30;
	vm0 =	veq.s32 v54, $0x0;
	[tilespmem:s28+$0x0] =	vst v0;
	v0 =	vmul.f32 v43, v24;
	v2 =	vmul.f32 v46, v25  }
.LBB2_20:
0x319: {  	p0 =	sne.s32 s2, $0x3F0;
	v3 =	vld [tilespmem:s31+$0x0];
	v4 =	vmul.f32 v49, v18;
	v5 =	vmul.f32 v10, v26;
	s26 =	sadd.s32 $0x10, s26;
	v1 =	vsel vm0, v1, v50;
	s28 =	sadd.s32 $0x10, s28  }
0x31a: {  	s0 =	sand.u32 $0x3F0, s2;
	v7 =	vmul.f32 v38, v28;
	v8 =	vmul.f32 v40, v29;
	v6 =	vld [tilespmem:s26+$0x0];
	[tilespmem:s28+$0x0] =	vst v1  }
0x31b: {  	v9 =	vmul.f32 v42, v32;
	v12 =	vmul.f32 v43, v33;
	v1 =	vld [tilespmem:s0+$0x2000]  }
0x31c: {  	v46 =	vmul.f32 v46, v35;
	v50 =	vadd.f32 v39, v44;
	v51 =	vadd.f32 v41, v47;
	v13 =	vld [tilespmem:s26+$0xFFFFDC00]  }
0x31d: {  	v44 =	vmul.f32 v49, v30;
	v11 =	vadd.f32 v11, v48;
	v14 =	vadd.f32 v15, v14;
	v38 =	vld [tilespmem:s0+$0x400]  }
0x31e: {  	v10 =	vmul.f32 v10, v19;
	v0 =	vadd.f32 v2, v0;
	v2 =	vadd.f32 v5, v4;
	v40 =	vld [tilespmem:s0+$0x800]  }
0x31f: {  	v4 =	vadd.f32 v7, v45;
	v5 =	vadd.f32 v9, v8;
	v42 =	vld [tilespmem:s0+$0xC00];
	v39 =	vmul.f32 v6, v31  }
0x320: {  	v7 =	vadd.f32 v10, v44;
	v41 =	vmul.f32 v6, v37;
	v6 =	vadd.f32 v46, v12;
	v43 =	vld [tilespmem:s0+$0x1000]  }
0x321: {  	v8 =	vadd.f32 v14, v11;
	v0 =	vadd.f32 v2, v0;
	v44 =	vmul.f32 v1, v27;
	v46 =	vld [tilespmem:s0+$0x1400]  }
0x322: {  	v47 =	vmul.f32 v1, v36;
	v1 =	vadd.f32 v5, v4;
	v2 =	vadd.f32 v7, v6;
	v49 =	vld [tilespmem:s0+$0x1800]  }
.Ltmp9:
0x323: {  	v4 =	vadd.f32 v50, v16;
	v5 =	vadd.f32 v51, v17;
	v48 =	vmul.f32 v13, v20;
	v10 =	vld [tilespmem:s0+$0x1C00];
	(pc) =	sbr.rel @p0 .LBB2_20-.Ltmp9, $4  }
0x324: {  	v0 =	vadd.f32 v0, v8;
	v45 =	vmul.f32 v13, v34;
	v2 =	vadd.f32 v2, v1  }
0x325: {  	v11 =	vmul.f32 v38, v21;
	v14 =	vmul.f32 v40, v22  }
0x326: {  	v1 =	vadd.f32 v4, v0;
	v15 =	vmul.f32 v42, v23;
	v50 =	vadd.f32 v5, v2  }
0x327: {  	s2 =	sadd.s32 $0x10, s2;
	s31 =	sadd.s32 $0x10, s31;
	vm0 =	veq.s32 v3, $0x0;
	v0 =	vmul.f32 v43, v24;
	v2 =	vmul.f32 v46, v25  }
0x328: {  	v3 =	vmul.f32 v49, v18;
	v4 =	vmul.f32 v10, v26  }
0x329: {  	v5 =	vmul.f32 v38, v28;
	v6 =	vmul.f32 v40, v29  }
0x32a: {  	v7 =	vmul.f32 v42, v32;
	v8 =	vmul.f32 v43, v33  }
0x32b: {  	v9 =	vmul.f32 v46, v35;
	v12 =	vadd.f32 v39, v44;
	v13 =	vadd.f32 v41, v47  }
0x32c: {  	v44 =	vmul.f32 v49, v30;
	v11 =	vadd.f32 v11, v48;
	v14 =	vadd.f32 v15, v14  }
0x32d: {  	v46 =	vmul.f32 v10, v19;
	v0 =	vadd.f32 v2, v0;
	v47 =	vadd.f32 v4, v3  }
0x32e: {  	v48 =	vadd.f32 v5, v45;
	v49 =	vadd.f32 v7, v6  }
0x32f: {  	v51 =	vadd.f32 v9, v8;
	v52 =	vadd.f32 v46, v44  }
0x330: {  	v53 =	vadd.f32 v14, v11;
	v0 =	vadd.f32 v47, v0  }
0x331: {  	v54 =	vld [tilespmem:s31+$0x0];
	v3 =	vadd.f32 v49, v48;
	v55 =	vadd.f32 v52, v51  }
0x332: {  	v56 =	vadd.f32 v12, v16;
	v57 =	vadd.f32 v13, v17  }
0x333: {  	v0 =	vadd.f32 v0, v53;
	v3 =	vadd.f32 v55, v3;
	_ =	sdelay $0x1  }
0x334: {  	v0 =	vadd.f32 v56, v0;
	v3 =	vadd.f32 v57, v3  }
0x335: {  	v1 =	vsel vm0, v1, v50;
	s0 =	sadd.s32 $0x10, s28;
	vm15 =	veq.s32 v54, $0x0  }
0x336: {  	[tilespmem:s0+$0x0] =	vst v1;
	s0 =	sadd.s32 $0x10, s0;
	v0 =	vsel vm15, v0, v3  }
0x337: {  	[tilespmem:s0+$0x0] =	vst v0  }
0x338: {  	[hbm4b:s14+s22] =	stream.linear.scatter [tilespmem:s30], [sflag:$0x1], $0x400, $0x38;
	[tilespmem:$0x5500] =	vst v63  }
0x339: {  	s31 =	simm.s32 $0x3000  }
0x33a: {  	[hbm4b:s15+s22] =	stream.linear.scatter [tilespmem:s31], [sflag:$0x1], $0x400, $0x38;
	[tilespmem:$0x5500] =	vst v63  }
0x33b: {  	s2 =	simm.s32 $0x3400  }
0x33c: {  	[hbm4b:s16+s22] =	stream.linear.scatter [tilespmem:s2], [sflag:$0x1], $0x400, $0x38;
	[tilespmem:$0x5500] =	vst v63  }
0x33d: {  	s26 =	simm.s32 $0x3800  }
0x33e: {  	[hbm4b:s17+s22] =	stream.linear.scatter [tilespmem:s26], [sflag:$0x1], $0x400, $0x38;
	[tilespmem:$0x5500] =	vst v63  }
0x33f: {  	s28 =	simm.s32 $0x3C00  }
0x340: {  	[hbm4b:s18+s22] =	stream.linear.scatter [tilespmem:s28], [sflag:$0x1], $0x400, $0x38;
	[tilespmem:$0x5500] =	vst v63  }
0x341: {  	s31 =	simm.s32 $0x4000  }
0x342: {  	[hbm4b:s19+s22] =	stream.linear.scatter [tilespmem:s31], [sflag:$0x1], $0x400, $0x38;
	[tilespmem:$0x5500] =	vst v63  }
0x343: {  	s2 =	simm.s32 $0x4400  }
0x344: {  	[hbm4b:s20+s22] =	stream.linear.scatter [tilespmem:s2], [sflag:$0x1], $0x400, $0x38;
	[tilespmem:$0x5500] =	vst v63  }
0x345: {  	s26 =	simm.s32 $0x4800  }
0x346: {  	[hbm4b:s21+s22] =	stream.linear.scatter [tilespmem:s26], [sflag:$0x1], $0x400, $0x38;
	[tilespmem:$0x5500] =	vst v63  }
0x347: {  	s28 =	simm.s32 $0x4C00  }
0x348: {  	[hbm4b:s23+s22] =	stream.linear.scatter [tilespmem:s28], [sflag:$0x1], $0x400, $0x38;
	[tilespmem:$0x5500] =	vst v63  }
0x349: {  	s31 =	simm.s32 $0x5000  }
0x34a: {  	[hbm4b:s24+s22] =	stream.linear.scatter [tilespmem:s31], [sflag:$0x1], $0x400, $0x38;
	[tilespmem:$0x5500] =	vst v63  }
0x34b: {  	_ =	swait.ge [sflag:s29], $0x400  }
0x34c: {  	[sflag:s29] =	ssyncset.done $0x0  }
0x34d: {  	[sflag:s29] =	ssyncadd.s32 $0xFFFFFC00  }
0x34e: {  	_ =	swait.ge [sflag:s29], $0x400  }
0x34f: {  	[sflag:s29] =	ssyncset.done $0x0  }
0x350: {  	[sflag:s29] =	ssyncadd.s32 $0xFFFFFC00  }
0x351: {  	_ =	swait.ge [sflag:s29], $0x400  }
0x352: {  	[sflag:s29] =	ssyncset.done $0x0  }
0x353: {  	[sflag:s29] =	ssyncadd.s32 $0xFFFFFC00  }
0x354: {  	_ =	swait.ge [sflag:s29], $0x400  }
0x355: {  	[sflag:s29] =	ssyncset.done $0x0  }
0x356: {  	[sflag:s29] =	ssyncadd.s32 $0xFFFFFC00  }
0x357: {  	_ =	swait.ge [sflag:s29], $0x400  }
0x358: {  	[sflag:s29] =	ssyncset.done $0x0  }
0x359: {  	[sflag:s29] =	ssyncadd.s32 $0xFFFFFC00  }
0x35a: {  	_ =	swait.ge [sflag:s29], $0x400  }
0x35b: {  	[sflag:s29] =	ssyncset.done $0x0  }
0x35c: {  	[sflag:s29] =	ssyncadd.s32 $0xFFFFFC00  }
0x35d: {  	_ =	swait.ge [sflag:s29], $0x400  }
0x35e: {  	[sflag:s29] =	ssyncset.done $0x0  }
0x35f: {  	[sflag:s29] =	ssyncadd.s32 $0xFFFFFC00  }
0x360: {  	_ =	swait.ge [sflag:s29], $0x400  }
0x361: {  	[sflag:s29] =	ssyncset.done $0x0  }
0x362: {  	s1 =	sadd.s32 $0x1, s1;
	[sflag:s29] =	ssyncadd.s32 $0xFFFFFC00  }
0x363: {  	p0 =	sne.s32 s1, s25;
	_ =	swait.ge [sflag:s29], $0x400  }
.Ltmp10:
0x364: {  	[sflag:s29] =	ssyncset.done $0x0;
	(pc) =	sbr.rel @p0 .LBB2_1-.Ltmp10, $4  }
0x365: {  	[sflag:s29] =	ssyncadd.s32 $0xFFFFFC00  }
0x366: {  	_ =	swait.ge [sflag:s29], $0x400  }
0x367: {  	[sflag:s29] =	ssyncset.done $0x0  }
0x368: {  	[sflag:s29] =	ssyncadd.s32 $0xFFFFFC00  }
0x369: {  	_ =	sfence.sel $0x180000  }
0x36a: {  	[bflag:$0x0] =	sbarrier.arrive $0xFFFF  }
0x36b: {  	_ =	strace $0x90000047  }
0x36c: {  	s0 =	stileid.u32;
	[bflag:$0x2] =	sbarrier.arrive $0xFFFF  }
0x36d: {  	p0 =	sne.s32 s0, $0x0;
	s0 =	rddreg [dreg:$0x4]  }
0x36e: {  	s0 =	sadd.s32 @!p0 $0x100000, s0  }
0x36f: {  	[sflag:s0] =	ssyncadd.tile.s32 @!p0 $0x1;
	_ =	shalt  }
.Lfunc_end2:
_tile_overlayer_lowered:
.L_overlay_start_2:
0x370: {  	(tag) =	ssettag $0x2  }
0x371: {  	s0 =	rddreg [dreg:$0x0];
	s2 =	stileid.u32  }
0x372: {  	s1 =	rddreg [dreg:$0x1];
	p0 =	sne.s32 s2, $0x0  }
0x373: {  	s3 =	rddreg [dreg:$0x2];
	[bflag:$0x3] =	sbarrier.arrive $0xFFFF;
	s2 =	simm.s32 @!p0 $0x1C02  }
0x374: {  	[timem:s3], [sflag:s2] =	dma.local @!p0 [hbm:s0], s1  }
0x375: {  	s0 =	simm.s32 @!p0 $0x2  }
0x376: {  	_ =	swait.ge @!p0 [sflag:s0], s1  }
0x377: {  	s1 =	ssub.s32 @!p0 $0x0, s1;
	[sflag:s0] =	ssyncset.done @!p0 $0x0  }
0x378: {  	[sflag:s0] =	ssyncadd.s32 @!p0 s1  }
0x379: {  	[bflag:$0x3] =	sbarrier.arrive $0xFFFF  }
0x37a: {  	_ =	shalt  }

</sc_bundles>
